<compile_context>
chip_gen: v7x
topology: tpu7x:2x2x1
jax: 0.10.2.dev20260603
libtpu: 0.0.44.dev20260713+nightly
codegen_flags: <defaults>
</compile_context>

<pallas_src>
import jax
import jax.numpy as jnp
from jax import lax
from jax.experimental import pallas as pl
from jax.experimental.pallas import tpu as pltpu
from jax.experimental.pallas import tpu_sc as plsc

N = 10000
E = 320000
D_IN = 128
H = 64
D_OUT = 128

NC = 2
NS = 16
NW = NC * NS
CH = 128
NCHUNK = 80
EPW = NCHUNK * CH
E_PAD = NW * EPW - E
NTRASH = 512
NACC = N + NTRASH
NPS = 624
NTAIL = N - NS * NPS

_mesh = plsc.VectorSubcoreMesh(core_axis_name="c", subcore_axis_name="s")


def _build_agg(with_deg):
    CH = 64 if with_deg else 128
    NCHUNK = EPW // CH
    GK = 4
    NG = NCHUNK // GK
    out_type = [jax.ShapeDtypeStruct((NC, N, H), jnp.float32)]
    scratch = [
        pltpu.VMEM((NCHUNK, CH), jnp.int32),
        pltpu.VMEM((NCHUNK, CH), jnp.int32),
        pltpu.VMEM((2, GK, CH, H), jnp.float32),
        pltpu.VMEM_SHARED((NACC, H), jnp.float32),
        pltpu.SemaphoreType.DMA,
        pltpu.SemaphoreType.DMA,
        pltpu.SemaphoreType.DMA,
        pltpu.SemaphoreType.DMA,
    ]
    if with_deg:
        out_type.append(jax.ShapeDtypeStruct((NC, N, H), jnp.float32))
        scratch += [
            pltpu.VMEM((CH, 16), jnp.float32),
            pltpu.VMEM_SHARED((NACC, 16), jnp.float32),
        ]

    def body(*refs):
        if with_deg:
            (h_hbm, src_hbm, dst_hbm, z64_hbm, ones_hbm, z16_hbm,
             part_hbm, degp_hbm,
             src_v, dst_v, rows_v, acc_sh, sem0, sem1, ssem0, ssem1,
             ones_v, dacc_sh) = refs
        else:
            (h_hbm, src_hbm, dst_hbm, z64_hbm,
             part_hbm,
             src_v, dst_v, rows_v, acc_sh, sem0, sem1, ssem0, ssem1) = refs

        c = lax.axis_index("c")
        s = lax.axis_index("s")
        wid = c * NS + s
        r0 = pl.multiple_of(s * NPS, 8)

        pro = [(z64_hbm.at[pl.ds(r0, NPS)], acc_sh.at[pl.ds(r0, NPS)]),
               (src_hbm.at[wid], src_v),
               (dst_hbm.at[wid], dst_v)]
        if with_deg:
            pro += [(z16_hbm.at[pl.ds(r0, NPS)], dacc_sh.at[pl.ds(r0, NPS)]),
                    (ones_hbm, ones_v)]
        for a, bdst in pro:
            pltpu.async_copy(a, bdst, sem0)
        for a, bdst in pro:
            pltpu.make_async_copy(a, bdst, sem0).wait()

        @pl.when(s == NS - 1)
        def _():
            t0 = NS * NPS
            pltpu.sync_copy(z64_hbm.at[pl.ds(t0, NTAIL)],
                            acc_sh.at[pl.ds(t0, NTAIL)])
            if with_deg:
                pltpu.sync_copy(z16_hbm.at[pl.ds(t0, NTAIL)],
                                dacc_sh.at[pl.ds(t0, NTAIL)])
        plsc.subcore_barrier()

        def fire_g(g, buf, sem):
            for b in range(GK):
                pltpu.async_copy(
                    h_hbm.at[src_v.at[g * GK + b]], rows_v.at[buf, b], sem)

        def wait_g(g, buf, sem):
            for b in range(GK):
                pltpu.make_async_copy(
                    h_hbm.at[src_v.at[g * GK + b]], rows_v.at[buf, b], sem
                ).wait()

        def fire_s(g, buf, sem):
            for b in range(GK):
                t = g * GK + b
                pltpu.async_copy(rows_v.at[buf, b], acc_sh.at[dst_v.at[t]],
                                 sem, add=True)
                if with_deg:
                    pltpu.async_copy(ones_v, dacc_sh.at[dst_v.at[t]], sem,
                                     add=True)

        def wait_s(g, buf, sem):
            for b in range(GK):
                t = g * GK + b
                pltpu.make_async_copy(rows_v.at[buf, b],
                                      acc_sh.at[dst_v.at[t]], sem).wait()
                if with_deg:
                    pltpu.make_async_copy(ones_v, dacc_sh.at[dst_v.at[t]],
                                          sem).wait()

        fire_g(0, 0, sem0)

        @pl.loop(0, NG - 1, step=2)
        def _(i):
            @pl.when(i > 0)
            def _():
                wait_s(i - 1, 1, ssem1)
            fire_g(i + 1, 1, sem1)
            wait_g(i, 0, sem0)
            fire_s(i, 0, ssem0)
            wait_s(i, 0, ssem0)

            @pl.when(i + 2 < NG)
            def _():
                fire_g(i + 2, 0, sem0)
            wait_g(i + 1, 1, sem1)
            fire_s(i + 1, 1, ssem1)

        wait_s(NG - 1, 1, ssem1)
        plsc.subcore_barrier()

        epi = [(acc_sh.at[pl.ds(r0, NPS)], part_hbm.at[c, pl.ds(r0, NPS)])]
        if with_deg:
            epi += [(dacc_sh.at[pl.ds(r0, NPS)],
                     degp_hbm.at[c, pl.ds(r0, NPS), pl.ds(16 * j, 16)])
                    for j in range(H // 16)]
        for a, bdst in epi:
            pltpu.async_copy(a, bdst, sem0)

        @pl.when(s == NS - 1)
        def _():
            t0 = NS * NPS
            pltpu.sync_copy(acc_sh.at[pl.ds(t0, NTAIL)],
                            part_hbm.at[c, pl.ds(t0, NTAIL)])
            if with_deg:
                for j in range(H // 16):
                    pltpu.sync_copy(
                        dacc_sh.at[pl.ds(t0, NTAIL)],
                        degp_hbm.at[c, pl.ds(t0, NTAIL), pl.ds(16 * j, 16)])
        for a, bdst in epi:
            pltpu.make_async_copy(a, bdst, sem0).wait()

    return pl.kernel(body, out_type=out_type, mesh=_mesh,
                     scratch_types=scratch,
                     compiler_params=pltpu.CompilerParams(
                         use_tc_tiling_on_sc=False))


_agg_deg = _build_agg(True)
_agg = _build_agg(False)

_BP = 1000
_GRID = N // 2 // _BP


def _enc_body(x2_ref, w_ref, b_ref, o_ref):
    x2 = x2_ref[...]
    w, b = w_ref[...], b_ref[...]
    ha = jnp.dot(x2[:, :D_IN], w, preferred_element_type=jnp.float32) + b
    hb = jnp.dot(x2[:, D_IN:], w, preferred_element_type=jnp.float32) + b
    o_ref[...] = jnp.concatenate([ha, hb], axis=1)


def _encoder(x2, w, b):
    return pl.pallas_call(
        _enc_body,
        grid=(_GRID,),
        in_specs=[pl.BlockSpec((_BP, 2 * D_IN), lambda i: (i, 0)),
                  pl.BlockSpec((D_IN, H), lambda i: (0, 0)),
                  pl.BlockSpec((1, H), lambda i: (0, 0))],
        out_specs=pl.BlockSpec((_BP, 128), lambda i: (i, 0)),
        out_shape=jax.ShapeDtypeStruct((N // 2, 128), jnp.float32),
    )(x2, w, b.reshape(1, H))


def _sage_core(h_ref, np_ref, db_ref, ws_ref, wn_ref, bl_ref, g_ref, be_ref):
    inv = 1.0 / jnp.maximum(db_ref[0] + db_ref[1], 1.0)
    neigh = (np_ref[0] + np_ref[1]) * inv
    h = h_ref[...]
    ws, wn = ws_ref[...], wn_ref[...]
    bl, g, be = bl_ref[...], g_ref[...], be_ref[...]

    def half(lo):
        hh = h[:, lo:lo + H]
        z = (jnp.dot(hh, ws, preferred_element_type=jnp.float32)
             + jnp.dot(neigh[:, lo:lo + H], wn,
                       preferred_element_type=jnp.float32) + bl)
        z = jnp.maximum(z, 0.0) + hh
        mu = jnp.mean(z, axis=1, keepdims=True)
        zc = z - mu
        var = jnp.mean(zc * zc, axis=1, keepdims=True)
        return zc * jax.lax.rsqrt(var + 1e-5) * g + be

    return half(0), half(H)


def _layer_body(h_ref, np_ref, db_ref, ws_ref, wn_ref, bl_ref, g_ref,
                be_ref, o_ref):
    ya, yb = _sage_core(h_ref, np_ref, db_ref, ws_ref, wn_ref, bl_ref,
                        g_ref, be_ref)
    o_ref[...] = jnp.concatenate([ya, yb], axis=1)


def _layer_skip_body(h_ref, np_ref, db_ref, ws_ref, wn_ref, bl_ref,
                     g_ref, be_ref, fh_ref, wsk_ref, bsk_ref, o_ref):
    ya, yb = _sage_core(h_ref, np_ref, db_ref, ws_ref, wn_ref, bl_ref,
                        g_ref, be_ref)
    fh = fh_ref[...]
    wsk, bsk = wsk_ref[...], bsk_ref[...]
    ya = ya + jnp.dot(fh[:, :H], wsk,
                      preferred_element_type=jnp.float32) + bsk
    yb = yb + jnp.dot(fh[:, H:], wsk,
                      preferred_element_type=jnp.float32) + bsk
    o_ref[...] = jnp.concatenate([ya, yb], axis=1)


def _layer_out_body(h_ref, np_ref, db_ref, ws_ref, wn_ref, bl_ref,
                    g_ref, be_ref, wo_ref, bo_ref, o_ref):
    ya, yb = _sage_core(h_ref, np_ref, db_ref, ws_ref, wn_ref, bl_ref,
                        g_ref, be_ref)
    wo, bo = wo_ref[...], bo_ref[...]
    oa = jnp.dot(ya, wo, preferred_element_type=jnp.float32) + bo
    ob = jnp.dot(yb, wo, preferred_element_type=jnp.float32) + bo
    o_ref[...] = jnp.concatenate([oa, ob], axis=1)


def _base_specs():
    return [pl.BlockSpec((_BP, 128), lambda i: (i, 0)),
            pl.BlockSpec((2, _BP, 128), lambda i: (0, i, 0)),
            pl.BlockSpec((2, _BP, 128), lambda i: (0, i, 0)),
            pl.BlockSpec((H, H), lambda i: (0, 0)),
            pl.BlockSpec((H, H), lambda i: (0, 0)),
            pl.BlockSpec((1, H), lambda i: (0, 0)),
            pl.BlockSpec((1, H), lambda i: (0, 0)),
            pl.BlockSpec((1, H), lambda i: (0, 0))]


def _layer(h, part2, degb, ws, wn, bl, g, be):
    return pl.pallas_call(
        _layer_body,
        grid=(_GRID,),
        in_specs=_base_specs(),
        out_specs=pl.BlockSpec((_BP, 128), lambda i: (i, 0)),
        out_shape=jax.ShapeDtypeStruct((N // 2, 128), jnp.float32),
    )(h, part2, degb, ws, wn, bl.reshape(1, H), g.reshape(1, H),
      be.reshape(1, H))


def _layer_skip(h, part2, degb, ws, wn, bl, g, be, fh, wsk, bsk):
    specs = _base_specs() + [pl.BlockSpec((_BP, 128), lambda i: (i, 0)),
                             pl.BlockSpec((H, H), lambda i: (0, 0)),
                             pl.BlockSpec((1, H), lambda i: (0, 0))]
    return pl.pallas_call(
        _layer_skip_body,
        grid=(_GRID,),
        in_specs=specs,
        out_specs=pl.BlockSpec((_BP, 128), lambda i: (i, 0)),
        out_shape=jax.ShapeDtypeStruct((N // 2, 128), jnp.float32),
    )(h, part2, degb, ws, wn, bl.reshape(1, H), g.reshape(1, H),
      be.reshape(1, H), fh, wsk, bsk.reshape(1, H))


def _layer_out(h, part2, degb, ws, wn, bl, g, be, wo, bo):
    specs = _base_specs() + [pl.BlockSpec((H, D_OUT), lambda i: (0, 0)),
                             pl.BlockSpec((1, D_OUT), lambda i: (0, 0))]
    return pl.pallas_call(
        _layer_out_body,
        grid=(_GRID,),
        in_specs=specs,
        out_specs=pl.BlockSpec((_BP, 2 * D_OUT), lambda i: (i, 0)),
        out_shape=jax.ShapeDtypeStruct((N // 2, 2 * D_OUT), jnp.float32),
    )(h, part2, degb, ws, wn, bl.reshape(1, H), g.reshape(1, H),
      be.reshape(1, H), wo, bo.reshape(1, D_OUT))


def kernel(x, edge_index, W_enc, b_enc, W_self_0, W_neigh_0, b_l_0, g_0, be_0,
           W_self_1, W_neigh_1, b_l_1, g_1, be_1, W_self_2, W_neigh_2, b_l_2,
           g_2, be_2, W_skip, b_skip, W_out, b_out):
    pad_src = jnp.arange(E_PAD, dtype=jnp.int32) % N
    pad_dst = N + jnp.arange(E_PAD, dtype=jnp.int32) % NTRASH
    src = jnp.concatenate([edge_index[0], pad_src]).reshape(NW, NCHUNK, CH)
    dst = jnp.concatenate([edge_index[1], pad_dst]).reshape(NW, NCHUNK, CH)
    z64 = jnp.zeros((N, H), jnp.float32)
    z16 = jnp.zeros((N, 16), jnp.float32)
    ones = jnp.ones((64, 16), jnp.float32)

    h0 = _encoder(x.reshape(N // 2, 2 * D_IN), W_enc, b_enc)
    part0, degp = _agg_deg(h0.reshape(N, H), src.reshape(NW, EPW // 64, 64),
                           dst.reshape(NW, EPW // 64, 64), z64, ones, z16)
    part0 = part0.reshape(NC, N // 2, 128)
    degb = degp.reshape(NC, N // 2, 128)
    h1 = _layer(h0, part0, degb, W_self_0, W_neigh_0, b_l_0, g_0, be_0)
    (part1,) = _agg(h1.reshape(N, H), src, dst, z64)
    h2 = _layer_skip(h1, part1.reshape(NC, N // 2, 128), degb,
                     W_self_1, W_neigh_1, b_l_1, g_1, be_1,
                     h0, W_skip, b_skip)
    (part2,) = _agg(h2.reshape(N, H), src, dst, z64)
    out = _layer_out(h2, part2.reshape(NC, N // 2, 128), degb,
                     W_self_2, W_neigh_2, b_l_2, g_2, be_2, W_out, b_out)
    return out.reshape(N, D_OUT)

# --- scband reference (transcript-rebuilt; emitter-appended) ---
"""Pipeline reference for scband-sageencoder-24575802868239 (READ-ONLY COPY).

The authoritative reference and input builder live on the scoring server;
editing this copy changes nothing except your own understanding.
"""

import jax, jax.numpy as jnp
import numpy as np

N = 10000
E = 320000
D_IN = 128
H = 64
D_OUT = 128

def setup_inputs(seed: int = 0):
    key = jax.random.key(seed)
    ks = jax.random.split(key, 24)
    inp = {}
    inp['x'] = jax.random.normal(ks[0], (N, D_IN), dtype=jnp.float32)
    inp['edge_index'] = jax.random.randint(ks[1], (2, E), 0, N, dtype=jnp.int32)
    inp['W_enc'] = 0.05 * jax.random.normal(ks[2], (D_IN, H), dtype=jnp.float32)
    inp['b_enc'] = jnp.zeros((H,), dtype=jnp.float32)
    for i in range(3):
        inp['W_self_%d' % i] = 0.05 * jax.random.normal(ks[3 + 3 * i], (H, H), dtype=jnp.float32)
        inp['W_neigh_%d' % i] = 0.05 * jax.random.normal(ks[4 + 3 * i], (H, H), dtype=jnp.float32)
        inp['b_l_%d' % i] = jnp.zeros((H,), dtype=jnp.float32)
        inp['g_%d' % i] = jnp.ones((H,), dtype=jnp.float32)
        inp['be_%d' % i] = jnp.zeros((H,), dtype=jnp.float32)
    inp['W_skip'] = 0.05 * jax.random.normal(ks[13], (H, H), dtype=jnp.float32)
    inp['b_skip'] = jnp.zeros((H,), dtype=jnp.float32)
    inp['W_out'] = 0.05 * jax.random.normal(ks[14], (H, D_OUT), dtype=jnp.float32)
    inp['b_out'] = jnp.zeros((D_OUT,), dtype=jnp.float32)
    return inp

def _layer_norm(h, g, b):
    mu = jnp.mean(h, axis=-1, keepdims=True)
    var = jnp.mean((h - mu) ** 2, axis=-1, keepdims=True)
    return (h - mu) / jnp.sqrt(var + 1e-5) * g + b

def _mean_agg(h, src, dst):
    msum = jax.ops.segment_sum(h[src], dst, num_segments=N)
    deg = jax.ops.segment_sum(jnp.ones((src.shape[0],), h.dtype), dst, num_segments=N)
    return msum / jnp.maximum(deg, 1.0)[:, None]

def reference(x, edge_index, W_enc, b_enc, W_self_0, W_neigh_0, b_l_0, g_0, be_0, W_self_1, W_neigh_1, b_l_1, g_1, be_1, W_self_2, W_neigh_2, b_l_2, g_2, be_2, W_skip, b_skip, W_out, b_out):
    src = edge_index[0]
    dst = edge_index[1]
    h = x @ W_enc + b_enc
    first_h = h
    layers = [(W_self_0, W_neigh_0, b_l_0, g_0, be_0),
              (W_self_1, W_neigh_1, b_l_1, g_1, be_1),
              (W_self_2, W_neigh_2, b_l_2, g_2, be_2)]
    for i, (Ws, Wn, bl, g, be) in enumerate(layers):
        h_res = h
        neigh = _mean_agg(h, src, dst)
        h = h @ Ws + neigh @ Wn + bl
        h = jax.nn.relu(h)
        h = _layer_norm(h + h_res, g, be)
        if i == 1:
            h = h + first_h @ W_skip + b_skip
    out = h @ W_out + b_out
    return out

if __name__ == "__main__":
    import jax
    _d = setup_inputs()
    print(jax.jit(kernel)(*tuple(_d.values())))

</pallas_src>

<mosaic_0001>
#map = affine_map<(d0, d1) -> (0, 0)>
#map1 = affine_map<(d0, d1) -> (0, 0, 0)>
module attributes {stable_mosaic.version = 14 : i64} {
  func.func @body(%arg0: i32, %arg1: i32, %arg2: memref<10000x64xf32, #tpu.memory_space<hbm>>, %arg3: memref<32x160x64xi32, #tpu.memory_space<hbm>>, %arg4: memref<32x160x64xi32, #tpu.memory_space<hbm>>, %arg5: memref<10000x64xf32, #tpu.memory_space<hbm>>, %arg6: memref<64x16xf32, #tpu.memory_space<hbm>>, %arg7: memref<10000x16xf32, #tpu.memory_space<hbm>>, %arg8: memref<2x10000x64xf32, #tpu.memory_space<hbm>>, %arg9: memref<2x10000x64xf32, #tpu.memory_space<hbm>>, %arg10: memref<160x64xi32, #tpu.memory_space<vmem>>, %arg11: memref<160x64xi32, #tpu.memory_space<vmem>>, %arg12: memref<2x4x64x64xf32, #tpu.memory_space<vmem>>, %arg13: memref<10512x64xf32, #tpu.memory_space<vmem_shared>>, %arg14: memref<!tpu.dma_semaphore, #tpu.memory_space<semaphore_mem>>, %arg15: memref<!tpu.dma_semaphore, #tpu.memory_space<semaphore_mem>>, %arg16: memref<!tpu.dma_semaphore, #tpu.memory_space<semaphore_mem>>, %arg17: memref<!tpu.dma_semaphore, #tpu.memory_space<semaphore_mem>>, %arg18: memref<64x16xf32, #tpu.memory_space<vmem>>, %arg19: memref<10512x16xf32, #tpu.memory_space<vmem_shared>>) attributes {dimension_semantics = [#tpu.dimension_semantics<core_parallel>, #tpu.dimension_semantics<subcore_parallel>], iteration_bounds = array<i64: 2, 16>, scalar_prefetch = 0 : i64, scratch_operands = 10 : i64, tpu.core_type = #tpu.core_type<sc_vector_subcore>, window_params = [{transform_indices = #map}, {transform_indices = #map1}, {transform_indices = #map1}, {transform_indices = #map}, {transform_indices = #map}, {transform_indices = #map}, {transform_indices = #map1}, {transform_indices = #map1}]} {
    %mul3A = arith.constant 16 : i32
    %mul3A_0 = arith.muli %arg0, %mul3A : i32
    %add3A = arith.addi %mul3A_0, %arg1 : i32
    %mul3A_1 = arith.constant 624 : i32
    %mul3A_2 = arith.muli %arg1, %mul3A_1 : i32
    %multiple_of3A = tpu.assume_multiple %mul3A_2, 8 : i32
    %dma_start3A = arith.constant 0 : i32
    %dma_start3A_3 = tpu.memref_slice %arg13[%multiple_of3A, %dma_start3A] : memref<10512x64xf32, #tpu.memory_space<vmem_shared>> -> memref<624x64xf32, #tpu.memory_space<vmem_shared>>
    %dma_start3A_4 = arith.constant 0 : i32
    %dma_start3A_5 = tpu.memref_slice %arg5[%multiple_of3A, %dma_start3A_4] : memref<10000x64xf32, #tpu.memory_space<hbm>> -> memref<624x64xf32, #tpu.memory_space<hbm>>
    tpu.enqueue_dma source(%dma_start3A_5 : memref<624x64xf32, #tpu.memory_space<hbm>>) target(%dma_start3A_3 : memref<624x64xf32, #tpu.memory_space<vmem_shared>>) target_semaphore(%arg14 : memref<!tpu.dma_semaphore, #tpu.memory_space<semaphore_mem>>)
    %dma_start3A_6 = arith.constant 0 : i32
    %dma_start3A_7 = arith.constant 0 : i32
    %dma_start3A_8 = tpu.memref_slice %arg3[%add3A, %dma_start3A_6, %dma_start3A_7] : memref<32x160x64xi32, #tpu.memory_space<hbm>> -> memref<1x160x64xi32, #tpu.memory_space<hbm>>
    %dma_start3A_9 = tpu.memref_squeeze %dma_start3A_8 : memref<1x160x64xi32, #tpu.memory_space<hbm>> -> memref<160x64xi32, #tpu.memory_space<hbm>>
    %dma_start3A_10 = arith.constant 0 : i32
    %dma_start3A_11 = arith.constant 0 : i32
    %dma_start3A_12 = tpu.memref_slice %arg3[%add3A, %dma_start3A_10, %dma_start3A_11] : memref<32x160x64xi32, #tpu.memory_space<hbm>> -> memref<1x160x64xi32, #tpu.memory_space<hbm>>
    %dma_start3A_13 = tpu.memref_squeeze %dma_start3A_12 : memref<1x160x64xi32, #tpu.memory_space<hbm>> -> memref<160x64xi32, #tpu.memory_space<hbm>>
    tpu.enqueue_dma source(%dma_start3A_13 : memref<160x64xi32, #tpu.memory_space<hbm>>) target(%arg10 : memref<160x64xi32, #tpu.memory_space<vmem>>) target_semaphore(%arg14 : memref<!tpu.dma_semaphore, #tpu.memory_space<semaphore_mem>>)
    %dma_start3A_14 = arith.constant 0 : i32
    %dma_start3A_15 = arith.constant 0 : i32
    %dma_start3A_16 = tpu.memref_slice %arg4[%add3A, %dma_start3A_14, %dma_start3A_15] : memref<32x160x64xi32, #tpu.memory_space<hbm>> -> memref<1x160x64xi32, #tpu.memory_space<hbm>>
    %dma_start3A_17 = tpu.memref_squeeze %dma_start3A_16 : memref<1x160x64xi32, #tpu.memory_space<hbm>> -> memref<160x64xi32, #tpu.memory_space<hbm>>
    %dma_start3A_18 = arith.constant 0 : i32
    %dma_start3A_19 = arith.constant 0 : i32
    %dma_start3A_20 = tpu.memref_slice %arg4[%add3A, %dma_start3A_18, %dma_start3A_19] : memref<32x160x64xi32, #tpu.memory_space<hbm>> -> memref<1x160x64xi32, #tpu.memory_space<hbm>>
    %dma_start3A_21 = tpu.memref_squeeze %dma_start3A_20 : memref<1x160x64xi32, #tpu.memory_space<hbm>> -> memref<160x64xi32, #tpu.memory_space<hbm>>
    tpu.enqueue_dma source(%dma_start3A_21 : memref<160x64xi32, #tpu.memory_space<hbm>>) target(%arg11 : memref<160x64xi32, #tpu.memory_space<vmem>>) target_semaphore(%arg14 : memref<!tpu.dma_semaphore, #tpu.memory_space<semaphore_mem>>)
    %dma_start3A_22 = arith.constant 0 : i32
    %dma_start3A_23 = tpu.memref_slice %arg19[%multiple_of3A, %dma_start3A_22] : memref<10512x16xf32, #tpu.memory_space<vmem_shared>> -> memref<624x16xf32, #tpu.memory_space<vmem_shared>>
    %dma_start3A_24 = arith.constant 0 : i32
    %dma_start3A_25 = tpu.memref_slice %arg7[%multiple_of3A, %dma_start3A_24] : memref<10000x16xf32, #tpu.memory_space<hbm>> -> memref<624x16xf32, #tpu.memory_space<hbm>>
    tpu.enqueue_dma source(%dma_start3A_25 : memref<624x16xf32, #tpu.memory_space<hbm>>) target(%dma_start3A_23 : memref<624x16xf32, #tpu.memory_space<vmem_shared>>) target_semaphore(%arg14 : memref<!tpu.dma_semaphore, #tpu.memory_space<semaphore_mem>>)
    tpu.enqueue_dma source(%arg6 : memref<64x16xf32, #tpu.memory_space<hbm>>) target(%arg18 : memref<64x16xf32, #tpu.memory_space<vmem>>) target_semaphore(%arg14 : memref<!tpu.dma_semaphore, #tpu.memory_space<semaphore_mem>>)
    %dma_wait3A = arith.constant 0 : i32
    %dma_wait3A_26 = tpu.memref_slice %arg13[%multiple_of3A, %dma_wait3A] : memref<10512x64xf32, #tpu.memory_space<vmem_shared>> -> memref<624x64xf32, #tpu.memory_space<vmem_shared>>
    %dma_wait3A_27 = arith.constant 0 : i32
    %dma_wait3A_28 = tpu.memref_slice %arg5[%multiple_of3A, %dma_wait3A_27] : memref<10000x64xf32, #tpu.memory_space<hbm>> -> memref<624x64xf32, #tpu.memory_space<hbm>>
    tpu.wait_dma2 semaphore(%arg14 : memref<!tpu.dma_semaphore, #tpu.memory_space<semaphore_mem>>) src(%dma_wait3A_28 : memref<624x64xf32, #tpu.memory_space<hbm>>) dst(%dma_wait3A_26 : memref<624x64xf32, #tpu.memory_space<vmem_shared>>)
    %dma_wait3A_29 = arith.constant 0 : i32
    %dma_wait3A_30 = arith.constant 0 : i32
    %dma_wait3A_31 = tpu.memref_slice %arg3[%add3A, %dma_wait3A_29, %dma_wait3A_30] : memref<32x160x64xi32, #tpu.memory_space<hbm>> -> memref<1x160x64xi32, #tpu.memory_space<hbm>>
    %dma_wait3A_32 = tpu.memref_squeeze %dma_wait3A_31 : memref<1x160x64xi32, #tpu.memory_space<hbm>> -> memref<160x64xi32, #tpu.memory_space<hbm>>
    %dma_wait3A_33 = arith.constant 0 : i32
    %dma_wait3A_34 = arith.constant 0 : i32
    %dma_wait3A_35 = tpu.memref_slice %arg3[%add3A, %dma_wait3A_33, %dma_wait3A_34] : memref<32x160x64xi32, #tpu.memory_space<hbm>> -> memref<1x160x64xi32, #tpu.memory_space<hbm>>
    %dma_wait3A_36 = tpu.memref_squeeze %dma_wait3A_35 : memref<1x160x64xi32, #tpu.memory_space<hbm>> -> memref<160x64xi32, #tpu.memory_space<hbm>>
    tpu.wait_dma2 semaphore(%arg14 : memref<!tpu.dma_semaphore, #tpu.memory_space<semaphore_mem>>) src(%dma_wait3A_36 : memref<160x64xi32, #tpu.memory_space<hbm>>) dst(%arg10 : memref<160x64xi32, #tpu.memory_space<vmem>>)
    %dma_wait3A_37 = arith.constant 0 : i32
    %dma_wait3A_38 = arith.constant 0 : i32
    %dma_wait3A_39 = tpu.memref_slice %arg4[%add3A, %dma_wait3A_37, %dma_wait3A_38] : memref<32x160x64xi32, #tpu.memory_space<hbm>> -> memref<1x160x64xi32, #tpu.memory_space<hbm>>
    %dma_wait3A_40 = tpu.memref_squeeze %dma_wait3A_39 : memref<1x160x64xi32, #tpu.memory_space<hbm>> -> memref<160x64xi32, #tpu.memory_space<hbm>>
    %dma_wait3A_41 = arith.constant 0 : i32
    %dma_wait3A_42 = arith.constant 0 : i32
    %dma_wait3A_43 = tpu.memref_slice %arg4[%add3A, %dma_wait3A_41, %dma_wait3A_42] : memref<32x160x64xi32, #tpu.memory_space<hbm>> -> memref<1x160x64xi32, #tpu.memory_space<hbm>>
    %dma_wait3A_44 = tpu.memref_squeeze %dma_wait3A_43 : memref<1x160x64xi32, #tpu.memory_space<hbm>> -> memref<160x64xi32, #tpu.memory_space<hbm>>
    tpu.wait_dma2 semaphore(%arg14 : memref<!tpu.dma_semaphore, #tpu.memory_space<semaphore_mem>>) src(%dma_wait3A_44 : memref<160x64xi32, #tpu.memory_space<hbm>>) dst(%arg11 : memref<160x64xi32, #tpu.memory_space<vmem>>)
    %dma_wait3A_45 = arith.constant 0 : i32
    %dma_wait3A_46 = tpu.memref_slice %arg19[%multiple_of3A, %dma_wait3A_45] : memref<10512x16xf32, #tpu.memory_space<vmem_shared>> -> memref<624x16xf32, #tpu.memory_space<vmem_shared>>
    %dma_wait3A_47 = arith.constant 0 : i32
    %dma_wait3A_48 = tpu.memref_slice %arg7[%multiple_of3A, %dma_wait3A_47] : memref<10000x16xf32, #tpu.memory_space<hbm>> -> memref<624x16xf32, #tpu.memory_space<hbm>>
    tpu.wait_dma2 semaphore(%arg14 : memref<!tpu.dma_semaphore, #tpu.memory_space<semaphore_mem>>) src(%dma_wait3A_48 : memref<624x16xf32, #tpu.memory_space<hbm>>) dst(%dma_wait3A_46 : memref<624x16xf32, #tpu.memory_space<vmem_shared>>)
    tpu.wait_dma2 semaphore(%arg14 : memref<!tpu.dma_semaphore, #tpu.memory_space<semaphore_mem>>) src(%arg6 : memref<64x16xf32, #tpu.memory_space<hbm>>) dst(%arg18 : memref<64x16xf32, #tpu.memory_space<vmem>>)
    %eq3A = arith.constant 15 : i32
    %eq3A_49 = arith.cmpi eq, %arg1, %eq3A : i32
    %convert_element_type3A = arith.extui %eq3A_49 : i1 to i32
    %cond3A = arith.constant 0 : i32
    %cond3A_50 = arith.cmpi ne, %convert_element_type3A, %cond3A : i32
    scf.if %cond3A_50 {
      "tpu.region"() ({
        %run_scoped3A = tpu.sem_alloc : memref<!tpu.dma_semaphore, #tpu.memory_space<semaphore_mem>>
        %dma_start3A_243 = arith.constant 9984 : i32
        %dma_start3A_244 = arith.constant 0 : i32
        %dma_start3A_245 = tpu.memref_slice %arg13[%dma_start3A_243, %dma_start3A_244] : memref<10512x64xf32, #tpu.memory_space<vmem_shared>> -> memref<16x64xf32, #tpu.memory_space<vmem_shared>>
        %dma_start3A_246 = arith.constant 9984 : i32
        %dma_start3A_247 = arith.constant 0 : i32
        %dma_start3A_248 = tpu.memref_slice %arg5[%dma_start3A_246, %dma_start3A_247] : memref<10000x64xf32, #tpu.memory_space<hbm>> -> memref<16x64xf32, #tpu.memory_space<hbm>>
        tpu.enqueue_dma source(%dma_start3A_248 : memref<16x64xf32, #tpu.memory_space<hbm>>) target(%dma_start3A_245 : memref<16x64xf32, #tpu.memory_space<vmem_shared>>) target_semaphore(%run_scoped3A : memref<!tpu.dma_semaphore, #tpu.memory_space<semaphore_mem>>)
        %dma_wait3A_249 = arith.constant 9984 : i32
        %dma_wait3A_250 = arith.constant 0 : i32
        %dma_wait3A_251 = tpu.memref_slice %arg13[%dma_wait3A_249, %dma_wait3A_250] : memref<10512x64xf32, #tpu.memory_space<vmem_shared>> -> memref<16x64xf32, #tpu.memory_space<vmem_shared>>
        %dma_wait3A_252 = arith.constant 9984 : i32
        %dma_wait3A_253 = arith.constant 0 : i32
        %dma_wait3A_254 = tpu.memref_slice %arg5[%dma_wait3A_252, %dma_wait3A_253] : memref<10000x64xf32, #tpu.memory_space<hbm>> -> memref<16x64xf32, #tpu.memory_space<hbm>>
        tpu.wait_dma2 semaphore(%run_scoped3A : memref<!tpu.dma_semaphore, #tpu.memory_space<semaphore_mem>>) src(%dma_wait3A_254 : memref<16x64xf32, #tpu.memory_space<hbm>>) dst(%dma_wait3A_251 : memref<16x64xf32, #tpu.memory_space<vmem_shared>>)
        tpu.yield
      }) : () -> ()
      "tpu.region"() ({
        %run_scoped3A = tpu.sem_alloc : memref<!tpu.dma_semaphore, #tpu.memory_space<semaphore_mem>>
        %dma_start3A_243 = arith.constant 9984 : i32
        %dma_start3A_244 = arith.constant 0 : i32
        %dma_start3A_245 = tpu.memref_slice %arg19[%dma_start3A_243, %dma_start3A_244] : memref<10512x16xf32, #tpu.memory_space<vmem_shared>> -> memref<16x16xf32, #tpu.memory_space<vmem_shared>>
        %dma_start3A_246 = arith.constant 9984 : i32
        %dma_start3A_247 = arith.constant 0 : i32
        %dma_start3A_248 = tpu.memref_slice %arg7[%dma_start3A_246, %dma_start3A_247] : memref<10000x16xf32, #tpu.memory_space<hbm>> -> memref<16x16xf32, #tpu.memory_space<hbm>>
        tpu.enqueue_dma source(%dma_start3A_248 : memref<16x16xf32, #tpu.memory_space<hbm>>) target(%dma_start3A_245 : memref<16x16xf32, #tpu.memory_space<vmem_shared>>) target_semaphore(%run_scoped3A : memref<!tpu.dma_semaphore, #tpu.memory_space<semaphore_mem>>)
        %dma_wait3A_249 = arith.constant 9984 : i32
        %dma_wait3A_250 = arith.constant 0 : i32
        %dma_wait3A_251 = tpu.memref_slice %arg19[%dma_wait3A_249, %dma_wait3A_250] : memref<10512x16xf32, #tpu.memory_space<vmem_shared>> -> memref<16x16xf32, #tpu.memory_space<vmem_shared>>
        %dma_wait3A_252 = arith.constant 9984 : i32
        %dma_wait3A_253 = arith.constant 0 : i32
        %dma_wait3A_254 = tpu.memref_slice %arg7[%dma_wait3A_252, %dma_wait3A_253] : memref<10000x16xf32, #tpu.memory_space<hbm>> -> memref<16x16xf32, #tpu.memory_space<hbm>>
        tpu.wait_dma2 semaphore(%run_scoped3A : memref<!tpu.dma_semaphore, #tpu.memory_space<semaphore_mem>>) src(%dma_wait3A_254 : memref<16x16xf32, #tpu.memory_space<hbm>>) dst(%dma_wait3A_251 : memref<16x16xf32, #tpu.memory_space<vmem_shared>>)
        tpu.yield
      }) : () -> ()
    } else {
    }
    %barrier3A = arith.constant 0 : index
    tpu.barrier barrier_id(%barrier3A)
    %dma_start3A_51 = arith.constant 0 : i32
    %dma_start3A_52 = arith.constant 0 : i32
    %dma_start3A_53 = arith.constant 0 : i32
    %dma_start3A_54 = arith.constant 0 : i32
    %dma_start3A_55 = arith.constant 0 : i32
    %dma_start3A_56 = tpu.memref_slice %arg12[%dma_start3A_52, %dma_start3A_53, %dma_start3A_54, %dma_start3A_55] : memref<2x4x64x64xf32, #tpu.memory_space<vmem>> -> memref<1x1x64x64xf32, #tpu.memory_space<vmem>>
    %dma_start3A_57 = tpu.memref_squeeze %dma_start3A_56 : memref<1x1x64x64xf32, #tpu.memory_space<vmem>> -> memref<64x64xf32, #tpu.memory_space<vmem>>
    %dma_start3A_58 = arith.constant 0 : i32
    %dma_start3A_59 = tpu.memref_slice %arg10[%dma_start3A_51, %dma_start3A_58] : memref<160x64xi32, #tpu.memory_space<vmem>> -> memref<1x64xi32, #tpu.memory_space<vmem>>
    %dma_start3A_60 = tpu.memref_squeeze %dma_start3A_59 : memref<1x64xi32, #tpu.memory_space<vmem>> -> memref<64xi32, #tpu.memory_space<vmem>>
    %dma_start3A_61 = arith.constant 0 : i32
    %dma_start3A_62 = arith.constant 0 : i32
    %dma_start3A_63 = tpu.memref_slice %arg2[%dma_start3A_61, %dma_start3A_62] : memref<10000x64xf32, #tpu.memory_space<hbm>> -> memref<10000x64xf32, #tpu.memory_space<hbm>>
    tpu.enqueue_indirect_dma source(%dma_start3A_63 : memref<10000x64xf32, #tpu.memory_space<hbm>>) target(%dma_start3A_57 : memref<64x64xf32, #tpu.memory_space<vmem>>) offsets(%dma_start3A_60 : memref<64xi32, #tpu.memory_space<vmem>>) semaphore(%arg14 : memref<!tpu.dma_semaphore, #tpu.memory_space<semaphore_mem>>)
    %dma_start3A_64 = arith.constant 1 : i32
    %dma_start3A_65 = arith.constant 0 : i32
    %dma_start3A_66 = arith.constant 1 : i32
    %dma_start3A_67 = arith.constant 0 : i32
    %dma_start3A_68 = arith.constant 0 : i32
    %dma_start3A_69 = tpu.memref_slice %arg12[%dma_start3A_65, %dma_start3A_66, %dma_start3A_67, %dma_start3A_68] : memref<2x4x64x64xf32, #tpu.memory_space<vmem>> -> memref<1x1x64x64xf32, #tpu.memory_space<vmem>>
    %dma_start3A_70 = tpu.memref_squeeze %dma_start3A_69 : memref<1x1x64x64xf32, #tpu.memory_space<vmem>> -> memref<64x64xf32, #tpu.memory_space<vmem>>
    %dma_start3A_71 = arith.constant 0 : i32
    %dma_start3A_72 = tpu.memref_slice %arg10[%dma_start3A_64, %dma_start3A_71] : memref<160x64xi32, #tpu.memory_space<vmem>> -> memref<1x64xi32, #tpu.memory_space<vmem>>
    %dma_start3A_73 = tpu.memref_squeeze %dma_start3A_72 : memref<1x64xi32, #tpu.memory_space<vmem>> -> memref<64xi32, #tpu.memory_space<vmem>>
    %dma_start3A_74 = arith.constant 0 : i32
    %dma_start3A_75 = arith.constant 0 : i32
    %dma_start3A_76 = tpu.memref_slice %arg2[%dma_start3A_74, %dma_start3A_75] : memref<10000x64xf32, #tpu.memory_space<hbm>> -> memref<10000x64xf32, #tpu.memory_space<hbm>>
    tpu.enqueue_indirect_dma source(%dma_start3A_76 : memref<10000x64xf32, #tpu.memory_space<hbm>>) target(%dma_start3A_70 : memref<64x64xf32, #tpu.memory_space<vmem>>) offsets(%dma_start3A_73 : memref<64xi32, #tpu.memory_space<vmem>>) semaphore(%arg14 : memref<!tpu.dma_semaphore, #tpu.memory_space<semaphore_mem>>)
    %dma_start3A_77 = arith.constant 2 : i32
    %dma_start3A_78 = arith.constant 0 : i32
    %dma_start3A_79 = arith.constant 2 : i32
    %dma_start3A_80 = arith.constant 0 : i32
    %dma_start3A_81 = arith.constant 0 : i32
    %dma_start3A_82 = tpu.memref_slice %arg12[%dma_start3A_78, %dma_start3A_79, %dma_start3A_80, %dma_start3A_81] : memref<2x4x64x64xf32, #tpu.memory_space<vmem>> -> memref<1x1x64x64xf32, #tpu.memory_space<vmem>>
    %dma_start3A_83 = tpu.memref_squeeze %dma_start3A_82 : memref<1x1x64x64xf32, #tpu.memory_space<vmem>> -> memref<64x64xf32, #tpu.memory_space<vmem>>
    %dma_start3A_84 = arith.constant 0 : i32
    %dma_start3A_85 = tpu.memref_slice %arg10[%dma_start3A_77, %dma_start3A_84] : memref<160x64xi32, #tpu.memory_space<vmem>> -> memref<1x64xi32, #tpu.memory_space<vmem>>
    %dma_start3A_86 = tpu.memref_squeeze %dma_start3A_85 : memref<1x64xi32, #tpu.memory_space<vmem>> -> memref<64xi32, #tpu.memory_space<vmem>>
    %dma_start3A_87 = arith.constant 0 : i32
    %dma_start3A_88 = arith.constant 0 : i32
    %dma_start3A_89 = tpu.memref_slice %arg2[%dma_start3A_87, %dma_start3A_88] : memref<10000x64xf32, #tpu.memory_space<hbm>> -> memref<10000x64xf32, #tpu.memory_space<hbm>>
    tpu.enqueue_indirect_dma source(%dma_start3A_89 : memref<10000x64xf32, #tpu.memory_space<hbm>>) target(%dma_start3A_83 : memref<64x64xf32, #tpu.memory_space<vmem>>) offsets(%dma_start3A_86 : memref<64xi32, #tpu.memory_space<vmem>>) semaphore(%arg14 : memref<!tpu.dma_semaphore, #tpu.memory_space<semaphore_mem>>)
    %dma_start3A_90 = arith.constant 3 : i32
    %dma_start3A_91 = arith.constant 0 : i32
    %dma_start3A_92 = arith.constant 3 : i32
    %dma_start3A_93 = arith.constant 0 : i32
    %dma_start3A_94 = arith.constant 0 : i32
    %dma_start3A_95 = tpu.memref_slice %arg12[%dma_start3A_91, %dma_start3A_92, %dma_start3A_93, %dma_start3A_94] : memref<2x4x64x64xf32, #tpu.memory_space<vmem>> -> memref<1x1x64x64xf32, #tpu.memory_space<vmem>>
    %dma_start3A_96 = tpu.memref_squeeze %dma_start3A_95 : memref<1x1x64x64xf32, #tpu.memory_space<vmem>> -> memref<64x64xf32, #tpu.memory_space<vmem>>
    %dma_start3A_97 = arith.constant 0 : i32
    %dma_start3A_98 = tpu.memref_slice %arg10[%dma_start3A_90, %dma_start3A_97] : memref<160x64xi32, #tpu.memory_space<vmem>> -> memref<1x64xi32, #tpu.memory_space<vmem>>
    %dma_start3A_99 = tpu.memref_squeeze %dma_start3A_98 : memref<1x64xi32, #tpu.memory_space<vmem>> -> memref<64xi32, #tpu.memory_space<vmem>>
    %dma_start3A_100 = arith.constant 0 : i32
    %dma_start3A_101 = arith.constant 0 : i32
    %dma_start3A_102 = tpu.memref_slice %arg2[%dma_start3A_100, %dma_start3A_101] : memref<10000x64xf32, #tpu.memory_space<hbm>> -> memref<10000x64xf32, #tpu.memory_space<hbm>>
    tpu.enqueue_indirect_dma source(%dma_start3A_102 : memref<10000x64xf32, #tpu.memory_space<hbm>>) target(%dma_start3A_96 : memref<64x64xf32, #tpu.memory_space<vmem>>) offsets(%dma_start3A_99 : memref<64xi32, #tpu.memory_space<vmem>>) semaphore(%arg14 : memref<!tpu.dma_semaphore, #tpu.memory_space<semaphore_mem>>)
    %scan3A = arith.constant 0 : i32
    %scan3A_103 = arith.constant 20 : i32
    %scan3A_104 = arith.addi %scan3A, %scan3A_103 : i32
    %scan3A_105 = arith.constant 1 : i32
    scf.for %scan3A_243 = %scan3A to %scan3A_104 step %scan3A_105  : i32 {
      %mul3A_244 = arith.constant 2 : i32
      %mul3A_245 = arith.muli %scan3A_243, %mul3A_244 : i32
      %add3A_246 = arith.constant 0 : i32
      %add3A_247 = arith.addi %add3A_246, %mul3A_245 : i32
      %gt3A = arith.constant 0 : i32
      %gt3A_248 = arith.cmpi sgt, %add3A_247, %gt3A : i32
      %convert_element_type3A_249 = arith.extui %gt3A_248 : i1 to i32
      %cond3A_250 = arith.constant 0 : i32
      %cond3A_251 = arith.cmpi ne, %convert_element_type3A_249, %cond3A_250 : i32
      scf.if %cond3A_251 {
        %sub3A = arith.constant 1 : i32
        %sub3A_720 = arith.subi %add3A_247, %sub3A : i32
        %mul3A_721 = arith.constant 4 : i32
        %mul3A_722 = arith.muli %sub3A_720, %mul3A_721 : i32
        %add3A_723 = arith.constant 0 : i32
        %add3A_724 = arith.addi %mul3A_722, %add3A_723 : i32
        %dma_wait3A_725 = arith.constant 1 : i32
        %dma_wait3A_726 = arith.constant 0 : i32
        %dma_wait3A_727 = arith.constant 0 : i32
        %dma_wait3A_728 = arith.constant 0 : i32
        %dma_wait3A_729 = tpu.memref_slice %arg12[%dma_wait3A_725, %dma_wait3A_726, %dma_wait3A_727, %dma_wait3A_728] : memref<2x4x64x64xf32, #tpu.memory_space<vmem>> -> memref<1x1x64x64xf32, #tpu.memory_space<vmem>>
        %dma_wait3A_730 = tpu.memref_squeeze %dma_wait3A_729 : memref<1x1x64x64xf32, #tpu.memory_space<vmem>> -> memref<64x64xf32, #tpu.memory_space<vmem>>
        %dma_wait3A_731 = arith.constant 0 : i32
        %dma_wait3A_732 = tpu.memref_slice %arg11[%add3A_724, %dma_wait3A_731] : memref<160x64xi32, #tpu.memory_space<vmem>> -> memref<1x64xi32, #tpu.memory_space<vmem>>
        %dma_wait3A_733 = tpu.memref_squeeze %dma_wait3A_732 : memref<1x64xi32, #tpu.memory_space<vmem>> -> memref<64xi32, #tpu.memory_space<vmem>>
        %dma_wait3A_734 = arith.constant 0 : i32
        %dma_wait3A_735 = arith.constant 0 : i32
        %dma_wait3A_736 = tpu.memref_slice %arg13[%dma_wait3A_734, %dma_wait3A_735] : memref<10512x64xf32, #tpu.memory_space<vmem_shared>> -> memref<10512x64xf32, #tpu.memory_space<vmem_shared>>
        tpu.wait_indirect_dma semaphore(%arg17 : memref<!tpu.dma_semaphore, #tpu.memory_space<semaphore_mem>>) src(%dma_wait3A_730 : memref<64x64xf32, #tpu.memory_space<vmem>>) dst(%dma_wait3A_736 : memref<10512x64xf32, #tpu.memory_space<vmem_shared>>)
        %dma_wait3A_737 = arith.constant 0 : i32
        %dma_wait3A_738 = tpu.memref_slice %arg11[%add3A_724, %dma_wait3A_737] : memref<160x64xi32, #tpu.memory_space<vmem>> -> memref<1x64xi32, #tpu.memory_space<vmem>>
        %dma_wait3A_739 = tpu.memref_squeeze %dma_wait3A_738 : memref<1x64xi32, #tpu.memory_space<vmem>> -> memref<64xi32, #tpu.memory_space<vmem>>
        %dma_wait3A_740 = arith.constant 0 : i32
        %dma_wait3A_741 = arith.constant 0 : i32
        %dma_wait3A_742 = tpu.memref_slice %arg19[%dma_wait3A_740, %dma_wait3A_741] : memref<10512x16xf32, #tpu.memory_space<vmem_shared>> -> memref<10512x16xf32, #tpu.memory_space<vmem_shared>>
        tpu.wait_indirect_dma semaphore(%arg17 : memref<!tpu.dma_semaphore, #tpu.memory_space<semaphore_mem>>) src(%arg18 : memref<64x16xf32, #tpu.memory_space<vmem>>) dst(%dma_wait3A_742 : memref<10512x16xf32, #tpu.memory_space<vmem_shared>>)
        %mul3A_743 = arith.constant 4 : i32
        %mul3A_744 = arith.muli %sub3A_720, %mul3A_743 : i32
        %add3A_745 = arith.constant 1 : i32
        %add3A_746 = arith.addi %mul3A_744, %add3A_745 : i32
        %dma_wait3A_747 = arith.constant 1 : i32
        %dma_wait3A_748 = arith.constant 1 : i32
        %dma_wait3A_749 = arith.constant 0 : i32
        %dma_wait3A_750 = arith.constant 0 : i32
        %dma_wait3A_751 = tpu.memref_slice %arg12[%dma_wait3A_747, %dma_wait3A_748, %dma_wait3A_749, %dma_wait3A_750] : memref<2x4x64x64xf32, #tpu.memory_space<vmem>> -> memref<1x1x64x64xf32, #tpu.memory_space<vmem>>
        %dma_wait3A_752 = tpu.memref_squeeze %dma_wait3A_751 : memref<1x1x64x64xf32, #tpu.memory_space<vmem>> -> memref<64x64xf32, #tpu.memory_space<vmem>>
        %dma_wait3A_753 = arith.constant 0 : i32
        %dma_wait3A_754 = tpu.memref_slice %arg11[%add3A_746, %dma_wait3A_753] : memref<160x64xi32, #tpu.memory_space<vmem>> -> memref<1x64xi32, #tpu.memory_space<vmem>>
        %dma_wait3A_755 = tpu.memref_squeeze %dma_wait3A_754 : memref<1x64xi32, #tpu.memory_space<vmem>> -> memref<64xi32, #tpu.memory_space<vmem>>
        %dma_wait3A_756 = arith.constant 0 : i32
        %dma_wait3A_757 = arith.constant 0 : i32
        %dma_wait3A_758 = tpu.memref_slice %arg13[%dma_wait3A_756, %dma_wait3A_757] : memref<10512x64xf32, #tpu.memory_space<vmem_shared>> -> memref<10512x64xf32, #tpu.memory_space<vmem_shared>>
        tpu.wait_indirect_dma semaphore(%arg17 : memref<!tpu.dma_semaphore, #tpu.memory_space<semaphore_mem>>) src(%dma_wait3A_752 : memref<64x64xf32, #tpu.memory_space<vmem>>) dst(%dma_wait3A_758 : memref<10512x64xf32, #tpu.memory_space<vmem_shared>>)
        %dma_wait3A_759 = arith.constant 0 : i32
        %dma_wait3A_760 = tpu.memref_slice %arg11[%add3A_746, %dma_wait3A_759] : memref<160x64xi32, #tpu.memory_space<vmem>> -> memref<1x64xi32, #tpu.memory_space<vmem>>
        %dma_wait3A_761 = tpu.memref_squeeze %dma_wait3A_760 : memref<1x64xi32, #tpu.memory_space<vmem>> -> memref<64xi32, #tpu.memory_space<vmem>>
        %dma_wait3A_762 = arith.constant 0 : i32
        %dma_wait3A_763 = arith.constant 0 : i32
        %dma_wait3A_764 = tpu.memref_slice %arg19[%dma_wait3A_762, %dma_wait3A_763] : memref<10512x16xf32, #tpu.memory_space<vmem_shared>> -> memref<10512x16xf32, #tpu.memory_space<vmem_shared>>
        tpu.wait_indirect_dma semaphore(%arg17 : memref<!tpu.dma_semaphore, #tpu.memory_space<semaphore_mem>>) src(%arg18 : memref<64x16xf32, #tpu.memory_space<vmem>>) dst(%dma_wait3A_764 : memref<10512x16xf32, #tpu.memory_space<vmem_shared>>)
        %mul3A_765 = arith.constant 4 : i32
        %mul3A_766 = arith.muli %sub3A_720, %mul3A_765 : i32
        %add3A_767 = arith.constant 2 : i32
        %add3A_768 = arith.addi %mul3A_766, %add3A_767 : i32
        %dma_wait3A_769 = arith.constant 1 : i32
        %dma_wait3A_770 = arith.constant 2 : i32
        %dma_wait3A_771 = arith.constant 0 : i32
        %dma_wait3A_772 = arith.constant 0 : i32
        %dma_wait3A_773 = tpu.memref_slice %arg12[%dma_wait3A_769, %dma_wait3A_770, %dma_wait3A_771, %dma_wait3A_772] : memref<2x4x64x64xf32, #tpu.memory_space<vmem>> -> memref<1x1x64x64xf32, #tpu.memory_space<vmem>>
        %dma_wait3A_774 = tpu.memref_squeeze %dma_wait3A_773 : memref<1x1x64x64xf32, #tpu.memory_space<vmem>> -> memref<64x64xf32, #tpu.memory_space<vmem>>
        %dma_wait3A_775 = arith.constant 0 : i32
        %dma_wait3A_776 = tpu.memref_slice %arg11[%add3A_768, %dma_wait3A_775] : memref<160x64xi32, #tpu.memory_space<vmem>> -> memref<1x64xi32, #tpu.memory_space<vmem>>
        %dma_wait3A_777 = tpu.memref_squeeze %dma_wait3A_776 : memref<1x64xi32, #tpu.memory_space<vmem>> -> memref<64xi32, #tpu.memory_space<vmem>>
        %dma_wait3A_778 = arith.constant 0 : i32
        %dma_wait3A_779 = arith.constant 0 : i32
        %dma_wait3A_780 = tpu.memref_slice %arg13[%dma_wait3A_778, %dma_wait3A_779] : memref<10512x64xf32, #tpu.memory_space<vmem_shared>> -> memref<10512x64xf32, #tpu.memory_space<vmem_shared>>
        tpu.wait_indirect_dma semaphore(%arg17 : memref<!tpu.dma_semaphore, #tpu.memory_space<semaphore_mem>>) src(%dma_wait3A_774 : memref<64x64xf32, #tpu.memory_space<vmem>>) dst(%dma_wait3A_780 : memref<10512x64xf32, #tpu.memory_space<vmem_shared>>)
        %dma_wait3A_781 = arith.constant 0 : i32
        %dma_wait3A_782 = tpu.memref_slice %arg11[%add3A_768, %dma_wait3A_781] : memref<160x64xi32, #tpu.memory_space<vmem>> -> memref<1x64xi32, #tpu.memory_space<vmem>>
        %dma_wait3A_783 = tpu.memref_squeeze %dma_wait3A_782 : memref<1x64xi32, #tpu.memory_space<vmem>> -> memref<64xi32, #tpu.memory_space<vmem>>
        %dma_wait3A_784 = arith.constant 0 : i32
        %dma_wait3A_785 = arith.constant 0 : i32
        %dma_wait3A_786 = tpu.memref_slice %arg19[%dma_wait3A_784, %dma_wait3A_785] : memref<10512x16xf32, #tpu.memory_space<vmem_shared>> -> memref<10512x16xf32, #tpu.memory_space<vmem_shared>>
        tpu.wait_indirect_dma semaphore(%arg17 : memref<!tpu.dma_semaphore, #tpu.memory_space<semaphore_mem>>) src(%arg18 : memref<64x16xf32, #tpu.memory_space<vmem>>) dst(%dma_wait3A_786 : memref<10512x16xf32, #tpu.memory_space<vmem_shared>>)
        %mul3A_787 = arith.constant 4 : i32
        %mul3A_788 = arith.muli %sub3A_720, %mul3A_787 : i32
        %add3A_789 = arith.constant 3 : i32
        %add3A_790 = arith.addi %mul3A_788, %add3A_789 : i32
        %dma_wait3A_791 = arith.constant 1 : i32
        %dma_wait3A_792 = arith.constant 3 : i32
        %dma_wait3A_793 = arith.constant 0 : i32
        %dma_wait3A_794 = arith.constant 0 : i32
        %dma_wait3A_795 = tpu.memref_slice %arg12[%dma_wait3A_791, %dma_wait3A_792, %dma_wait3A_793, %dma_wait3A_794] : memref<2x4x64x64xf32, #tpu.memory_space<vmem>> -> memref<1x1x64x64xf32, #tpu.memory_space<vmem>>
        %dma_wait3A_796 = tpu.memref_squeeze %dma_wait3A_795 : memref<1x1x64x64xf32, #tpu.memory_space<vmem>> -> memref<64x64xf32, #tpu.memory_space<vmem>>
        %dma_wait3A_797 = arith.constant 0 : i32
        %dma_wait3A_798 = tpu.memref_slice %arg11[%add3A_790, %dma_wait3A_797] : memref<160x64xi32, #tpu.memory_space<vmem>> -> memref<1x64xi32, #tpu.memory_space<vmem>>
        %dma_wait3A_799 = tpu.memref_squeeze %dma_wait3A_798 : memref<1x64xi32, #tpu.memory_space<vmem>> -> memref<64xi32, #tpu.memory_space<vmem>>
        %dma_wait3A_800 = arith.constant 0 : i32
        %dma_wait3A_801 = arith.constant 0 : i32
        %dma_wait3A_802 = tpu.memref_slice %arg13[%dma_wait3A_800, %dma_wait3A_801] : memref<10512x64xf32, #tpu.memory_space<vmem_shared>> -> memref<10512x64xf32, #tpu.memory_space<vmem_shared>>
        tpu.wait_indirect_dma semaphore(%arg17 : memref<!tpu.dma_semaphore, #tpu.memory_space<semaphore_mem>>) src(%dma_wait3A_796 : memref<64x64xf32, #tpu.memory_space<vmem>>) dst(%dma_wait3A_802 : memref<10512x64xf32, #tpu.memory_space<vmem_shared>>)
        %dma_wait3A_803 = arith.constant 0 : i32
        %dma_wait3A_804 = tpu.memref_slice %arg11[%add3A_790, %dma_wait3A_803] : memref<160x64xi32, #tpu.memory_space<vmem>> -> memref<1x64xi32, #tpu.memory_space<vmem>>
        %dma_wait3A_805 = tpu.memref_squeeze %dma_wait3A_804 : memref<1x64xi32, #tpu.memory_space<vmem>> -> memref<64xi32, #tpu.memory_space<vmem>>
        %dma_wait3A_806 = arith.constant 0 : i32
        %dma_wait3A_807 = arith.constant 0 : i32
        %dma_wait3A_808 = tpu.memref_slice %arg19[%dma_wait3A_806, %dma_wait3A_807] : memref<10512x16xf32, #tpu.memory_space<vmem_shared>> -> memref<10512x16xf32, #tpu.memory_space<vmem_shared>>
        tpu.wait_indirect_dma semaphore(%arg17 : memref<!tpu.dma_semaphore, #tpu.memory_space<semaphore_mem>>) src(%arg18 : memref<64x16xf32, #tpu.memory_space<vmem>>) dst(%dma_wait3A_808 : memref<10512x16xf32, #tpu.memory_space<vmem_shared>>)
      } else {
      }
      %add3A_252 = arith.constant 1 : i32
      %add3A_253 = arith.addi %add3A_247, %add3A_252 : i32
      %mul3A_254 = arith.constant 4 : i32
      %mul3A_255 = arith.muli %add3A_253, %mul3A_254 : i32
      %add3A_256 = arith.constant 0 : i32
      %add3A_257 = arith.addi %mul3A_255, %add3A_256 : i32
      %dma_start3A_258 = arith.constant 1 : i32
      %dma_start3A_259 = arith.constant 0 : i32
      %dma_start3A_260 = arith.constant 0 : i32
      %dma_start3A_261 = arith.constant 0 : i32
      %dma_start3A_262 = tpu.memref_slice %arg12[%dma_start3A_258, %dma_start3A_259, %dma_start3A_260, %dma_start3A_261] : memref<2x4x64x64xf32, #tpu.memory_space<vmem>> -> memref<1x1x64x64xf32, #tpu.memory_space<vmem>>
      %dma_start3A_263 = tpu.memref_squeeze %dma_start3A_262 : memref<1x1x64x64xf32, #tpu.memory_space<vmem>> -> memref<64x64xf32, #tpu.memory_space<vmem>>
      %dma_start3A_264 = arith.constant 0 : i32
      %dma_start3A_265 = tpu.memref_slice %arg10[%add3A_257, %dma_start3A_264] : memref<160x64xi32, #tpu.memory_space<vmem>> -> memref<1x64xi32, #tpu.memory_space<vmem>>
      %dma_start3A_266 = tpu.memref_squeeze %dma_start3A_265 : memref<1x64xi32, #tpu.memory_space<vmem>> -> memref<64xi32, #tpu.memory_space<vmem>>
      %dma_start3A_267 = arith.constant 0 : i32
      %dma_start3A_268 = arith.constant 0 : i32
      %dma_start3A_269 = tpu.memref_slice %arg2[%dma_start3A_267, %dma_start3A_268] : memref<10000x64xf32, #tpu.memory_space<hbm>> -> memref<10000x64xf32, #tpu.memory_space<hbm>>
      tpu.enqueue_indirect_dma source(%dma_start3A_269 : memref<10000x64xf32, #tpu.memory_space<hbm>>) target(%dma_start3A_263 : memref<64x64xf32, #tpu.memory_space<vmem>>) offsets(%dma_start3A_266 : memref<64xi32, #tpu.memory_space<vmem>>) semaphore(%arg15 : memref<!tpu.dma_semaphore, #tpu.memory_space<semaphore_mem>>)
      %mul3A_270 = arith.constant 4 : i32
      %mul3A_271 = arith.muli %add3A_253, %mul3A_270 : i32
      %add3A_272 = arith.constant 1 : i32
      %add3A_273 = arith.addi %mul3A_271, %add3A_272 : i32
      %dma_start3A_274 = arith.constant 1 : i32
      %dma_start3A_275 = arith.constant 1 : i32
      %dma_start3A_276 = arith.constant 0 : i32
      %dma_start3A_277 = arith.constant 0 : i32
      %dma_start3A_278 = tpu.memref_slice %arg12[%dma_start3A_274, %dma_start3A_275, %dma_start3A_276, %dma_start3A_277] : memref<2x4x64x64xf32, #tpu.memory_space<vmem>> -> memref<1x1x64x64xf32, #tpu.memory_space<vmem>>
      %dma_start3A_279 = tpu.memref_squeeze %dma_start3A_278 : memref<1x1x64x64xf32, #tpu.memory_space<vmem>> -> memref<64x64xf32, #tpu.memory_space<vmem>>
      %dma_start3A_280 = arith.constant 0 : i32
      %dma_start3A_281 = tpu.memref_slice %arg10[%add3A_273, %dma_start3A_280] : memref<160x64xi32, #tpu.memory_space<vmem>> -> memref<1x64xi32, #tpu.memory_space<vmem>>
      %dma_start3A_282 = tpu.memref_squeeze %dma_start3A_281 : memref<1x64xi32, #tpu.memory_space<vmem>> -> memref<64xi32, #tpu.memory_space<vmem>>
      %dma_start3A_283 = arith.constant 0 : i32
      %dma_start3A_284 = arith.constant 0 : i32
      %dma_start3A_285 = tpu.memref_slice %arg2[%dma_start3A_283, %dma_start3A_284] : memref<10000x64xf32, #tpu.memory_space<hbm>> -> memref<10000x64xf32, #tpu.memory_space<hbm>>
      tpu.enqueue_indirect_dma source(%dma_start3A_285 : memref<10000x64xf32, #tpu.memory_space<hbm>>) target(%dma_start3A_279 : memref<64x64xf32, #tpu.memory_space<vmem>>) offsets(%dma_start3A_282 : memref<64xi32, #tpu.memory_space<vmem>>) semaphore(%arg15 : memref<!tpu.dma_semaphore, #tpu.memory_space<semaphore_mem>>)
      %mul3A_286 = arith.constant 4 : i32
      %mul3A_287 = arith.muli %add3A_253, %mul3A_286 : i32
      %add3A_288 = arith.constant 2 : i32
      %add3A_289 = arith.addi %mul3A_287, %add3A_288 : i32
      %dma_start3A_290 = arith.constant 1 : i32
      %dma_start3A_291 = arith.constant 2 : i32
      %dma_start3A_292 = arith.constant 0 : i32
      %dma_start3A_293 = arith.constant 0 : i32
      %dma_start3A_294 = tpu.memref_slice %arg12[%dma_start3A_290, %dma_start3A_291, %dma_start3A_292, %dma_start3A_293] : memref<2x4x64x64xf32, #tpu.memory_space<vmem>> -> memref<1x1x64x64xf32, #tpu.memory_space<vmem>>
      %dma_start3A_295 = tpu.memref_squeeze %dma_start3A_294 : memref<1x1x64x64xf32, #tpu.memory_space<vmem>> -> memref<64x64xf32, #tpu.memory_space<vmem>>
      %dma_start3A_296 = arith.constant 0 : i32
      %dma_start3A_297 = tpu.memref_slice %arg10[%add3A_289, %dma_start3A_296] : memref<160x64xi32, #tpu.memory_space<vmem>> -> memref<1x64xi32, #tpu.memory_space<vmem>>
      %dma_start3A_298 = tpu.memref_squeeze %dma_start3A_297 : memref<1x64xi32, #tpu.memory_space<vmem>> -> memref<64xi32, #tpu.memory_space<vmem>>
      %dma_start3A_299 = arith.constant 0 : i32
      %dma_start3A_300 = arith.constant 0 : i32
      %dma_start3A_301 = tpu.memref_slice %arg2[%dma_start3A_299, %dma_start3A_300] : memref<10000x64xf32, #tpu.memory_space<hbm>> -> memref<10000x64xf32, #tpu.memory_space<hbm>>
      tpu.enqueue_indirect_dma source(%dma_start3A_301 : memref<10000x64xf32, #tpu.memory_space<hbm>>) target(%dma_start3A_295 : memref<64x64xf32, #tpu.memory_space<vmem>>) offsets(%dma_start3A_298 : memref<64xi32, #tpu.memory_space<vmem>>) semaphore(%arg15 : memref<!tpu.dma_semaphore, #tpu.memory_space<semaphore_mem>>)
      %mul3A_302 = arith.constant 4 : i32
      %mul3A_303 = arith.muli %add3A_253, %mul3A_302 : i32
      %add3A_304 = arith.constant 3 : i32
      %add3A_305 = arith.addi %mul3A_303, %add3A_304 : i32
      %dma_start3A_306 = arith.constant 1 : i32
      %dma_start3A_307 = arith.constant 3 : i32
      %dma_start3A_308 = arith.constant 0 : i32
      %dma_start3A_309 = arith.constant 0 : i32
      %dma_start3A_310 = tpu.memref_slice %arg12[%dma_start3A_306, %dma_start3A_307, %dma_start3A_308, %dma_start3A_309] : memref<2x4x64x64xf32, #tpu.memory_space<vmem>> -> memref<1x1x64x64xf32, #tpu.memory_space<vmem>>
      %dma_start3A_311 = tpu.memref_squeeze %dma_start3A_310 : memref<1x1x64x64xf32, #tpu.memory_space<vmem>> -> memref<64x64xf32, #tpu.memory_space<vmem>>
      %dma_start3A_312 = arith.constant 0 : i32
      %dma_start3A_313 = tpu.memref_slice %arg10[%add3A_305, %dma_start3A_312] : memref<160x64xi32, #tpu.memory_space<vmem>> -> memref<1x64xi32, #tpu.memory_space<vmem>>
      %dma_start3A_314 = tpu.memref_squeeze %dma_start3A_313 : memref<1x64xi32, #tpu.memory_space<vmem>> -> memref<64xi32, #tpu.memory_space<vmem>>
      %dma_start3A_315 = arith.constant 0 : i32
      %dma_start3A_316 = arith.constant 0 : i32
      %dma_start3A_317 = tpu.memref_slice %arg2[%dma_start3A_315, %dma_start3A_316] : memref<10000x64xf32, #tpu.memory_space<hbm>> -> memref<10000x64xf32, #tpu.memory_space<hbm>>
      tpu.enqueue_indirect_dma source(%dma_start3A_317 : memref<10000x64xf32, #tpu.memory_space<hbm>>) target(%dma_start3A_311 : memref<64x64xf32, #tpu.memory_space<vmem>>) offsets(%dma_start3A_314 : memref<64xi32, #tpu.memory_space<vmem>>) semaphore(%arg15 : memref<!tpu.dma_semaphore, #tpu.memory_space<semaphore_mem>>)
      %mul3A_318 = arith.constant 4 : i32
      %mul3A_319 = arith.muli %add3A_247, %mul3A_318 : i32
      %add3A_320 = arith.constant 0 : i32
      %add3A_321 = arith.addi %mul3A_319, %add3A_320 : i32
      %dma_wait3A_322 = arith.constant 0 : i32
      %dma_wait3A_323 = arith.constant 0 : i32
      %dma_wait3A_324 = arith.constant 0 : i32
      %dma_wait3A_325 = arith.constant 0 : i32
      %dma_wait3A_326 = tpu.memref_slice %arg12[%dma_wait3A_322, %dma_wait3A_323, %dma_wait3A_324, %dma_wait3A_325] : memref<2x4x64x64xf32, #tpu.memory_space<vmem>> -> memref<1x1x64x64xf32, #tpu.memory_space<vmem>>
      %dma_wait3A_327 = tpu.memref_squeeze %dma_wait3A_326 : memref<1x1x64x64xf32, #tpu.memory_space<vmem>> -> memref<64x64xf32, #tpu.memory_space<vmem>>
      %dma_wait3A_328 = arith.constant 0 : i32
      %dma_wait3A_329 = tpu.memref_slice %arg10[%add3A_321, %dma_wait3A_328] : memref<160x64xi32, #tpu.memory_space<vmem>> -> memref<1x64xi32, #tpu.memory_space<vmem>>
      %dma_wait3A_330 = tpu.memref_squeeze %dma_wait3A_329 : memref<1x64xi32, #tpu.memory_space<vmem>> -> memref<64xi32, #tpu.memory_space<vmem>>
      %dma_wait3A_331 = arith.constant 0 : i32
      %dma_wait3A_332 = arith.constant 0 : i32
      %dma_wait3A_333 = tpu.memref_slice %arg2[%dma_wait3A_331, %dma_wait3A_332] : memref<10000x64xf32, #tpu.memory_space<hbm>> -> memref<10000x64xf32, #tpu.memory_space<hbm>>
      tpu.wait_indirect_dma semaphore(%arg14 : memref<!tpu.dma_semaphore, #tpu.memory_space<semaphore_mem>>) src(%dma_wait3A_333 : memref<10000x64xf32, #tpu.memory_space<hbm>>) dst(%dma_wait3A_327 : memref<64x64xf32, #tpu.memory_space<vmem>>)
      %mul3A_334 = arith.constant 4 : i32
      %mul3A_335 = arith.muli %add3A_247, %mul3A_334 : i32
      %add3A_336 = arith.constant 1 : i32
      %add3A_337 = arith.addi %mul3A_335, %add3A_336 : i32
      %dma_wait3A_338 = arith.constant 0 : i32
      %dma_wait3A_339 = arith.constant 1 : i32
      %dma_wait3A_340 = arith.constant 0 : i32
      %dma_wait3A_341 = arith.constant 0 : i32
      %dma_wait3A_342 = tpu.memref_slice %arg12[%dma_wait3A_338, %dma_wait3A_339, %dma_wait3A_340, %dma_wait3A_341] : memref<2x4x64x64xf32, #tpu.memory_space<vmem>> -> memref<1x1x64x64xf32, #tpu.memory_space<vmem>>
      %dma_wait3A_343 = tpu.memref_squeeze %dma_wait3A_342 : memref<1x1x64x64xf32, #tpu.memory_space<vmem>> -> memref<64x64xf32, #tpu.memory_space<vmem>>
      %dma_wait3A_344 = arith.constant 0 : i32
      %dma_wait3A_345 = tpu.memref_slice %arg10[%add3A_337, %dma_wait3A_344] : memref<160x64xi32, #tpu.memory_space<vmem>> -> memref<1x64xi32, #tpu.memory_space<vmem>>
      %dma_wait3A_346 = tpu.memref_squeeze %dma_wait3A_345 : memref<1x64xi32, #tpu.memory_space<vmem>> -> memref<64xi32, #tpu.memory_space<vmem>>
      %dma_wait3A_347 = arith.constant 0 : i32
      %dma_wait3A_348 = arith.constant 0 : i32
      %dma_wait3A_349 = tpu.memref_slice %arg2[%dma_wait3A_347, %dma_wait3A_348] : memref<10000x64xf32, #tpu.memory_space<hbm>> -> memref<10000x64xf32, #tpu.memory_space<hbm>>
      tpu.wait_indirect_dma semaphore(%arg14 : memref<!tpu.dma_semaphore, #tpu.memory_space<semaphore_mem>>) src(%dma_wait3A_349 : memref<10000x64xf32, #tpu.memory_space<hbm>>) dst(%dma_wait3A_343 : memref<64x64xf32, #tpu.memory_space<vmem>>)
      %mul3A_350 = arith.constant 4 : i32
      %mul3A_351 = arith.muli %add3A_247, %mul3A_350 : i32
      %add3A_352 = arith.constant 2 : i32
      %add3A_353 = arith.addi %mul3A_351, %add3A_352 : i32
      %dma_wait3A_354 = arith.constant 0 : i32
      %dma_wait3A_355 = arith.constant 2 : i32
      %dma_wait3A_356 = arith.constant 0 : i32
      %dma_wait3A_357 = arith.constant 0 : i32
      %dma_wait3A_358 = tpu.memref_slice %arg12[%dma_wait3A_354, %dma_wait3A_355, %dma_wait3A_356, %dma_wait3A_357] : memref<2x4x64x64xf32, #tpu.memory_space<vmem>> -> memref<1x1x64x64xf32, #tpu.memory_space<vmem>>
      %dma_wait3A_359 = tpu.memref_squeeze %dma_wait3A_358 : memref<1x1x64x64xf32, #tpu.memory_space<vmem>> -> memref<64x64xf32, #tpu.memory_space<vmem>>
      %dma_wait3A_360 = arith.constant 0 : i32
      %dma_wait3A_361 = tpu.memref_slice %arg10[%add3A_353, %dma_wait3A_360] : memref<160x64xi32, #tpu.memory_space<vmem>> -> memref<1x64xi32, #tpu.memory_space<vmem>>
      %dma_wait3A_362 = tpu.memref_squeeze %dma_wait3A_361 : memref<1x64xi32, #tpu.memory_space<vmem>> -> memref<64xi32, #tpu.memory_space<vmem>>
      %dma_wait3A_363 = arith.constant 0 : i32
      %dma_wait3A_364 = arith.constant 0 : i32
      %dma_wait3A_365 = tpu.memref_slice %arg2[%dma_wait3A_363, %dma_wait3A_364] : memref<10000x64xf32, #tpu.memory_space<hbm>> -> memref<10000x64xf32, #tpu.memory_space<hbm>>
      tpu.wait_indirect_dma semaphore(%arg14 : memref<!tpu.dma_semaphore, #tpu.memory_space<semaphore_mem>>) src(%dma_wait3A_365 : memref<10000x64xf32, #tpu.memory_space<hbm>>) dst(%dma_wait3A_359 : memref<64x64xf32, #tpu.memory_space<vmem>>)
      %mul3A_366 = arith.constant 4 : i32
      %mul3A_367 = arith.muli %add3A_247, %mul3A_366 : i32
      %add3A_368 = arith.constant 3 : i32
      %add3A_369 = arith.addi %mul3A_367, %add3A_368 : i32
      %dma_wait3A_370 = arith.constant 0 : i32
      %dma_wait3A_371 = arith.constant 3 : i32
      %dma_wait3A_372 = arith.constant 0 : i32
      %dma_wait3A_373 = arith.constant 0 : i32
      %dma_wait3A_374 = tpu.memref_slice %arg12[%dma_wait3A_370, %dma_wait3A_371, %dma_wait3A_372, %dma_wait3A_373] : memref<2x4x64x64xf32, #tpu.memory_space<vmem>> -> memref<1x1x64x64xf32, #tpu.memory_space<vmem>>
      %dma_wait3A_375 = tpu.memref_squeeze %dma_wait3A_374 : memref<1x1x64x64xf32, #tpu.memory_space<vmem>> -> memref<64x64xf32, #tpu.memory_space<vmem>>
      %dma_wait3A_376 = arith.constant 0 : i32
      %dma_wait3A_377 = tpu.memref_slice %arg10[%add3A_369, %dma_wait3A_376] : memref<160x64xi32, #tpu.memory_space<vmem>> -> memref<1x64xi32, #tpu.memory_space<vmem>>
      %dma_wait3A_378 = tpu.memref_squeeze %dma_wait3A_377 : memref<1x64xi32, #tpu.memory_space<vmem>> -> memref<64xi32, #tpu.memory_space<vmem>>
      %dma_wait3A_379 = arith.constant 0 : i32
      %dma_wait3A_380 = arith.constant 0 : i32
      %dma_wait3A_381 = tpu.memref_slice %arg2[%dma_wait3A_379, %dma_wait3A_380] : memref<10000x64xf32, #tpu.memory_space<hbm>> -> memref<10000x64xf32, #tpu.memory_space<hbm>>
      tpu.wait_indirect_dma semaphore(%arg14 : memref<!tpu.dma_semaphore, #tpu.memory_space<semaphore_mem>>) src(%dma_wait3A_381 : memref<10000x64xf32, #tpu.memory_space<hbm>>) dst(%dma_wait3A_375 : memref<64x64xf32, #tpu.memory_space<vmem>>)
      %mul3A_382 = arith.constant 4 : i32
      %mul3A_383 = arith.muli %add3A_247, %mul3A_382 : i32
      %add3A_384 = arith.constant 0 : i32
      %add3A_385 = arith.addi %mul3A_383, %add3A_384 : i32
      %dma_start3A_386 = arith.constant 0 : i32
      %dma_start3A_387 = arith.constant 0 : i32
      %dma_start3A_388 = arith.constant 0 : i32
      %dma_start3A_389 = arith.constant 0 : i32
      %dma_start3A_390 = tpu.memref_slice %arg12[%dma_start3A_386, %dma_start3A_387, %dma_start3A_388, %dma_start3A_389] : memref<2x4x64x64xf32, #tpu.memory_space<vmem>> -> memref<1x1x64x64xf32, #tpu.memory_space<vmem>>
      %dma_start3A_391 = tpu.memref_squeeze %dma_start3A_390 : memref<1x1x64x64xf32, #tpu.memory_space<vmem>> -> memref<64x64xf32, #tpu.memory_space<vmem>>
      %dma_start3A_392 = arith.constant 0 : i32
      %dma_start3A_393 = tpu.memref_slice %arg11[%add3A_385, %dma_start3A_392] : memref<160x64xi32, #tpu.memory_space<vmem>> -> memref<1x64xi32, #tpu.memory_space<vmem>>
      %dma_start3A_394 = tpu.memref_squeeze %dma_start3A_393 : memref<1x64xi32, #tpu.memory_space<vmem>> -> memref<64xi32, #tpu.memory_space<vmem>>
      %dma_start3A_395 = arith.constant 0 : i32
      %dma_start3A_396 = arith.constant 0 : i32
      %dma_start3A_397 = tpu.memref_slice %arg13[%dma_start3A_395, %dma_start3A_396] : memref<10512x64xf32, #tpu.memory_space<vmem_shared>> -> memref<10512x64xf32, #tpu.memory_space<vmem_shared>>
      tpu.enqueue_indirect_dma source(%dma_start3A_391 : memref<64x64xf32, #tpu.memory_space<vmem>>) target(%dma_start3A_397 : memref<10512x64xf32, #tpu.memory_space<vmem_shared>>) offsets(%dma_start3A_394 : memref<64xi32, #tpu.memory_space<vmem>>) semaphore(%arg16 : memref<!tpu.dma_semaphore, #tpu.memory_space<semaphore_mem>>) {add = true}
      %dma_start3A_398 = arith.constant 0 : i32
      %dma_start3A_399 = tpu.memref_slice %arg11[%add3A_385, %dma_start3A_398] : memref<160x64xi32, #tpu.memory_space<vmem>> -> memref<1x64xi32, #tpu.memory_space<vmem>>
      %dma_start3A_400 = tpu.memref_squeeze %dma_start3A_399 : memref<1x64xi32, #tpu.memory_space<vmem>> -> memref<64xi32, #tpu.memory_space<vmem>>
      %dma_start3A_401 = arith.constant 0 : i32
      %dma_start3A_402 = arith.constant 0 : i32
      %dma_start3A_403 = tpu.memref_slice %arg19[%dma_start3A_401, %dma_start3A_402] : memref<10512x16xf32, #tpu.memory_space<vmem_shared>> -> memref<10512x16xf32, #tpu.memory_space<vmem_shared>>
      tpu.enqueue_indirect_dma source(%arg18 : memref<64x16xf32, #tpu.memory_space<vmem>>) target(%dma_start3A_403 : memref<10512x16xf32, #tpu.memory_space<vmem_shared>>) offsets(%dma_start3A_400 : memref<64xi32, #tpu.memory_space<vmem>>) semaphore(%arg16 : memref<!tpu.dma_semaphore, #tpu.memory_space<semaphore_mem>>) {add = true}
      %mul3A_404 = arith.constant 4 : i32
      %mul3A_405 = arith.muli %add3A_247, %mul3A_404 : i32
      %add3A_406 = arith.constant 1 : i32
      %add3A_407 = arith.addi %mul3A_405, %add3A_406 : i32
      %dma_start3A_408 = arith.constant 0 : i32
      %dma_start3A_409 = arith.constant 1 : i32
      %dma_start3A_410 = arith.constant 0 : i32
      %dma_start3A_411 = arith.constant 0 : i32
      %dma_start3A_412 = tpu.memref_slice %arg12[%dma_start3A_408, %dma_start3A_409, %dma_start3A_410, %dma_start3A_411] : memref<2x4x64x64xf32, #tpu.memory_space<vmem>> -> memref<1x1x64x64xf32, #tpu.memory_space<vmem>>
      %dma_start3A_413 = tpu.memref_squeeze %dma_start3A_412 : memref<1x1x64x64xf32, #tpu.memory_space<vmem>> -> memref<64x64xf32, #tpu.memory_space<vmem>>
      %dma_start3A_414 = arith.constant 0 : i32
      %dma_start3A_415 = tpu.memref_slice %arg11[%add3A_407, %dma_start3A_414] : memref<160x64xi32, #tpu.memory_space<vmem>> -> memref<1x64xi32, #tpu.memory_space<vmem>>
      %dma_start3A_416 = tpu.memref_squeeze %dma_start3A_415 : memref<1x64xi32, #tpu.memory_space<vmem>> -> memref<64xi32, #tpu.memory_space<vmem>>
      %dma_start3A_417 = arith.constant 0 : i32
      %dma_start3A_418 = arith.constant 0 : i32
      %dma_start3A_419 = tpu.memref_slice %arg13[%dma_start3A_417, %dma_start3A_418] : memref<10512x64xf32, #tpu.memory_space<vmem_shared>> -> memref<10512x64xf32, #tpu.memory_space<vmem_shared>>
      tpu.enqueue_indirect_dma source(%dma_start3A_413 : memref<64x64xf32, #tpu.memory_space<vmem>>) target(%dma_start3A_419 : memref<10512x64xf32, #tpu.memory_space<vmem_shared>>) offsets(%dma_start3A_416 : memref<64xi32, #tpu.memory_space<vmem>>) semaphore(%arg16 : memref<!tpu.dma_semaphore, #tpu.memory_space<semaphore_mem>>) {add = true}
      %dma_start3A_420 = arith.constant 0 : i32
      %dma_start3A_421 = tpu.memref_slice %arg11[%add3A_407, %dma_start3A_420] : memref<160x64xi32, #tpu.memory_space<vmem>> -> memref<1x64xi32, #tpu.memory_space<vmem>>
      %dma_start3A_422 = tpu.memref_squeeze %dma_start3A_421 : memref<1x64xi32, #tpu.memory_space<vmem>> -> memref<64xi32, #tpu.memory_space<vmem>>
      %dma_start3A_423 = arith.constant 0 : i32
      %dma_start3A_424 = arith.constant 0 : i32
      %dma_start3A_425 = tpu.memref_slice %arg19[%dma_start3A_423, %dma_start3A_424] : memref<10512x16xf32, #tpu.memory_space<vmem_shared>> -> memref<10512x16xf32, #tpu.memory_space<vmem_shared>>
      tpu.enqueue_indirect_dma source(%arg18 : memref<64x16xf32, #tpu.memory_space<vmem>>) target(%dma_start3A_425 : memref<10512x16xf32, #tpu.memory_space<vmem_shared>>) offsets(%dma_start3A_422 : memref<64xi32, #tpu.memory_space<vmem>>) semaphore(%arg16 : memref<!tpu.dma_semaphore, #tpu.memory_space<semaphore_mem>>) {add = true}
      %mul3A_426 = arith.constant 4 : i32
      %mul3A_427 = arith.muli %add3A_247, %mul3A_426 : i32
      %add3A_428 = arith.constant 2 : i32
      %add3A_429 = arith.addi %mul3A_427, %add3A_428 : i32
      %dma_start3A_430 = arith.constant 0 : i32
      %dma_start3A_431 = arith.constant 2 : i32
      %dma_start3A_432 = arith.constant 0 : i32
      %dma_start3A_433 = arith.constant 0 : i32
      %dma_start3A_434 = tpu.memref_slice %arg12[%dma_start3A_430, %dma_start3A_431, %dma_start3A_432, %dma_start3A_433] : memref<2x4x64x64xf32, #tpu.memory_space<vmem>> -> memref<1x1x64x64xf32, #tpu.memory_space<vmem>>
      %dma_start3A_435 = tpu.memref_squeeze %dma_start3A_434 : memref<1x1x64x64xf32, #tpu.memory_space<vmem>> -> memref<64x64xf32, #tpu.memory_space<vmem>>
      %dma_start3A_436 = arith.constant 0 : i32
      %dma_start3A_437 = tpu.memref_slice %arg11[%add3A_429, %dma_start3A_436] : memref<160x64xi32, #tpu.memory_space<vmem>> -> memref<1x64xi32, #tpu.memory_space<vmem>>
      %dma_start3A_438 = tpu.memref_squeeze %dma_start3A_437 : memref<1x64xi32, #tpu.memory_space<vmem>> -> memref<64xi32, #tpu.memory_space<vmem>>
      %dma_start3A_439 = arith.constant 0 : i32
      %dma_start3A_440 = arith.constant 0 : i32
      %dma_start3A_441 = tpu.memref_slice %arg13[%dma_start3A_439, %dma_start3A_440] : memref<10512x64xf32, #tpu.memory_space<vmem_shared>> -> memref<10512x64xf32, #tpu.memory_space<vmem_shared>>
      tpu.enqueue_indirect_dma source(%dma_start3A_435 : memref<64x64xf32, #tpu.memory_space<vmem>>) target(%dma_start3A_441 : memref<10512x64xf32, #tpu.memory_space<vmem_shared>>) offsets(%dma_start3A_438 : memref<64xi32, #tpu.memory_space<vmem>>) semaphore(%arg16 : memref<!tpu.dma_semaphore, #tpu.memory_space<semaphore_mem>>) {add = true}
      %dma_start3A_442 = arith.constant 0 : i32
      %dma_start3A_443 = tpu.memref_slice %arg11[%add3A_429, %dma_start3A_442] : memref<160x64xi32, #tpu.memory_space<vmem>> -> memref<1x64xi32, #tpu.memory_space<vmem>>
      %dma_start3A_444 = tpu.memref_squeeze %dma_start3A_443 : memref<1x64xi32, #tpu.memory_space<vmem>> -> memref<64xi32, #tpu.memory_space<vmem>>
      %dma_start3A_445 = arith.constant 0 : i32
      %dma_start3A_446 = arith.constant 0 : i32
      %dma_start3A_447 = tpu.memref_slice %arg19[%dma_start3A_445, %dma_start3A_446] : memref<10512x16xf32, #tpu.memory_space<vmem_shared>> -> memref<10512x16xf32, #tpu.memory_space<vmem_shared>>
      tpu.enqueue_indirect_dma source(%arg18 : memref<64x16xf32, #tpu.memory_space<vmem>>) target(%dma_start3A_447 : memref<10512x16xf32, #tpu.memory_space<vmem_shared>>) offsets(%dma_start3A_444 : memref<64xi32, #tpu.memory_space<vmem>>) semaphore(%arg16 : memref<!tpu.dma_semaphore, #tpu.memory_space<semaphore_mem>>) {add = true}
      %mul3A_448 = arith.constant 4 : i32
      %mul3A_449 = arith.muli %add3A_247, %mul3A_448 : i32
      %add3A_450 = arith.constant 3 : i32
      %add3A_451 = arith.addi %mul3A_449, %add3A_450 : i32
      %dma_start3A_452 = arith.constant 0 : i32
      %dma_start3A_453 = arith.constant 3 : i32
      %dma_start3A_454 = arith.constant 0 : i32
      %dma_start3A_455 = arith.constant 0 : i32
      %dma_start3A_456 = tpu.memref_slice %arg12[%dma_start3A_452, %dma_start3A_453, %dma_start3A_454, %dma_start3A_455] : memref<2x4x64x64xf32, #tpu.memory_space<vmem>> -> memref<1x1x64x64xf32, #tpu.memory_space<vmem>>
      %dma_start3A_457 = tpu.memref_squeeze %dma_start3A_456 : memref<1x1x64x64xf32, #tpu.memory_space<vmem>> -> memref<64x64xf32, #tpu.memory_space<vmem>>
      %dma_start3A_458 = arith.constant 0 : i32
      %dma_start3A_459 = tpu.memref_slice %arg11[%add3A_451, %dma_start3A_458] : memref<160x64xi32, #tpu.memory_space<vmem>> -> memref<1x64xi32, #tpu.memory_space<vmem>>
      %dma_start3A_460 = tpu.memref_squeeze %dma_start3A_459 : memref<1x64xi32, #tpu.memory_space<vmem>> -> memref<64xi32, #tpu.memory_space<vmem>>
      %dma_start3A_461 = arith.constant 0 : i32
      %dma_start3A_462 = arith.constant 0 : i32
      %dma_start3A_463 = tpu.memref_slice %arg13[%dma_start3A_461, %dma_start3A_462] : memref<10512x64xf32, #tpu.memory_space<vmem_shared>> -> memref<10512x64xf32, #tpu.memory_space<vmem_shared>>
      tpu.enqueue_indirect_dma source(%dma_start3A_457 : memref<64x64xf32, #tpu.memory_space<vmem>>) target(%dma_start3A_463 : memref<10512x64xf32, #tpu.memory_space<vmem_shared>>) offsets(%dma_start3A_460 : memref<64xi32, #tpu.memory_space<vmem>>) semaphore(%arg16 : memref<!tpu.dma_semaphore, #tpu.memory_space<semaphore_mem>>) {add = true}
      %dma_start3A_464 = arith.constant 0 : i32
      %dma_start3A_465 = tpu.memref_slice %arg11[%add3A_451, %dma_start3A_464] : memref<160x64xi32, #tpu.memory_space<vmem>> -> memref<1x64xi32, #tpu.memory_space<vmem>>
      %dma_start3A_466 = tpu.memref_squeeze %dma_start3A_465 : memref<1x64xi32, #tpu.memory_space<vmem>> -> memref<64xi32, #tpu.memory_space<vmem>>
      %dma_start3A_467 = arith.constant 0 : i32
      %dma_start3A_468 = arith.constant 0 : i32
      %dma_start3A_469 = tpu.memref_slice %arg19[%dma_start3A_467, %dma_start3A_468] : memref<10512x16xf32, #tpu.memory_space<vmem_shared>> -> memref<10512x16xf32, #tpu.memory_space<vmem_shared>>
      tpu.enqueue_indirect_dma source(%arg18 : memref<64x16xf32, #tpu.memory_space<vmem>>) target(%dma_start3A_469 : memref<10512x16xf32, #tpu.memory_space<vmem_shared>>) offsets(%dma_start3A_466 : memref<64xi32, #tpu.memory_space<vmem>>) semaphore(%arg16 : memref<!tpu.dma_semaphore, #tpu.memory_space<semaphore_mem>>) {add = true}
      %mul3A_470 = arith.constant 4 : i32
      %mul3A_471 = arith.muli %add3A_247, %mul3A_470 : i32
      %add3A_472 = arith.constant 0 : i32
      %add3A_473 = arith.addi %mul3A_471, %add3A_472 : i32
      %dma_wait3A_474 = arith.constant 0 : i32
      %dma_wait3A_475 = arith.constant 0 : i32
      %dma_wait3A_476 = arith.constant 0 : i32
      %dma_wait3A_477 = arith.constant 0 : i32
      %dma_wait3A_478 = tpu.memref_slice %arg12[%dma_wait3A_474, %dma_wait3A_475, %dma_wait3A_476, %dma_wait3A_477] : memref<2x4x64x64xf32, #tpu.memory_space<vmem>> -> memref<1x1x64x64xf32, #tpu.memory_space<vmem>>
      %dma_wait3A_479 = tpu.memref_squeeze %dma_wait3A_478 : memref<1x1x64x64xf32, #tpu.memory_space<vmem>> -> memref<64x64xf32, #tpu.memory_space<vmem>>
      %dma_wait3A_480 = arith.constant 0 : i32
      %dma_wait3A_481 = tpu.memref_slice %arg11[%add3A_473, %dma_wait3A_480] : memref<160x64xi32, #tpu.memory_space<vmem>> -> memref<1x64xi32, #tpu.memory_space<vmem>>
      %dma_wait3A_482 = tpu.memref_squeeze %dma_wait3A_481 : memref<1x64xi32, #tpu.memory_space<vmem>> -> memref<64xi32, #tpu.memory_space<vmem>>
      %dma_wait3A_483 = arith.constant 0 : i32
      %dma_wait3A_484 = arith.constant 0 : i32
      %dma_wait3A_485 = tpu.memref_slice %arg13[%dma_wait3A_483, %dma_wait3A_484] : memref<10512x64xf32, #tpu.memory_space<vmem_shared>> -> memref<10512x64xf32, #tpu.memory_space<vmem_shared>>
      tpu.wait_indirect_dma semaphore(%arg16 : memref<!tpu.dma_semaphore, #tpu.memory_space<semaphore_mem>>) src(%dma_wait3A_479 : memref<64x64xf32, #tpu.memory_space<vmem>>) dst(%dma_wait3A_485 : memref<10512x64xf32, #tpu.memory_space<vmem_shared>>)
      %dma_wait3A_486 = arith.constant 0 : i32
      %dma_wait3A_487 = tpu.memref_slice %arg11[%add3A_473, %dma_wait3A_486] : memref<160x64xi32, #tpu.memory_space<vmem>> -> memref<1x64xi32, #tpu.memory_space<vmem>>
      %dma_wait3A_488 = tpu.memref_squeeze %dma_wait3A_487 : memref<1x64xi32, #tpu.memory_space<vmem>> -> memref<64xi32, #tpu.memory_space<vmem>>
      %dma_wait3A_489 = arith.constant 0 : i32
      %dma_wait3A_490 = arith.constant 0 : i32
      %dma_wait3A_491 = tpu.memref_slice %arg19[%dma_wait3A_489, %dma_wait3A_490] : memref<10512x16xf32, #tpu.memory_space<vmem_shared>> -> memref<10512x16xf32, #tpu.memory_space<vmem_shared>>
      tpu.wait_indirect_dma semaphore(%arg16 : memref<!tpu.dma_semaphore, #tpu.memory_space<semaphore_mem>>) src(%arg18 : memref<64x16xf32, #tpu.memory_space<vmem>>) dst(%dma_wait3A_491 : memref<10512x16xf32, #tpu.memory_space<vmem_shared>>)
      %mul3A_492 = arith.constant 4 : i32
      %mul3A_493 = arith.muli %add3A_247, %mul3A_492 : i32
      %add3A_494 = arith.constant 1 : i32
      %add3A_495 = arith.addi %mul3A_493, %add3A_494 : i32
      %dma_wait3A_496 = arith.constant 0 : i32
      %dma_wait3A_497 = arith.constant 1 : i32
      %dma_wait3A_498 = arith.constant 0 : i32
      %dma_wait3A_499 = arith.constant 0 : i32
      %dma_wait3A_500 = tpu.memref_slice %arg12[%dma_wait3A_496, %dma_wait3A_497, %dma_wait3A_498, %dma_wait3A_499] : memref<2x4x64x64xf32, #tpu.memory_space<vmem>> -> memref<1x1x64x64xf32, #tpu.memory_space<vmem>>
      %dma_wait3A_501 = tpu.memref_squeeze %dma_wait3A_500 : memref<1x1x64x64xf32, #tpu.memory_space<vmem>> -> memref<64x64xf32, #tpu.memory_space<vmem>>
      %dma_wait3A_502 = arith.constant 0 : i32
      %dma_wait3A_503 = tpu.memref_slice %arg11[%add3A_495, %dma_wait3A_502] : memref<160x64xi32, #tpu.memory_space<vmem>> -> memref<1x64xi32, #tpu.memory_space<vmem>>
      %dma_wait3A_504 = tpu.memref_squeeze %dma_wait3A_503 : memref<1x64xi32, #tpu.memory_space<vmem>> -> memref<64xi32, #tpu.memory_space<vmem>>
      %dma_wait3A_505 = arith.constant 0 : i32
      %dma_wait3A_506 = arith.constant 0 : i32
      %dma_wait3A_507 = tpu.memref_slice %arg13[%dma_wait3A_505, %dma_wait3A_506] : memref<10512x64xf32, #tpu.memory_space<vmem_shared>> -> memref<10512x64xf32, #tpu.memory_space<vmem_shared>>
      tpu.wait_indirect_dma semaphore(%arg16 : memref<!tpu.dma_semaphore, #tpu.memory_space<semaphore_mem>>) src(%dma_wait3A_501 : memref<64x64xf32, #tpu.memory_space<vmem>>) dst(%dma_wait3A_507 : memref<10512x64xf32, #tpu.memory_space<vmem_shared>>)
      %dma_wait3A_508 = arith.constant 0 : i32
      %dma_wait3A_509 = tpu.memref_slice %arg11[%add3A_495, %dma_wait3A_508] : memref<160x64xi32, #tpu.memory_space<vmem>> -> memref<1x64xi32, #tpu.memory_space<vmem>>
      %dma_wait3A_510 = tpu.memref_squeeze %dma_wait3A_509 : memref<1x64xi32, #tpu.memory_space<vmem>> -> memref<64xi32, #tpu.memory_space<vmem>>
      %dma_wait3A_511 = arith.constant 0 : i32
      %dma_wait3A_512 = arith.constant 0 : i32
      %dma_wait3A_513 = tpu.memref_slice %arg19[%dma_wait3A_511, %dma_wait3A_512] : memref<10512x16xf32, #tpu.memory_space<vmem_shared>> -> memref<10512x16xf32, #tpu.memory_space<vmem_shared>>
      tpu.wait_indirect_dma semaphore(%arg16 : memref<!tpu.dma_semaphore, #tpu.memory_space<semaphore_mem>>) src(%arg18 : memref<64x16xf32, #tpu.memory_space<vmem>>) dst(%dma_wait3A_513 : memref<10512x16xf32, #tpu.memory_space<vmem_shared>>)
      %mul3A_514 = arith.constant 4 : i32
      %mul3A_515 = arith.muli %add3A_247, %mul3A_514 : i32
      %add3A_516 = arith.constant 2 : i32
      %add3A_517 = arith.addi %mul3A_515, %add3A_516 : i32
      %dma_wait3A_518 = arith.constant 0 : i32
      %dma_wait3A_519 = arith.constant 2 : i32
      %dma_wait3A_520 = arith.constant 0 : i32
      %dma_wait3A_521 = arith.constant 0 : i32
      %dma_wait3A_522 = tpu.memref_slice %arg12[%dma_wait3A_518, %dma_wait3A_519, %dma_wait3A_520, %dma_wait3A_521] : memref<2x4x64x64xf32, #tpu.memory_space<vmem>> -> memref<1x1x64x64xf32, #tpu.memory_space<vmem>>
      %dma_wait3A_523 = tpu.memref_squeeze %dma_wait3A_522 : memref<1x1x64x64xf32, #tpu.memory_space<vmem>> -> memref<64x64xf32, #tpu.memory_space<vmem>>
      %dma_wait3A_524 = arith.constant 0 : i32
      %dma_wait3A_525 = tpu.memref_slice %arg11[%add3A_517, %dma_wait3A_524] : memref<160x64xi32, #tpu.memory_space<vmem>> -> memref<1x64xi32, #tpu.memory_space<vmem>>
      %dma_wait3A_526 = tpu.memref_squeeze %dma_wait3A_525 : memref<1x64xi32, #tpu.memory_space<vmem>> -> memref<64xi32, #tpu.memory_space<vmem>>
      %dma_wait3A_527 = arith.constant 0 : i32
      %dma_wait3A_528 = arith.constant 0 : i32
      %dma_wait3A_529 = tpu.memref_slice %arg13[%dma_wait3A_527, %dma_wait3A_528] : memref<10512x64xf32, #tpu.memory_space<vmem_shared>> -> memref<10512x64xf32, #tpu.memory_space<vmem_shared>>
      tpu.wait_indirect_dma semaphore(%arg16 : memref<!tpu.dma_semaphore, #tpu.memory_space<semaphore_mem>>) src(%dma_wait3A_523 : memref<64x64xf32, #tpu.memory_space<vmem>>) dst(%dma_wait3A_529 : memref<10512x64xf32, #tpu.memory_space<vmem_shared>>)
      %dma_wait3A_530 = arith.constant 0 : i32
      %dma_wait3A_531 = tpu.memref_slice %arg11[%add3A_517, %dma_wait3A_530] : memref<160x64xi32, #tpu.memory_space<vmem>> -> memref<1x64xi32, #tpu.memory_space<vmem>>
      %dma_wait3A_532 = tpu.memref_squeeze %dma_wait3A_531 : memref<1x64xi32, #tpu.memory_space<vmem>> -> memref<64xi32, #tpu.memory_space<vmem>>
      %dma_wait3A_533 = arith.constant 0 : i32
      %dma_wait3A_534 = arith.constant 0 : i32
      %dma_wait3A_535 = tpu.memref_slice %arg19[%dma_wait3A_533, %dma_wait3A_534] : memref<10512x16xf32, #tpu.memory_space<vmem_shared>> -> memref<10512x16xf32, #tpu.memory_space<vmem_shared>>
      tpu.wait_indirect_dma semaphore(%arg16 : memref<!tpu.dma_semaphore, #tpu.memory_space<semaphore_mem>>) src(%arg18 : memref<64x16xf32, #tpu.memory_space<vmem>>) dst(%dma_wait3A_535 : memref<10512x16xf32, #tpu.memory_space<vmem_shared>>)
      %mul3A_536 = arith.constant 4 : i32
      %mul3A_537 = arith.muli %add3A_247, %mul3A_536 : i32
      %add3A_538 = arith.constant 3 : i32
      %add3A_539 = arith.addi %mul3A_537, %add3A_538 : i32
      %dma_wait3A_540 = arith.constant 0 : i32
      %dma_wait3A_541 = arith.constant 3 : i32
      %dma_wait3A_542 = arith.constant 0 : i32
      %dma_wait3A_543 = arith.constant 0 : i32
      %dma_wait3A_544 = tpu.memref_slice %arg12[%dma_wait3A_540, %dma_wait3A_541, %dma_wait3A_542, %dma_wait3A_543] : memref<2x4x64x64xf32, #tpu.memory_space<vmem>> -> memref<1x1x64x64xf32, #tpu.memory_space<vmem>>
      %dma_wait3A_545 = tpu.memref_squeeze %dma_wait3A_544 : memref<1x1x64x64xf32, #tpu.memory_space<vmem>> -> memref<64x64xf32, #tpu.memory_space<vmem>>
      %dma_wait3A_546 = arith.constant 0 : i32
      %dma_wait3A_547 = tpu.memref_slice %arg11[%add3A_539, %dma_wait3A_546] : memref<160x64xi32, #tpu.memory_space<vmem>> -> memref<1x64xi32, #tpu.memory_space<vmem>>
      %dma_wait3A_548 = tpu.memref_squeeze %dma_wait3A_547 : memref<1x64xi32, #tpu.memory_space<vmem>> -> memref<64xi32, #tpu.memory_space<vmem>>
      %dma_wait3A_549 = arith.constant 0 : i32
      %dma_wait3A_550 = arith.constant 0 : i32
      %dma_wait3A_551 = tpu.memref_slice %arg13[%dma_wait3A_549, %dma_wait3A_550] : memref<10512x64xf32, #tpu.memory_space<vmem_shared>> -> memref<10512x64xf32, #tpu.memory_space<vmem_shared>>
      tpu.wait_indirect_dma semaphore(%arg16 : memref<!tpu.dma_semaphore, #tpu.memory_space<semaphore_mem>>) src(%dma_wait3A_545 : memref<64x64xf32, #tpu.memory_space<vmem>>) dst(%dma_wait3A_551 : memref<10512x64xf32, #tpu.memory_space<vmem_shared>>)
      %dma_wait3A_552 = arith.constant 0 : i32
      %dma_wait3A_553 = tpu.memref_slice %arg11[%add3A_539, %dma_wait3A_552] : memref<160x64xi32, #tpu.memory_space<vmem>> -> memref<1x64xi32, #tpu.memory_space<vmem>>
      %dma_wait3A_554 = tpu.memref_squeeze %dma_wait3A_553 : memref<1x64xi32, #tpu.memory_space<vmem>> -> memref<64xi32, #tpu.memory_space<vmem>>
      %dma_wait3A_555 = arith.constant 0 : i32
      %dma_wait3A_556 = arith.constant 0 : i32
      %dma_wait3A_557 = tpu.memref_slice %arg19[%dma_wait3A_555, %dma_wait3A_556] : memref<10512x16xf32, #tpu.memory_space<vmem_shared>> -> memref<10512x16xf32, #tpu.memory_space<vmem_shared>>
      tpu.wait_indirect_dma semaphore(%arg16 : memref<!tpu.dma_semaphore, #tpu.memory_space<semaphore_mem>>) src(%arg18 : memref<64x16xf32, #tpu.memory_space<vmem>>) dst(%dma_wait3A_557 : memref<10512x16xf32, #tpu.memory_space<vmem_shared>>)
      %add3A_558 = arith.constant 2 : i32
      %add3A_559 = arith.addi %add3A_247, %add3A_558 : i32
      %lt3A = arith.constant 40 : i32
      %lt3A_560 = arith.cmpi slt, %add3A_559, %lt3A : i32
      %convert_element_type3A_561 = arith.extui %lt3A_560 : i1 to i32
      %cond3A_562 = arith.constant 0 : i32
      %cond3A_563 = arith.cmpi ne, %convert_element_type3A_561, %cond3A_562 : i32
      scf.if %cond3A_563 {
        %add3A_720 = arith.constant 2 : i32
        %add3A_721 = arith.addi %add3A_247, %add3A_720 : i32
        %mul3A_722 = arith.constant 4 : i32
        %mul3A_723 = arith.muli %add3A_721, %mul3A_722 : i32
        %add3A_724 = arith.constant 0 : i32
        %add3A_725 = arith.addi %mul3A_723, %add3A_724 : i32
        %dma_start3A_726 = arith.constant 0 : i32
        %dma_start3A_727 = arith.constant 0 : i32
        %dma_start3A_728 = arith.constant 0 : i32
        %dma_start3A_729 = arith.constant 0 : i32
        %dma_start3A_730 = tpu.memref_slice %arg12[%dma_start3A_726, %dma_start3A_727, %dma_start3A_728, %dma_start3A_729] : memref<2x4x64x64xf32, #tpu.memory_space<vmem>> -> memref<1x1x64x64xf32, #tpu.memory_space<vmem>>
        %dma_start3A_731 = tpu.memref_squeeze %dma_start3A_730 : memref<1x1x64x64xf32, #tpu.memory_space<vmem>> -> memref<64x64xf32, #tpu.memory_space<vmem>>
        %dma_start3A_732 = arith.constant 0 : i32
        %dma_start3A_733 = tpu.memref_slice %arg10[%add3A_725, %dma_start3A_732] : memref<160x64xi32, #tpu.memory_space<vmem>> -> memref<1x64xi32, #tpu.memory_space<vmem>>
        %dma_start3A_734 = tpu.memref_squeeze %dma_start3A_733 : memref<1x64xi32, #tpu.memory_space<vmem>> -> memref<64xi32, #tpu.memory_space<vmem>>
        %dma_start3A_735 = arith.constant 0 : i32
        %dma_start3A_736 = arith.constant 0 : i32
        %dma_start3A_737 = tpu.memref_slice %arg2[%dma_start3A_735, %dma_start3A_736] : memref<10000x64xf32, #tpu.memory_space<hbm>> -> memref<10000x64xf32, #tpu.memory_space<hbm>>
        tpu.enqueue_indirect_dma source(%dma_start3A_737 : memref<10000x64xf32, #tpu.memory_space<hbm>>) target(%dma_start3A_731 : memref<64x64xf32, #tpu.memory_space<vmem>>) offsets(%dma_start3A_734 : memref<64xi32, #tpu.memory_space<vmem>>) semaphore(%arg14 : memref<!tpu.dma_semaphore, #tpu.memory_space<semaphore_mem>>)
        %mul3A_738 = arith.constant 4 : i32
        %mul3A_739 = arith.muli %add3A_721, %mul3A_738 : i32
        %add3A_740 = arith.constant 1 : i32
        %add3A_741 = arith.addi %mul3A_739, %add3A_740 : i32
        %dma_start3A_742 = arith.constant 0 : i32
        %dma_start3A_743 = arith.constant 1 : i32
        %dma_start3A_744 = arith.constant 0 : i32
        %dma_start3A_745 = arith.constant 0 : i32
        %dma_start3A_746 = tpu.memref_slice %arg12[%dma_start3A_742, %dma_start3A_743, %dma_start3A_744, %dma_start3A_745] : memref<2x4x64x64xf32, #tpu.memory_space<vmem>> -> memref<1x1x64x64xf32, #tpu.memory_space<vmem>>
        %dma_start3A_747 = tpu.memref_squeeze %dma_start3A_746 : memref<1x1x64x64xf32, #tpu.memory_space<vmem>> -> memref<64x64xf32, #tpu.memory_space<vmem>>
        %dma_start3A_748 = arith.constant 0 : i32
        %dma_start3A_749 = tpu.memref_slice %arg10[%add3A_741, %dma_start3A_748] : memref<160x64xi32, #tpu.memory_space<vmem>> -> memref<1x64xi32, #tpu.memory_space<vmem>>
        %dma_start3A_750 = tpu.memref_squeeze %dma_start3A_749 : memref<1x64xi32, #tpu.memory_space<vmem>> -> memref<64xi32, #tpu.memory_space<vmem>>
        %dma_start3A_751 = arith.constant 0 : i32
        %dma_start3A_752 = arith.constant 0 : i32
        %dma_start3A_753 = tpu.memref_slice %arg2[%dma_start3A_751, %dma_start3A_752] : memref<10000x64xf32, #tpu.memory_space<hbm>> -> memref<10000x64xf32, #tpu.memory_space<hbm>>
        tpu.enqueue_indirect_dma source(%dma_start3A_753 : memref<10000x64xf32, #tpu.memory_space<hbm>>) target(%dma_start3A_747 : memref<64x64xf32, #tpu.memory_space<vmem>>) offsets(%dma_start3A_750 : memref<64xi32, #tpu.memory_space<vmem>>) semaphore(%arg14 : memref<!tpu.dma_semaphore, #tpu.memory_space<semaphore_mem>>)
        %mul3A_754 = arith.constant 4 : i32
        %mul3A_755 = arith.muli %add3A_721, %mul3A_754 : i32
        %add3A_756 = arith.constant 2 : i32
        %add3A_757 = arith.addi %mul3A_755, %add3A_756 : i32
        %dma_start3A_758 = arith.constant 0 : i32
        %dma_start3A_759 = arith.constant 2 : i32
        %dma_start3A_760 = arith.constant 0 : i32
        %dma_start3A_761 = arith.constant 0 : i32
        %dma_start3A_762 = tpu.memref_slice %arg12[%dma_start3A_758, %dma_start3A_759, %dma_start3A_760, %dma_start3A_761] : memref<2x4x64x64xf32, #tpu.memory_space<vmem>> -> memref<1x1x64x64xf32, #tpu.memory_space<vmem>>
        %dma_start3A_763 = tpu.memref_squeeze %dma_start3A_762 : memref<1x1x64x64xf32, #tpu.memory_space<vmem>> -> memref<64x64xf32, #tpu.memory_space<vmem>>
        %dma_start3A_764 = arith.constant 0 : i32
        %dma_start3A_765 = tpu.memref_slice %arg10[%add3A_757, %dma_start3A_764] : memref<160x64xi32, #tpu.memory_space<vmem>> -> memref<1x64xi32, #tpu.memory_space<vmem>>
        %dma_start3A_766 = tpu.memref_squeeze %dma_start3A_765 : memref<1x64xi32, #tpu.memory_space<vmem>> -> memref<64xi32, #tpu.memory_space<vmem>>
        %dma_start3A_767 = arith.constant 0 : i32
        %dma_start3A_768 = arith.constant 0 : i32
        %dma_start3A_769 = tpu.memref_slice %arg2[%dma_start3A_767, %dma_start3A_768] : memref<10000x64xf32, #tpu.memory_space<hbm>> -> memref<10000x64xf32, #tpu.memory_space<hbm>>
        tpu.enqueue_indirect_dma source(%dma_start3A_769 : memref<10000x64xf32, #tpu.memory_space<hbm>>) target(%dma_start3A_763 : memref<64x64xf32, #tpu.memory_space<vmem>>) offsets(%dma_start3A_766 : memref<64xi32, #tpu.memory_space<vmem>>) semaphore(%arg14 : memref<!tpu.dma_semaphore, #tpu.memory_space<semaphore_mem>>)
        %mul3A_770 = arith.constant 4 : i32
        %mul3A_771 = arith.muli %add3A_721, %mul3A_770 : i32
        %add3A_772 = arith.constant 3 : i32
        %add3A_773 = arith.addi %mul3A_771, %add3A_772 : i32
        %dma_start3A_774 = arith.constant 0 : i32
        %dma_start3A_775 = arith.constant 3 : i32
        %dma_start3A_776 = arith.constant 0 : i32
        %dma_start3A_777 = arith.constant 0 : i32
        %dma_start3A_778 = tpu.memref_slice %arg12[%dma_start3A_774, %dma_start3A_775, %dma_start3A_776, %dma_start3A_777] : memref<2x4x64x64xf32, #tpu.memory_space<vmem>> -> memref<1x1x64x64xf32, #tpu.memory_space<vmem>>
        %dma_start3A_779 = tpu.memref_squeeze %dma_start3A_778 : memref<1x1x64x64xf32, #tpu.memory_space<vmem>> -> memref<64x64xf32, #tpu.memory_space<vmem>>
        %dma_start3A_780 = arith.constant 0 : i32
        %dma_start3A_781 = tpu.memref_slice %arg10[%add3A_773, %dma_start3A_780] : memref<160x64xi32, #tpu.memory_space<vmem>> -> memref<1x64xi32, #tpu.memory_space<vmem>>
        %dma_start3A_782 = tpu.memref_squeeze %dma_start3A_781 : memref<1x64xi32, #tpu.memory_space<vmem>> -> memref<64xi32, #tpu.memory_space<vmem>>
        %dma_start3A_783 = arith.constant 0 : i32
        %dma_start3A_784 = arith.constant 0 : i32
        %dma_start3A_785 = tpu.memref_slice %arg2[%dma_start3A_783, %dma_start3A_784] : memref<10000x64xf32, #tpu.memory_space<hbm>> -> memref<10000x64xf32, #tpu.memory_space<hbm>>
        tpu.enqueue_indirect_dma source(%dma_start3A_785 : memref<10000x64xf32, #tpu.memory_space<hbm>>) target(%dma_start3A_779 : memref<64x64xf32, #tpu.memory_space<vmem>>) offsets(%dma_start3A_782 : memref<64xi32, #tpu.memory_space<vmem>>) semaphore(%arg14 : memref<!tpu.dma_semaphore, #tpu.memory_space<semaphore_mem>>)
      } else {
      }
      %add3A_564 = arith.constant 1 : i32
      %add3A_565 = arith.addi %add3A_247, %add3A_564 : i32
      %mul3A_566 = arith.constant 4 : i32
      %mul3A_567 = arith.muli %add3A_565, %mul3A_566 : i32
      %add3A_568 = arith.constant 0 : i32
      %add3A_569 = arith.addi %mul3A_567, %add3A_568 : i32
      %dma_wait3A_570 = arith.constant 1 : i32
      %dma_wait3A_571 = arith.constant 0 : i32
      %dma_wait3A_572 = arith.constant 0 : i32
      %dma_wait3A_573 = arith.constant 0 : i32
      %dma_wait3A_574 = tpu.memref_slice %arg12[%dma_wait3A_570, %dma_wait3A_571, %dma_wait3A_572, %dma_wait3A_573] : memref<2x4x64x64xf32, #tpu.memory_space<vmem>> -> memref<1x1x64x64xf32, #tpu.memory_space<vmem>>
      %dma_wait3A_575 = tpu.memref_squeeze %dma_wait3A_574 : memref<1x1x64x64xf32, #tpu.memory_space<vmem>> -> memref<64x64xf32, #tpu.memory_space<vmem>>
      %dma_wait3A_576 = arith.constant 0 : i32
      %dma_wait3A_577 = tpu.memref_slice %arg10[%add3A_569, %dma_wait3A_576] : memref<160x64xi32, #tpu.memory_space<vmem>> -> memref<1x64xi32, #tpu.memory_space<vmem>>
      %dma_wait3A_578 = tpu.memref_squeeze %dma_wait3A_577 : memref<1x64xi32, #tpu.memory_space<vmem>> -> memref<64xi32, #tpu.memory_space<vmem>>
      %dma_wait3A_579 = arith.constant 0 : i32
      %dma_wait3A_580 = arith.constant 0 : i32
      %dma_wait3A_581 = tpu.memref_slice %arg2[%dma_wait3A_579, %dma_wait3A_580] : memref<10000x64xf32, #tpu.memory_space<hbm>> -> memref<10000x64xf32, #tpu.memory_space<hbm>>
      tpu.wait_indirect_dma semaphore(%arg15 : memref<!tpu.dma_semaphore, #tpu.memory_space<semaphore_mem>>) src(%dma_wait3A_581 : memref<10000x64xf32, #tpu.memory_space<hbm>>) dst(%dma_wait3A_575 : memref<64x64xf32, #tpu.memory_space<vmem>>)
      %mul3A_582 = arith.constant 4 : i32
      %mul3A_583 = arith.muli %add3A_565, %mul3A_582 : i32
      %add3A_584 = arith.constant 1 : i32
      %add3A_585 = arith.addi %mul3A_583, %add3A_584 : i32
      %dma_wait3A_586 = arith.constant 1 : i32
      %dma_wait3A_587 = arith.constant 1 : i32
      %dma_wait3A_588 = arith.constant 0 : i32
      %dma_wait3A_589 = arith.constant 0 : i32
      %dma_wait3A_590 = tpu.memref_slice %arg12[%dma_wait3A_586, %dma_wait3A_587, %dma_wait3A_588, %dma_wait3A_589] : memref<2x4x64x64xf32, #tpu.memory_space<vmem>> -> memref<1x1x64x64xf32, #tpu.memory_space<vmem>>
      %dma_wait3A_591 = tpu.memref_squeeze %dma_wait3A_590 : memref<1x1x64x64xf32, #tpu.memory_space<vmem>> -> memref<64x64xf32, #tpu.memory_space<vmem>>
      %dma_wait3A_592 = arith.constant 0 : i32
      %dma_wait3A_593 = tpu.memref_slice %arg10[%add3A_585, %dma_wait3A_592] : memref<160x64xi32, #tpu.memory_space<vmem>> -> memref<1x64xi32, #tpu.memory_space<vmem>>
      %dma_wait3A_594 = tpu.memref_squeeze %dma_wait3A_593 : memref<1x64xi32, #tpu.memory_space<vmem>> -> memref<64xi32, #tpu.memory_space<vmem>>
      %dma_wait3A_595 = arith.constant 0 : i32
      %dma_wait3A_596 = arith.constant 0 : i32
      %dma_wait3A_597 = tpu.memref_slice %arg2[%dma_wait3A_595, %dma_wait3A_596] : memref<10000x64xf32, #tpu.memory_space<hbm>> -> memref<10000x64xf32, #tpu.memory_space<hbm>>
      tpu.wait_indirect_dma semaphore(%arg15 : memref<!tpu.dma_semaphore, #tpu.memory_space<semaphore_mem>>) src(%dma_wait3A_597 : memref<10000x64xf32, #tpu.memory_space<hbm>>) dst(%dma_wait3A_591 : memref<64x64xf32, #tpu.memory_space<vmem>>)
      %mul3A_598 = arith.constant 4 : i32
      %mul3A_599 = arith.muli %add3A_565, %mul3A_598 : i32
      %add3A_600 = arith.constant 2 : i32
      %add3A_601 = arith.addi %mul3A_599, %add3A_600 : i32
      %dma_wait3A_602 = arith.constant 1 : i32
      %dma_wait3A_603 = arith.constant 2 : i32
      %dma_wait3A_604 = arith.constant 0 : i32
      %dma_wait3A_605 = arith.constant 0 : i32
      %dma_wait3A_606 = tpu.memref_slice %arg12[%dma_wait3A_602, %dma_wait3A_603, %dma_wait3A_604, %dma_wait3A_605] : memref<2x4x64x64xf32, #tpu.memory_space<vmem>> -> memref<1x1x64x64xf32, #tpu.memory_space<vmem>>
      %dma_wait3A_607 = tpu.memref_squeeze %dma_wait3A_606 : memref<1x1x64x64xf32, #tpu.memory_space<vmem>> -> memref<64x64xf32, #tpu.memory_space<vmem>>
      %dma_wait3A_608 = arith.constant 0 : i32
      %dma_wait3A_609 = tpu.memref_slice %arg10[%add3A_601, %dma_wait3A_608] : memref<160x64xi32, #tpu.memory_space<vmem>> -> memref<1x64xi32, #tpu.memory_space<vmem>>
      %dma_wait3A_610 = tpu.memref_squeeze %dma_wait3A_609 : memref<1x64xi32, #tpu.memory_space<vmem>> -> memref<64xi32, #tpu.memory_space<vmem>>
      %dma_wait3A_611 = arith.constant 0 : i32
      %dma_wait3A_612 = arith.constant 0 : i32
      %dma_wait3A_613 = tpu.memref_slice %arg2[%dma_wait3A_611, %dma_wait3A_612] : memref<10000x64xf32, #tpu.memory_space<hbm>> -> memref<10000x64xf32, #tpu.memory_space<hbm>>
      tpu.wait_indirect_dma semaphore(%arg15 : memref<!tpu.dma_semaphore, #tpu.memory_space<semaphore_mem>>) src(%dma_wait3A_613 : memref<10000x64xf32, #tpu.memory_space<hbm>>) dst(%dma_wait3A_607 : memref<64x64xf32, #tpu.memory_space<vmem>>)
      %mul3A_614 = arith.constant 4 : i32
      %mul3A_615 = arith.muli %add3A_565, %mul3A_614 : i32
      %add3A_616 = arith.constant 3 : i32
      %add3A_617 = arith.addi %mul3A_615, %add3A_616 : i32
      %dma_wait3A_618 = arith.constant 1 : i32
      %dma_wait3A_619 = arith.constant 3 : i32
      %dma_wait3A_620 = arith.constant 0 : i32
      %dma_wait3A_621 = arith.constant 0 : i32
      %dma_wait3A_622 = tpu.memref_slice %arg12[%dma_wait3A_618, %dma_wait3A_619, %dma_wait3A_620, %dma_wait3A_621] : memref<2x4x64x64xf32, #tpu.memory_space<vmem>> -> memref<1x1x64x64xf32, #tpu.memory_space<vmem>>
      %dma_wait3A_623 = tpu.memref_squeeze %dma_wait3A_622 : memref<1x1x64x64xf32, #tpu.memory_space<vmem>> -> memref<64x64xf32, #tpu.memory_space<vmem>>
      %dma_wait3A_624 = arith.constant 0 : i32
      %dma_wait3A_625 = tpu.memref_slice %arg10[%add3A_617, %dma_wait3A_624] : memref<160x64xi32, #tpu.memory_space<vmem>> -> memref<1x64xi32, #tpu.memory_space<vmem>>
      %dma_wait3A_626 = tpu.memref_squeeze %dma_wait3A_625 : memref<1x64xi32, #tpu.memory_space<vmem>> -> memref<64xi32, #tpu.memory_space<vmem>>
      %dma_wait3A_627 = arith.constant 0 : i32
      %dma_wait3A_628 = arith.constant 0 : i32
      %dma_wait3A_629 = tpu.memref_slice %arg2[%dma_wait3A_627, %dma_wait3A_628] : memref<10000x64xf32, #tpu.memory_space<hbm>> -> memref<10000x64xf32, #tpu.memory_space<hbm>>
      tpu.wait_indirect_dma semaphore(%arg15 : memref<!tpu.dma_semaphore, #tpu.memory_space<semaphore_mem>>) src(%dma_wait3A_629 : memref<10000x64xf32, #tpu.memory_space<hbm>>) dst(%dma_wait3A_623 : memref<64x64xf32, #tpu.memory_space<vmem>>)
      %add3A_630 = arith.constant 1 : i32
      %add3A_631 = arith.addi %add3A_247, %add3A_630 : i32
      %mul3A_632 = arith.constant 4 : i32
      %mul3A_633 = arith.muli %add3A_631, %mul3A_632 : i32
      %add3A_634 = arith.constant 0 : i32
      %add3A_635 = arith.addi %mul3A_633, %add3A_634 : i32
      %dma_start3A_636 = arith.constant 1 : i32
      %dma_start3A_637 = arith.constant 0 : i32
      %dma_start3A_638 = arith.constant 0 : i32
      %dma_start3A_639 = arith.constant 0 : i32
      %dma_start3A_640 = tpu.memref_slice %arg12[%dma_start3A_636, %dma_start3A_637, %dma_start3A_638, %dma_start3A_639] : memref<2x4x64x64xf32, #tpu.memory_space<vmem>> -> memref<1x1x64x64xf32, #tpu.memory_space<vmem>>
      %dma_start3A_641 = tpu.memref_squeeze %dma_start3A_640 : memref<1x1x64x64xf32, #tpu.memory_space<vmem>> -> memref<64x64xf32, #tpu.memory_space<vmem>>
      %dma_start3A_642 = arith.constant 0 : i32
      %dma_start3A_643 = tpu.memref_slice %arg11[%add3A_635, %dma_start3A_642] : memref<160x64xi32, #tpu.memory_space<vmem>> -> memref<1x64xi32, #tpu.memory_space<vmem>>
      %dma_start3A_644 = tpu.memref_squeeze %dma_start3A_643 : memref<1x64xi32, #tpu.memory_space<vmem>> -> memref<64xi32, #tpu.memory_space<vmem>>
      %dma_start3A_645 = arith.constant 0 : i32
      %dma_start3A_646 = arith.constant 0 : i32
      %dma_start3A_647 = tpu.memref_slice %arg13[%dma_start3A_645, %dma_start3A_646] : memref<10512x64xf32, #tpu.memory_space<vmem_shared>> -> memref<10512x64xf32, #tpu.memory_space<vmem_shared>>
      tpu.enqueue_indirect_dma source(%dma_start3A_641 : memref<64x64xf32, #tpu.memory_space<vmem>>) target(%dma_start3A_647 : memref<10512x64xf32, #tpu.memory_space<vmem_shared>>) offsets(%dma_start3A_644 : memref<64xi32, #tpu.memory_space<vmem>>) semaphore(%arg17 : memref<!tpu.dma_semaphore, #tpu.memory_space<semaphore_mem>>) {add = true}
      %dma_start3A_648 = arith.constant 0 : i32
      %dma_start3A_649 = tpu.memref_slice %arg11[%add3A_635, %dma_start3A_648] : memref<160x64xi32, #tpu.memory_space<vmem>> -> memref<1x64xi32, #tpu.memory_space<vmem>>
      %dma_start3A_650 = tpu.memref_squeeze %dma_start3A_649 : memref<1x64xi32, #tpu.memory_space<vmem>> -> memref<64xi32, #tpu.memory_space<vmem>>
      %dma_start3A_651 = arith.constant 0 : i32
      %dma_start3A_652 = arith.constant 0 : i32
      %dma_start3A_653 = tpu.memref_slice %arg19[%dma_start3A_651, %dma_start3A_652] : memref<10512x16xf32, #tpu.memory_space<vmem_shared>> -> memref<10512x16xf32, #tpu.memory_space<vmem_shared>>
      tpu.enqueue_indirect_dma source(%arg18 : memref<64x16xf32, #tpu.memory_space<vmem>>) target(%dma_start3A_653 : memref<10512x16xf32, #tpu.memory_space<vmem_shared>>) offsets(%dma_start3A_650 : memref<64xi32, #tpu.memory_space<vmem>>) semaphore(%arg17 : memref<!tpu.dma_semaphore, #tpu.memory_space<semaphore_mem>>) {add = true}
      %mul3A_654 = arith.constant 4 : i32
      %mul3A_655 = arith.muli %add3A_631, %mul3A_654 : i32
      %add3A_656 = arith.constant 1 : i32
      %add3A_657 = arith.addi %mul3A_655, %add3A_656 : i32
      %dma_start3A_658 = arith.constant 1 : i32
      %dma_start3A_659 = arith.constant 1 : i32
      %dma_start3A_660 = arith.constant 0 : i32
      %dma_start3A_661 = arith.constant 0 : i32
      %dma_start3A_662 = tpu.memref_slice %arg12[%dma_start3A_658, %dma_start3A_659, %dma_start3A_660, %dma_start3A_661] : memref<2x4x64x64xf32, #tpu.memory_space<vmem>> -> memref<1x1x64x64xf32, #tpu.memory_space<vmem>>
      %dma_start3A_663 = tpu.memref_squeeze %dma_start3A_662 : memref<1x1x64x64xf32, #tpu.memory_space<vmem>> -> memref<64x64xf32, #tpu.memory_space<vmem>>
      %dma_start3A_664 = arith.constant 0 : i32
      %dma_start3A_665 = tpu.memref_slice %arg11[%add3A_657, %dma_start3A_664] : memref<160x64xi32, #tpu.memory_space<vmem>> -> memref<1x64xi32, #tpu.memory_space<vmem>>
      %dma_start3A_666 = tpu.memref_squeeze %dma_start3A_665 : memref<1x64xi32, #tpu.memory_space<vmem>> -> memref<64xi32, #tpu.memory_space<vmem>>
      %dma_start3A_667 = arith.constant 0 : i32
      %dma_start3A_668 = arith.constant 0 : i32
      %dma_start3A_669 = tpu.memref_slice %arg13[%dma_start3A_667, %dma_start3A_668] : memref<10512x64xf32, #tpu.memory_space<vmem_shared>> -> memref<10512x64xf32, #tpu.memory_space<vmem_shared>>
      tpu.enqueue_indirect_dma source(%dma_start3A_663 : memref<64x64xf32, #tpu.memory_space<vmem>>) target(%dma_start3A_669 : memref<10512x64xf32, #tpu.memory_space<vmem_shared>>) offsets(%dma_start3A_666 : memref<64xi32, #tpu.memory_space<vmem>>) semaphore(%arg17 : memref<!tpu.dma_semaphore, #tpu.memory_space<semaphore_mem>>) {add = true}
      %dma_start3A_670 = arith.constant 0 : i32
      %dma_start3A_671 = tpu.memref_slice %arg11[%add3A_657, %dma_start3A_670] : memref<160x64xi32, #tpu.memory_space<vmem>> -> memref<1x64xi32, #tpu.memory_space<vmem>>
      %dma_start3A_672 = tpu.memref_squeeze %dma_start3A_671 : memref<1x64xi32, #tpu.memory_space<vmem>> -> memref<64xi32, #tpu.memory_space<vmem>>
      %dma_start3A_673 = arith.constant 0 : i32
      %dma_start3A_674 = arith.constant 0 : i32
      %dma_start3A_675 = tpu.memref_slice %arg19[%dma_start3A_673, %dma_start3A_674] : memref<10512x16xf32, #tpu.memory_space<vmem_shared>> -> memref<10512x16xf32, #tpu.memory_space<vmem_shared>>
      tpu.enqueue_indirect_dma source(%arg18 : memref<64x16xf32, #tpu.memory_space<vmem>>) target(%dma_start3A_675 : memref<10512x16xf32, #tpu.memory_space<vmem_shared>>) offsets(%dma_start3A_672 : memref<64xi32, #tpu.memory_space<vmem>>) semaphore(%arg17 : memref<!tpu.dma_semaphore, #tpu.memory_space<semaphore_mem>>) {add = true}
      %mul3A_676 = arith.constant 4 : i32
      %mul3A_677 = arith.muli %add3A_631, %mul3A_676 : i32
      %add3A_678 = arith.constant 2 : i32
      %add3A_679 = arith.addi %mul3A_677, %add3A_678 : i32
      %dma_start3A_680 = arith.constant 1 : i32
      %dma_start3A_681 = arith.constant 2 : i32
      %dma_start3A_682 = arith.constant 0 : i32
      %dma_start3A_683 = arith.constant 0 : i32
      %dma_start3A_684 = tpu.memref_slice %arg12[%dma_start3A_680, %dma_start3A_681, %dma_start3A_682, %dma_start3A_683] : memref<2x4x64x64xf32, #tpu.memory_space<vmem>> -> memref<1x1x64x64xf32, #tpu.memory_space<vmem>>
      %dma_start3A_685 = tpu.memref_squeeze %dma_start3A_684 : memref<1x1x64x64xf32, #tpu.memory_space<vmem>> -> memref<64x64xf32, #tpu.memory_space<vmem>>
      %dma_start3A_686 = arith.constant 0 : i32
      %dma_start3A_687 = tpu.memref_slice %arg11[%add3A_679, %dma_start3A_686] : memref<160x64xi32, #tpu.memory_space<vmem>> -> memref<1x64xi32, #tpu.memory_space<vmem>>
      %dma_start3A_688 = tpu.memref_squeeze %dma_start3A_687 : memref<1x64xi32, #tpu.memory_space<vmem>> -> memref<64xi32, #tpu.memory_space<vmem>>
      %dma_start3A_689 = arith.constant 0 : i32
      %dma_start3A_690 = arith.constant 0 : i32
      %dma_start3A_691 = tpu.memref_slice %arg13[%dma_start3A_689, %dma_start3A_690] : memref<10512x64xf32, #tpu.memory_space<vmem_shared>> -> memref<10512x64xf32, #tpu.memory_space<vmem_shared>>
      tpu.enqueue_indirect_dma source(%dma_start3A_685 : memref<64x64xf32, #tpu.memory_space<vmem>>) target(%dma_start3A_691 : memref<10512x64xf32, #tpu.memory_space<vmem_shared>>) offsets(%dma_start3A_688 : memref<64xi32, #tpu.memory_space<vmem>>) semaphore(%arg17 : memref<!tpu.dma_semaphore, #tpu.memory_space<semaphore_mem>>) {add = true}
      %dma_start3A_692 = arith.constant 0 : i32
      %dma_start3A_693 = tpu.memref_slice %arg11[%add3A_679, %dma_start3A_692] : memref<160x64xi32, #tpu.memory_space<vmem>> -> memref<1x64xi32, #tpu.memory_space<vmem>>
      %dma_start3A_694 = tpu.memref_squeeze %dma_start3A_693 : memref<1x64xi32, #tpu.memory_space<vmem>> -> memref<64xi32, #tpu.memory_space<vmem>>
      %dma_start3A_695 = arith.constant 0 : i32
      %dma_start3A_696 = arith.constant 0 : i32
      %dma_start3A_697 = tpu.memref_slice %arg19[%dma_start3A_695, %dma_start3A_696] : memref<10512x16xf32, #tpu.memory_space<vmem_shared>> -> memref<10512x16xf32, #tpu.memory_space<vmem_shared>>
      tpu.enqueue_indirect_dma source(%arg18 : memref<64x16xf32, #tpu.memory_space<vmem>>) target(%dma_start3A_697 : memref<10512x16xf32, #tpu.memory_space<vmem_shared>>) offsets(%dma_start3A_694 : memref<64xi32, #tpu.memory_space<vmem>>) semaphore(%arg17 : memref<!tpu.dma_semaphore, #tpu.memory_space<semaphore_mem>>) {add = true}
      %mul3A_698 = arith.constant 4 : i32
      %mul3A_699 = arith.muli %add3A_631, %mul3A_698 : i32
      %add3A_700 = arith.constant 3 : i32
      %add3A_701 = arith.addi %mul3A_699, %add3A_700 : i32
      %dma_start3A_702 = arith.constant 1 : i32
      %dma_start3A_703 = arith.constant 3 : i32
      %dma_start3A_704 = arith.constant 0 : i32
      %dma_start3A_705 = arith.constant 0 : i32
      %dma_start3A_706 = tpu.memref_slice %arg12[%dma_start3A_702, %dma_start3A_703, %dma_start3A_704, %dma_start3A_705] : memref<2x4x64x64xf32, #tpu.memory_space<vmem>> -> memref<1x1x64x64xf32, #tpu.memory_space<vmem>>
      %dma_start3A_707 = tpu.memref_squeeze %dma_start3A_706 : memref<1x1x64x64xf32, #tpu.memory_space<vmem>> -> memref<64x64xf32, #tpu.memory_space<vmem>>
      %dma_start3A_708 = arith.constant 0 : i32
      %dma_start3A_709 = tpu.memref_slice %arg11[%add3A_701, %dma_start3A_708] : memref<160x64xi32, #tpu.memory_space<vmem>> -> memref<1x64xi32, #tpu.memory_space<vmem>>
      %dma_start3A_710 = tpu.memref_squeeze %dma_start3A_709 : memref<1x64xi32, #tpu.memory_space<vmem>> -> memref<64xi32, #tpu.memory_space<vmem>>
      %dma_start3A_711 = arith.constant 0 : i32
      %dma_start3A_712 = arith.constant 0 : i32
      %dma_start3A_713 = tpu.memref_slice %arg13[%dma_start3A_711, %dma_start3A_712] : memref<10512x64xf32, #tpu.memory_space<vmem_shared>> -> memref<10512x64xf32, #tpu.memory_space<vmem_shared>>
      tpu.enqueue_indirect_dma source(%dma_start3A_707 : memref<64x64xf32, #tpu.memory_space<vmem>>) target(%dma_start3A_713 : memref<10512x64xf32, #tpu.memory_space<vmem_shared>>) offsets(%dma_start3A_710 : memref<64xi32, #tpu.memory_space<vmem>>) semaphore(%arg17 : memref<!tpu.dma_semaphore, #tpu.memory_space<semaphore_mem>>) {add = true}
      %dma_start3A_714 = arith.constant 0 : i32
      %dma_start3A_715 = tpu.memref_slice %arg11[%add3A_701, %dma_start3A_714] : memref<160x64xi32, #tpu.memory_space<vmem>> -> memref<1x64xi32, #tpu.memory_space<vmem>>
      %dma_start3A_716 = tpu.memref_squeeze %dma_start3A_715 : memref<1x64xi32, #tpu.memory_space<vmem>> -> memref<64xi32, #tpu.memory_space<vmem>>
      %dma_start3A_717 = arith.constant 0 : i32
      %dma_start3A_718 = arith.constant 0 : i32
      %dma_start3A_719 = tpu.memref_slice %arg19[%dma_start3A_717, %dma_start3A_718] : memref<10512x16xf32, #tpu.memory_space<vmem_shared>> -> memref<10512x16xf32, #tpu.memory_space<vmem_shared>>
      tpu.enqueue_indirect_dma source(%arg18 : memref<64x16xf32, #tpu.memory_space<vmem>>) target(%dma_start3A_719 : memref<10512x16xf32, #tpu.memory_space<vmem_shared>>) offsets(%dma_start3A_716 : memref<64xi32, #tpu.memory_space<vmem>>) semaphore(%arg17 : memref<!tpu.dma_semaphore, #tpu.memory_space<semaphore_mem>>) {add = true}
    }
    %scan3A_106 = arith.constant 20 : i32
    %dma_wait3A_107 = arith.constant 1 : i32
    %dma_wait3A_108 = arith.constant 0 : i32
    %dma_wait3A_109 = arith.constant 156 : i32
    %dma_wait3A_110 = arith.constant 0 : i32
    %dma_wait3A_111 = arith.constant 0 : i32
    %dma_wait3A_112 = tpu.memref_slice %arg12[%dma_wait3A_107, %dma_wait3A_108, %dma_wait3A_110, %dma_wait3A_111] : memref<2x4x64x64xf32, #tpu.memory_space<vmem>> -> memref<1x1x64x64xf32, #tpu.memory_space<vmem>>
    %dma_wait3A_113 = tpu.memref_squeeze %dma_wait3A_112 : memref<1x1x64x64xf32, #tpu.memory_space<vmem>> -> memref<64x64xf32, #tpu.memory_space<vmem>>
    %dma_wait3A_114 = arith.constant 0 : i32
    %dma_wait3A_115 = tpu.memref_slice %arg11[%dma_wait3A_109, %dma_wait3A_114] : memref<160x64xi32, #tpu.memory_space<vmem>> -> memref<1x64xi32, #tpu.memory_space<vmem>>
    %dma_wait3A_116 = tpu.memref_squeeze %dma_wait3A_115 : memref<1x64xi32, #tpu.memory_space<vmem>> -> memref<64xi32, #tpu.memory_space<vmem>>
    %dma_wait3A_117 = arith.constant 0 : i32
    %dma_wait3A_118 = arith.constant 0 : i32
    %dma_wait3A_119 = tpu.memref_slice %arg13[%dma_wait3A_117, %dma_wait3A_118] : memref<10512x64xf32, #tpu.memory_space<vmem_shared>> -> memref<10512x64xf32, #tpu.memory_space<vmem_shared>>
    tpu.wait_indirect_dma semaphore(%arg17 : memref<!tpu.dma_semaphore, #tpu.memory_space<semaphore_mem>>) src(%dma_wait3A_113 : memref<64x64xf32, #tpu.memory_space<vmem>>) dst(%dma_wait3A_119 : memref<10512x64xf32, #tpu.memory_space<vmem_shared>>)
    %dma_wait3A_120 = arith.constant 156 : i32
    %dma_wait3A_121 = arith.constant 0 : i32
    %dma_wait3A_122 = tpu.memref_slice %arg11[%dma_wait3A_120, %dma_wait3A_121] : memref<160x64xi32, #tpu.memory_space<vmem>> -> memref<1x64xi32, #tpu.memory_space<vmem>>
    %dma_wait3A_123 = tpu.memref_squeeze %dma_wait3A_122 : memref<1x64xi32, #tpu.memory_space<vmem>> -> memref<64xi32, #tpu.memory_space<vmem>>
    %dma_wait3A_124 = arith.constant 0 : i32
    %dma_wait3A_125 = arith.constant 0 : i32
    %dma_wait3A_126 = tpu.memref_slice %arg19[%dma_wait3A_124, %dma_wait3A_125] : memref<10512x16xf32, #tpu.memory_space<vmem_shared>> -> memref<10512x16xf32, #tpu.memory_space<vmem_shared>>
    tpu.wait_indirect_dma semaphore(%arg17 : memref<!tpu.dma_semaphore, #tpu.memory_space<semaphore_mem>>) src(%arg18 : memref<64x16xf32, #tpu.memory_space<vmem>>) dst(%dma_wait3A_126 : memref<10512x16xf32, #tpu.memory_space<vmem_shared>>)
    %dma_wait3A_127 = arith.constant 1 : i32
    %dma_wait3A_128 = arith.constant 1 : i32
    %dma_wait3A_129 = arith.constant 157 : i32
    %dma_wait3A_130 = arith.constant 0 : i32
    %dma_wait3A_131 = arith.constant 0 : i32
    %dma_wait3A_132 = tpu.memref_slice %arg12[%dma_wait3A_127, %dma_wait3A_128, %dma_wait3A_130, %dma_wait3A_131] : memref<2x4x64x64xf32, #tpu.memory_space<vmem>> -> memref<1x1x64x64xf32, #tpu.memory_space<vmem>>
    %dma_wait3A_133 = tpu.memref_squeeze %dma_wait3A_132 : memref<1x1x64x64xf32, #tpu.memory_space<vmem>> -> memref<64x64xf32, #tpu.memory_space<vmem>>
    %dma_wait3A_134 = arith.constant 0 : i32
    %dma_wait3A_135 = tpu.memref_slice %arg11[%dma_wait3A_129, %dma_wait3A_134] : memref<160x64xi32, #tpu.memory_space<vmem>> -> memref<1x64xi32, #tpu.memory_space<vmem>>
    %dma_wait3A_136 = tpu.memref_squeeze %dma_wait3A_135 : memref<1x64xi32, #tpu.memory_space<vmem>> -> memref<64xi32, #tpu.memory_space<vmem>>
    %dma_wait3A_137 = arith.constant 0 : i32
    %dma_wait3A_138 = arith.constant 0 : i32
    %dma_wait3A_139 = tpu.memref_slice %arg13[%dma_wait3A_137, %dma_wait3A_138] : memref<10512x64xf32, #tpu.memory_space<vmem_shared>> -> memref<10512x64xf32, #tpu.memory_space<vmem_shared>>
    tpu.wait_indirect_dma semaphore(%arg17 : memref<!tpu.dma_semaphore, #tpu.memory_space<semaphore_mem>>) src(%dma_wait3A_133 : memref<64x64xf32, #tpu.memory_space<vmem>>) dst(%dma_wait3A_139 : memref<10512x64xf32, #tpu.memory_space<vmem_shared>>)
    %dma_wait3A_140 = arith.constant 157 : i32
    %dma_wait3A_141 = arith.constant 0 : i32
    %dma_wait3A_142 = tpu.memref_slice %arg11[%dma_wait3A_140, %dma_wait3A_141] : memref<160x64xi32, #tpu.memory_space<vmem>> -> memref<1x64xi32, #tpu.memory_space<vmem>>
    %dma_wait3A_143 = tpu.memref_squeeze %dma_wait3A_142 : memref<1x64xi32, #tpu.memory_space<vmem>> -> memref<64xi32, #tpu.memory_space<vmem>>
    %dma_wait3A_144 = arith.constant 0 : i32
    %dma_wait3A_145 = arith.constant 0 : i32
    %dma_wait3A_146 = tpu.memref_slice %arg19[%dma_wait3A_144, %dma_wait3A_145] : memref<10512x16xf32, #tpu.memory_space<vmem_shared>> -> memref<10512x16xf32, #tpu.memory_space<vmem_shared>>
    tpu.wait_indirect_dma semaphore(%arg17 : memref<!tpu.dma_semaphore, #tpu.memory_space<semaphore_mem>>) src(%arg18 : memref<64x16xf32, #tpu.memory_space<vmem>>) dst(%dma_wait3A_146 : memref<10512x16xf32, #tpu.memory_space<vmem_shared>>)
    %dma_wait3A_147 = arith.constant 1 : i32
    %dma_wait3A_148 = arith.constant 2 : i32
    %dma_wait3A_149 = arith.constant 158 : i32
    %dma_wait3A_150 = arith.constant 0 : i32
    %dma_wait3A_151 = arith.constant 0 : i32
    %dma_wait3A_152 = tpu.memref_slice %arg12[%dma_wait3A_147, %dma_wait3A_148, %dma_wait3A_150, %dma_wait3A_151] : memref<2x4x64x64xf32, #tpu.memory_space<vmem>> -> memref<1x1x64x64xf32, #tpu.memory_space<vmem>>
    %dma_wait3A_153 = tpu.memref_squeeze %dma_wait3A_152 : memref<1x1x64x64xf32, #tpu.memory_space<vmem>> -> memref<64x64xf32, #tpu.memory_space<vmem>>
    %dma_wait3A_154 = arith.constant 0 : i32
    %dma_wait3A_155 = tpu.memref_slice %arg11[%dma_wait3A_149, %dma_wait3A_154] : memref<160x64xi32, #tpu.memory_space<vmem>> -> memref<1x64xi32, #tpu.memory_space<vmem>>
    %dma_wait3A_156 = tpu.memref_squeeze %dma_wait3A_155 : memref<1x64xi32, #tpu.memory_space<vmem>> -> memref<64xi32, #tpu.memory_space<vmem>>
    %dma_wait3A_157 = arith.constant 0 : i32
    %dma_wait3A_158 = arith.constant 0 : i32
    %dma_wait3A_159 = tpu.memref_slice %arg13[%dma_wait3A_157, %dma_wait3A_158] : memref<10512x64xf32, #tpu.memory_space<vmem_shared>> -> memref<10512x64xf32, #tpu.memory_space<vmem_shared>>
    tpu.wait_indirect_dma semaphore(%arg17 : memref<!tpu.dma_semaphore, #tpu.memory_space<semaphore_mem>>) src(%dma_wait3A_153 : memref<64x64xf32, #tpu.memory_space<vmem>>) dst(%dma_wait3A_159 : memref<10512x64xf32, #tpu.memory_space<vmem_shared>>)
    %dma_wait3A_160 = arith.constant 158 : i32
    %dma_wait3A_161 = arith.constant 0 : i32
    %dma_wait3A_162 = tpu.memref_slice %arg11[%dma_wait3A_160, %dma_wait3A_161] : memref<160x64xi32, #tpu.memory_space<vmem>> -> memref<1x64xi32, #tpu.memory_space<vmem>>
    %dma_wait3A_163 = tpu.memref_squeeze %dma_wait3A_162 : memref<1x64xi32, #tpu.memory_space<vmem>> -> memref<64xi32, #tpu.memory_space<vmem>>
    %dma_wait3A_164 = arith.constant 0 : i32
    %dma_wait3A_165 = arith.constant 0 : i32
    %dma_wait3A_166 = tpu.memref_slice %arg19[%dma_wait3A_164, %dma_wait3A_165] : memref<10512x16xf32, #tpu.memory_space<vmem_shared>> -> memref<10512x16xf32, #tpu.memory_space<vmem_shared>>
    tpu.wait_indirect_dma semaphore(%arg17 : memref<!tpu.dma_semaphore, #tpu.memory_space<semaphore_mem>>) src(%arg18 : memref<64x16xf32, #tpu.memory_space<vmem>>) dst(%dma_wait3A_166 : memref<10512x16xf32, #tpu.memory_space<vmem_shared>>)
    %dma_wait3A_167 = arith.constant 1 : i32
    %dma_wait3A_168 = arith.constant 3 : i32
    %dma_wait3A_169 = arith.constant 159 : i32
    %dma_wait3A_170 = arith.constant 0 : i32
    %dma_wait3A_171 = arith.constant 0 : i32
    %dma_wait3A_172 = tpu.memref_slice %arg12[%dma_wait3A_167, %dma_wait3A_168, %dma_wait3A_170, %dma_wait3A_171] : memref<2x4x64x64xf32, #tpu.memory_space<vmem>> -> memref<1x1x64x64xf32, #tpu.memory_space<vmem>>
    %dma_wait3A_173 = tpu.memref_squeeze %dma_wait3A_172 : memref<1x1x64x64xf32, #tpu.memory_space<vmem>> -> memref<64x64xf32, #tpu.memory_space<vmem>>
    %dma_wait3A_174 = arith.constant 0 : i32
    %dma_wait3A_175 = tpu.memref_slice %arg11[%dma_wait3A_169, %dma_wait3A_174] : memref<160x64xi32, #tpu.memory_space<vmem>> -> memref<1x64xi32, #tpu.memory_space<vmem>>
    %dma_wait3A_176 = tpu.memref_squeeze %dma_wait3A_175 : memref<1x64xi32, #tpu.memory_space<vmem>> -> memref<64xi32, #tpu.memory_space<vmem>>
    %dma_wait3A_177 = arith.constant 0 : i32
    %dma_wait3A_178 = arith.constant 0 : i32
    %dma_wait3A_179 = tpu.memref_slice %arg13[%dma_wait3A_177, %dma_wait3A_178] : memref<10512x64xf32, #tpu.memory_space<vmem_shared>> -> memref<10512x64xf32, #tpu.memory_space<vmem_shared>>
    tpu.wait_indirect_dma semaphore(%arg17 : memref<!tpu.dma_semaphore, #tpu.memory_space<semaphore_mem>>) src(%dma_wait3A_173 : memref<64x64xf32, #tpu.memory_space<vmem>>) dst(%dma_wait3A_179 : memref<10512x64xf32, #tpu.memory_space<vmem_shared>>)
    %dma_wait3A_180 = arith.constant 159 : i32
    %dma_wait3A_181 = arith.constant 0 : i32
    %dma_wait3A_182 = tpu.memref_slice %arg11[%dma_wait3A_180, %dma_wait3A_181] : memref<160x64xi32, #tpu.memory_space<vmem>> -> memref<1x64xi32, #tpu.memory_space<vmem>>
    %dma_wait3A_183 = tpu.memref_squeeze %dma_wait3A_182 : memref<1x64xi32, #tpu.memory_space<vmem>> -> memref<64xi32, #tpu.memory_space<vmem>>
    %dma_wait3A_184 = arith.constant 0 : i32
    %dma_wait3A_185 = arith.constant 0 : i32
    %dma_wait3A_186 = tpu.memref_slice %arg19[%dma_wait3A_184, %dma_wait3A_185] : memref<10512x16xf32, #tpu.memory_space<vmem_shared>> -> memref<10512x16xf32, #tpu.memory_space<vmem_shared>>
    tpu.wait_indirect_dma semaphore(%arg17 : memref<!tpu.dma_semaphore, #tpu.memory_space<semaphore_mem>>) src(%arg18 : memref<64x16xf32, #tpu.memory_space<vmem>>) dst(%dma_wait3A_186 : memref<10512x16xf32, #tpu.memory_space<vmem_shared>>)
    %barrier3A_187 = arith.constant 0 : index
    tpu.barrier barrier_id(%barrier3A_187)
    %dma_start3A_188 = arith.constant 0 : i32
    %dma_start3A_189 = tpu.memref_slice %arg8[%arg0, %multiple_of3A, %dma_start3A_188] : memref<2x10000x64xf32, #tpu.memory_space<hbm>> -> memref<1x624x64xf32, #tpu.memory_space<hbm>>
    %dma_start3A_190 = tpu.memref_squeeze %dma_start3A_189 : memref<1x624x64xf32, #tpu.memory_space<hbm>> -> memref<624x64xf32, #tpu.memory_space<hbm>>
    %dma_start3A_191 = arith.constant 0 : i32
    %dma_start3A_192 = tpu.memref_slice %arg13[%multiple_of3A, %dma_start3A_191] : memref<10512x64xf32, #tpu.memory_space<vmem_shared>> -> memref<624x64xf32, #tpu.memory_space<vmem_shared>>
    tpu.enqueue_dma source(%dma_start3A_192 : memref<624x64xf32, #tpu.memory_space<vmem_shared>>) target(%dma_start3A_190 : memref<624x64xf32, #tpu.memory_space<hbm>>) target_semaphore(%arg14 : memref<!tpu.dma_semaphore, #tpu.memory_space<semaphore_mem>>)
    %dma_start3A_193 = arith.constant 0 : i32
    %dma_start3A_194 = tpu.memref_slice %arg9[%arg0, %multiple_of3A, %dma_start3A_193] : memref<2x10000x64xf32, #tpu.memory_space<hbm>> -> memref<1x624x16xf32, #tpu.memory_space<hbm>>
    %dma_start3A_195 = tpu.memref_squeeze %dma_start3A_194 : memref<1x624x16xf32, #tpu.memory_space<hbm>> -> memref<624x16xf32, #tpu.memory_space<hbm>>
    %dma_start3A_196 = arith.constant 0 : i32
    %dma_start3A_197 = tpu.memref_slice %arg19[%multiple_of3A, %dma_start3A_196] : memref<10512x16xf32, #tpu.memory_space<vmem_shared>> -> memref<624x16xf32, #tpu.memory_space<vmem_shared>>
    tpu.enqueue_dma source(%dma_start3A_197 : memref<624x16xf32, #tpu.memory_space<vmem_shared>>) target(%dma_start3A_195 : memref<624x16xf32, #tpu.memory_space<hbm>>) target_semaphore(%arg14 : memref<!tpu.dma_semaphore, #tpu.memory_space<semaphore_mem>>)
    %dma_start3A_198 = arith.constant 16 : i32
    %dma_start3A_199 = tpu.memref_slice %arg9[%arg0, %multiple_of3A, %dma_start3A_198] : memref<2x10000x64xf32, #tpu.memory_space<hbm>> -> memref<1x624x16xf32, #tpu.memory_space<hbm>>
    %dma_start3A_200 = tpu.memref_squeeze %dma_start3A_199 : memref<1x624x16xf32, #tpu.memory_space<hbm>> -> memref<624x16xf32, #tpu.memory_space<hbm>>
    %dma_start3A_201 = arith.constant 0 : i32
    %dma_start3A_202 = tpu.memref_slice %arg19[%multiple_of3A, %dma_start3A_201] : memref<10512x16xf32, #tpu.memory_space<vmem_shared>> -> memref<624x16xf32, #tpu.memory_space<vmem_shared>>
    tpu.enqueue_dma source(%dma_start3A_202 : memref<624x16xf32, #tpu.memory_space<vmem_shared>>) target(%dma_start3A_200 : memref<624x16xf32, #tpu.memory_space<hbm>>) target_semaphore(%arg14 : memref<!tpu.dma_semaphore, #tpu.memory_space<semaphore_mem>>)
    %dma_start3A_203 = arith.constant 32 : i32
    %dma_start3A_204 = tpu.memref_slice %arg9[%arg0, %multiple_of3A, %dma_start3A_203] : memref<2x10000x64xf32, #tpu.memory_space<hbm>> -> memref<1x624x16xf32, #tpu.memory_space<hbm>>
    %dma_start3A_205 = tpu.memref_squeeze %dma_start3A_204 : memref<1x624x16xf32, #tpu.memory_space<hbm>> -> memref<624x16xf32, #tpu.memory_space<hbm>>
    %dma_start3A_206 = arith.constant 0 : i32
    %dma_start3A_207 = tpu.memref_slice %arg19[%multiple_of3A, %dma_start3A_206] : memref<10512x16xf32, #tpu.memory_space<vmem_shared>> -> memref<624x16xf32, #tpu.memory_space<vmem_shared>>
    tpu.enqueue_dma source(%dma_start3A_207 : memref<624x16xf32, #tpu.memory_space<vmem_shared>>) target(%dma_start3A_205 : memref<624x16xf32, #tpu.memory_space<hbm>>) target_semaphore(%arg14 : memref<!tpu.dma_semaphore, #tpu.memory_space<semaphore_mem>>)
    %dma_start3A_208 = arith.constant 48 : i32
    %dma_start3A_209 = tpu.memref_slice %arg9[%arg0, %multiple_of3A, %dma_start3A_208] : memref<2x10000x64xf32, #tpu.memory_space<hbm>> -> memref<1x624x16xf32, #tpu.memory_space<hbm>>
    %dma_start3A_210 = tpu.memref_squeeze %dma_start3A_209 : memref<1x624x16xf32, #tpu.memory_space<hbm>> -> memref<624x16xf32, #tpu.memory_space<hbm>>
    %dma_start3A_211 = arith.constant 0 : i32
    %dma_start3A_212 = tpu.memref_slice %arg19[%multiple_of3A, %dma_start3A_211] : memref<10512x16xf32, #tpu.memory_space<vmem_shared>> -> memref<624x16xf32, #tpu.memory_space<vmem_shared>>
    tpu.enqueue_dma source(%dma_start3A_212 : memref<624x16xf32, #tpu.memory_space<vmem_shared>>) target(%dma_start3A_210 : memref<624x16xf32, #tpu.memory_space<hbm>>) target_semaphore(%arg14 : memref<!tpu.dma_semaphore, #tpu.memory_space<semaphore_mem>>)
    %eq3A_213 = arith.constant 15 : i32
    %eq3A_214 = arith.cmpi eq, %arg1, %eq3A_213 : i32
    %convert_element_type3A_215 = arith.extui %eq3A_214 : i1 to i32
    %cond3A_216 = arith.constant 0 : i32
    %cond3A_217 = arith.cmpi ne, %convert_element_type3A_215, %cond3A_216 : i32
    scf.if %cond3A_217 {
      "tpu.region"() ({
        %run_scoped3A = tpu.sem_alloc : memref<!tpu.dma_semaphore, #tpu.memory_space<semaphore_mem>>
        %dma_start3A_243 = arith.constant 9984 : i32
        %dma_start3A_244 = arith.constant 0 : i32
        %dma_start3A_245 = tpu.memref_slice %arg8[%arg0, %dma_start3A_243, %dma_start3A_244] : memref<2x10000x64xf32, #tpu.memory_space<hbm>> -> memref<1x16x64xf32, #tpu.memory_space<hbm>>
        %dma_start3A_246 = tpu.memref_squeeze %dma_start3A_245 : memref<1x16x64xf32, #tpu.memory_space<hbm>> -> memref<16x64xf32, #tpu.memory_space<hbm>>
        %dma_start3A_247 = arith.constant 9984 : i32
        %dma_start3A_248 = arith.constant 0 : i32
        %dma_start3A_249 = tpu.memref_slice %arg13[%dma_start3A_247, %dma_start3A_248] : memref<10512x64xf32, #tpu.memory_space<vmem_shared>> -> memref<16x64xf32, #tpu.memory_space<vmem_shared>>
        tpu.enqueue_dma source(%dma_start3A_249 : memref<16x64xf32, #tpu.memory_space<vmem_shared>>) target(%dma_start3A_246 : memref<16x64xf32, #tpu.memory_space<hbm>>) target_semaphore(%run_scoped3A : memref<!tpu.dma_semaphore, #tpu.memory_space<semaphore_mem>>)
        %dma_wait3A_250 = arith.constant 9984 : i32
        %dma_wait3A_251 = arith.constant 0 : i32
        %dma_wait3A_252 = tpu.memref_slice %arg8[%arg0, %dma_wait3A_250, %dma_wait3A_251] : memref<2x10000x64xf32, #tpu.memory_space<hbm>> -> memref<1x16x64xf32, #tpu.memory_space<hbm>>
        %dma_wait3A_253 = tpu.memref_squeeze %dma_wait3A_252 : memref<1x16x64xf32, #tpu.memory_space<hbm>> -> memref<16x64xf32, #tpu.memory_space<hbm>>
        %dma_wait3A_254 = arith.constant 9984 : i32
        %dma_wait3A_255 = arith.constant 0 : i32
        %dma_wait3A_256 = tpu.memref_slice %arg13[%dma_wait3A_254, %dma_wait3A_255] : memref<10512x64xf32, #tpu.memory_space<vmem_shared>> -> memref<16x64xf32, #tpu.memory_space<vmem_shared>>
        tpu.wait_dma2 semaphore(%run_scoped3A : memref<!tpu.dma_semaphore, #tpu.memory_space<semaphore_mem>>) src(%dma_wait3A_256 : memref<16x64xf32, #tpu.memory_space<vmem_shared>>) dst(%dma_wait3A_253 : memref<16x64xf32, #tpu.memory_space<hbm>>)
        tpu.yield
      }) : () -> ()
      "tpu.region"() ({
        %run_scoped3A = tpu.sem_alloc : memref<!tpu.dma_semaphore, #tpu.memory_space<semaphore_mem>>
        %dma_start3A_243 = arith.constant 9984 : i32
        %dma_start3A_244 = arith.constant 0 : i32
        %dma_start3A_245 = tpu.memref_slice %arg9[%arg0, %dma_start3A_243, %dma_start3A_244] : memref<2x10000x64xf32, #tpu.memory_space<hbm>> -> memref<1x16x16xf32, #tpu.memory_space<hbm>>
        %dma_start3A_246 = tpu.memref_squeeze %dma_start3A_245 : memref<1x16x16xf32, #tpu.memory_space<hbm>> -> memref<16x16xf32, #tpu.memory_space<hbm>>
        %dma_start3A_247 = arith.constant 9984 : i32
        %dma_start3A_248 = arith.constant 0 : i32
        %dma_start3A_249 = tpu.memref_slice %arg19[%dma_start3A_247, %dma_start3A_248] : memref<10512x16xf32, #tpu.memory_space<vmem_shared>> -> memref<16x16xf32, #tpu.memory_space<vmem_shared>>
        tpu.enqueue_dma source(%dma_start3A_249 : memref<16x16xf32, #tpu.memory_space<vmem_shared>>) target(%dma_start3A_246 : memref<16x16xf32, #tpu.memory_space<hbm>>) target_semaphore(%run_scoped3A : memref<!tpu.dma_semaphore, #tpu.memory_space<semaphore_mem>>)
        %dma_wait3A_250 = arith.constant 9984 : i32
        %dma_wait3A_251 = arith.constant 0 : i32
        %dma_wait3A_252 = tpu.memref_slice %arg9[%arg0, %dma_wait3A_250, %dma_wait3A_251] : memref<2x10000x64xf32, #tpu.memory_space<hbm>> -> memref<1x16x16xf32, #tpu.memory_space<hbm>>
        %dma_wait3A_253 = tpu.memref_squeeze %dma_wait3A_252 : memref<1x16x16xf32, #tpu.memory_space<hbm>> -> memref<16x16xf32, #tpu.memory_space<hbm>>
        %dma_wait3A_254 = arith.constant 9984 : i32
        %dma_wait3A_255 = arith.constant 0 : i32
        %dma_wait3A_256 = tpu.memref_slice %arg19[%dma_wait3A_254, %dma_wait3A_255] : memref<10512x16xf32, #tpu.memory_space<vmem_shared>> -> memref<16x16xf32, #tpu.memory_space<vmem_shared>>
        tpu.wait_dma2 semaphore(%run_scoped3A : memref<!tpu.dma_semaphore, #tpu.memory_space<semaphore_mem>>) src(%dma_wait3A_256 : memref<16x16xf32, #tpu.memory_space<vmem_shared>>) dst(%dma_wait3A_253 : memref<16x16xf32, #tpu.memory_space<hbm>>)
        tpu.yield
      }) : () -> ()
      "tpu.region"() ({
        %run_scoped3A = tpu.sem_alloc : memref<!tpu.dma_semaphore, #tpu.memory_space<semaphore_mem>>
        %dma_start3A_243 = arith.constant 9984 : i32
        %dma_start3A_244 = arith.constant 16 : i32
        %dma_start3A_245 = tpu.memref_slice %arg9[%arg0, %dma_start3A_243, %dma_start3A_244] : memref<2x10000x64xf32, #tpu.memory_space<hbm>> -> memref<1x16x16xf32, #tpu.memory_space<hbm>>
        %dma_start3A_246 = tpu.memref_squeeze %dma_start3A_245 : memref<1x16x16xf32, #tpu.memory_space<hbm>> -> memref<16x16xf32, #tpu.memory_space<hbm>>
        %dma_start3A_247 = arith.constant 9984 : i32
        %dma_start3A_248 = arith.constant 0 : i32
        %dma_start3A_249 = tpu.memref_slice %arg19[%dma_start3A_247, %dma_start3A_248] : memref<10512x16xf32, #tpu.memory_space<vmem_shared>> -> memref<16x16xf32, #tpu.memory_space<vmem_shared>>
        tpu.enqueue_dma source(%dma_start3A_249 : memref<16x16xf32, #tpu.memory_space<vmem_shared>>) target(%dma_start3A_246 : memref<16x16xf32, #tpu.memory_space<hbm>>) target_semaphore(%run_scoped3A : memref<!tpu.dma_semaphore, #tpu.memory_space<semaphore_mem>>)
        %dma_wait3A_250 = arith.constant 9984 : i32
        %dma_wait3A_251 = arith.constant 16 : i32
        %dma_wait3A_252 = tpu.memref_slice %arg9[%arg0, %dma_wait3A_250, %dma_wait3A_251] : memref<2x10000x64xf32, #tpu.memory_space<hbm>> -> memref<1x16x16xf32, #tpu.memory_space<hbm>>
        %dma_wait3A_253 = tpu.memref_squeeze %dma_wait3A_252 : memref<1x16x16xf32, #tpu.memory_space<hbm>> -> memref<16x16xf32, #tpu.memory_space<hbm>>
        %dma_wait3A_254 = arith.constant 9984 : i32
        %dma_wait3A_255 = arith.constant 0 : i32
        %dma_wait3A_256 = tpu.memref_slice %arg19[%dma_wait3A_254, %dma_wait3A_255] : memref<10512x16xf32, #tpu.memory_space<vmem_shared>> -> memref<16x16xf32, #tpu.memory_space<vmem_shared>>
        tpu.wait_dma2 semaphore(%run_scoped3A : memref<!tpu.dma_semaphore, #tpu.memory_space<semaphore_mem>>) src(%dma_wait3A_256 : memref<16x16xf32, #tpu.memory_space<vmem_shared>>) dst(%dma_wait3A_253 : memref<16x16xf32, #tpu.memory_space<hbm>>)
        tpu.yield
      }) : () -> ()
      "tpu.region"() ({
        %run_scoped3A = tpu.sem_alloc : memref<!tpu.dma_semaphore, #tpu.memory_space<semaphore_mem>>
        %dma_start3A_243 = arith.constant 9984 : i32
        %dma_start3A_244 = arith.constant 32 : i32
        %dma_start3A_245 = tpu.memref_slice %arg9[%arg0, %dma_start3A_243, %dma_start3A_244] : memref<2x10000x64xf32, #tpu.memory_space<hbm>> -> memref<1x16x16xf32, #tpu.memory_space<hbm>>
        %dma_start3A_246 = tpu.memref_squeeze %dma_start3A_245 : memref<1x16x16xf32, #tpu.memory_space<hbm>> -> memref<16x16xf32, #tpu.memory_space<hbm>>
        %dma_start3A_247 = arith.constant 9984 : i32
        %dma_start3A_248 = arith.constant 0 : i32
        %dma_start3A_249 = tpu.memref_slice %arg19[%dma_start3A_247, %dma_start3A_248] : memref<10512x16xf32, #tpu.memory_space<vmem_shared>> -> memref<16x16xf32, #tpu.memory_space<vmem_shared>>
        tpu.enqueue_dma source(%dma_start3A_249 : memref<16x16xf32, #tpu.memory_space<vmem_shared>>) target(%dma_start3A_246 : memref<16x16xf32, #tpu.memory_space<hbm>>) target_semaphore(%run_scoped3A : memref<!tpu.dma_semaphore, #tpu.memory_space<semaphore_mem>>)
        %dma_wait3A_250 = arith.constant 9984 : i32
        %dma_wait3A_251 = arith.constant 32 : i32
        %dma_wait3A_252 = tpu.memref_slice %arg9[%arg0, %dma_wait3A_250, %dma_wait3A_251] : memref<2x10000x64xf32, #tpu.memory_space<hbm>> -> memref<1x16x16xf32, #tpu.memory_space<hbm>>
        %dma_wait3A_253 = tpu.memref_squeeze %dma_wait3A_252 : memref<1x16x16xf32, #tpu.memory_space<hbm>> -> memref<16x16xf32, #tpu.memory_space<hbm>>
        %dma_wait3A_254 = arith.constant 9984 : i32
        %dma_wait3A_255 = arith.constant 0 : i32
        %dma_wait3A_256 = tpu.memref_slice %arg19[%dma_wait3A_254, %dma_wait3A_255] : memref<10512x16xf32, #tpu.memory_space<vmem_shared>> -> memref<16x16xf32, #tpu.memory_space<vmem_shared>>
        tpu.wait_dma2 semaphore(%run_scoped3A : memref<!tpu.dma_semaphore, #tpu.memory_space<semaphore_mem>>) src(%dma_wait3A_256 : memref<16x16xf32, #tpu.memory_space<vmem_shared>>) dst(%dma_wait3A_253 : memref<16x16xf32, #tpu.memory_space<hbm>>)
        tpu.yield
      }) : () -> ()
      "tpu.region"() ({
        %run_scoped3A = tpu.sem_alloc : memref<!tpu.dma_semaphore, #tpu.memory_space<semaphore_mem>>
        %dma_start3A_243 = arith.constant 9984 : i32
        %dma_start3A_244 = arith.constant 48 : i32
        %dma_start3A_245 = tpu.memref_slice %arg9[%arg0, %dma_start3A_243, %dma_start3A_244] : memref<2x10000x64xf32, #tpu.memory_space<hbm>> -> memref<1x16x16xf32, #tpu.memory_space<hbm>>
        %dma_start3A_246 = tpu.memref_squeeze %dma_start3A_245 : memref<1x16x16xf32, #tpu.memory_space<hbm>> -> memref<16x16xf32, #tpu.memory_space<hbm>>
        %dma_start3A_247 = arith.constant 9984 : i32
        %dma_start3A_248 = arith.constant 0 : i32
        %dma_start3A_249 = tpu.memref_slice %arg19[%dma_start3A_247, %dma_start3A_248] : memref<10512x16xf32, #tpu.memory_space<vmem_shared>> -> memref<16x16xf32, #tpu.memory_space<vmem_shared>>
        tpu.enqueue_dma source(%dma_start3A_249 : memref<16x16xf32, #tpu.memory_space<vmem_shared>>) target(%dma_start3A_246 : memref<16x16xf32, #tpu.memory_space<hbm>>) target_semaphore(%run_scoped3A : memref<!tpu.dma_semaphore, #tpu.memory_space<semaphore_mem>>)
        %dma_wait3A_250 = arith.constant 9984 : i32
        %dma_wait3A_251 = arith.constant 48 : i32
        %dma_wait3A_252 = tpu.memref_slice %arg9[%arg0, %dma_wait3A_250, %dma_wait3A_251] : memref<2x10000x64xf32, #tpu.memory_space<hbm>> -> memref<1x16x16xf32, #tpu.memory_space<hbm>>
        %dma_wait3A_253 = tpu.memref_squeeze %dma_wait3A_252 : memref<1x16x16xf32, #tpu.memory_space<hbm>> -> memref<16x16xf32, #tpu.memory_space<hbm>>
        %dma_wait3A_254 = arith.constant 9984 : i32
        %dma_wait3A_255 = arith.constant 0 : i32
        %dma_wait3A_256 = tpu.memref_slice %arg19[%dma_wait3A_254, %dma_wait3A_255] : memref<10512x16xf32, #tpu.memory_space<vmem_shared>> -> memref<16x16xf32, #tpu.memory_space<vmem_shared>>
        tpu.wait_dma2 semaphore(%run_scoped3A : memref<!tpu.dma_semaphore, #tpu.memory_space<semaphore_mem>>) src(%dma_wait3A_256 : memref<16x16xf32, #tpu.memory_space<vmem_shared>>) dst(%dma_wait3A_253 : memref<16x16xf32, #tpu.memory_space<hbm>>)
        tpu.yield
      }) : () -> ()
    } else {
    }
    %dma_wait3A_218 = arith.constant 0 : i32
    %dma_wait3A_219 = tpu.memref_slice %arg8[%arg0, %multiple_of3A, %dma_wait3A_218] : memref<2x10000x64xf32, #tpu.memory_space<hbm>> -> memref<1x624x64xf32, #tpu.memory_space<hbm>>
    %dma_wait3A_220 = tpu.memref_squeeze %dma_wait3A_219 : memref<1x624x64xf32, #tpu.memory_space<hbm>> -> memref<624x64xf32, #tpu.memory_space<hbm>>
    %dma_wait3A_221 = arith.constant 0 : i32
    %dma_wait3A_222 = tpu.memref_slice %arg13[%multiple_of3A, %dma_wait3A_221] : memref<10512x64xf32, #tpu.memory_space<vmem_shared>> -> memref<624x64xf32, #tpu.memory_space<vmem_shared>>
    tpu.wait_dma2 semaphore(%arg14 : memref<!tpu.dma_semaphore, #tpu.memory_space<semaphore_mem>>) src(%dma_wait3A_222 : memref<624x64xf32, #tpu.memory_space<vmem_shared>>) dst(%dma_wait3A_220 : memref<624x64xf32, #tpu.memory_space<hbm>>)
    %dma_wait3A_223 = arith.constant 0 : i32
    %dma_wait3A_224 = tpu.memref_slice %arg9[%arg0, %multiple_of3A, %dma_wait3A_223] : memref<2x10000x64xf32, #tpu.memory_space<hbm>> -> memref<1x624x16xf32, #tpu.memory_space<hbm>>
    %dma_wait3A_225 = tpu.memref_squeeze %dma_wait3A_224 : memref<1x624x16xf32, #tpu.memory_space<hbm>> -> memref<624x16xf32, #tpu.memory_space<hbm>>
    %dma_wait3A_226 = arith.constant 0 : i32
    %dma_wait3A_227 = tpu.memref_slice %arg19[%multiple_of3A, %dma_wait3A_226] : memref<10512x16xf32, #tpu.memory_space<vmem_shared>> -> memref<624x16xf32, #tpu.memory_space<vmem_shared>>
    tpu.wait_dma2 semaphore(%arg14 : memref<!tpu.dma_semaphore, #tpu.memory_space<semaphore_mem>>) src(%dma_wait3A_227 : memref<624x16xf32, #tpu.memory_space<vmem_shared>>) dst(%dma_wait3A_225 : memref<624x16xf32, #tpu.memory_space<hbm>>)
    %dma_wait3A_228 = arith.constant 16 : i32
    %dma_wait3A_229 = tpu.memref_slice %arg9[%arg0, %multiple_of3A, %dma_wait3A_228] : memref<2x10000x64xf32, #tpu.memory_space<hbm>> -> memref<1x624x16xf32, #tpu.memory_space<hbm>>
    %dma_wait3A_230 = tpu.memref_squeeze %dma_wait3A_229 : memref<1x624x16xf32, #tpu.memory_space<hbm>> -> memref<624x16xf32, #tpu.memory_space<hbm>>
    %dma_wait3A_231 = arith.constant 0 : i32
    %dma_wait3A_232 = tpu.memref_slice %arg19[%multiple_of3A, %dma_wait3A_231] : memref<10512x16xf32, #tpu.memory_space<vmem_shared>> -> memref<624x16xf32, #tpu.memory_space<vmem_shared>>
    tpu.wait_dma2 semaphore(%arg14 : memref<!tpu.dma_semaphore, #tpu.memory_space<semaphore_mem>>) src(%dma_wait3A_232 : memref<624x16xf32, #tpu.memory_space<vmem_shared>>) dst(%dma_wait3A_230 : memref<624x16xf32, #tpu.memory_space<hbm>>)
    %dma_wait3A_233 = arith.constant 32 : i32
    %dma_wait3A_234 = tpu.memref_slice %arg9[%arg0, %multiple_of3A, %dma_wait3A_233] : memref<2x10000x64xf32, #tpu.memory_space<hbm>> -> memref<1x624x16xf32, #tpu.memory_space<hbm>>
    %dma_wait3A_235 = tpu.memref_squeeze %dma_wait3A_234 : memref<1x624x16xf32, #tpu.memory_space<hbm>> -> memref<624x16xf32, #tpu.memory_space<hbm>>
    %dma_wait3A_236 = arith.constant 0 : i32
    %dma_wait3A_237 = tpu.memref_slice %arg19[%multiple_of3A, %dma_wait3A_236] : memref<10512x16xf32, #tpu.memory_space<vmem_shared>> -> memref<624x16xf32, #tpu.memory_space<vmem_shared>>
    tpu.wait_dma2 semaphore(%arg14 : memref<!tpu.dma_semaphore, #tpu.memory_space<semaphore_mem>>) src(%dma_wait3A_237 : memref<624x16xf32, #tpu.memory_space<vmem_shared>>) dst(%dma_wait3A_235 : memref<624x16xf32, #tpu.memory_space<hbm>>)
    %dma_wait3A_238 = arith.constant 48 : i32
    %dma_wait3A_239 = tpu.memref_slice %arg9[%arg0, %multiple_of3A, %dma_wait3A_238] : memref<2x10000x64xf32, #tpu.memory_space<hbm>> -> memref<1x624x16xf32, #tpu.memory_space<hbm>>
    %dma_wait3A_240 = tpu.memref_squeeze %dma_wait3A_239 : memref<1x624x16xf32, #tpu.memory_space<hbm>> -> memref<624x16xf32, #tpu.memory_space<hbm>>
    %dma_wait3A_241 = arith.constant 0 : i32
    %dma_wait3A_242 = tpu.memref_slice %arg19[%multiple_of3A, %dma_wait3A_241] : memref<10512x16xf32, #tpu.memory_space<vmem_shared>> -> memref<624x16xf32, #tpu.memory_space<vmem_shared>>
    tpu.wait_dma2 semaphore(%arg14 : memref<!tpu.dma_semaphore, #tpu.memory_space<semaphore_mem>>) src(%dma_wait3A_242 : memref<624x16xf32, #tpu.memory_space<vmem_shared>>) dst(%dma_wait3A_240 : memref<624x16xf32, #tpu.memory_space<hbm>>)
    return
  }
}

#map = affine_map<(d0, d1) -> (0, 0)>
#map1 = affine_map<(d0, d1) -> (0, 0, 0)>
module attributes {stable_mosaic.version = 14 : i64} {
  func.func @body(%arg0: i32, %arg1: i32, %arg2: memref<10000x64xf32, #tpu.memory_space<hbm>>, %arg3: memref<32x80x128xi32, #tpu.memory_space<hbm>>, %arg4: memref<32x80x128xi32, #tpu.memory_space<hbm>>, %arg5: memref<10000x64xf32, #tpu.memory_space<hbm>>, %arg6: memref<2x10000x64xf32, #tpu.memory_space<hbm>>, %arg7: memref<80x128xi32, #tpu.memory_space<vmem>>, %arg8: memref<80x128xi32, #tpu.memory_space<vmem>>, %arg9: memref<2x4x128x64xf32, #tpu.memory_space<vmem>>, %arg10: memref<10512x64xf32, #tpu.memory_space<vmem_shared>>, %arg11: memref<!tpu.dma_semaphore, #tpu.memory_space<semaphore_mem>>, %arg12: memref<!tpu.dma_semaphore, #tpu.memory_space<semaphore_mem>>, %arg13: memref<!tpu.dma_semaphore, #tpu.memory_space<semaphore_mem>>, %arg14: memref<!tpu.dma_semaphore, #tpu.memory_space<semaphore_mem>>) attributes {dimension_semantics = [#tpu.dimension_semantics<core_parallel>, #tpu.dimension_semantics<subcore_parallel>], iteration_bounds = array<i64: 2, 16>, scalar_prefetch = 0 : i64, scratch_operands = 8 : i64, tpu.core_type = #tpu.core_type<sc_vector_subcore>, window_params = [{transform_indices = #map}, {transform_indices = #map1}, {transform_indices = #map1}, {transform_indices = #map}, {transform_indices = #map1}]} {
    %mul3A = arith.constant 16 : i32
    %mul3A_0 = arith.muli %arg0, %mul3A : i32
    %add3A = arith.addi %mul3A_0, %arg1 : i32
    %mul3A_1 = arith.constant 624 : i32
    %mul3A_2 = arith.muli %arg1, %mul3A_1 : i32
    %multiple_of3A = tpu.assume_multiple %mul3A_2, 8 : i32
    %dma_start3A = arith.constant 0 : i32
    %dma_start3A_3 = tpu.memref_slice %arg10[%multiple_of3A, %dma_start3A] : memref<10512x64xf32, #tpu.memory_space<vmem_shared>> -> memref<624x64xf32, #tpu.memory_space<vmem_shared>>
    %dma_start3A_4 = arith.constant 0 : i32
    %dma_start3A_5 = tpu.memref_slice %arg5[%multiple_of3A, %dma_start3A_4] : memref<10000x64xf32, #tpu.memory_space<hbm>> -> memref<624x64xf32, #tpu.memory_space<hbm>>
    tpu.enqueue_dma source(%dma_start3A_5 : memref<624x64xf32, #tpu.memory_space<hbm>>) target(%dma_start3A_3 : memref<624x64xf32, #tpu.memory_space<vmem_shared>>) target_semaphore(%arg11 : memref<!tpu.dma_semaphore, #tpu.memory_space<semaphore_mem>>)
    %dma_start3A_6 = arith.constant 0 : i32
    %dma_start3A_7 = arith.constant 0 : i32
    %dma_start3A_8 = tpu.memref_slice %arg3[%add3A, %dma_start3A_6, %dma_start3A_7] : memref<32x80x128xi32, #tpu.memory_space<hbm>> -> memref<1x80x128xi32, #tpu.memory_space<hbm>>
    %dma_start3A_9 = tpu.memref_squeeze %dma_start3A_8 : memref<1x80x128xi32, #tpu.memory_space<hbm>> -> memref<80x128xi32, #tpu.memory_space<hbm>>
    %dma_start3A_10 = arith.constant 0 : i32
    %dma_start3A_11 = arith.constant 0 : i32
    %dma_start3A_12 = tpu.memref_slice %arg3[%add3A, %dma_start3A_10, %dma_start3A_11] : memref<32x80x128xi32, #tpu.memory_space<hbm>> -> memref<1x80x128xi32, #tpu.memory_space<hbm>>
    %dma_start3A_13 = tpu.memref_squeeze %dma_start3A_12 : memref<1x80x128xi32, #tpu.memory_space<hbm>> -> memref<80x128xi32, #tpu.memory_space<hbm>>
    tpu.enqueue_dma source(%dma_start3A_13 : memref<80x128xi32, #tpu.memory_space<hbm>>) target(%arg7 : memref<80x128xi32, #tpu.memory_space<vmem>>) target_semaphore(%arg11 : memref<!tpu.dma_semaphore, #tpu.memory_space<semaphore_mem>>)
    %dma_start3A_14 = arith.constant 0 : i32
    %dma_start3A_15 = arith.constant 0 : i32
    %dma_start3A_16 = tpu.memref_slice %arg4[%add3A, %dma_start3A_14, %dma_start3A_15] : memref<32x80x128xi32, #tpu.memory_space<hbm>> -> memref<1x80x128xi32, #tpu.memory_space<hbm>>
    %dma_start3A_17 = tpu.memref_squeeze %dma_start3A_16 : memref<1x80x128xi32, #tpu.memory_space<hbm>> -> memref<80x128xi32, #tpu.memory_space<hbm>>
    %dma_start3A_18 = arith.constant 0 : i32
    %dma_start3A_19 = arith.constant 0 : i32
    %dma_start3A_20 = tpu.memref_slice %arg4[%add3A, %dma_start3A_18, %dma_start3A_19] : memref<32x80x128xi32, #tpu.memory_space<hbm>> -> memref<1x80x128xi32, #tpu.memory_space<hbm>>
    %dma_start3A_21 = tpu.memref_squeeze %dma_start3A_20 : memref<1x80x128xi32, #tpu.memory_space<hbm>> -> memref<80x128xi32, #tpu.memory_space<hbm>>
    tpu.enqueue_dma source(%dma_start3A_21 : memref<80x128xi32, #tpu.memory_space<hbm>>) target(%arg8 : memref<80x128xi32, #tpu.memory_space<vmem>>) target_semaphore(%arg11 : memref<!tpu.dma_semaphore, #tpu.memory_space<semaphore_mem>>)
    %dma_wait3A = arith.constant 0 : i32
    %dma_wait3A_22 = tpu.memref_slice %arg10[%multiple_of3A, %dma_wait3A] : memref<10512x64xf32, #tpu.memory_space<vmem_shared>> -> memref<624x64xf32, #tpu.memory_space<vmem_shared>>
    %dma_wait3A_23 = arith.constant 0 : i32
    %dma_wait3A_24 = tpu.memref_slice %arg5[%multiple_of3A, %dma_wait3A_23] : memref<10000x64xf32, #tpu.memory_space<hbm>> -> memref<624x64xf32, #tpu.memory_space<hbm>>
    tpu.wait_dma2 semaphore(%arg11 : memref<!tpu.dma_semaphore, #tpu.memory_space<semaphore_mem>>) src(%dma_wait3A_24 : memref<624x64xf32, #tpu.memory_space<hbm>>) dst(%dma_wait3A_22 : memref<624x64xf32, #tpu.memory_space<vmem_shared>>)
    %dma_wait3A_25 = arith.constant 0 : i32
    %dma_wait3A_26 = arith.constant 0 : i32
    %dma_wait3A_27 = tpu.memref_slice %arg3[%add3A, %dma_wait3A_25, %dma_wait3A_26] : memref<32x80x128xi32, #tpu.memory_space<hbm>> -> memref<1x80x128xi32, #tpu.memory_space<hbm>>
    %dma_wait3A_28 = tpu.memref_squeeze %dma_wait3A_27 : memref<1x80x128xi32, #tpu.memory_space<hbm>> -> memref<80x128xi32, #tpu.memory_space<hbm>>
    %dma_wait3A_29 = arith.constant 0 : i32
    %dma_wait3A_30 = arith.constant 0 : i32
    %dma_wait3A_31 = tpu.memref_slice %arg3[%add3A, %dma_wait3A_29, %dma_wait3A_30] : memref<32x80x128xi32, #tpu.memory_space<hbm>> -> memref<1x80x128xi32, #tpu.memory_space<hbm>>
    %dma_wait3A_32 = tpu.memref_squeeze %dma_wait3A_31 : memref<1x80x128xi32, #tpu.memory_space<hbm>> -> memref<80x128xi32, #tpu.memory_space<hbm>>
    tpu.wait_dma2 semaphore(%arg11 : memref<!tpu.dma_semaphore, #tpu.memory_space<semaphore_mem>>) src(%dma_wait3A_32 : memref<80x128xi32, #tpu.memory_space<hbm>>) dst(%arg7 : memref<80x128xi32, #tpu.memory_space<vmem>>)
    %dma_wait3A_33 = arith.constant 0 : i32
    %dma_wait3A_34 = arith.constant 0 : i32
    %dma_wait3A_35 = tpu.memref_slice %arg4[%add3A, %dma_wait3A_33, %dma_wait3A_34] : memref<32x80x128xi32, #tpu.memory_space<hbm>> -> memref<1x80x128xi32, #tpu.memory_space<hbm>>
    %dma_wait3A_36 = tpu.memref_squeeze %dma_wait3A_35 : memref<1x80x128xi32, #tpu.memory_space<hbm>> -> memref<80x128xi32, #tpu.memory_space<hbm>>
    %dma_wait3A_37 = arith.constant 0 : i32
    %dma_wait3A_38 = arith.constant 0 : i32
    %dma_wait3A_39 = tpu.memref_slice %arg4[%add3A, %dma_wait3A_37, %dma_wait3A_38] : memref<32x80x128xi32, #tpu.memory_space<hbm>> -> memref<1x80x128xi32, #tpu.memory_space<hbm>>
    %dma_wait3A_40 = tpu.memref_squeeze %dma_wait3A_39 : memref<1x80x128xi32, #tpu.memory_space<hbm>> -> memref<80x128xi32, #tpu.memory_space<hbm>>
    tpu.wait_dma2 semaphore(%arg11 : memref<!tpu.dma_semaphore, #tpu.memory_space<semaphore_mem>>) src(%dma_wait3A_40 : memref<80x128xi32, #tpu.memory_space<hbm>>) dst(%arg8 : memref<80x128xi32, #tpu.memory_space<vmem>>)
    %eq3A = arith.constant 15 : i32
    %eq3A_41 = arith.cmpi eq, %arg1, %eq3A : i32
    %convert_element_type3A = arith.extui %eq3A_41 : i1 to i32
    %cond3A = arith.constant 0 : i32
    %cond3A_42 = arith.cmpi ne, %convert_element_type3A, %cond3A : i32
    scf.if %cond3A_42 {
      "tpu.region"() ({
        %run_scoped3A = tpu.sem_alloc : memref<!tpu.dma_semaphore, #tpu.memory_space<semaphore_mem>>
        %dma_start3A_167 = arith.constant 9984 : i32
        %dma_start3A_168 = arith.constant 0 : i32
        %dma_start3A_169 = tpu.memref_slice %arg10[%dma_start3A_167, %dma_start3A_168] : memref<10512x64xf32, #tpu.memory_space<vmem_shared>> -> memref<16x64xf32, #tpu.memory_space<vmem_shared>>
        %dma_start3A_170 = arith.constant 9984 : i32
        %dma_start3A_171 = arith.constant 0 : i32
        %dma_start3A_172 = tpu.memref_slice %arg5[%dma_start3A_170, %dma_start3A_171] : memref<10000x64xf32, #tpu.memory_space<hbm>> -> memref<16x64xf32, #tpu.memory_space<hbm>>
        tpu.enqueue_dma source(%dma_start3A_172 : memref<16x64xf32, #tpu.memory_space<hbm>>) target(%dma_start3A_169 : memref<16x64xf32, #tpu.memory_space<vmem_shared>>) target_semaphore(%run_scoped3A : memref<!tpu.dma_semaphore, #tpu.memory_space<semaphore_mem>>)
        %dma_wait3A_173 = arith.constant 9984 : i32
        %dma_wait3A_174 = arith.constant 0 : i32
        %dma_wait3A_175 = tpu.memref_slice %arg10[%dma_wait3A_173, %dma_wait3A_174] : memref<10512x64xf32, #tpu.memory_space<vmem_shared>> -> memref<16x64xf32, #tpu.memory_space<vmem_shared>>
        %dma_wait3A_176 = arith.constant 9984 : i32
        %dma_wait3A_177 = arith.constant 0 : i32
        %dma_wait3A_178 = tpu.memref_slice %arg5[%dma_wait3A_176, %dma_wait3A_177] : memref<10000x64xf32, #tpu.memory_space<hbm>> -> memref<16x64xf32, #tpu.memory_space<hbm>>
        tpu.wait_dma2 semaphore(%run_scoped3A : memref<!tpu.dma_semaphore, #tpu.memory_space<semaphore_mem>>) src(%dma_wait3A_178 : memref<16x64xf32, #tpu.memory_space<hbm>>) dst(%dma_wait3A_175 : memref<16x64xf32, #tpu.memory_space<vmem_shared>>)
        tpu.yield
      }) : () -> ()
    } else {
    }
    %barrier3A = arith.constant 0 : index
    tpu.barrier barrier_id(%barrier3A)
    %dma_start3A_43 = arith.constant 0 : i32
    %dma_start3A_44 = arith.constant 0 : i32
    %dma_start3A_45 = arith.constant 0 : i32
    %dma_start3A_46 = arith.constant 0 : i32
    %dma_start3A_47 = arith.constant 0 : i32
    %dma_start3A_48 = tpu.memref_slice %arg9[%dma_start3A_44, %dma_start3A_45, %dma_start3A_46, %dma_start3A_47] : memref<2x4x128x64xf32, #tpu.memory_space<vmem>> -> memref<1x1x128x64xf32, #tpu.memory_space<vmem>>
    %dma_start3A_49 = tpu.memref_squeeze %dma_start3A_48 : memref<1x1x128x64xf32, #tpu.memory_space<vmem>> -> memref<128x64xf32, #tpu.memory_space<vmem>>
    %dma_start3A_50 = arith.constant 0 : i32
    %dma_start3A_51 = tpu.memref_slice %arg7[%dma_start3A_43, %dma_start3A_50] : memref<80x128xi32, #tpu.memory_space<vmem>> -> memref<1x128xi32, #tpu.memory_space<vmem>>
    %dma_start3A_52 = tpu.memref_squeeze %dma_start3A_51 : memref<1x128xi32, #tpu.memory_space<vmem>> -> memref<128xi32, #tpu.memory_space<vmem>>
    %dma_start3A_53 = arith.constant 0 : i32
    %dma_start3A_54 = arith.constant 0 : i32
    %dma_start3A_55 = tpu.memref_slice %arg2[%dma_start3A_53, %dma_start3A_54] : memref<10000x64xf32, #tpu.memory_space<hbm>> -> memref<10000x64xf32, #tpu.memory_space<hbm>>
    tpu.enqueue_indirect_dma source(%dma_start3A_55 : memref<10000x64xf32, #tpu.memory_space<hbm>>) target(%dma_start3A_49 : memref<128x64xf32, #tpu.memory_space<vmem>>) offsets(%dma_start3A_52 : memref<128xi32, #tpu.memory_space<vmem>>) semaphore(%arg11 : memref<!tpu.dma_semaphore, #tpu.memory_space<semaphore_mem>>)
    %dma_start3A_56 = arith.constant 1 : i32
    %dma_start3A_57 = arith.constant 0 : i32
    %dma_start3A_58 = arith.constant 1 : i32
    %dma_start3A_59 = arith.constant 0 : i32
    %dma_start3A_60 = arith.constant 0 : i32
    %dma_start3A_61 = tpu.memref_slice %arg9[%dma_start3A_57, %dma_start3A_58, %dma_start3A_59, %dma_start3A_60] : memref<2x4x128x64xf32, #tpu.memory_space<vmem>> -> memref<1x1x128x64xf32, #tpu.memory_space<vmem>>
    %dma_start3A_62 = tpu.memref_squeeze %dma_start3A_61 : memref<1x1x128x64xf32, #tpu.memory_space<vmem>> -> memref<128x64xf32, #tpu.memory_space<vmem>>
    %dma_start3A_63 = arith.constant 0 : i32
    %dma_start3A_64 = tpu.memref_slice %arg7[%dma_start3A_56, %dma_start3A_63] : memref<80x128xi32, #tpu.memory_space<vmem>> -> memref<1x128xi32, #tpu.memory_space<vmem>>
    %dma_start3A_65 = tpu.memref_squeeze %dma_start3A_64 : memref<1x128xi32, #tpu.memory_space<vmem>> -> memref<128xi32, #tpu.memory_space<vmem>>
    %dma_start3A_66 = arith.constant 0 : i32
    %dma_start3A_67 = arith.constant 0 : i32
    %dma_start3A_68 = tpu.memref_slice %arg2[%dma_start3A_66, %dma_start3A_67] : memref<10000x64xf32, #tpu.memory_space<hbm>> -> memref<10000x64xf32, #tpu.memory_space<hbm>>
    tpu.enqueue_indirect_dma source(%dma_start3A_68 : memref<10000x64xf32, #tpu.memory_space<hbm>>) target(%dma_start3A_62 : memref<128x64xf32, #tpu.memory_space<vmem>>) offsets(%dma_start3A_65 : memref<128xi32, #tpu.memory_space<vmem>>) semaphore(%arg11 : memref<!tpu.dma_semaphore, #tpu.memory_space<semaphore_mem>>)
    %dma_start3A_69 = arith.constant 2 : i32
    %dma_start3A_70 = arith.constant 0 : i32
    %dma_start3A_71 = arith.constant 2 : i32
    %dma_start3A_72 = arith.constant 0 : i32
    %dma_start3A_73 = arith.constant 0 : i32
    %dma_start3A_74 = tpu.memref_slice %arg9[%dma_start3A_70, %dma_start3A_71, %dma_start3A_72, %dma_start3A_73] : memref<2x4x128x64xf32, #tpu.memory_space<vmem>> -> memref<1x1x128x64xf32, #tpu.memory_space<vmem>>
    %dma_start3A_75 = tpu.memref_squeeze %dma_start3A_74 : memref<1x1x128x64xf32, #tpu.memory_space<vmem>> -> memref<128x64xf32, #tpu.memory_space<vmem>>
    %dma_start3A_76 = arith.constant 0 : i32
    %dma_start3A_77 = tpu.memref_slice %arg7[%dma_start3A_69, %dma_start3A_76] : memref<80x128xi32, #tpu.memory_space<vmem>> -> memref<1x128xi32, #tpu.memory_space<vmem>>
    %dma_start3A_78 = tpu.memref_squeeze %dma_start3A_77 : memref<1x128xi32, #tpu.memory_space<vmem>> -> memref<128xi32, #tpu.memory_space<vmem>>
    %dma_start3A_79 = arith.constant 0 : i32
    %dma_start3A_80 = arith.constant 0 : i32
    %dma_start3A_81 = tpu.memref_slice %arg2[%dma_start3A_79, %dma_start3A_80] : memref<10000x64xf32, #tpu.memory_space<hbm>> -> memref<10000x64xf32, #tpu.memory_space<hbm>>
    tpu.enqueue_indirect_dma source(%dma_start3A_81 : memref<10000x64xf32, #tpu.memory_space<hbm>>) target(%dma_start3A_75 : memref<128x64xf32, #tpu.memory_space<vmem>>) offsets(%dma_start3A_78 : memref<128xi32, #tpu.memory_space<vmem>>) semaphore(%arg11 : memref<!tpu.dma_semaphore, #tpu.memory_space<semaphore_mem>>)
    %dma_start3A_82 = arith.constant 3 : i32
    %dma_start3A_83 = arith.constant 0 : i32
    %dma_start3A_84 = arith.constant 3 : i32
    %dma_start3A_85 = arith.constant 0 : i32
    %dma_start3A_86 = arith.constant 0 : i32
    %dma_start3A_87 = tpu.memref_slice %arg9[%dma_start3A_83, %dma_start3A_84, %dma_start3A_85, %dma_start3A_86] : memref<2x4x128x64xf32, #tpu.memory_space<vmem>> -> memref<1x1x128x64xf32, #tpu.memory_space<vmem>>
    %dma_start3A_88 = tpu.memref_squeeze %dma_start3A_87 : memref<1x1x128x64xf32, #tpu.memory_space<vmem>> -> memref<128x64xf32, #tpu.memory_space<vmem>>
    %dma_start3A_89 = arith.constant 0 : i32
    %dma_start3A_90 = tpu.memref_slice %arg7[%dma_start3A_82, %dma_start3A_89] : memref<80x128xi32, #tpu.memory_space<vmem>> -> memref<1x128xi32, #tpu.memory_space<vmem>>
    %dma_start3A_91 = tpu.memref_squeeze %dma_start3A_90 : memref<1x128xi32, #tpu.memory_space<vmem>> -> memref<128xi32, #tpu.memory_space<vmem>>
    %dma_start3A_92 = arith.constant 0 : i32
    %dma_start3A_93 = arith.constant 0 : i32
    %dma_start3A_94 = tpu.memref_slice %arg2[%dma_start3A_92, %dma_start3A_93] : memref<10000x64xf32, #tpu.memory_space<hbm>> -> memref<10000x64xf32, #tpu.memory_space<hbm>>
    tpu.enqueue_indirect_dma source(%dma_start3A_94 : memref<10000x64xf32, #tpu.memory_space<hbm>>) target(%dma_start3A_88 : memref<128x64xf32, #tpu.memory_space<vmem>>) offsets(%dma_start3A_91 : memref<128xi32, #tpu.memory_space<vmem>>) semaphore(%arg11 : memref<!tpu.dma_semaphore, #tpu.memory_space<semaphore_mem>>)
    %scan3A = arith.constant 0 : i32
    %scan3A_95 = arith.constant 10 : i32
    %scan3A_96 = arith.addi %scan3A, %scan3A_95 : i32
    %scan3A_97 = arith.constant 1 : i32
    scf.for %scan3A_167 = %scan3A to %scan3A_96 step %scan3A_97  : i32 {
      %mul3A_168 = arith.constant 2 : i32
      %mul3A_169 = arith.muli %scan3A_167, %mul3A_168 : i32
      %add3A_170 = arith.constant 0 : i32
      %add3A_171 = arith.addi %add3A_170, %mul3A_169 : i32
      %gt3A = arith.constant 0 : i32
      %gt3A_172 = arith.cmpi sgt, %add3A_171, %gt3A : i32
      %convert_element_type3A_173 = arith.extui %gt3A_172 : i1 to i32
      %cond3A_174 = arith.constant 0 : i32
      %cond3A_175 = arith.cmpi ne, %convert_element_type3A_173, %cond3A_174 : i32
      scf.if %cond3A_175 {
        %sub3A = arith.constant 1 : i32
        %sub3A_572 = arith.subi %add3A_171, %sub3A : i32
        %mul3A_573 = arith.constant 4 : i32
        %mul3A_574 = arith.muli %sub3A_572, %mul3A_573 : i32
        %add3A_575 = arith.constant 0 : i32
        %add3A_576 = arith.addi %mul3A_574, %add3A_575 : i32
        %dma_wait3A_577 = arith.constant 1 : i32
        %dma_wait3A_578 = arith.constant 0 : i32
        %dma_wait3A_579 = arith.constant 0 : i32
        %dma_wait3A_580 = arith.constant 0 : i32
        %dma_wait3A_581 = tpu.memref_slice %arg9[%dma_wait3A_577, %dma_wait3A_578, %dma_wait3A_579, %dma_wait3A_580] : memref<2x4x128x64xf32, #tpu.memory_space<vmem>> -> memref<1x1x128x64xf32, #tpu.memory_space<vmem>>
        %dma_wait3A_582 = tpu.memref_squeeze %dma_wait3A_581 : memref<1x1x128x64xf32, #tpu.memory_space<vmem>> -> memref<128x64xf32, #tpu.memory_space<vmem>>
        %dma_wait3A_583 = arith.constant 0 : i32
        %dma_wait3A_584 = tpu.memref_slice %arg8[%add3A_576, %dma_wait3A_583] : memref<80x128xi32, #tpu.memory_space<vmem>> -> memref<1x128xi32, #tpu.memory_space<vmem>>
        %dma_wait3A_585 = tpu.memref_squeeze %dma_wait3A_584 : memref<1x128xi32, #tpu.memory_space<vmem>> -> memref<128xi32, #tpu.memory_space<vmem>>
        %dma_wait3A_586 = arith.constant 0 : i32
        %dma_wait3A_587 = arith.constant 0 : i32
        %dma_wait3A_588 = tpu.memref_slice %arg10[%dma_wait3A_586, %dma_wait3A_587] : memref<10512x64xf32, #tpu.memory_space<vmem_shared>> -> memref<10512x64xf32, #tpu.memory_space<vmem_shared>>
        tpu.wait_indirect_dma semaphore(%arg14 : memref<!tpu.dma_semaphore, #tpu.memory_space<semaphore_mem>>) src(%dma_wait3A_582 : memref<128x64xf32, #tpu.memory_space<vmem>>) dst(%dma_wait3A_588 : memref<10512x64xf32, #tpu.memory_space<vmem_shared>>)
        %mul3A_589 = arith.constant 4 : i32
        %mul3A_590 = arith.muli %sub3A_572, %mul3A_589 : i32
        %add3A_591 = arith.constant 1 : i32
        %add3A_592 = arith.addi %mul3A_590, %add3A_591 : i32
        %dma_wait3A_593 = arith.constant 1 : i32
        %dma_wait3A_594 = arith.constant 1 : i32
        %dma_wait3A_595 = arith.constant 0 : i32
        %dma_wait3A_596 = arith.constant 0 : i32
        %dma_wait3A_597 = tpu.memref_slice %arg9[%dma_wait3A_593, %dma_wait3A_594, %dma_wait3A_595, %dma_wait3A_596] : memref<2x4x128x64xf32, #tpu.memory_space<vmem>> -> memref<1x1x128x64xf32, #tpu.memory_space<vmem>>
        %dma_wait3A_598 = tpu.memref_squeeze %dma_wait3A_597 : memref<1x1x128x64xf32, #tpu.memory_space<vmem>> -> memref<128x64xf32, #tpu.memory_space<vmem>>
        %dma_wait3A_599 = arith.constant 0 : i32
        %dma_wait3A_600 = tpu.memref_slice %arg8[%add3A_592, %dma_wait3A_599] : memref<80x128xi32, #tpu.memory_space<vmem>> -> memref<1x128xi32, #tpu.memory_space<vmem>>
        %dma_wait3A_601 = tpu.memref_squeeze %dma_wait3A_600 : memref<1x128xi32, #tpu.memory_space<vmem>> -> memref<128xi32, #tpu.memory_space<vmem>>
        %dma_wait3A_602 = arith.constant 0 : i32
        %dma_wait3A_603 = arith.constant 0 : i32
        %dma_wait3A_604 = tpu.memref_slice %arg10[%dma_wait3A_602, %dma_wait3A_603] : memref<10512x64xf32, #tpu.memory_space<vmem_shared>> -> memref<10512x64xf32, #tpu.memory_space<vmem_shared>>
        tpu.wait_indirect_dma semaphore(%arg14 : memref<!tpu.dma_semaphore, #tpu.memory_space<semaphore_mem>>) src(%dma_wait3A_598 : memref<128x64xf32, #tpu.memory_space<vmem>>) dst(%dma_wait3A_604 : memref<10512x64xf32, #tpu.memory_space<vmem_shared>>)
        %mul3A_605 = arith.constant 4 : i32
        %mul3A_606 = arith.muli %sub3A_572, %mul3A_605 : i32
        %add3A_607 = arith.constant 2 : i32
        %add3A_608 = arith.addi %mul3A_606, %add3A_607 : i32
        %dma_wait3A_609 = arith.constant 1 : i32
        %dma_wait3A_610 = arith.constant 2 : i32
        %dma_wait3A_611 = arith.constant 0 : i32
        %dma_wait3A_612 = arith.constant 0 : i32
        %dma_wait3A_613 = tpu.memref_slice %arg9[%dma_wait3A_609, %dma_wait3A_610, %dma_wait3A_611, %dma_wait3A_612] : memref<2x4x128x64xf32, #tpu.memory_space<vmem>> -> memref<1x1x128x64xf32, #tpu.memory_space<vmem>>
        %dma_wait3A_614 = tpu.memref_squeeze %dma_wait3A_613 : memref<1x1x128x64xf32, #tpu.memory_space<vmem>> -> memref<128x64xf32, #tpu.memory_space<vmem>>
        %dma_wait3A_615 = arith.constant 0 : i32
        %dma_wait3A_616 = tpu.memref_slice %arg8[%add3A_608, %dma_wait3A_615] : memref<80x128xi32, #tpu.memory_space<vmem>> -> memref<1x128xi32, #tpu.memory_space<vmem>>
        %dma_wait3A_617 = tpu.memref_squeeze %dma_wait3A_616 : memref<1x128xi32, #tpu.memory_space<vmem>> -> memref<128xi32, #tpu.memory_space<vmem>>
        %dma_wait3A_618 = arith.constant 0 : i32
        %dma_wait3A_619 = arith.constant 0 : i32
        %dma_wait3A_620 = tpu.memref_slice %arg10[%dma_wait3A_618, %dma_wait3A_619] : memref<10512x64xf32, #tpu.memory_space<vmem_shared>> -> memref<10512x64xf32, #tpu.memory_space<vmem_shared>>
        tpu.wait_indirect_dma semaphore(%arg14 : memref<!tpu.dma_semaphore, #tpu.memory_space<semaphore_mem>>) src(%dma_wait3A_614 : memref<128x64xf32, #tpu.memory_space<vmem>>) dst(%dma_wait3A_620 : memref<10512x64xf32, #tpu.memory_space<vmem_shared>>)
        %mul3A_621 = arith.constant 4 : i32
        %mul3A_622 = arith.muli %sub3A_572, %mul3A_621 : i32
        %add3A_623 = arith.constant 3 : i32
        %add3A_624 = arith.addi %mul3A_622, %add3A_623 : i32
        %dma_wait3A_625 = arith.constant 1 : i32
        %dma_wait3A_626 = arith.constant 3 : i32
        %dma_wait3A_627 = arith.constant 0 : i32
        %dma_wait3A_628 = arith.constant 0 : i32
        %dma_wait3A_629 = tpu.memref_slice %arg9[%dma_wait3A_625, %dma_wait3A_626, %dma_wait3A_627, %dma_wait3A_628] : memref<2x4x128x64xf32, #tpu.memory_space<vmem>> -> memref<1x1x128x64xf32, #tpu.memory_space<vmem>>
        %dma_wait3A_630 = tpu.memref_squeeze %dma_wait3A_629 : memref<1x1x128x64xf32, #tpu.memory_space<vmem>> -> memref<128x64xf32, #tpu.memory_space<vmem>>
        %dma_wait3A_631 = arith.constant 0 : i32
        %dma_wait3A_632 = tpu.memref_slice %arg8[%add3A_624, %dma_wait3A_631] : memref<80x128xi32, #tpu.memory_space<vmem>> -> memref<1x128xi32, #tpu.memory_space<vmem>>
        %dma_wait3A_633 = tpu.memref_squeeze %dma_wait3A_632 : memref<1x128xi32, #tpu.memory_space<vmem>> -> memref<128xi32, #tpu.memory_space<vmem>>
        %dma_wait3A_634 = arith.constant 0 : i32
        %dma_wait3A_635 = arith.constant 0 : i32
        %dma_wait3A_636 = tpu.memref_slice %arg10[%dma_wait3A_634, %dma_wait3A_635] : memref<10512x64xf32, #tpu.memory_space<vmem_shared>> -> memref<10512x64xf32, #tpu.memory_space<vmem_shared>>
        tpu.wait_indirect_dma semaphore(%arg14 : memref<!tpu.dma_semaphore, #tpu.memory_space<semaphore_mem>>) src(%dma_wait3A_630 : memref<128x64xf32, #tpu.memory_space<vmem>>) dst(%dma_wait3A_636 : memref<10512x64xf32, #tpu.memory_space<vmem_shared>>)
      } else {
      }
      %add3A_176 = arith.constant 1 : i32
      %add3A_177 = arith.addi %add3A_171, %add3A_176 : i32
      %mul3A_178 = arith.constant 4 : i32
      %mul3A_179 = arith.muli %add3A_177, %mul3A_178 : i32
      %add3A_180 = arith.constant 0 : i32
      %add3A_181 = arith.addi %mul3A_179, %add3A_180 : i32
      %dma_start3A_182 = arith.constant 1 : i32
      %dma_start3A_183 = arith.constant 0 : i32
      %dma_start3A_184 = arith.constant 0 : i32
      %dma_start3A_185 = arith.constant 0 : i32
      %dma_start3A_186 = tpu.memref_slice %arg9[%dma_start3A_182, %dma_start3A_183, %dma_start3A_184, %dma_start3A_185] : memref<2x4x128x64xf32, #tpu.memory_space<vmem>> -> memref<1x1x128x64xf32, #tpu.memory_space<vmem>>
      %dma_start3A_187 = tpu.memref_squeeze %dma_start3A_186 : memref<1x1x128x64xf32, #tpu.memory_space<vmem>> -> memref<128x64xf32, #tpu.memory_space<vmem>>
      %dma_start3A_188 = arith.constant 0 : i32
      %dma_start3A_189 = tpu.memref_slice %arg7[%add3A_181, %dma_start3A_188] : memref<80x128xi32, #tpu.memory_space<vmem>> -> memref<1x128xi32, #tpu.memory_space<vmem>>
      %dma_start3A_190 = tpu.memref_squeeze %dma_start3A_189 : memref<1x128xi32, #tpu.memory_space<vmem>> -> memref<128xi32, #tpu.memory_space<vmem>>
      %dma_start3A_191 = arith.constant 0 : i32
      %dma_start3A_192 = arith.constant 0 : i32
      %dma_start3A_193 = tpu.memref_slice %arg2[%dma_start3A_191, %dma_start3A_192] : memref<10000x64xf32, #tpu.memory_space<hbm>> -> memref<10000x64xf32, #tpu.memory_space<hbm>>
      tpu.enqueue_indirect_dma source(%dma_start3A_193 : memref<10000x64xf32, #tpu.memory_space<hbm>>) target(%dma_start3A_187 : memref<128x64xf32, #tpu.memory_space<vmem>>) offsets(%dma_start3A_190 : memref<128xi32, #tpu.memory_space<vmem>>) semaphore(%arg12 : memref<!tpu.dma_semaphore, #tpu.memory_space<semaphore_mem>>)
      %mul3A_194 = arith.constant 4 : i32
      %mul3A_195 = arith.muli %add3A_177, %mul3A_194 : i32
      %add3A_196 = arith.constant 1 : i32
      %add3A_197 = arith.addi %mul3A_195, %add3A_196 : i32
      %dma_start3A_198 = arith.constant 1 : i32
      %dma_start3A_199 = arith.constant 1 : i32
      %dma_start3A_200 = arith.constant 0 : i32
      %dma_start3A_201 = arith.constant 0 : i32
      %dma_start3A_202 = tpu.memref_slice %arg9[%dma_start3A_198, %dma_start3A_199, %dma_start3A_200, %dma_start3A_201] : memref<2x4x128x64xf32, #tpu.memory_space<vmem>> -> memref<1x1x128x64xf32, #tpu.memory_space<vmem>>
      %dma_start3A_203 = tpu.memref_squeeze %dma_start3A_202 : memref<1x1x128x64xf32, #tpu.memory_space<vmem>> -> memref<128x64xf32, #tpu.memory_space<vmem>>
      %dma_start3A_204 = arith.constant 0 : i32
      %dma_start3A_205 = tpu.memref_slice %arg7[%add3A_197, %dma_start3A_204] : memref<80x128xi32, #tpu.memory_space<vmem>> -> memref<1x128xi32, #tpu.memory_space<vmem>>
      %dma_start3A_206 = tpu.memref_squeeze %dma_start3A_205 : memref<1x128xi32, #tpu.memory_space<vmem>> -> memref<128xi32, #tpu.memory_space<vmem>>
      %dma_start3A_207 = arith.constant 0 : i32
      %dma_start3A_208 = arith.constant 0 : i32
      %dma_start3A_209 = tpu.memref_slice %arg2[%dma_start3A_207, %dma_start3A_208] : memref<10000x64xf32, #tpu.memory_space<hbm>> -> memref<10000x64xf32, #tpu.memory_space<hbm>>
      tpu.enqueue_indirect_dma source(%dma_start3A_209 : memref<10000x64xf32, #tpu.memory_space<hbm>>) target(%dma_start3A_203 : memref<128x64xf32, #tpu.memory_space<vmem>>) offsets(%dma_start3A_206 : memref<128xi32, #tpu.memory_space<vmem>>) semaphore(%arg12 : memref<!tpu.dma_semaphore, #tpu.memory_space<semaphore_mem>>)
      %mul3A_210 = arith.constant 4 : i32
      %mul3A_211 = arith.muli %add3A_177, %mul3A_210 : i32
      %add3A_212 = arith.constant 2 : i32
      %add3A_213 = arith.addi %mul3A_211, %add3A_212 : i32
      %dma_start3A_214 = arith.constant 1 : i32
      %dma_start3A_215 = arith.constant 2 : i32
      %dma_start3A_216 = arith.constant 0 : i32
      %dma_start3A_217 = arith.constant 0 : i32
      %dma_start3A_218 = tpu.memref_slice %arg9[%dma_start3A_214, %dma_start3A_215, %dma_start3A_216, %dma_start3A_217] : memref<2x4x128x64xf32, #tpu.memory_space<vmem>> -> memref<1x1x128x64xf32, #tpu.memory_space<vmem>>
      %dma_start3A_219 = tpu.memref_squeeze %dma_start3A_218 : memref<1x1x128x64xf32, #tpu.memory_space<vmem>> -> memref<128x64xf32, #tpu.memory_space<vmem>>
      %dma_start3A_220 = arith.constant 0 : i32
      %dma_start3A_221 = tpu.memref_slice %arg7[%add3A_213, %dma_start3A_220] : memref<80x128xi32, #tpu.memory_space<vmem>> -> memref<1x128xi32, #tpu.memory_space<vmem>>
      %dma_start3A_222 = tpu.memref_squeeze %dma_start3A_221 : memref<1x128xi32, #tpu.memory_space<vmem>> -> memref<128xi32, #tpu.memory_space<vmem>>
      %dma_start3A_223 = arith.constant 0 : i32
      %dma_start3A_224 = arith.constant 0 : i32
      %dma_start3A_225 = tpu.memref_slice %arg2[%dma_start3A_223, %dma_start3A_224] : memref<10000x64xf32, #tpu.memory_space<hbm>> -> memref<10000x64xf32, #tpu.memory_space<hbm>>
      tpu.enqueue_indirect_dma source(%dma_start3A_225 : memref<10000x64xf32, #tpu.memory_space<hbm>>) target(%dma_start3A_219 : memref<128x64xf32, #tpu.memory_space<vmem>>) offsets(%dma_start3A_222 : memref<128xi32, #tpu.memory_space<vmem>>) semaphore(%arg12 : memref<!tpu.dma_semaphore, #tpu.memory_space<semaphore_mem>>)
      %mul3A_226 = arith.constant 4 : i32
      %mul3A_227 = arith.muli %add3A_177, %mul3A_226 : i32
      %add3A_228 = arith.constant 3 : i32
      %add3A_229 = arith.addi %mul3A_227, %add3A_228 : i32
      %dma_start3A_230 = arith.constant 1 : i32
      %dma_start3A_231 = arith.constant 3 : i32
      %dma_start3A_232 = arith.constant 0 : i32
      %dma_start3A_233 = arith.constant 0 : i32
      %dma_start3A_234 = tpu.memref_slice %arg9[%dma_start3A_230, %dma_start3A_231, %dma_start3A_232, %dma_start3A_233] : memref<2x4x128x64xf32, #tpu.memory_space<vmem>> -> memref<1x1x128x64xf32, #tpu.memory_space<vmem>>
      %dma_start3A_235 = tpu.memref_squeeze %dma_start3A_234 : memref<1x1x128x64xf32, #tpu.memory_space<vmem>> -> memref<128x64xf32, #tpu.memory_space<vmem>>
      %dma_start3A_236 = arith.constant 0 : i32
      %dma_start3A_237 = tpu.memref_slice %arg7[%add3A_229, %dma_start3A_236] : memref<80x128xi32, #tpu.memory_space<vmem>> -> memref<1x128xi32, #tpu.memory_space<vmem>>
      %dma_start3A_238 = tpu.memref_squeeze %dma_start3A_237 : memref<1x128xi32, #tpu.memory_space<vmem>> -> memref<128xi32, #tpu.memory_space<vmem>>
      %dma_start3A_239 = arith.constant 0 : i32
      %dma_start3A_240 = arith.constant 0 : i32
      %dma_start3A_241 = tpu.memref_slice %arg2[%dma_start3A_239, %dma_start3A_240] : memref<10000x64xf32, #tpu.memory_space<hbm>> -> memref<10000x64xf32, #tpu.memory_space<hbm>>
      tpu.enqueue_indirect_dma source(%dma_start3A_241 : memref<10000x64xf32, #tpu.memory_space<hbm>>) target(%dma_start3A_235 : memref<128x64xf32, #tpu.memory_space<vmem>>) offsets(%dma_start3A_238 : memref<128xi32, #tpu.memory_space<vmem>>) semaphore(%arg12 : memref<!tpu.dma_semaphore, #tpu.memory_space<semaphore_mem>>)
      %mul3A_242 = arith.constant 4 : i32
      %mul3A_243 = arith.muli %add3A_171, %mul3A_242 : i32
      %add3A_244 = arith.constant 0 : i32
      %add3A_245 = arith.addi %mul3A_243, %add3A_244 : i32
      %dma_wait3A_246 = arith.constant 0 : i32
      %dma_wait3A_247 = arith.constant 0 : i32
      %dma_wait3A_248 = arith.constant 0 : i32
      %dma_wait3A_249 = arith.constant 0 : i32
      %dma_wait3A_250 = tpu.memref_slice %arg9[%dma_wait3A_246, %dma_wait3A_247, %dma_wait3A_248, %dma_wait3A_249] : memref<2x4x128x64xf32, #tpu.memory_space<vmem>> -> memref<1x1x128x64xf32, #tpu.memory_space<vmem>>
      %dma_wait3A_251 = tpu.memref_squeeze %dma_wait3A_250 : memref<1x1x128x64xf32, #tpu.memory_space<vmem>> -> memref<128x64xf32, #tpu.memory_space<vmem>>
      %dma_wait3A_252 = arith.constant 0 : i32
      %dma_wait3A_253 = tpu.memref_slice %arg7[%add3A_245, %dma_wait3A_252] : memref<80x128xi32, #tpu.memory_space<vmem>> -> memref<1x128xi32, #tpu.memory_space<vmem>>
      %dma_wait3A_254 = tpu.memref_squeeze %dma_wait3A_253 : memref<1x128xi32, #tpu.memory_space<vmem>> -> memref<128xi32, #tpu.memory_space<vmem>>
      %dma_wait3A_255 = arith.constant 0 : i32
      %dma_wait3A_256 = arith.constant 0 : i32
      %dma_wait3A_257 = tpu.memref_slice %arg2[%dma_wait3A_255, %dma_wait3A_256] : memref<10000x64xf32, #tpu.memory_space<hbm>> -> memref<10000x64xf32, #tpu.memory_space<hbm>>
      tpu.wait_indirect_dma semaphore(%arg11 : memref<!tpu.dma_semaphore, #tpu.memory_space<semaphore_mem>>) src(%dma_wait3A_257 : memref<10000x64xf32, #tpu.memory_space<hbm>>) dst(%dma_wait3A_251 : memref<128x64xf32, #tpu.memory_space<vmem>>)
      %mul3A_258 = arith.constant 4 : i32
      %mul3A_259 = arith.muli %add3A_171, %mul3A_258 : i32
      %add3A_260 = arith.constant 1 : i32
      %add3A_261 = arith.addi %mul3A_259, %add3A_260 : i32
      %dma_wait3A_262 = arith.constant 0 : i32
      %dma_wait3A_263 = arith.constant 1 : i32
      %dma_wait3A_264 = arith.constant 0 : i32
      %dma_wait3A_265 = arith.constant 0 : i32
      %dma_wait3A_266 = tpu.memref_slice %arg9[%dma_wait3A_262, %dma_wait3A_263, %dma_wait3A_264, %dma_wait3A_265] : memref<2x4x128x64xf32, #tpu.memory_space<vmem>> -> memref<1x1x128x64xf32, #tpu.memory_space<vmem>>
      %dma_wait3A_267 = tpu.memref_squeeze %dma_wait3A_266 : memref<1x1x128x64xf32, #tpu.memory_space<vmem>> -> memref<128x64xf32, #tpu.memory_space<vmem>>
      %dma_wait3A_268 = arith.constant 0 : i32
      %dma_wait3A_269 = tpu.memref_slice %arg7[%add3A_261, %dma_wait3A_268] : memref<80x128xi32, #tpu.memory_space<vmem>> -> memref<1x128xi32, #tpu.memory_space<vmem>>
      %dma_wait3A_270 = tpu.memref_squeeze %dma_wait3A_269 : memref<1x128xi32, #tpu.memory_space<vmem>> -> memref<128xi32, #tpu.memory_space<vmem>>
      %dma_wait3A_271 = arith.constant 0 : i32
      %dma_wait3A_272 = arith.constant 0 : i32
      %dma_wait3A_273 = tpu.memref_slice %arg2[%dma_wait3A_271, %dma_wait3A_272] : memref<10000x64xf32, #tpu.memory_space<hbm>> -> memref<10000x64xf32, #tpu.memory_space<hbm>>
      tpu.wait_indirect_dma semaphore(%arg11 : memref<!tpu.dma_semaphore, #tpu.memory_space<semaphore_mem>>) src(%dma_wait3A_273 : memref<10000x64xf32, #tpu.memory_space<hbm>>) dst(%dma_wait3A_267 : memref<128x64xf32, #tpu.memory_space<vmem>>)
      %mul3A_274 = arith.constant 4 : i32
      %mul3A_275 = arith.muli %add3A_171, %mul3A_274 : i32
      %add3A_276 = arith.constant 2 : i32
      %add3A_277 = arith.addi %mul3A_275, %add3A_276 : i32
      %dma_wait3A_278 = arith.constant 0 : i32
      %dma_wait3A_279 = arith.constant 2 : i32
      %dma_wait3A_280 = arith.constant 0 : i32
      %dma_wait3A_281 = arith.constant 0 : i32
      %dma_wait3A_282 = tpu.memref_slice %arg9[%dma_wait3A_278, %dma_wait3A_279, %dma_wait3A_280, %dma_wait3A_281] : memref<2x4x128x64xf32, #tpu.memory_space<vmem>> -> memref<1x1x128x64xf32, #tpu.memory_space<vmem>>
      %dma_wait3A_283 = tpu.memref_squeeze %dma_wait3A_282 : memref<1x1x128x64xf32, #tpu.memory_space<vmem>> -> memref<128x64xf32, #tpu.memory_space<vmem>>
      %dma_wait3A_284 = arith.constant 0 : i32
      %dma_wait3A_285 = tpu.memref_slice %arg7[%add3A_277, %dma_wait3A_284] : memref<80x128xi32, #tpu.memory_space<vmem>> -> memref<1x128xi32, #tpu.memory_space<vmem>>
      %dma_wait3A_286 = tpu.memref_squeeze %dma_wait3A_285 : memref<1x128xi32, #tpu.memory_space<vmem>> -> memref<128xi32, #tpu.memory_space<vmem>>
      %dma_wait3A_287 = arith.constant 0 : i32
      %dma_wait3A_288 = arith.constant 0 : i32
      %dma_wait3A_289 = tpu.memref_slice %arg2[%dma_wait3A_287, %dma_wait3A_288] : memref<10000x64xf32, #tpu.memory_space<hbm>> -> memref<10000x64xf32, #tpu.memory_space<hbm>>
      tpu.wait_indirect_dma semaphore(%arg11 : memref<!tpu.dma_semaphore, #tpu.memory_space<semaphore_mem>>) src(%dma_wait3A_289 : memref<10000x64xf32, #tpu.memory_space<hbm>>) dst(%dma_wait3A_283 : memref<128x64xf32, #tpu.memory_space<vmem>>)
      %mul3A_290 = arith.constant 4 : i32
      %mul3A_291 = arith.muli %add3A_171, %mul3A_290 : i32
      %add3A_292 = arith.constant 3 : i32
      %add3A_293 = arith.addi %mul3A_291, %add3A_292 : i32
      %dma_wait3A_294 = arith.constant 0 : i32
      %dma_wait3A_295 = arith.constant 3 : i32
      %dma_wait3A_296 = arith.constant 0 : i32
      %dma_wait3A_297 = arith.constant 0 : i32
      %dma_wait3A_298 = tpu.memref_slice %arg9[%dma_wait3A_294, %dma_wait3A_295, %dma_wait3A_296, %dma_wait3A_297] : memref<2x4x128x64xf32, #tpu.memory_space<vmem>> -> memref<1x1x128x64xf32, #tpu.memory_space<vmem>>
      %dma_wait3A_299 = tpu.memref_squeeze %dma_wait3A_298 : memref<1x1x128x64xf32, #tpu.memory_space<vmem>> -> memref<128x64xf32, #tpu.memory_space<vmem>>
      %dma_wait3A_300 = arith.constant 0 : i32
      %dma_wait3A_301 = tpu.memref_slice %arg7[%add3A_293, %dma_wait3A_300] : memref<80x128xi32, #tpu.memory_space<vmem>> -> memref<1x128xi32, #tpu.memory_space<vmem>>
      %dma_wait3A_302 = tpu.memref_squeeze %dma_wait3A_301 : memref<1x128xi32, #tpu.memory_space<vmem>> -> memref<128xi32, #tpu.memory_space<vmem>>
      %dma_wait3A_303 = arith.constant 0 : i32
      %dma_wait3A_304 = arith.constant 0 : i32
      %dma_wait3A_305 = tpu.memref_slice %arg2[%dma_wait3A_303, %dma_wait3A_304] : memref<10000x64xf32, #tpu.memory_space<hbm>> -> memref<10000x64xf32, #tpu.memory_space<hbm>>
      tpu.wait_indirect_dma semaphore(%arg11 : memref<!tpu.dma_semaphore, #tpu.memory_space<semaphore_mem>>) src(%dma_wait3A_305 : memref<10000x64xf32, #tpu.memory_space<hbm>>) dst(%dma_wait3A_299 : memref<128x64xf32, #tpu.memory_space<vmem>>)
      %mul3A_306 = arith.constant 4 : i32
      %mul3A_307 = arith.muli %add3A_171, %mul3A_306 : i32
      %add3A_308 = arith.constant 0 : i32
      %add3A_309 = arith.addi %mul3A_307, %add3A_308 : i32
      %dma_start3A_310 = arith.constant 0 : i32
      %dma_start3A_311 = arith.constant 0 : i32
      %dma_start3A_312 = arith.constant 0 : i32
      %dma_start3A_313 = arith.constant 0 : i32
      %dma_start3A_314 = tpu.memref_slice %arg9[%dma_start3A_310, %dma_start3A_311, %dma_start3A_312, %dma_start3A_313] : memref<2x4x128x64xf32, #tpu.memory_space<vmem>> -> memref<1x1x128x64xf32, #tpu.memory_space<vmem>>
      %dma_start3A_315 = tpu.memref_squeeze %dma_start3A_314 : memref<1x1x128x64xf32, #tpu.memory_space<vmem>> -> memref<128x64xf32, #tpu.memory_space<vmem>>
      %dma_start3A_316 = arith.constant 0 : i32
      %dma_start3A_317 = tpu.memref_slice %arg8[%add3A_309, %dma_start3A_316] : memref<80x128xi32, #tpu.memory_space<vmem>> -> memref<1x128xi32, #tpu.memory_space<vmem>>
      %dma_start3A_318 = tpu.memref_squeeze %dma_start3A_317 : memref<1x128xi32, #tpu.memory_space<vmem>> -> memref<128xi32, #tpu.memory_space<vmem>>
      %dma_start3A_319 = arith.constant 0 : i32
      %dma_start3A_320 = arith.constant 0 : i32
      %dma_start3A_321 = tpu.memref_slice %arg10[%dma_start3A_319, %dma_start3A_320] : memref<10512x64xf32, #tpu.memory_space<vmem_shared>> -> memref<10512x64xf32, #tpu.memory_space<vmem_shared>>
      tpu.enqueue_indirect_dma source(%dma_start3A_315 : memref<128x64xf32, #tpu.memory_space<vmem>>) target(%dma_start3A_321 : memref<10512x64xf32, #tpu.memory_space<vmem_shared>>) offsets(%dma_start3A_318 : memref<128xi32, #tpu.memory_space<vmem>>) semaphore(%arg13 : memref<!tpu.dma_semaphore, #tpu.memory_space<semaphore_mem>>) {add = true}
      %mul3A_322 = arith.constant 4 : i32
      %mul3A_323 = arith.muli %add3A_171, %mul3A_322 : i32
      %add3A_324 = arith.constant 1 : i32
      %add3A_325 = arith.addi %mul3A_323, %add3A_324 : i32
      %dma_start3A_326 = arith.constant 0 : i32
      %dma_start3A_327 = arith.constant 1 : i32
      %dma_start3A_328 = arith.constant 0 : i32
      %dma_start3A_329 = arith.constant 0 : i32
      %dma_start3A_330 = tpu.memref_slice %arg9[%dma_start3A_326, %dma_start3A_327, %dma_start3A_328, %dma_start3A_329] : memref<2x4x128x64xf32, #tpu.memory_space<vmem>> -> memref<1x1x128x64xf32, #tpu.memory_space<vmem>>
      %dma_start3A_331 = tpu.memref_squeeze %dma_start3A_330 : memref<1x1x128x64xf32, #tpu.memory_space<vmem>> -> memref<128x64xf32, #tpu.memory_space<vmem>>
      %dma_start3A_332 = arith.constant 0 : i32
      %dma_start3A_333 = tpu.memref_slice %arg8[%add3A_325, %dma_start3A_332] : memref<80x128xi32, #tpu.memory_space<vmem>> -> memref<1x128xi32, #tpu.memory_space<vmem>>
      %dma_start3A_334 = tpu.memref_squeeze %dma_start3A_333 : memref<1x128xi32, #tpu.memory_space<vmem>> -> memref<128xi32, #tpu.memory_space<vmem>>
      %dma_start3A_335 = arith.constant 0 : i32
      %dma_start3A_336 = arith.constant 0 : i32
      %dma_start3A_337 = tpu.memref_slice %arg10[%dma_start3A_335, %dma_start3A_336] : memref<10512x64xf32, #tpu.memory_space<vmem_shared>> -> memref<10512x64xf32, #tpu.memory_space<vmem_shared>>
      tpu.enqueue_indirect_dma source(%dma_start3A_331 : memref<128x64xf32, #tpu.memory_space<vmem>>) target(%dma_start3A_337 : memref<10512x64xf32, #tpu.memory_space<vmem_shared>>) offsets(%dma_start3A_334 : memref<128xi32, #tpu.memory_space<vmem>>) semaphore(%arg13 : memref<!tpu.dma_semaphore, #tpu.memory_space<semaphore_mem>>) {add = true}
      %mul3A_338 = arith.constant 4 : i32
      %mul3A_339 = arith.muli %add3A_171, %mul3A_338 : i32
      %add3A_340 = arith.constant 2 : i32
      %add3A_341 = arith.addi %mul3A_339, %add3A_340 : i32
      %dma_start3A_342 = arith.constant 0 : i32
      %dma_start3A_343 = arith.constant 2 : i32
      %dma_start3A_344 = arith.constant 0 : i32
      %dma_start3A_345 = arith.constant 0 : i32
      %dma_start3A_346 = tpu.memref_slice %arg9[%dma_start3A_342, %dma_start3A_343, %dma_start3A_344, %dma_start3A_345] : memref<2x4x128x64xf32, #tpu.memory_space<vmem>> -> memref<1x1x128x64xf32, #tpu.memory_space<vmem>>
      %dma_start3A_347 = tpu.memref_squeeze %dma_start3A_346 : memref<1x1x128x64xf32, #tpu.memory_space<vmem>> -> memref<128x64xf32, #tpu.memory_space<vmem>>
      %dma_start3A_348 = arith.constant 0 : i32
      %dma_start3A_349 = tpu.memref_slice %arg8[%add3A_341, %dma_start3A_348] : memref<80x128xi32, #tpu.memory_space<vmem>> -> memref<1x128xi32, #tpu.memory_space<vmem>>
      %dma_start3A_350 = tpu.memref_squeeze %dma_start3A_349 : memref<1x128xi32, #tpu.memory_space<vmem>> -> memref<128xi32, #tpu.memory_space<vmem>>
      %dma_start3A_351 = arith.constant 0 : i32
      %dma_start3A_352 = arith.constant 0 : i32
      %dma_start3A_353 = tpu.memref_slice %arg10[%dma_start3A_351, %dma_start3A_352] : memref<10512x64xf32, #tpu.memory_space<vmem_shared>> -> memref<10512x64xf32, #tpu.memory_space<vmem_shared>>
      tpu.enqueue_indirect_dma source(%dma_start3A_347 : memref<128x64xf32, #tpu.memory_space<vmem>>) target(%dma_start3A_353 : memref<10512x64xf32, #tpu.memory_space<vmem_shared>>) offsets(%dma_start3A_350 : memref<128xi32, #tpu.memory_space<vmem>>) semaphore(%arg13 : memref<!tpu.dma_semaphore, #tpu.memory_space<semaphore_mem>>) {add = true}
      %mul3A_354 = arith.constant 4 : i32
      %mul3A_355 = arith.muli %add3A_171, %mul3A_354 : i32
      %add3A_356 = arith.constant 3 : i32
      %add3A_357 = arith.addi %mul3A_355, %add3A_356 : i32
      %dma_start3A_358 = arith.constant 0 : i32
      %dma_start3A_359 = arith.constant 3 : i32
      %dma_start3A_360 = arith.constant 0 : i32
      %dma_start3A_361 = arith.constant 0 : i32
      %dma_start3A_362 = tpu.memref_slice %arg9[%dma_start3A_358, %dma_start3A_359, %dma_start3A_360, %dma_start3A_361] : memref<2x4x128x64xf32, #tpu.memory_space<vmem>> -> memref<1x1x128x64xf32, #tpu.memory_space<vmem>>
      %dma_start3A_363 = tpu.memref_squeeze %dma_start3A_362 : memref<1x1x128x64xf32, #tpu.memory_space<vmem>> -> memref<128x64xf32, #tpu.memory_space<vmem>>
      %dma_start3A_364 = arith.constant 0 : i32
      %dma_start3A_365 = tpu.memref_slice %arg8[%add3A_357, %dma_start3A_364] : memref<80x128xi32, #tpu.memory_space<vmem>> -> memref<1x128xi32, #tpu.memory_space<vmem>>
      %dma_start3A_366 = tpu.memref_squeeze %dma_start3A_365 : memref<1x128xi32, #tpu.memory_space<vmem>> -> memref<128xi32, #tpu.memory_space<vmem>>
      %dma_start3A_367 = arith.constant 0 : i32
      %dma_start3A_368 = arith.constant 0 : i32
      %dma_start3A_369 = tpu.memref_slice %arg10[%dma_start3A_367, %dma_start3A_368] : memref<10512x64xf32, #tpu.memory_space<vmem_shared>> -> memref<10512x64xf32, #tpu.memory_space<vmem_shared>>
      tpu.enqueue_indirect_dma source(%dma_start3A_363 : memref<128x64xf32, #tpu.memory_space<vmem>>) target(%dma_start3A_369 : memref<10512x64xf32, #tpu.memory_space<vmem_shared>>) offsets(%dma_start3A_366 : memref<128xi32, #tpu.memory_space<vmem>>) semaphore(%arg13 : memref<!tpu.dma_semaphore, #tpu.memory_space<semaphore_mem>>) {add = true}
      %mul3A_370 = arith.constant 4 : i32
      %mul3A_371 = arith.muli %add3A_171, %mul3A_370 : i32
      %add3A_372 = arith.constant 0 : i32
      %add3A_373 = arith.addi %mul3A_371, %add3A_372 : i32
      %dma_wait3A_374 = arith.constant 0 : i32
      %dma_wait3A_375 = arith.constant 0 : i32
      %dma_wait3A_376 = arith.constant 0 : i32
      %dma_wait3A_377 = arith.constant 0 : i32
      %dma_wait3A_378 = tpu.memref_slice %arg9[%dma_wait3A_374, %dma_wait3A_375, %dma_wait3A_376, %dma_wait3A_377] : memref<2x4x128x64xf32, #tpu.memory_space<vmem>> -> memref<1x1x128x64xf32, #tpu.memory_space<vmem>>
      %dma_wait3A_379 = tpu.memref_squeeze %dma_wait3A_378 : memref<1x1x128x64xf32, #tpu.memory_space<vmem>> -> memref<128x64xf32, #tpu.memory_space<vmem>>
      %dma_wait3A_380 = arith.constant 0 : i32
      %dma_wait3A_381 = tpu.memref_slice %arg8[%add3A_373, %dma_wait3A_380] : memref<80x128xi32, #tpu.memory_space<vmem>> -> memref<1x128xi32, #tpu.memory_space<vmem>>
      %dma_wait3A_382 = tpu.memref_squeeze %dma_wait3A_381 : memref<1x128xi32, #tpu.memory_space<vmem>> -> memref<128xi32, #tpu.memory_space<vmem>>
      %dma_wait3A_383 = arith.constant 0 : i32
      %dma_wait3A_384 = arith.constant 0 : i32
      %dma_wait3A_385 = tpu.memref_slice %arg10[%dma_wait3A_383, %dma_wait3A_384] : memref<10512x64xf32, #tpu.memory_space<vmem_shared>> -> memref<10512x64xf32, #tpu.memory_space<vmem_shared>>
      tpu.wait_indirect_dma semaphore(%arg13 : memref<!tpu.dma_semaphore, #tpu.memory_space<semaphore_mem>>) src(%dma_wait3A_379 : memref<128x64xf32, #tpu.memory_space<vmem>>) dst(%dma_wait3A_385 : memref<10512x64xf32, #tpu.memory_space<vmem_shared>>)
      %mul3A_386 = arith.constant 4 : i32
      %mul3A_387 = arith.muli %add3A_171, %mul3A_386 : i32
      %add3A_388 = arith.constant 1 : i32
      %add3A_389 = arith.addi %mul3A_387, %add3A_388 : i32
      %dma_wait3A_390 = arith.constant 0 : i32
      %dma_wait3A_391 = arith.constant 1 : i32
      %dma_wait3A_392 = arith.constant 0 : i32
      %dma_wait3A_393 = arith.constant 0 : i32
      %dma_wait3A_394 = tpu.memref_slice %arg9[%dma_wait3A_390, %dma_wait3A_391, %dma_wait3A_392, %dma_wait3A_393] : memref<2x4x128x64xf32, #tpu.memory_space<vmem>> -> memref<1x1x128x64xf32, #tpu.memory_space<vmem>>
      %dma_wait3A_395 = tpu.memref_squeeze %dma_wait3A_394 : memref<1x1x128x64xf32, #tpu.memory_space<vmem>> -> memref<128x64xf32, #tpu.memory_space<vmem>>
      %dma_wait3A_396 = arith.constant 0 : i32
      %dma_wait3A_397 = tpu.memref_slice %arg8[%add3A_389, %dma_wait3A_396] : memref<80x128xi32, #tpu.memory_space<vmem>> -> memref<1x128xi32, #tpu.memory_space<vmem>>
      %dma_wait3A_398 = tpu.memref_squeeze %dma_wait3A_397 : memref<1x128xi32, #tpu.memory_space<vmem>> -> memref<128xi32, #tpu.memory_space<vmem>>
      %dma_wait3A_399 = arith.constant 0 : i32
      %dma_wait3A_400 = arith.constant 0 : i32
      %dma_wait3A_401 = tpu.memref_slice %arg10[%dma_wait3A_399, %dma_wait3A_400] : memref<10512x64xf32, #tpu.memory_space<vmem_shared>> -> memref<10512x64xf32, #tpu.memory_space<vmem_shared>>
      tpu.wait_indirect_dma semaphore(%arg13 : memref<!tpu.dma_semaphore, #tpu.memory_space<semaphore_mem>>) src(%dma_wait3A_395 : memref<128x64xf32, #tpu.memory_space<vmem>>) dst(%dma_wait3A_401 : memref<10512x64xf32, #tpu.memory_space<vmem_shared>>)
      %mul3A_402 = arith.constant 4 : i32
      %mul3A_403 = arith.muli %add3A_171, %mul3A_402 : i32
      %add3A_404 = arith.constant 2 : i32
      %add3A_405 = arith.addi %mul3A_403, %add3A_404 : i32
      %dma_wait3A_406 = arith.constant 0 : i32
      %dma_wait3A_407 = arith.constant 2 : i32
      %dma_wait3A_408 = arith.constant 0 : i32
      %dma_wait3A_409 = arith.constant 0 : i32
      %dma_wait3A_410 = tpu.memref_slice %arg9[%dma_wait3A_406, %dma_wait3A_407, %dma_wait3A_408, %dma_wait3A_409] : memref<2x4x128x64xf32, #tpu.memory_space<vmem>> -> memref<1x1x128x64xf32, #tpu.memory_space<vmem>>
      %dma_wait3A_411 = tpu.memref_squeeze %dma_wait3A_410 : memref<1x1x128x64xf32, #tpu.memory_space<vmem>> -> memref<128x64xf32, #tpu.memory_space<vmem>>
      %dma_wait3A_412 = arith.constant 0 : i32
      %dma_wait3A_413 = tpu.memref_slice %arg8[%add3A_405, %dma_wait3A_412] : memref<80x128xi32, #tpu.memory_space<vmem>> -> memref<1x128xi32, #tpu.memory_space<vmem>>
      %dma_wait3A_414 = tpu.memref_squeeze %dma_wait3A_413 : memref<1x128xi32, #tpu.memory_space<vmem>> -> memref<128xi32, #tpu.memory_space<vmem>>
      %dma_wait3A_415 = arith.constant 0 : i32
      %dma_wait3A_416 = arith.constant 0 : i32
      %dma_wait3A_417 = tpu.memref_slice %arg10[%dma_wait3A_415, %dma_wait3A_416] : memref<10512x64xf32, #tpu.memory_space<vmem_shared>> -> memref<10512x64xf32, #tpu.memory_space<vmem_shared>>
      tpu.wait_indirect_dma semaphore(%arg13 : memref<!tpu.dma_semaphore, #tpu.memory_space<semaphore_mem>>) src(%dma_wait3A_411 : memref<128x64xf32, #tpu.memory_space<vmem>>) dst(%dma_wait3A_417 : memref<10512x64xf32, #tpu.memory_space<vmem_shared>>)
      %mul3A_418 = arith.constant 4 : i32
      %mul3A_419 = arith.muli %add3A_171, %mul3A_418 : i32
      %add3A_420 = arith.constant 3 : i32
      %add3A_421 = arith.addi %mul3A_419, %add3A_420 : i32
      %dma_wait3A_422 = arith.constant 0 : i32
      %dma_wait3A_423 = arith.constant 3 : i32
      %dma_wait3A_424 = arith.constant 0 : i32
      %dma_wait3A_425 = arith.constant 0 : i32
      %dma_wait3A_426 = tpu.memref_slice %arg9[%dma_wait3A_422, %dma_wait3A_423, %dma_wait3A_424, %dma_wait3A_425] : memref<2x4x128x64xf32, #tpu.memory_space<vmem>> -> memref<1x1x128x64xf32, #tpu.memory_space<vmem>>
      %dma_wait3A_427 = tpu.memref_squeeze %dma_wait3A_426 : memref<1x1x128x64xf32, #tpu.memory_space<vmem>> -> memref<128x64xf32, #tpu.memory_space<vmem>>
      %dma_wait3A_428 = arith.constant 0 : i32
      %dma_wait3A_429 = tpu.memref_slice %arg8[%add3A_421, %dma_wait3A_428] : memref<80x128xi32, #tpu.memory_space<vmem>> -> memref<1x128xi32, #tpu.memory_space<vmem>>
      %dma_wait3A_430 = tpu.memref_squeeze %dma_wait3A_429 : memref<1x128xi32, #tpu.memory_space<vmem>> -> memref<128xi32, #tpu.memory_space<vmem>>
      %dma_wait3A_431 = arith.constant 0 : i32
      %dma_wait3A_432 = arith.constant 0 : i32
      %dma_wait3A_433 = tpu.memref_slice %arg10[%dma_wait3A_431, %dma_wait3A_432] : memref<10512x64xf32, #tpu.memory_space<vmem_shared>> -> memref<10512x64xf32, #tpu.memory_space<vmem_shared>>
      tpu.wait_indirect_dma semaphore(%arg13 : memref<!tpu.dma_semaphore, #tpu.memory_space<semaphore_mem>>) src(%dma_wait3A_427 : memref<128x64xf32, #tpu.memory_space<vmem>>) dst(%dma_wait3A_433 : memref<10512x64xf32, #tpu.memory_space<vmem_shared>>)
      %add3A_434 = arith.constant 2 : i32
      %add3A_435 = arith.addi %add3A_171, %add3A_434 : i32
      %lt3A = arith.constant 20 : i32
      %lt3A_436 = arith.cmpi slt, %add3A_435, %lt3A : i32
      %convert_element_type3A_437 = arith.extui %lt3A_436 : i1 to i32
      %cond3A_438 = arith.constant 0 : i32
      %cond3A_439 = arith.cmpi ne, %convert_element_type3A_437, %cond3A_438 : i32
      scf.if %cond3A_439 {
        %add3A_572 = arith.constant 2 : i32
        %add3A_573 = arith.addi %add3A_171, %add3A_572 : i32
        %mul3A_574 = arith.constant 4 : i32
        %mul3A_575 = arith.muli %add3A_573, %mul3A_574 : i32
        %add3A_576 = arith.constant 0 : i32
        %add3A_577 = arith.addi %mul3A_575, %add3A_576 : i32
        %dma_start3A_578 = arith.constant 0 : i32
        %dma_start3A_579 = arith.constant 0 : i32
        %dma_start3A_580 = arith.constant 0 : i32
        %dma_start3A_581 = arith.constant 0 : i32
        %dma_start3A_582 = tpu.memref_slice %arg9[%dma_start3A_578, %dma_start3A_579, %dma_start3A_580, %dma_start3A_581] : memref<2x4x128x64xf32, #tpu.memory_space<vmem>> -> memref<1x1x128x64xf32, #tpu.memory_space<vmem>>
        %dma_start3A_583 = tpu.memref_squeeze %dma_start3A_582 : memref<1x1x128x64xf32, #tpu.memory_space<vmem>> -> memref<128x64xf32, #tpu.memory_space<vmem>>
        %dma_start3A_584 = arith.constant 0 : i32
        %dma_start3A_585 = tpu.memref_slice %arg7[%add3A_577, %dma_start3A_584] : memref<80x128xi32, #tpu.memory_space<vmem>> -> memref<1x128xi32, #tpu.memory_space<vmem>>
        %dma_start3A_586 = tpu.memref_squeeze %dma_start3A_585 : memref<1x128xi32, #tpu.memory_space<vmem>> -> memref<128xi32, #tpu.memory_space<vmem>>
        %dma_start3A_587 = arith.constant 0 : i32
        %dma_start3A_588 = arith.constant 0 : i32
        %dma_start3A_589 = tpu.memref_slice %arg2[%dma_start3A_587, %dma_start3A_588] : memref<10000x64xf32, #tpu.memory_space<hbm>> -> memref<10000x64xf32, #tpu.memory_space<hbm>>
        tpu.enqueue_indirect_dma source(%dma_start3A_589 : memref<10000x64xf32, #tpu.memory_space<hbm>>) target(%dma_start3A_583 : memref<128x64xf32, #tpu.memory_space<vmem>>) offsets(%dma_start3A_586 : memref<128xi32, #tpu.memory_space<vmem>>) semaphore(%arg11 : memref<!tpu.dma_semaphore, #tpu.memory_space<semaphore_mem>>)
        %mul3A_590 = arith.constant 4 : i32
        %mul3A_591 = arith.muli %add3A_573, %mul3A_590 : i32
        %add3A_592 = arith.constant 1 : i32
        %add3A_593 = arith.addi %mul3A_591, %add3A_592 : i32
        %dma_start3A_594 = arith.constant 0 : i32
        %dma_start3A_595 = arith.constant 1 : i32
        %dma_start3A_596 = arith.constant 0 : i32
        %dma_start3A_597 = arith.constant 0 : i32
        %dma_start3A_598 = tpu.memref_slice %arg9[%dma_start3A_594, %dma_start3A_595, %dma_start3A_596, %dma_start3A_597] : memref<2x4x128x64xf32, #tpu.memory_space<vmem>> -> memref<1x1x128x64xf32, #tpu.memory_space<vmem>>
        %dma_start3A_599 = tpu.memref_squeeze %dma_start3A_598 : memref<1x1x128x64xf32, #tpu.memory_space<vmem>> -> memref<128x64xf32, #tpu.memory_space<vmem>>
        %dma_start3A_600 = arith.constant 0 : i32
        %dma_start3A_601 = tpu.memref_slice %arg7[%add3A_593, %dma_start3A_600] : memref<80x128xi32, #tpu.memory_space<vmem>> -> memref<1x128xi32, #tpu.memory_space<vmem>>
        %dma_start3A_602 = tpu.memref_squeeze %dma_start3A_601 : memref<1x128xi32, #tpu.memory_space<vmem>> -> memref<128xi32, #tpu.memory_space<vmem>>
        %dma_start3A_603 = arith.constant 0 : i32
        %dma_start3A_604 = arith.constant 0 : i32
        %dma_start3A_605 = tpu.memref_slice %arg2[%dma_start3A_603, %dma_start3A_604] : memref<10000x64xf32, #tpu.memory_space<hbm>> -> memref<10000x64xf32, #tpu.memory_space<hbm>>
        tpu.enqueue_indirect_dma source(%dma_start3A_605 : memref<10000x64xf32, #tpu.memory_space<hbm>>) target(%dma_start3A_599 : memref<128x64xf32, #tpu.memory_space<vmem>>) offsets(%dma_start3A_602 : memref<128xi32, #tpu.memory_space<vmem>>) semaphore(%arg11 : memref<!tpu.dma_semaphore, #tpu.memory_space<semaphore_mem>>)
        %mul3A_606 = arith.constant 4 : i32
        %mul3A_607 = arith.muli %add3A_573, %mul3A_606 : i32
        %add3A_608 = arith.constant 2 : i32
        %add3A_609 = arith.addi %mul3A_607, %add3A_608 : i32
        %dma_start3A_610 = arith.constant 0 : i32
        %dma_start3A_611 = arith.constant 2 : i32
        %dma_start3A_612 = arith.constant 0 : i32
        %dma_start3A_613 = arith.constant 0 : i32
        %dma_start3A_614 = tpu.memref_slice %arg9[%dma_start3A_610, %dma_start3A_611, %dma_start3A_612, %dma_start3A_613] : memref<2x4x128x64xf32, #tpu.memory_space<vmem>> -> memref<1x1x128x64xf32, #tpu.memory_space<vmem>>
        %dma_start3A_615 = tpu.memref_squeeze %dma_start3A_614 : memref<1x1x128x64xf32, #tpu.memory_space<vmem>> -> memref<128x64xf32, #tpu.memory_space<vmem>>
        %dma_start3A_616 = arith.constant 0 : i32
        %dma_start3A_617 = tpu.memref_slice %arg7[%add3A_609, %dma_start3A_616] : memref<80x128xi32, #tpu.memory_space<vmem>> -> memref<1x128xi32, #tpu.memory_space<vmem>>
        %dma_start3A_618 = tpu.memref_squeeze %dma_start3A_617 : memref<1x128xi32, #tpu.memory_space<vmem>> -> memref<128xi32, #tpu.memory_space<vmem>>
        %dma_start3A_619 = arith.constant 0 : i32
        %dma_start3A_620 = arith.constant 0 : i32
        %dma_start3A_621 = tpu.memref_slice %arg2[%dma_start3A_619, %dma_start3A_620] : memref<10000x64xf32, #tpu.memory_space<hbm>> -> memref<10000x64xf32, #tpu.memory_space<hbm>>
        tpu.enqueue_indirect_dma source(%dma_start3A_621 : memref<10000x64xf32, #tpu.memory_space<hbm>>) target(%dma_start3A_615 : memref<128x64xf32, #tpu.memory_space<vmem>>) offsets(%dma_start3A_618 : memref<128xi32, #tpu.memory_space<vmem>>) semaphore(%arg11 : memref<!tpu.dma_semaphore, #tpu.memory_space<semaphore_mem>>)
        %mul3A_622 = arith.constant 4 : i32
        %mul3A_623 = arith.muli %add3A_573, %mul3A_622 : i32
        %add3A_624 = arith.constant 3 : i32
        %add3A_625 = arith.addi %mul3A_623, %add3A_624 : i32
        %dma_start3A_626 = arith.constant 0 : i32
        %dma_start3A_627 = arith.constant 3 : i32
        %dma_start3A_628 = arith.constant 0 : i32
        %dma_start3A_629 = arith.constant 0 : i32
        %dma_start3A_630 = tpu.memref_slice %arg9[%dma_start3A_626, %dma_start3A_627, %dma_start3A_628, %dma_start3A_629] : memref<2x4x128x64xf32, #tpu.memory_space<vmem>> -> memref<1x1x128x64xf32, #tpu.memory_space<vmem>>
        %dma_start3A_631 = tpu.memref_squeeze %dma_start3A_630 : memref<1x1x128x64xf32, #tpu.memory_space<vmem>> -> memref<128x64xf32, #tpu.memory_space<vmem>>
        %dma_start3A_632 = arith.constant 0 : i32
        %dma_start3A_633 = tpu.memref_slice %arg7[%add3A_625, %dma_start3A_632] : memref<80x128xi32, #tpu.memory_space<vmem>> -> memref<1x128xi32, #tpu.memory_space<vmem>>
        %dma_start3A_634 = tpu.memref_squeeze %dma_start3A_633 : memref<1x128xi32, #tpu.memory_space<vmem>> -> memref<128xi32, #tpu.memory_space<vmem>>
        %dma_start3A_635 = arith.constant 0 : i32
        %dma_start3A_636 = arith.constant 0 : i32
        %dma_start3A_637 = tpu.memref_slice %arg2[%dma_start3A_635, %dma_start3A_636] : memref<10000x64xf32, #tpu.memory_space<hbm>> -> memref<10000x64xf32, #tpu.memory_space<hbm>>
        tpu.enqueue_indirect_dma source(%dma_start3A_637 : memref<10000x64xf32, #tpu.memory_space<hbm>>) target(%dma_start3A_631 : memref<128x64xf32, #tpu.memory_space<vmem>>) offsets(%dma_start3A_634 : memref<128xi32, #tpu.memory_space<vmem>>) semaphore(%arg11 : memref<!tpu.dma_semaphore, #tpu.memory_space<semaphore_mem>>)
      } else {
      }
      %add3A_440 = arith.constant 1 : i32
      %add3A_441 = arith.addi %add3A_171, %add3A_440 : i32
      %mul3A_442 = arith.constant 4 : i32
      %mul3A_443 = arith.muli %add3A_441, %mul3A_442 : i32
      %add3A_444 = arith.constant 0 : i32
      %add3A_445 = arith.addi %mul3A_443, %add3A_444 : i32
      %dma_wait3A_446 = arith.constant 1 : i32
      %dma_wait3A_447 = arith.constant 0 : i32
      %dma_wait3A_448 = arith.constant 0 : i32
      %dma_wait3A_449 = arith.constant 0 : i32
      %dma_wait3A_450 = tpu.memref_slice %arg9[%dma_wait3A_446, %dma_wait3A_447, %dma_wait3A_448, %dma_wait3A_449] : memref<2x4x128x64xf32, #tpu.memory_space<vmem>> -> memref<1x1x128x64xf32, #tpu.memory_space<vmem>>
      %dma_wait3A_451 = tpu.memref_squeeze %dma_wait3A_450 : memref<1x1x128x64xf32, #tpu.memory_space<vmem>> -> memref<128x64xf32, #tpu.memory_space<vmem>>
      %dma_wait3A_452 = arith.constant 0 : i32
      %dma_wait3A_453 = tpu.memref_slice %arg7[%add3A_445, %dma_wait3A_452] : memref<80x128xi32, #tpu.memory_space<vmem>> -> memref<1x128xi32, #tpu.memory_space<vmem>>
      %dma_wait3A_454 = tpu.memref_squeeze %dma_wait3A_453 : memref<1x128xi32, #tpu.memory_space<vmem>> -> memref<128xi32, #tpu.memory_space<vmem>>
      %dma_wait3A_455 = arith.constant 0 : i32
      %dma_wait3A_456 = arith.constant 0 : i32
      %dma_wait3A_457 = tpu.memref_slice %arg2[%dma_wait3A_455, %dma_wait3A_456] : memref<10000x64xf32, #tpu.memory_space<hbm>> -> memref<10000x64xf32, #tpu.memory_space<hbm>>
      tpu.wait_indirect_dma semaphore(%arg12 : memref<!tpu.dma_semaphore, #tpu.memory_space<semaphore_mem>>) src(%dma_wait3A_457 : memref<10000x64xf32, #tpu.memory_space<hbm>>) dst(%dma_wait3A_451 : memref<128x64xf32, #tpu.memory_space<vmem>>)
      %mul3A_458 = arith.constant 4 : i32
      %mul3A_459 = arith.muli %add3A_441, %mul3A_458 : i32
      %add3A_460 = arith.constant 1 : i32
      %add3A_461 = arith.addi %mul3A_459, %add3A_460 : i32
      %dma_wait3A_462 = arith.constant 1 : i32
      %dma_wait3A_463 = arith.constant 1 : i32
      %dma_wait3A_464 = arith.constant 0 : i32
      %dma_wait3A_465 = arith.constant 0 : i32
      %dma_wait3A_466 = tpu.memref_slice %arg9[%dma_wait3A_462, %dma_wait3A_463, %dma_wait3A_464, %dma_wait3A_465] : memref<2x4x128x64xf32, #tpu.memory_space<vmem>> -> memref<1x1x128x64xf32, #tpu.memory_space<vmem>>
      %dma_wait3A_467 = tpu.memref_squeeze %dma_wait3A_466 : memref<1x1x128x64xf32, #tpu.memory_space<vmem>> -> memref<128x64xf32, #tpu.memory_space<vmem>>
      %dma_wait3A_468 = arith.constant 0 : i32
      %dma_wait3A_469 = tpu.memref_slice %arg7[%add3A_461, %dma_wait3A_468] : memref<80x128xi32, #tpu.memory_space<vmem>> -> memref<1x128xi32, #tpu.memory_space<vmem>>
      %dma_wait3A_470 = tpu.memref_squeeze %dma_wait3A_469 : memref<1x128xi32, #tpu.memory_space<vmem>> -> memref<128xi32, #tpu.memory_space<vmem>>
      %dma_wait3A_471 = arith.constant 0 : i32
      %dma_wait3A_472 = arith.constant 0 : i32
      %dma_wait3A_473 = tpu.memref_slice %arg2[%dma_wait3A_471, %dma_wait3A_472] : memref<10000x64xf32, #tpu.memory_space<hbm>> -> memref<10000x64xf32, #tpu.memory_space<hbm>>
      tpu.wait_indirect_dma semaphore(%arg12 : memref<!tpu.dma_semaphore, #tpu.memory_space<semaphore_mem>>) src(%dma_wait3A_473 : memref<10000x64xf32, #tpu.memory_space<hbm>>) dst(%dma_wait3A_467 : memref<128x64xf32, #tpu.memory_space<vmem>>)
      %mul3A_474 = arith.constant 4 : i32
      %mul3A_475 = arith.muli %add3A_441, %mul3A_474 : i32
      %add3A_476 = arith.constant 2 : i32
      %add3A_477 = arith.addi %mul3A_475, %add3A_476 : i32
      %dma_wait3A_478 = arith.constant 1 : i32
      %dma_wait3A_479 = arith.constant 2 : i32
      %dma_wait3A_480 = arith.constant 0 : i32
      %dma_wait3A_481 = arith.constant 0 : i32
      %dma_wait3A_482 = tpu.memref_slice %arg9[%dma_wait3A_478, %dma_wait3A_479, %dma_wait3A_480, %dma_wait3A_481] : memref<2x4x128x64xf32, #tpu.memory_space<vmem>> -> memref<1x1x128x64xf32, #tpu.memory_space<vmem>>
      %dma_wait3A_483 = tpu.memref_squeeze %dma_wait3A_482 : memref<1x1x128x64xf32, #tpu.memory_space<vmem>> -> memref<128x64xf32, #tpu.memory_space<vmem>>
      %dma_wait3A_484 = arith.constant 0 : i32
      %dma_wait3A_485 = tpu.memref_slice %arg7[%add3A_477, %dma_wait3A_484] : memref<80x128xi32, #tpu.memory_space<vmem>> -> memref<1x128xi32, #tpu.memory_space<vmem>>
      %dma_wait3A_486 = tpu.memref_squeeze %dma_wait3A_485 : memref<1x128xi32, #tpu.memory_space<vmem>> -> memref<128xi32, #tpu.memory_space<vmem>>
      %dma_wait3A_487 = arith.constant 0 : i32
      %dma_wait3A_488 = arith.constant 0 : i32
      %dma_wait3A_489 = tpu.memref_slice %arg2[%dma_wait3A_487, %dma_wait3A_488] : memref<10000x64xf32, #tpu.memory_space<hbm>> -> memref<10000x64xf32, #tpu.memory_space<hbm>>
      tpu.wait_indirect_dma semaphore(%arg12 : memref<!tpu.dma_semaphore, #tpu.memory_space<semaphore_mem>>) src(%dma_wait3A_489 : memref<10000x64xf32, #tpu.memory_space<hbm>>) dst(%dma_wait3A_483 : memref<128x64xf32, #tpu.memory_space<vmem>>)
      %mul3A_490 = arith.constant 4 : i32
      %mul3A_491 = arith.muli %add3A_441, %mul3A_490 : i32
      %add3A_492 = arith.constant 3 : i32
      %add3A_493 = arith.addi %mul3A_491, %add3A_492 : i32
      %dma_wait3A_494 = arith.constant 1 : i32
      %dma_wait3A_495 = arith.constant 3 : i32
      %dma_wait3A_496 = arith.constant 0 : i32
      %dma_wait3A_497 = arith.constant 0 : i32
      %dma_wait3A_498 = tpu.memref_slice %arg9[%dma_wait3A_494, %dma_wait3A_495, %dma_wait3A_496, %dma_wait3A_497] : memref<2x4x128x64xf32, #tpu.memory_space<vmem>> -> memref<1x1x128x64xf32, #tpu.memory_space<vmem>>
      %dma_wait3A_499 = tpu.memref_squeeze %dma_wait3A_498 : memref<1x1x128x64xf32, #tpu.memory_space<vmem>> -> memref<128x64xf32, #tpu.memory_space<vmem>>
      %dma_wait3A_500 = arith.constant 0 : i32
      %dma_wait3A_501 = tpu.memref_slice %arg7[%add3A_493, %dma_wait3A_500] : memref<80x128xi32, #tpu.memory_space<vmem>> -> memref<1x128xi32, #tpu.memory_space<vmem>>
      %dma_wait3A_502 = tpu.memref_squeeze %dma_wait3A_501 : memref<1x128xi32, #tpu.memory_space<vmem>> -> memref<128xi32, #tpu.memory_space<vmem>>
      %dma_wait3A_503 = arith.constant 0 : i32
      %dma_wait3A_504 = arith.constant 0 : i32
      %dma_wait3A_505 = tpu.memref_slice %arg2[%dma_wait3A_503, %dma_wait3A_504] : memref<10000x64xf32, #tpu.memory_space<hbm>> -> memref<10000x64xf32, #tpu.memory_space<hbm>>
      tpu.wait_indirect_dma semaphore(%arg12 : memref<!tpu.dma_semaphore, #tpu.memory_space<semaphore_mem>>) src(%dma_wait3A_505 : memref<10000x64xf32, #tpu.memory_space<hbm>>) dst(%dma_wait3A_499 : memref<128x64xf32, #tpu.memory_space<vmem>>)
      %add3A_506 = arith.constant 1 : i32
      %add3A_507 = arith.addi %add3A_171, %add3A_506 : i32
      %mul3A_508 = arith.constant 4 : i32
      %mul3A_509 = arith.muli %add3A_507, %mul3A_508 : i32
      %add3A_510 = arith.constant 0 : i32
      %add3A_511 = arith.addi %mul3A_509, %add3A_510 : i32
      %dma_start3A_512 = arith.constant 1 : i32
      %dma_start3A_513 = arith.constant 0 : i32
      %dma_start3A_514 = arith.constant 0 : i32
      %dma_start3A_515 = arith.constant 0 : i32
      %dma_start3A_516 = tpu.memref_slice %arg9[%dma_start3A_512, %dma_start3A_513, %dma_start3A_514, %dma_start3A_515] : memref<2x4x128x64xf32, #tpu.memory_space<vmem>> -> memref<1x1x128x64xf32, #tpu.memory_space<vmem>>
      %dma_start3A_517 = tpu.memref_squeeze %dma_start3A_516 : memref<1x1x128x64xf32, #tpu.memory_space<vmem>> -> memref<128x64xf32, #tpu.memory_space<vmem>>
      %dma_start3A_518 = arith.constant 0 : i32
      %dma_start3A_519 = tpu.memref_slice %arg8[%add3A_511, %dma_start3A_518] : memref<80x128xi32, #tpu.memory_space<vmem>> -> memref<1x128xi32, #tpu.memory_space<vmem>>
      %dma_start3A_520 = tpu.memref_squeeze %dma_start3A_519 : memref<1x128xi32, #tpu.memory_space<vmem>> -> memref<128xi32, #tpu.memory_space<vmem>>
      %dma_start3A_521 = arith.constant 0 : i32
      %dma_start3A_522 = arith.constant 0 : i32
      %dma_start3A_523 = tpu.memref_slice %arg10[%dma_start3A_521, %dma_start3A_522] : memref<10512x64xf32, #tpu.memory_space<vmem_shared>> -> memref<10512x64xf32, #tpu.memory_space<vmem_shared>>
      tpu.enqueue_indirect_dma source(%dma_start3A_517 : memref<128x64xf32, #tpu.memory_space<vmem>>) target(%dma_start3A_523 : memref<10512x64xf32, #tpu.memory_space<vmem_shared>>) offsets(%dma_start3A_520 : memref<128xi32, #tpu.memory_space<vmem>>) semaphore(%arg14 : memref<!tpu.dma_semaphore, #tpu.memory_space<semaphore_mem>>) {add = true}
      %mul3A_524 = arith.constant 4 : i32
      %mul3A_525 = arith.muli %add3A_507, %mul3A_524 : i32
      %add3A_526 = arith.constant 1 : i32
      %add3A_527 = arith.addi %mul3A_525, %add3A_526 : i32
      %dma_start3A_528 = arith.constant 1 : i32
      %dma_start3A_529 = arith.constant 1 : i32
      %dma_start3A_530 = arith.constant 0 : i32
      %dma_start3A_531 = arith.constant 0 : i32
      %dma_start3A_532 = tpu.memref_slice %arg9[%dma_start3A_528, %dma_start3A_529, %dma_start3A_530, %dma_start3A_531] : memref<2x4x128x64xf32, #tpu.memory_space<vmem>> -> memref<1x1x128x64xf32, #tpu.memory_space<vmem>>
      %dma_start3A_533 = tpu.memref_squeeze %dma_start3A_532 : memref<1x1x128x64xf32, #tpu.memory_space<vmem>> -> memref<128x64xf32, #tpu.memory_space<vmem>>
      %dma_start3A_534 = arith.constant 0 : i32
      %dma_start3A_535 = tpu.memref_slice %arg8[%add3A_527, %dma_start3A_534] : memref<80x128xi32, #tpu.memory_space<vmem>> -> memref<1x128xi32, #tpu.memory_space<vmem>>
      %dma_start3A_536 = tpu.memref_squeeze %dma_start3A_535 : memref<1x128xi32, #tpu.memory_space<vmem>> -> memref<128xi32, #tpu.memory_space<vmem>>
      %dma_start3A_537 = arith.constant 0 : i32
      %dma_start3A_538 = arith.constant 0 : i32
      %dma_start3A_539 = tpu.memref_slice %arg10[%dma_start3A_537, %dma_start3A_538] : memref<10512x64xf32, #tpu.memory_space<vmem_shared>> -> memref<10512x64xf32, #tpu.memory_space<vmem_shared>>
      tpu.enqueue_indirect_dma source(%dma_start3A_533 : memref<128x64xf32, #tpu.memory_space<vmem>>) target(%dma_start3A_539 : memref<10512x64xf32, #tpu.memory_space<vmem_shared>>) offsets(%dma_start3A_536 : memref<128xi32, #tpu.memory_space<vmem>>) semaphore(%arg14 : memref<!tpu.dma_semaphore, #tpu.memory_space<semaphore_mem>>) {add = true}
      %mul3A_540 = arith.constant 4 : i32
      %mul3A_541 = arith.muli %add3A_507, %mul3A_540 : i32
      %add3A_542 = arith.constant 2 : i32
      %add3A_543 = arith.addi %mul3A_541, %add3A_542 : i32
      %dma_start3A_544 = arith.constant 1 : i32
      %dma_start3A_545 = arith.constant 2 : i32
      %dma_start3A_546 = arith.constant 0 : i32
      %dma_start3A_547 = arith.constant 0 : i32
      %dma_start3A_548 = tpu.memref_slice %arg9[%dma_start3A_544, %dma_start3A_545, %dma_start3A_546, %dma_start3A_547] : memref<2x4x128x64xf32, #tpu.memory_space<vmem>> -> memref<1x1x128x64xf32, #tpu.memory_space<vmem>>
      %dma_start3A_549 = tpu.memref_squeeze %dma_start3A_548 : memref<1x1x128x64xf32, #tpu.memory_space<vmem>> -> memref<128x64xf32, #tpu.memory_space<vmem>>
      %dma_start3A_550 = arith.constant 0 : i32
      %dma_start3A_551 = tpu.memref_slice %arg8[%add3A_543, %dma_start3A_550] : memref<80x128xi32, #tpu.memory_space<vmem>> -> memref<1x128xi32, #tpu.memory_space<vmem>>
      %dma_start3A_552 = tpu.memref_squeeze %dma_start3A_551 : memref<1x128xi32, #tpu.memory_space<vmem>> -> memref<128xi32, #tpu.memory_space<vmem>>
      %dma_start3A_553 = arith.constant 0 : i32
      %dma_start3A_554 = arith.constant 0 : i32
      %dma_start3A_555 = tpu.memref_slice %arg10[%dma_start3A_553, %dma_start3A_554] : memref<10512x64xf32, #tpu.memory_space<vmem_shared>> -> memref<10512x64xf32, #tpu.memory_space<vmem_shared>>
      tpu.enqueue_indirect_dma source(%dma_start3A_549 : memref<128x64xf32, #tpu.memory_space<vmem>>) target(%dma_start3A_555 : memref<10512x64xf32, #tpu.memory_space<vmem_shared>>) offsets(%dma_start3A_552 : memref<128xi32, #tpu.memory_space<vmem>>) semaphore(%arg14 : memref<!tpu.dma_semaphore, #tpu.memory_space<semaphore_mem>>) {add = true}
      %mul3A_556 = arith.constant 4 : i32
      %mul3A_557 = arith.muli %add3A_507, %mul3A_556 : i32
      %add3A_558 = arith.constant 3 : i32
      %add3A_559 = arith.addi %mul3A_557, %add3A_558 : i32
      %dma_start3A_560 = arith.constant 1 : i32
      %dma_start3A_561 = arith.constant 3 : i32
      %dma_start3A_562 = arith.constant 0 : i32
      %dma_start3A_563 = arith.constant 0 : i32
      %dma_start3A_564 = tpu.memref_slice %arg9[%dma_start3A_560, %dma_start3A_561, %dma_start3A_562, %dma_start3A_563] : memref<2x4x128x64xf32, #tpu.memory_space<vmem>> -> memref<1x1x128x64xf32, #tpu.memory_space<vmem>>
      %dma_start3A_565 = tpu.memref_squeeze %dma_start3A_564 : memref<1x1x128x64xf32, #tpu.memory_space<vmem>> -> memref<128x64xf32, #tpu.memory_space<vmem>>
      %dma_start3A_566 = arith.constant 0 : i32
      %dma_start3A_567 = tpu.memref_slice %arg8[%add3A_559, %dma_start3A_566] : memref<80x128xi32, #tpu.memory_space<vmem>> -> memref<1x128xi32, #tpu.memory_space<vmem>>
      %dma_start3A_568 = tpu.memref_squeeze %dma_start3A_567 : memref<1x128xi32, #tpu.memory_space<vmem>> -> memref<128xi32, #tpu.memory_space<vmem>>
      %dma_start3A_569 = arith.constant 0 : i32
      %dma_start3A_570 = arith.constant 0 : i32
      %dma_start3A_571 = tpu.memref_slice %arg10[%dma_start3A_569, %dma_start3A_570] : memref<10512x64xf32, #tpu.memory_space<vmem_shared>> -> memref<10512x64xf32, #tpu.memory_space<vmem_shared>>
      tpu.enqueue_indirect_dma source(%dma_start3A_565 : memref<128x64xf32, #tpu.memory_space<vmem>>) target(%dma_start3A_571 : memref<10512x64xf32, #tpu.memory_space<vmem_shared>>) offsets(%dma_start3A_568 : memref<128xi32, #tpu.memory_space<vmem>>) semaphore(%arg14 : memref<!tpu.dma_semaphore, #tpu.memory_space<semaphore_mem>>) {add = true}
    }
    %scan3A_98 = arith.constant 10 : i32
    %dma_wait3A_99 = arith.constant 1 : i32
    %dma_wait3A_100 = arith.constant 0 : i32
    %dma_wait3A_101 = arith.constant 76 : i32
    %dma_wait3A_102 = arith.constant 0 : i32
    %dma_wait3A_103 = arith.constant 0 : i32
    %dma_wait3A_104 = tpu.memref_slice %arg9[%dma_wait3A_99, %dma_wait3A_100, %dma_wait3A_102, %dma_wait3A_103] : memref<2x4x128x64xf32, #tpu.memory_space<vmem>> -> memref<1x1x128x64xf32, #tpu.memory_space<vmem>>
    %dma_wait3A_105 = tpu.memref_squeeze %dma_wait3A_104 : memref<1x1x128x64xf32, #tpu.memory_space<vmem>> -> memref<128x64xf32, #tpu.memory_space<vmem>>
    %dma_wait3A_106 = arith.constant 0 : i32
    %dma_wait3A_107 = tpu.memref_slice %arg8[%dma_wait3A_101, %dma_wait3A_106] : memref<80x128xi32, #tpu.memory_space<vmem>> -> memref<1x128xi32, #tpu.memory_space<vmem>>
    %dma_wait3A_108 = tpu.memref_squeeze %dma_wait3A_107 : memref<1x128xi32, #tpu.memory_space<vmem>> -> memref<128xi32, #tpu.memory_space<vmem>>
    %dma_wait3A_109 = arith.constant 0 : i32
    %dma_wait3A_110 = arith.constant 0 : i32
    %dma_wait3A_111 = tpu.memref_slice %arg10[%dma_wait3A_109, %dma_wait3A_110] : memref<10512x64xf32, #tpu.memory_space<vmem_shared>> -> memref<10512x64xf32, #tpu.memory_space<vmem_shared>>
    tpu.wait_indirect_dma semaphore(%arg14 : memref<!tpu.dma_semaphore, #tpu.memory_space<semaphore_mem>>) src(%dma_wait3A_105 : memref<128x64xf32, #tpu.memory_space<vmem>>) dst(%dma_wait3A_111 : memref<10512x64xf32, #tpu.memory_space<vmem_shared>>)
    %dma_wait3A_112 = arith.constant 1 : i32
    %dma_wait3A_113 = arith.constant 1 : i32
    %dma_wait3A_114 = arith.constant 77 : i32
    %dma_wait3A_115 = arith.constant 0 : i32
    %dma_wait3A_116 = arith.constant 0 : i32
    %dma_wait3A_117 = tpu.memref_slice %arg9[%dma_wait3A_112, %dma_wait3A_113, %dma_wait3A_115, %dma_wait3A_116] : memref<2x4x128x64xf32, #tpu.memory_space<vmem>> -> memref<1x1x128x64xf32, #tpu.memory_space<vmem>>
    %dma_wait3A_118 = tpu.memref_squeeze %dma_wait3A_117 : memref<1x1x128x64xf32, #tpu.memory_space<vmem>> -> memref<128x64xf32, #tpu.memory_space<vmem>>
    %dma_wait3A_119 = arith.constant 0 : i32
    %dma_wait3A_120 = tpu.memref_slice %arg8[%dma_wait3A_114, %dma_wait3A_119] : memref<80x128xi32, #tpu.memory_space<vmem>> -> memref<1x128xi32, #tpu.memory_space<vmem>>
    %dma_wait3A_121 = tpu.memref_squeeze %dma_wait3A_120 : memref<1x128xi32, #tpu.memory_space<vmem>> -> memref<128xi32, #tpu.memory_space<vmem>>
    %dma_wait3A_122 = arith.constant 0 : i32
    %dma_wait3A_123 = arith.constant 0 : i32
    %dma_wait3A_124 = tpu.memref_slice %arg10[%dma_wait3A_122, %dma_wait3A_123] : memref<10512x64xf32, #tpu.memory_space<vmem_shared>> -> memref<10512x64xf32, #tpu.memory_space<vmem_shared>>
    tpu.wait_indirect_dma semaphore(%arg14 : memref<!tpu.dma_semaphore, #tpu.memory_space<semaphore_mem>>) src(%dma_wait3A_118 : memref<128x64xf32, #tpu.memory_space<vmem>>) dst(%dma_wait3A_124 : memref<10512x64xf32, #tpu.memory_space<vmem_shared>>)
    %dma_wait3A_125 = arith.constant 1 : i32
    %dma_wait3A_126 = arith.constant 2 : i32
    %dma_wait3A_127 = arith.constant 78 : i32
    %dma_wait3A_128 = arith.constant 0 : i32
    %dma_wait3A_129 = arith.constant 0 : i32
    %dma_wait3A_130 = tpu.memref_slice %arg9[%dma_wait3A_125, %dma_wait3A_126, %dma_wait3A_128, %dma_wait3A_129] : memref<2x4x128x64xf32, #tpu.memory_space<vmem>> -> memref<1x1x128x64xf32, #tpu.memory_space<vmem>>
    %dma_wait3A_131 = tpu.memref_squeeze %dma_wait3A_130 : memref<1x1x128x64xf32, #tpu.memory_space<vmem>> -> memref<128x64xf32, #tpu.memory_space<vmem>>
    %dma_wait3A_132 = arith.constant 0 : i32
    %dma_wait3A_133 = tpu.memref_slice %arg8[%dma_wait3A_127, %dma_wait3A_132] : memref<80x128xi32, #tpu.memory_space<vmem>> -> memref<1x128xi32, #tpu.memory_space<vmem>>
    %dma_wait3A_134 = tpu.memref_squeeze %dma_wait3A_133 : memref<1x128xi32, #tpu.memory_space<vmem>> -> memref<128xi32, #tpu.memory_space<vmem>>
    %dma_wait3A_135 = arith.constant 0 : i32
    %dma_wait3A_136 = arith.constant 0 : i32
    %dma_wait3A_137 = tpu.memref_slice %arg10[%dma_wait3A_135, %dma_wait3A_136] : memref<10512x64xf32, #tpu.memory_space<vmem_shared>> -> memref<10512x64xf32, #tpu.memory_space<vmem_shared>>
    tpu.wait_indirect_dma semaphore(%arg14 : memref<!tpu.dma_semaphore, #tpu.memory_space<semaphore_mem>>) src(%dma_wait3A_131 : memref<128x64xf32, #tpu.memory_space<vmem>>) dst(%dma_wait3A_137 : memref<10512x64xf32, #tpu.memory_space<vmem_shared>>)
    %dma_wait3A_138 = arith.constant 1 : i32
    %dma_wait3A_139 = arith.constant 3 : i32
    %dma_wait3A_140 = arith.constant 79 : i32
    %dma_wait3A_141 = arith.constant 0 : i32
    %dma_wait3A_142 = arith.constant 0 : i32
    %dma_wait3A_143 = tpu.memref_slice %arg9[%dma_wait3A_138, %dma_wait3A_139, %dma_wait3A_141, %dma_wait3A_142] : memref<2x4x128x64xf32, #tpu.memory_space<vmem>> -> memref<1x1x128x64xf32, #tpu.memory_space<vmem>>
    %dma_wait3A_144 = tpu.memref_squeeze %dma_wait3A_143 : memref<1x1x128x64xf32, #tpu.memory_space<vmem>> -> memref<128x64xf32, #tpu.memory_space<vmem>>
    %dma_wait3A_145 = arith.constant 0 : i32
    %dma_wait3A_146 = tpu.memref_slice %arg8[%dma_wait3A_140, %dma_wait3A_145] : memref<80x128xi32, #tpu.memory_space<vmem>> -> memref<1x128xi32, #tpu.memory_space<vmem>>
    %dma_wait3A_147 = tpu.memref_squeeze %dma_wait3A_146 : memref<1x128xi32, #tpu.memory_space<vmem>> -> memref<128xi32, #tpu.memory_space<vmem>>
    %dma_wait3A_148 = arith.constant 0 : i32
    %dma_wait3A_149 = arith.constant 0 : i32
    %dma_wait3A_150 = tpu.memref_slice %arg10[%dma_wait3A_148, %dma_wait3A_149] : memref<10512x64xf32, #tpu.memory_space<vmem_shared>> -> memref<10512x64xf32, #tpu.memory_space<vmem_shared>>
    tpu.wait_indirect_dma semaphore(%arg14 : memref<!tpu.dma_semaphore, #tpu.memory_space<semaphore_mem>>) src(%dma_wait3A_144 : memref<128x64xf32, #tpu.memory_space<vmem>>) dst(%dma_wait3A_150 : memref<10512x64xf32, #tpu.memory_space<vmem_shared>>)
    %barrier3A_151 = arith.constant 0 : index
    tpu.barrier barrier_id(%barrier3A_151)
    %dma_start3A_152 = arith.constant 0 : i32
    %dma_start3A_153 = tpu.memref_slice %arg6[%arg0, %multiple_of3A, %dma_start3A_152] : memref<2x10000x64xf32, #tpu.memory_space<hbm>> -> memref<1x624x64xf32, #tpu.memory_space<hbm>>
    %dma_start3A_154 = tpu.memref_squeeze %dma_start3A_153 : memref<1x624x64xf32, #tpu.memory_space<hbm>> -> memref<624x64xf32, #tpu.memory_space<hbm>>
    %dma_start3A_155 = arith.constant 0 : i32
    %dma_start3A_156 = tpu.memref_slice %arg10[%multiple_of3A, %dma_start3A_155] : memref<10512x64xf32, #tpu.memory_space<vmem_shared>> -> memref<624x64xf32, #tpu.memory_space<vmem_shared>>
    tpu.enqueue_dma source(%dma_start3A_156 : memref<624x64xf32, #tpu.memory_space<vmem_shared>>) target(%dma_start3A_154 : memref<624x64xf32, #tpu.memory_space<hbm>>) target_semaphore(%arg11 : memref<!tpu.dma_semaphore, #tpu.memory_space<semaphore_mem>>)
    %eq3A_157 = arith.constant 15 : i32
    %eq3A_158 = arith.cmpi eq, %arg1, %eq3A_157 : i32
    %convert_element_type3A_159 = arith.extui %eq3A_158 : i1 to i32
    %cond3A_160 = arith.constant 0 : i32
    %cond3A_161 = arith.cmpi ne, %convert_element_type3A_159, %cond3A_160 : i32
    scf.if %cond3A_161 {
      "tpu.region"() ({
        %run_scoped3A = tpu.sem_alloc : memref<!tpu.dma_semaphore, #tpu.memory_space<semaphore_mem>>
        %dma_start3A_167 = arith.constant 9984 : i32
        %dma_start3A_168 = arith.constant 0 : i32
        %dma_start3A_169 = tpu.memref_slice %arg6[%arg0, %dma_start3A_167, %dma_start3A_168] : memref<2x10000x64xf32, #tpu.memory_space<hbm>> -> memref<1x16x64xf32, #tpu.memory_space<hbm>>
        %dma_start3A_170 = tpu.memref_squeeze %dma_start3A_169 : memref<1x16x64xf32, #tpu.memory_space<hbm>> -> memref<16x64xf32, #tpu.memory_space<hbm>>
        %dma_start3A_171 = arith.constant 9984 : i32
        %dma_start3A_172 = arith.constant 0 : i32
        %dma_start3A_173 = tpu.memref_slice %arg10[%dma_start3A_171, %dma_start3A_172] : memref<10512x64xf32, #tpu.memory_space<vmem_shared>> -> memref<16x64xf32, #tpu.memory_space<vmem_shared>>
        tpu.enqueue_dma source(%dma_start3A_173 : memref<16x64xf32, #tpu.memory_space<vmem_shared>>) target(%dma_start3A_170 : memref<16x64xf32, #tpu.memory_space<hbm>>) target_semaphore(%run_scoped3A : memref<!tpu.dma_semaphore, #tpu.memory_space<semaphore_mem>>)
        %dma_wait3A_174 = arith.constant 9984 : i32
        %dma_wait3A_175 = arith.constant 0 : i32
        %dma_wait3A_176 = tpu.memref_slice %arg6[%arg0, %dma_wait3A_174, %dma_wait3A_175] : memref<2x10000x64xf32, #tpu.memory_space<hbm>> -> memref<1x16x64xf32, #tpu.memory_space<hbm>>
        %dma_wait3A_177 = tpu.memref_squeeze %dma_wait3A_176 : memref<1x16x64xf32, #tpu.memory_space<hbm>> -> memref<16x64xf32, #tpu.memory_space<hbm>>
        %dma_wait3A_178 = arith.constant 9984 : i32
        %dma_wait3A_179 = arith.constant 0 : i32
        %dma_wait3A_180 = tpu.memref_slice %arg10[%dma_wait3A_178, %dma_wait3A_179] : memref<10512x64xf32, #tpu.memory_space<vmem_shared>> -> memref<16x64xf32, #tpu.memory_space<vmem_shared>>
        tpu.wait_dma2 semaphore(%run_scoped3A : memref<!tpu.dma_semaphore, #tpu.memory_space<semaphore_mem>>) src(%dma_wait3A_180 : memref<16x64xf32, #tpu.memory_space<vmem_shared>>) dst(%dma_wait3A_177 : memref<16x64xf32, #tpu.memory_space<hbm>>)
        tpu.yield
      }) : () -> ()
    } else {
    }
    %dma_wait3A_162 = arith.constant 0 : i32
    %dma_wait3A_163 = tpu.memref_slice %arg6[%arg0, %multiple_of3A, %dma_wait3A_162] : memref<2x10000x64xf32, #tpu.memory_space<hbm>> -> memref<1x624x64xf32, #tpu.memory_space<hbm>>
    %dma_wait3A_164 = tpu.memref_squeeze %dma_wait3A_163 : memref<1x624x64xf32, #tpu.memory_space<hbm>> -> memref<624x64xf32, #tpu.memory_space<hbm>>
    %dma_wait3A_165 = arith.constant 0 : i32
    %dma_wait3A_166 = tpu.memref_slice %arg10[%multiple_of3A, %dma_wait3A_165] : memref<10512x64xf32, #tpu.memory_space<vmem_shared>> -> memref<624x64xf32, #tpu.memory_space<vmem_shared>>
    tpu.wait_dma2 semaphore(%arg11 : memref<!tpu.dma_semaphore, #tpu.memory_space<semaphore_mem>>) src(%dma_wait3A_166 : memref<624x64xf32, #tpu.memory_space<vmem_shared>>) dst(%dma_wait3A_164 : memref<624x64xf32, #tpu.memory_space<hbm>>)
    return
  }
}

#map = affine_map<(d0, d1) -> (0, 0)>
#map1 = affine_map<(d0, d1) -> (0, 0, 0)>
module attributes {stable_mosaic.version = 14 : i64} {
  func.func @body(%arg0: i32, %arg1: i32, %arg2: memref<10000x64xf32, #tpu.memory_space<hbm>>, %arg3: memref<32x80x128xi32, #tpu.memory_space<hbm>>, %arg4: memref<32x80x128xi32, #tpu.memory_space<hbm>>, %arg5: memref<10000x64xf32, #tpu.memory_space<hbm>>, %arg6: memref<2x10000x64xf32, #tpu.memory_space<hbm>>, %arg7: memref<80x128xi32, #tpu.memory_space<vmem>>, %arg8: memref<80x128xi32, #tpu.memory_space<vmem>>, %arg9: memref<2x4x128x64xf32, #tpu.memory_space<vmem>>, %arg10: memref<10512x64xf32, #tpu.memory_space<vmem_shared>>, %arg11: memref<!tpu.dma_semaphore, #tpu.memory_space<semaphore_mem>>, %arg12: memref<!tpu.dma_semaphore, #tpu.memory_space<semaphore_mem>>, %arg13: memref<!tpu.dma_semaphore, #tpu.memory_space<semaphore_mem>>, %arg14: memref<!tpu.dma_semaphore, #tpu.memory_space<semaphore_mem>>) attributes {dimension_semantics = [#tpu.dimension_semantics<core_parallel>, #tpu.dimension_semantics<subcore_parallel>], iteration_bounds = array<i64: 2, 16>, scalar_prefetch = 0 : i64, scratch_operands = 8 : i64, tpu.core_type = #tpu.core_type<sc_vector_subcore>, window_params = [{transform_indices = #map}, {transform_indices = #map1}, {transform_indices = #map1}, {transform_indices = #map}, {transform_indices = #map1}]} {
    %mul3A = arith.constant 16 : i32
    %mul3A_0 = arith.muli %arg0, %mul3A : i32
    %add3A = arith.addi %mul3A_0, %arg1 : i32
    %mul3A_1 = arith.constant 624 : i32
    %mul3A_2 = arith.muli %arg1, %mul3A_1 : i32
    %multiple_of3A = tpu.assume_multiple %mul3A_2, 8 : i32
    %dma_start3A = arith.constant 0 : i32
    %dma_start3A_3 = tpu.memref_slice %arg10[%multiple_of3A, %dma_start3A] : memref<10512x64xf32, #tpu.memory_space<vmem_shared>> -> memref<624x64xf32, #tpu.memory_space<vmem_shared>>
    %dma_start3A_4 = arith.constant 0 : i32
    %dma_start3A_5 = tpu.memref_slice %arg5[%multiple_of3A, %dma_start3A_4] : memref<10000x64xf32, #tpu.memory_space<hbm>> -> memref<624x64xf32, #tpu.memory_space<hbm>>
    tpu.enqueue_dma source(%dma_start3A_5 : memref<624x64xf32, #tpu.memory_space<hbm>>) target(%dma_start3A_3 : memref<624x64xf32, #tpu.memory_space<vmem_shared>>) target_semaphore(%arg11 : memref<!tpu.dma_semaphore, #tpu.memory_space<semaphore_mem>>)
    %dma_start3A_6 = arith.constant 0 : i32
    %dma_start3A_7 = arith.constant 0 : i32
    %dma_start3A_8 = tpu.memref_slice %arg3[%add3A, %dma_start3A_6, %dma_start3A_7] : memref<32x80x128xi32, #tpu.memory_space<hbm>> -> memref<1x80x128xi32, #tpu.memory_space<hbm>>
    %dma_start3A_9 = tpu.memref_squeeze %dma_start3A_8 : memref<1x80x128xi32, #tpu.memory_space<hbm>> -> memref<80x128xi32, #tpu.memory_space<hbm>>
    %dma_start3A_10 = arith.constant 0 : i32
    %dma_start3A_11 = arith.constant 0 : i32
    %dma_start3A_12 = tpu.memref_slice %arg3[%add3A, %dma_start3A_10, %dma_start3A_11] : memref<32x80x128xi32, #tpu.memory_space<hbm>> -> memref<1x80x128xi32, #tpu.memory_space<hbm>>
    %dma_start3A_13 = tpu.memref_squeeze %dma_start3A_12 : memref<1x80x128xi32, #tpu.memory_space<hbm>> -> memref<80x128xi32, #tpu.memory_space<hbm>>
    tpu.enqueue_dma source(%dma_start3A_13 : memref<80x128xi32, #tpu.memory_space<hbm>>) target(%arg7 : memref<80x128xi32, #tpu.memory_space<vmem>>) target_semaphore(%arg11 : memref<!tpu.dma_semaphore, #tpu.memory_space<semaphore_mem>>)
    %dma_start3A_14 = arith.constant 0 : i32
    %dma_start3A_15 = arith.constant 0 : i32
    %dma_start3A_16 = tpu.memref_slice %arg4[%add3A, %dma_start3A_14, %dma_start3A_15] : memref<32x80x128xi32, #tpu.memory_space<hbm>> -> memref<1x80x128xi32, #tpu.memory_space<hbm>>
    %dma_start3A_17 = tpu.memref_squeeze %dma_start3A_16 : memref<1x80x128xi32, #tpu.memory_space<hbm>> -> memref<80x128xi32, #tpu.memory_space<hbm>>
    %dma_start3A_18 = arith.constant 0 : i32
    %dma_start3A_19 = arith.constant 0 : i32
    %dma_start3A_20 = tpu.memref_slice %arg4[%add3A, %dma_start3A_18, %dma_start3A_19] : memref<32x80x128xi32, #tpu.memory_space<hbm>> -> memref<1x80x128xi32, #tpu.memory_space<hbm>>
    %dma_start3A_21 = tpu.memref_squeeze %dma_start3A_20 : memref<1x80x128xi32, #tpu.memory_space<hbm>> -> memref<80x128xi32, #tpu.memory_space<hbm>>
    tpu.enqueue_dma source(%dma_start3A_21 : memref<80x128xi32, #tpu.memory_space<hbm>>) target(%arg8 : memref<80x128xi32, #tpu.memory_space<vmem>>) target_semaphore(%arg11 : memref<!tpu.dma_semaphore, #tpu.memory_space<semaphore_mem>>)
    %dma_wait3A = arith.constant 0 : i32
    %dma_wait3A_22 = tpu.memref_slice %arg10[%multiple_of3A, %dma_wait3A] : memref<10512x64xf32, #tpu.memory_space<vmem_shared>> -> memref<624x64xf32, #tpu.memory_space<vmem_shared>>
    %dma_wait3A_23 = arith.constant 0 : i32
    %dma_wait3A_24 = tpu.memref_slice %arg5[%multiple_of3A, %dma_wait3A_23] : memref<10000x64xf32, #tpu.memory_space<hbm>> -> memref<624x64xf32, #tpu.memory_space<hbm>>
    tpu.wait_dma2 semaphore(%arg11 : memref<!tpu.dma_semaphore, #tpu.memory_space<semaphore_mem>>) src(%dma_wait3A_24 : memref<624x64xf32, #tpu.memory_space<hbm>>) dst(%dma_wait3A_22 : memref<624x64xf32, #tpu.memory_space<vmem_shared>>)
    %dma_wait3A_25 = arith.constant 0 : i32
    %dma_wait3A_26 = arith.constant 0 : i32
    %dma_wait3A_27 = tpu.memref_slice %arg3[%add3A, %dma_wait3A_25, %dma_wait3A_26] : memref<32x80x128xi32, #tpu.memory_space<hbm>> -> memref<1x80x128xi32, #tpu.memory_space<hbm>>
    %dma_wait3A_28 = tpu.memref_squeeze %dma_wait3A_27 : memref<1x80x128xi32, #tpu.memory_space<hbm>> -> memref<80x128xi32, #tpu.memory_space<hbm>>
    %dma_wait3A_29 = arith.constant 0 : i32
    %dma_wait3A_30 = arith.constant 0 : i32
    %dma_wait3A_31 = tpu.memref_slice %arg3[%add3A, %dma_wait3A_29, %dma_wait3A_30] : memref<32x80x128xi32, #tpu.memory_space<hbm>> -> memref<1x80x128xi32, #tpu.memory_space<hbm>>
    %dma_wait3A_32 = tpu.memref_squeeze %dma_wait3A_31 : memref<1x80x128xi32, #tpu.memory_space<hbm>> -> memref<80x128xi32, #tpu.memory_space<hbm>>
    tpu.wait_dma2 semaphore(%arg11 : memref<!tpu.dma_semaphore, #tpu.memory_space<semaphore_mem>>) src(%dma_wait3A_32 : memref<80x128xi32, #tpu.memory_space<hbm>>) dst(%arg7 : memref<80x128xi32, #tpu.memory_space<vmem>>)
    %dma_wait3A_33 = arith.constant 0 : i32
    %dma_wait3A_34 = arith.constant 0 : i32
    %dma_wait3A_35 = tpu.memref_slice %arg4[%add3A, %dma_wait3A_33, %dma_wait3A_34] : memref<32x80x128xi32, #tpu.memory_space<hbm>> -> memref<1x80x128xi32, #tpu.memory_space<hbm>>
    %dma_wait3A_36 = tpu.memref_squeeze %dma_wait3A_35 : memref<1x80x128xi32, #tpu.memory_space<hbm>> -> memref<80x128xi32, #tpu.memory_space<hbm>>
    %dma_wait3A_37 = arith.constant 0 : i32
    %dma_wait3A_38 = arith.constant 0 : i32
    %dma_wait3A_39 = tpu.memref_slice %arg4[%add3A, %dma_wait3A_37, %dma_wait3A_38] : memref<32x80x128xi32, #tpu.memory_space<hbm>> -> memref<1x80x128xi32, #tpu.memory_space<hbm>>
    %dma_wait3A_40 = tpu.memref_squeeze %dma_wait3A_39 : memref<1x80x128xi32, #tpu.memory_space<hbm>> -> memref<80x128xi32, #tpu.memory_space<hbm>>
    tpu.wait_dma2 semaphore(%arg11 : memref<!tpu.dma_semaphore, #tpu.memory_space<semaphore_mem>>) src(%dma_wait3A_40 : memref<80x128xi32, #tpu.memory_space<hbm>>) dst(%arg8 : memref<80x128xi32, #tpu.memory_space<vmem>>)
    %eq3A = arith.constant 15 : i32
    %eq3A_41 = arith.cmpi eq, %arg1, %eq3A : i32
    %convert_element_type3A = arith.extui %eq3A_41 : i1 to i32
    %cond3A = arith.constant 0 : i32
    %cond3A_42 = arith.cmpi ne, %convert_element_type3A, %cond3A : i32
    scf.if %cond3A_42 {
      "tpu.region"() ({
        %run_scoped3A = tpu.sem_alloc : memref<!tpu.dma_semaphore, #tpu.memory_space<semaphore_mem>>
        %dma_start3A_167 = arith.constant 9984 : i32
        %dma_start3A_168 = arith.constant 0 : i32
        %dma_start3A_169 = tpu.memref_slice %arg10[%dma_start3A_167, %dma_start3A_168] : memref<10512x64xf32, #tpu.memory_space<vmem_shared>> -> memref<16x64xf32, #tpu.memory_space<vmem_shared>>
        %dma_start3A_170 = arith.constant 9984 : i32
        %dma_start3A_171 = arith.constant 0 : i32
        %dma_start3A_172 = tpu.memref_slice %arg5[%dma_start3A_170, %dma_start3A_171] : memref<10000x64xf32, #tpu.memory_space<hbm>> -> memref<16x64xf32, #tpu.memory_space<hbm>>
        tpu.enqueue_dma source(%dma_start3A_172 : memref<16x64xf32, #tpu.memory_space<hbm>>) target(%dma_start3A_169 : memref<16x64xf32, #tpu.memory_space<vmem_shared>>) target_semaphore(%run_scoped3A : memref<!tpu.dma_semaphore, #tpu.memory_space<semaphore_mem>>)
        %dma_wait3A_173 = arith.constant 9984 : i32
        %dma_wait3A_174 = arith.constant 0 : i32
        %dma_wait3A_175 = tpu.memref_slice %arg10[%dma_wait3A_173, %dma_wait3A_174] : memref<10512x64xf32, #tpu.memory_space<vmem_shared>> -> memref<16x64xf32, #tpu.memory_space<vmem_shared>>
        %dma_wait3A_176 = arith.constant 9984 : i32
        %dma_wait3A_177 = arith.constant 0 : i32
        %dma_wait3A_178 = tpu.memref_slice %arg5[%dma_wait3A_176, %dma_wait3A_177] : memref<10000x64xf32, #tpu.memory_space<hbm>> -> memref<16x64xf32, #tpu.memory_space<hbm>>
        tpu.wait_dma2 semaphore(%run_scoped3A : memref<!tpu.dma_semaphore, #tpu.memory_space<semaphore_mem>>) src(%dma_wait3A_178 : memref<16x64xf32, #tpu.memory_space<hbm>>) dst(%dma_wait3A_175 : memref<16x64xf32, #tpu.memory_space<vmem_shared>>)
        tpu.yield
      }) : () -> ()
    } else {
    }
    %barrier3A = arith.constant 0 : index
    tpu.barrier barrier_id(%barrier3A)
    %dma_start3A_43 = arith.constant 0 : i32
    %dma_start3A_44 = arith.constant 0 : i32
    %dma_start3A_45 = arith.constant 0 : i32
    %dma_start3A_46 = arith.constant 0 : i32
    %dma_start3A_47 = arith.constant 0 : i32
    %dma_start3A_48 = tpu.memref_slice %arg9[%dma_start3A_44, %dma_start3A_45, %dma_start3A_46, %dma_start3A_47] : memref<2x4x128x64xf32, #tpu.memory_space<vmem>> -> memref<1x1x128x64xf32, #tpu.memory_space<vmem>>
    %dma_start3A_49 = tpu.memref_squeeze %dma_start3A_48 : memref<1x1x128x64xf32, #tpu.memory_space<vmem>> -> memref<128x64xf32, #tpu.memory_space<vmem>>
    %dma_start3A_50 = arith.constant 0 : i32
    %dma_start3A_51 = tpu.memref_slice %arg7[%dma_start3A_43, %dma_start3A_50] : memref<80x128xi32, #tpu.memory_space<vmem>> -> memref<1x128xi32, #tpu.memory_space<vmem>>
    %dma_start3A_52 = tpu.memref_squeeze %dma_start3A_51 : memref<1x128xi32, #tpu.memory_space<vmem>> -> memref<128xi32, #tpu.memory_space<vmem>>
    %dma_start3A_53 = arith.constant 0 : i32
    %dma_start3A_54 = arith.constant 0 : i32
    %dma_start3A_55 = tpu.memref_slice %arg2[%dma_start3A_53, %dma_start3A_54] : memref<10000x64xf32, #tpu.memory_space<hbm>> -> memref<10000x64xf32, #tpu.memory_space<hbm>>
    tpu.enqueue_indirect_dma source(%dma_start3A_55 : memref<10000x64xf32, #tpu.memory_space<hbm>>) target(%dma_start3A_49 : memref<128x64xf32, #tpu.memory_space<vmem>>) offsets(%dma_start3A_52 : memref<128xi32, #tpu.memory_space<vmem>>) semaphore(%arg11 : memref<!tpu.dma_semaphore, #tpu.memory_space<semaphore_mem>>)
    %dma_start3A_56 = arith.constant 1 : i32
    %dma_start3A_57 = arith.constant 0 : i32
    %dma_start3A_58 = arith.constant 1 : i32
    %dma_start3A_59 = arith.constant 0 : i32
    %dma_start3A_60 = arith.constant 0 : i32
    %dma_start3A_61 = tpu.memref_slice %arg9[%dma_start3A_57, %dma_start3A_58, %dma_start3A_59, %dma_start3A_60] : memref<2x4x128x64xf32, #tpu.memory_space<vmem>> -> memref<1x1x128x64xf32, #tpu.memory_space<vmem>>
    %dma_start3A_62 = tpu.memref_squeeze %dma_start3A_61 : memref<1x1x128x64xf32, #tpu.memory_space<vmem>> -> memref<128x64xf32, #tpu.memory_space<vmem>>
    %dma_start3A_63 = arith.constant 0 : i32
    %dma_start3A_64 = tpu.memref_slice %arg7[%dma_start3A_56, %dma_start3A_63] : memref<80x128xi32, #tpu.memory_space<vmem>> -> memref<1x128xi32, #tpu.memory_space<vmem>>
    %dma_start3A_65 = tpu.memref_squeeze %dma_start3A_64 : memref<1x128xi32, #tpu.memory_space<vmem>> -> memref<128xi32, #tpu.memory_space<vmem>>
    %dma_start3A_66 = arith.constant 0 : i32
    %dma_start3A_67 = arith.constant 0 : i32
    %dma_start3A_68 = tpu.memref_slice %arg2[%dma_start3A_66, %dma_start3A_67] : memref<10000x64xf32, #tpu.memory_space<hbm>> -> memref<10000x64xf32, #tpu.memory_space<hbm>>
    tpu.enqueue_indirect_dma source(%dma_start3A_68 : memref<10000x64xf32, #tpu.memory_space<hbm>>) target(%dma_start3A_62 : memref<128x64xf32, #tpu.memory_space<vmem>>) offsets(%dma_start3A_65 : memref<128xi32, #tpu.memory_space<vmem>>) semaphore(%arg11 : memref<!tpu.dma_semaphore, #tpu.memory_space<semaphore_mem>>)
    %dma_start3A_69 = arith.constant 2 : i32
    %dma_start3A_70 = arith.constant 0 : i32
    %dma_start3A_71 = arith.constant 2 : i32
    %dma_start3A_72 = arith.constant 0 : i32
    %dma_start3A_73 = arith.constant 0 : i32
    %dma_start3A_74 = tpu.memref_slice %arg9[%dma_start3A_70, %dma_start3A_71, %dma_start3A_72, %dma_start3A_73] : memref<2x4x128x64xf32, #tpu.memory_space<vmem>> -> memref<1x1x128x64xf32, #tpu.memory_space<vmem>>
    %dma_start3A_75 = tpu.memref_squeeze %dma_start3A_74 : memref<1x1x128x64xf32, #tpu.memory_space<vmem>> -> memref<128x64xf32, #tpu.memory_space<vmem>>
    %dma_start3A_76 = arith.constant 0 : i32
    %dma_start3A_77 = tpu.memref_slice %arg7[%dma_start3A_69, %dma_start3A_76] : memref<80x128xi32, #tpu.memory_space<vmem>> -> memref<1x128xi32, #tpu.memory_space<vmem>>
    %dma_start3A_78 = tpu.memref_squeeze %dma_start3A_77 : memref<1x128xi32, #tpu.memory_space<vmem>> -> memref<128xi32, #tpu.memory_space<vmem>>
    %dma_start3A_79 = arith.constant 0 : i32
    %dma_start3A_80 = arith.constant 0 : i32
    %dma_start3A_81 = tpu.memref_slice %arg2[%dma_start3A_79, %dma_start3A_80] : memref<10000x64xf32, #tpu.memory_space<hbm>> -> memref<10000x64xf32, #tpu.memory_space<hbm>>
    tpu.enqueue_indirect_dma source(%dma_start3A_81 : memref<10000x64xf32, #tpu.memory_space<hbm>>) target(%dma_start3A_75 : memref<128x64xf32, #tpu.memory_space<vmem>>) offsets(%dma_start3A_78 : memref<128xi32, #tpu.memory_space<vmem>>) semaphore(%arg11 : memref<!tpu.dma_semaphore, #tpu.memory_space<semaphore_mem>>)
    %dma_start3A_82 = arith.constant 3 : i32
    %dma_start3A_83 = arith.constant 0 : i32
    %dma_start3A_84 = arith.constant 3 : i32
    %dma_start3A_85 = arith.constant 0 : i32
    %dma_start3A_86 = arith.constant 0 : i32
    %dma_start3A_87 = tpu.memref_slice %arg9[%dma_start3A_83, %dma_start3A_84, %dma_start3A_85, %dma_start3A_86] : memref<2x4x128x64xf32, #tpu.memory_space<vmem>> -> memref<1x1x128x64xf32, #tpu.memory_space<vmem>>
    %dma_start3A_88 = tpu.memref_squeeze %dma_start3A_87 : memref<1x1x128x64xf32, #tpu.memory_space<vmem>> -> memref<128x64xf32, #tpu.memory_space<vmem>>
    %dma_start3A_89 = arith.constant 0 : i32
    %dma_start3A_90 = tpu.memref_slice %arg7[%dma_start3A_82, %dma_start3A_89] : memref<80x128xi32, #tpu.memory_space<vmem>> -> memref<1x128xi32, #tpu.memory_space<vmem>>
    %dma_start3A_91 = tpu.memref_squeeze %dma_start3A_90 : memref<1x128xi32, #tpu.memory_space<vmem>> -> memref<128xi32, #tpu.memory_space<vmem>>
    %dma_start3A_92 = arith.constant 0 : i32
    %dma_start3A_93 = arith.constant 0 : i32
    %dma_start3A_94 = tpu.memref_slice %arg2[%dma_start3A_92, %dma_start3A_93] : memref<10000x64xf32, #tpu.memory_space<hbm>> -> memref<10000x64xf32, #tpu.memory_space<hbm>>
    tpu.enqueue_indirect_dma source(%dma_start3A_94 : memref<10000x64xf32, #tpu.memory_space<hbm>>) target(%dma_start3A_88 : memref<128x64xf32, #tpu.memory_space<vmem>>) offsets(%dma_start3A_91 : memref<128xi32, #tpu.memory_space<vmem>>) semaphore(%arg11 : memref<!tpu.dma_semaphore, #tpu.memory_space<semaphore_mem>>)
    %scan3A = arith.constant 0 : i32
    %scan3A_95 = arith.constant 10 : i32
    %scan3A_96 = arith.addi %scan3A, %scan3A_95 : i32
    %scan3A_97 = arith.constant 1 : i32
    scf.for %scan3A_167 = %scan3A to %scan3A_96 step %scan3A_97  : i32 {
      %mul3A_168 = arith.constant 2 : i32
      %mul3A_169 = arith.muli %scan3A_167, %mul3A_168 : i32
      %add3A_170 = arith.constant 0 : i32
      %add3A_171 = arith.addi %add3A_170, %mul3A_169 : i32
      %gt3A = arith.constant 0 : i32
      %gt3A_172 = arith.cmpi sgt, %add3A_171, %gt3A : i32
      %convert_element_type3A_173 = arith.extui %gt3A_172 : i1 to i32
      %cond3A_174 = arith.constant 0 : i32
      %cond3A_175 = arith.cmpi ne, %convert_element_type3A_173, %cond3A_174 : i32
      scf.if %cond3A_175 {
        %sub3A = arith.constant 1 : i32
        %sub3A_572 = arith.subi %add3A_171, %sub3A : i32
        %mul3A_573 = arith.constant 4 : i32
        %mul3A_574 = arith.muli %sub3A_572, %mul3A_573 : i32
        %add3A_575 = arith.constant 0 : i32
        %add3A_576 = arith.addi %mul3A_574, %add3A_575 : i32
        %dma_wait3A_577 = arith.constant 1 : i32
        %dma_wait3A_578 = arith.constant 0 : i32
        %dma_wait3A_579 = arith.constant 0 : i32
        %dma_wait3A_580 = arith.constant 0 : i32
        %dma_wait3A_581 = tpu.memref_slice %arg9[%dma_wait3A_577, %dma_wait3A_578, %dma_wait3A_579, %dma_wait3A_580] : memref<2x4x128x64xf32, #tpu.memory_space<vmem>> -> memref<1x1x128x64xf32, #tpu.memory_space<vmem>>
        %dma_wait3A_582 = tpu.memref_squeeze %dma_wait3A_581 : memref<1x1x128x64xf32, #tpu.memory_space<vmem>> -> memref<128x64xf32, #tpu.memory_space<vmem>>
        %dma_wait3A_583 = arith.constant 0 : i32
        %dma_wait3A_584 = tpu.memref_slice %arg8[%add3A_576, %dma_wait3A_583] : memref<80x128xi32, #tpu.memory_space<vmem>> -> memref<1x128xi32, #tpu.memory_space<vmem>>
        %dma_wait3A_585 = tpu.memref_squeeze %dma_wait3A_584 : memref<1x128xi32, #tpu.memory_space<vmem>> -> memref<128xi32, #tpu.memory_space<vmem>>
        %dma_wait3A_586 = arith.constant 0 : i32
        %dma_wait3A_587 = arith.constant 0 : i32
        %dma_wait3A_588 = tpu.memref_slice %arg10[%dma_wait3A_586, %dma_wait3A_587] : memref<10512x64xf32, #tpu.memory_space<vmem_shared>> -> memref<10512x64xf32, #tpu.memory_space<vmem_shared>>
        tpu.wait_indirect_dma semaphore(%arg14 : memref<!tpu.dma_semaphore, #tpu.memory_space<semaphore_mem>>) src(%dma_wait3A_582 : memref<128x64xf32, #tpu.memory_space<vmem>>) dst(%dma_wait3A_588 : memref<10512x64xf32, #tpu.memory_space<vmem_shared>>)
        %mul3A_589 = arith.constant 4 : i32
        %mul3A_590 = arith.muli %sub3A_572, %mul3A_589 : i32
        %add3A_591 = arith.constant 1 : i32
        %add3A_592 = arith.addi %mul3A_590, %add3A_591 : i32
        %dma_wait3A_593 = arith.constant 1 : i32
        %dma_wait3A_594 = arith.constant 1 : i32
        %dma_wait3A_595 = arith.constant 0 : i32
        %dma_wait3A_596 = arith.constant 0 : i32
        %dma_wait3A_597 = tpu.memref_slice %arg9[%dma_wait3A_593, %dma_wait3A_594, %dma_wait3A_595, %dma_wait3A_596] : memref<2x4x128x64xf32, #tpu.memory_space<vmem>> -> memref<1x1x128x64xf32, #tpu.memory_space<vmem>>
        %dma_wait3A_598 = tpu.memref_squeeze %dma_wait3A_597 : memref<1x1x128x64xf32, #tpu.memory_space<vmem>> -> memref<128x64xf32, #tpu.memory_space<vmem>>
        %dma_wait3A_599 = arith.constant 0 : i32
        %dma_wait3A_600 = tpu.memref_slice %arg8[%add3A_592, %dma_wait3A_599] : memref<80x128xi32, #tpu.memory_space<vmem>> -> memref<1x128xi32, #tpu.memory_space<vmem>>
        %dma_wait3A_601 = tpu.memref_squeeze %dma_wait3A_600 : memref<1x128xi32, #tpu.memory_space<vmem>> -> memref<128xi32, #tpu.memory_space<vmem>>
        %dma_wait3A_602 = arith.constant 0 : i32
        %dma_wait3A_603 = arith.constant 0 : i32
        %dma_wait3A_604 = tpu.memref_slice %arg10[%dma_wait3A_602, %dma_wait3A_603] : memref<10512x64xf32, #tpu.memory_space<vmem_shared>> -> memref<10512x64xf32, #tpu.memory_space<vmem_shared>>
        tpu.wait_indirect_dma semaphore(%arg14 : memref<!tpu.dma_semaphore, #tpu.memory_space<semaphore_mem>>) src(%dma_wait3A_598 : memref<128x64xf32, #tpu.memory_space<vmem>>) dst(%dma_wait3A_604 : memref<10512x64xf32, #tpu.memory_space<vmem_shared>>)
        %mul3A_605 = arith.constant 4 : i32
        %mul3A_606 = arith.muli %sub3A_572, %mul3A_605 : i32
        %add3A_607 = arith.constant 2 : i32
        %add3A_608 = arith.addi %mul3A_606, %add3A_607 : i32
        %dma_wait3A_609 = arith.constant 1 : i32
        %dma_wait3A_610 = arith.constant 2 : i32
        %dma_wait3A_611 = arith.constant 0 : i32
        %dma_wait3A_612 = arith.constant 0 : i32
        %dma_wait3A_613 = tpu.memref_slice %arg9[%dma_wait3A_609, %dma_wait3A_610, %dma_wait3A_611, %dma_wait3A_612] : memref<2x4x128x64xf32, #tpu.memory_space<vmem>> -> memref<1x1x128x64xf32, #tpu.memory_space<vmem>>
        %dma_wait3A_614 = tpu.memref_squeeze %dma_wait3A_613 : memref<1x1x128x64xf32, #tpu.memory_space<vmem>> -> memref<128x64xf32, #tpu.memory_space<vmem>>
        %dma_wait3A_615 = arith.constant 0 : i32
        %dma_wait3A_616 = tpu.memref_slice %arg8[%add3A_608, %dma_wait3A_615] : memref<80x128xi32, #tpu.memory_space<vmem>> -> memref<1x128xi32, #tpu.memory_space<vmem>>
        %dma_wait3A_617 = tpu.memref_squeeze %dma_wait3A_616 : memref<1x128xi32, #tpu.memory_space<vmem>> -> memref<128xi32, #tpu.memory_space<vmem>>
        %dma_wait3A_618 = arith.constant 0 : i32
        %dma_wait3A_619 = arith.constant 0 : i32
        %dma_wait3A_620 = tpu.memref_slice %arg10[%dma_wait3A_618, %dma_wait3A_619] : memref<10512x64xf32, #tpu.memory_space<vmem_shared>> -> memref<10512x64xf32, #tpu.memory_space<vmem_shared>>
        tpu.wait_indirect_dma semaphore(%arg14 : memref<!tpu.dma_semaphore, #tpu.memory_space<semaphore_mem>>) src(%dma_wait3A_614 : memref<128x64xf32, #tpu.memory_space<vmem>>) dst(%dma_wait3A_620 : memref<10512x64xf32, #tpu.memory_space<vmem_shared>>)
        %mul3A_621 = arith.constant 4 : i32
        %mul3A_622 = arith.muli %sub3A_572, %mul3A_621 : i32
        %add3A_623 = arith.constant 3 : i32
        %add3A_624 = arith.addi %mul3A_622, %add3A_623 : i32
        %dma_wait3A_625 = arith.constant 1 : i32
        %dma_wait3A_626 = arith.constant 3 : i32
        %dma_wait3A_627 = arith.constant 0 : i32
        %dma_wait3A_628 = arith.constant 0 : i32
        %dma_wait3A_629 = tpu.memref_slice %arg9[%dma_wait3A_625, %dma_wait3A_626, %dma_wait3A_627, %dma_wait3A_628] : memref<2x4x128x64xf32, #tpu.memory_space<vmem>> -> memref<1x1x128x64xf32, #tpu.memory_space<vmem>>
        %dma_wait3A_630 = tpu.memref_squeeze %dma_wait3A_629 : memref<1x1x128x64xf32, #tpu.memory_space<vmem>> -> memref<128x64xf32, #tpu.memory_space<vmem>>
        %dma_wait3A_631 = arith.constant 0 : i32
        %dma_wait3A_632 = tpu.memref_slice %arg8[%add3A_624, %dma_wait3A_631] : memref<80x128xi32, #tpu.memory_space<vmem>> -> memref<1x128xi32, #tpu.memory_space<vmem>>
        %dma_wait3A_633 = tpu.memref_squeeze %dma_wait3A_632 : memref<1x128xi32, #tpu.memory_space<vmem>> -> memref<128xi32, #tpu.memory_space<vmem>>
        %dma_wait3A_634 = arith.constant 0 : i32
        %dma_wait3A_635 = arith.constant 0 : i32
        %dma_wait3A_636 = tpu.memref_slice %arg10[%dma_wait3A_634, %dma_wait3A_635] : memref<10512x64xf32, #tpu.memory_space<vmem_shared>> -> memref<10512x64xf32, #tpu.memory_space<vmem_shared>>
        tpu.wait_indirect_dma semaphore(%arg14 : memref<!tpu.dma_semaphore, #tpu.memory_space<semaphore_mem>>) src(%dma_wait3A_630 : memref<128x64xf32, #tpu.memory_space<vmem>>) dst(%dma_wait3A_636 : memref<10512x64xf32, #tpu.memory_space<vmem_shared>>)
      } else {
      }
      %add3A_176 = arith.constant 1 : i32
      %add3A_177 = arith.addi %add3A_171, %add3A_176 : i32
      %mul3A_178 = arith.constant 4 : i32
      %mul3A_179 = arith.muli %add3A_177, %mul3A_178 : i32
      %add3A_180 = arith.constant 0 : i32
      %add3A_181 = arith.addi %mul3A_179, %add3A_180 : i32
      %dma_start3A_182 = arith.constant 1 : i32
      %dma_start3A_183 = arith.constant 0 : i32
      %dma_start3A_184 = arith.constant 0 : i32
      %dma_start3A_185 = arith.constant 0 : i32
      %dma_start3A_186 = tpu.memref_slice %arg9[%dma_start3A_182, %dma_start3A_183, %dma_start3A_184, %dma_start3A_185] : memref<2x4x128x64xf32, #tpu.memory_space<vmem>> -> memref<1x1x128x64xf32, #tpu.memory_space<vmem>>
      %dma_start3A_187 = tpu.memref_squeeze %dma_start3A_186 : memref<1x1x128x64xf32, #tpu.memory_space<vmem>> -> memref<128x64xf32, #tpu.memory_space<vmem>>
      %dma_start3A_188 = arith.constant 0 : i32
      %dma_start3A_189 = tpu.memref_slice %arg7[%add3A_181, %dma_start3A_188] : memref<80x128xi32, #tpu.memory_space<vmem>> -> memref<1x128xi32, #tpu.memory_space<vmem>>
      %dma_start3A_190 = tpu.memref_squeeze %dma_start3A_189 : memref<1x128xi32, #tpu.memory_space<vmem>> -> memref<128xi32, #tpu.memory_space<vmem>>
      %dma_start3A_191 = arith.constant 0 : i32
      %dma_start3A_192 = arith.constant 0 : i32
      %dma_start3A_193 = tpu.memref_slice %arg2[%dma_start3A_191, %dma_start3A_192] : memref<10000x64xf32, #tpu.memory_space<hbm>> -> memref<10000x64xf32, #tpu.memory_space<hbm>>
      tpu.enqueue_indirect_dma source(%dma_start3A_193 : memref<10000x64xf32, #tpu.memory_space<hbm>>) target(%dma_start3A_187 : memref<128x64xf32, #tpu.memory_space<vmem>>) offsets(%dma_start3A_190 : memref<128xi32, #tpu.memory_space<vmem>>) semaphore(%arg12 : memref<!tpu.dma_semaphore, #tpu.memory_space<semaphore_mem>>)
      %mul3A_194 = arith.constant 4 : i32
      %mul3A_195 = arith.muli %add3A_177, %mul3A_194 : i32
      %add3A_196 = arith.constant 1 : i32
      %add3A_197 = arith.addi %mul3A_195, %add3A_196 : i32
      %dma_start3A_198 = arith.constant 1 : i32
      %dma_start3A_199 = arith.constant 1 : i32
      %dma_start3A_200 = arith.constant 0 : i32
      %dma_start3A_201 = arith.constant 0 : i32
      %dma_start3A_202 = tpu.memref_slice %arg9[%dma_start3A_198, %dma_start3A_199, %dma_start3A_200, %dma_start3A_201] : memref<2x4x128x64xf32, #tpu.memory_space<vmem>> -> memref<1x1x128x64xf32, #tpu.memory_space<vmem>>
      %dma_start3A_203 = tpu.memref_squeeze %dma_start3A_202 : memref<1x1x128x64xf32, #tpu.memory_space<vmem>> -> memref<128x64xf32, #tpu.memory_space<vmem>>
      %dma_start3A_204 = arith.constant 0 : i32
      %dma_start3A_205 = tpu.memref_slice %arg7[%add3A_197, %dma_start3A_204] : memref<80x128xi32, #tpu.memory_space<vmem>> -> memref<1x128xi32, #tpu.memory_space<vmem>>
      %dma_start3A_206 = tpu.memref_squeeze %dma_start3A_205 : memref<1x128xi32, #tpu.memory_space<vmem>> -> memref<128xi32, #tpu.memory_space<vmem>>
      %dma_start3A_207 = arith.constant 0 : i32
      %dma_start3A_208 = arith.constant 0 : i32
      %dma_start3A_209 = tpu.memref_slice %arg2[%dma_start3A_207, %dma_start3A_208] : memref<10000x64xf32, #tpu.memory_space<hbm>> -> memref<10000x64xf32, #tpu.memory_space<hbm>>
      tpu.enqueue_indirect_dma source(%dma_start3A_209 : memref<10000x64xf32, #tpu.memory_space<hbm>>) target(%dma_start3A_203 : memref<128x64xf32, #tpu.memory_space<vmem>>) offsets(%dma_start3A_206 : memref<128xi32, #tpu.memory_space<vmem>>) semaphore(%arg12 : memref<!tpu.dma_semaphore, #tpu.memory_space<semaphore_mem>>)
      %mul3A_210 = arith.constant 4 : i32
      %mul3A_211 = arith.muli %add3A_177, %mul3A_210 : i32
      %add3A_212 = arith.constant 2 : i32
      %add3A_213 = arith.addi %mul3A_211, %add3A_212 : i32
      %dma_start3A_214 = arith.constant 1 : i32
      %dma_start3A_215 = arith.constant 2 : i32
      %dma_start3A_216 = arith.constant 0 : i32
      %dma_start3A_217 = arith.constant 0 : i32
      %dma_start3A_218 = tpu.memref_slice %arg9[%dma_start3A_214, %dma_start3A_215, %dma_start3A_216, %dma_start3A_217] : memref<2x4x128x64xf32, #tpu.memory_space<vmem>> -> memref<1x1x128x64xf32, #tpu.memory_space<vmem>>
      %dma_start3A_219 = tpu.memref_squeeze %dma_start3A_218 : memref<1x1x128x64xf32, #tpu.memory_space<vmem>> -> memref<128x64xf32, #tpu.memory_space<vmem>>
      %dma_start3A_220 = arith.constant 0 : i32
      %dma_start3A_221 = tpu.memref_slice %arg7[%add3A_213, %dma_start3A_220] : memref<80x128xi32, #tpu.memory_space<vmem>> -> memref<1x128xi32, #tpu.memory_space<vmem>>
      %dma_start3A_222 = tpu.memref_squeeze %dma_start3A_221 : memref<1x128xi32, #tpu.memory_space<vmem>> -> memref<128xi32, #tpu.memory_space<vmem>>
      %dma_start3A_223 = arith.constant 0 : i32
      %dma_start3A_224 = arith.constant 0 : i32
      %dma_start3A_225 = tpu.memref_slice %arg2[%dma_start3A_223, %dma_start3A_224] : memref<10000x64xf32, #tpu.memory_space<hbm>> -> memref<10000x64xf32, #tpu.memory_space<hbm>>
      tpu.enqueue_indirect_dma source(%dma_start3A_225 : memref<10000x64xf32, #tpu.memory_space<hbm>>) target(%dma_start3A_219 : memref<128x64xf32, #tpu.memory_space<vmem>>) offsets(%dma_start3A_222 : memref<128xi32, #tpu.memory_space<vmem>>) semaphore(%arg12 : memref<!tpu.dma_semaphore, #tpu.memory_space<semaphore_mem>>)
      %mul3A_226 = arith.constant 4 : i32
      %mul3A_227 = arith.muli %add3A_177, %mul3A_226 : i32
      %add3A_228 = arith.constant 3 : i32
      %add3A_229 = arith.addi %mul3A_227, %add3A_228 : i32
      %dma_start3A_230 = arith.constant 1 : i32
      %dma_start3A_231 = arith.constant 3 : i32
      %dma_start3A_232 = arith.constant 0 : i32
      %dma_start3A_233 = arith.constant 0 : i32
      %dma_start3A_234 = tpu.memref_slice %arg9[%dma_start3A_230, %dma_start3A_231, %dma_start3A_232, %dma_start3A_233] : memref<2x4x128x64xf32, #tpu.memory_space<vmem>> -> memref<1x1x128x64xf32, #tpu.memory_space<vmem>>
      %dma_start3A_235 = tpu.memref_squeeze %dma_start3A_234 : memref<1x1x128x64xf32, #tpu.memory_space<vmem>> -> memref<128x64xf32, #tpu.memory_space<vmem>>
      %dma_start3A_236 = arith.constant 0 : i32
      %dma_start3A_237 = tpu.memref_slice %arg7[%add3A_229, %dma_start3A_236] : memref<80x128xi32, #tpu.memory_space<vmem>> -> memref<1x128xi32, #tpu.memory_space<vmem>>
      %dma_start3A_238 = tpu.memref_squeeze %dma_start3A_237 : memref<1x128xi32, #tpu.memory_space<vmem>> -> memref<128xi32, #tpu.memory_space<vmem>>
      %dma_start3A_239 = arith.constant 0 : i32
      %dma_start3A_240 = arith.constant 0 : i32
      %dma_start3A_241 = tpu.memref_slice %arg2[%dma_start3A_239, %dma_start3A_240] : memref<10000x64xf32, #tpu.memory_space<hbm>> -> memref<10000x64xf32, #tpu.memory_space<hbm>>
      tpu.enqueue_indirect_dma source(%dma_start3A_241 : memref<10000x64xf32, #tpu.memory_space<hbm>>) target(%dma_start3A_235 : memref<128x64xf32, #tpu.memory_space<vmem>>) offsets(%dma_start3A_238 : memref<128xi32, #tpu.memory_space<vmem>>) semaphore(%arg12 : memref<!tpu.dma_semaphore, #tpu.memory_space<semaphore_mem>>)
      %mul3A_242 = arith.constant 4 : i32
      %mul3A_243 = arith.muli %add3A_171, %mul3A_242 : i32
      %add3A_244 = arith.constant 0 : i32
      %add3A_245 = arith.addi %mul3A_243, %add3A_244 : i32
      %dma_wait3A_246 = arith.constant 0 : i32
      %dma_wait3A_247 = arith.constant 0 : i32
      %dma_wait3A_248 = arith.constant 0 : i32
      %dma_wait3A_249 = arith.constant 0 : i32
      %dma_wait3A_250 = tpu.memref_slice %arg9[%dma_wait3A_246, %dma_wait3A_247, %dma_wait3A_248, %dma_wait3A_249] : memref<2x4x128x64xf32, #tpu.memory_space<vmem>> -> memref<1x1x128x64xf32, #tpu.memory_space<vmem>>
      %dma_wait3A_251 = tpu.memref_squeeze %dma_wait3A_250 : memref<1x1x128x64xf32, #tpu.memory_space<vmem>> -> memref<128x64xf32, #tpu.memory_space<vmem>>
      %dma_wait3A_252 = arith.constant 0 : i32
      %dma_wait3A_253 = tpu.memref_slice %arg7[%add3A_245, %dma_wait3A_252] : memref<80x128xi32, #tpu.memory_space<vmem>> -> memref<1x128xi32, #tpu.memory_space<vmem>>
      %dma_wait3A_254 = tpu.memref_squeeze %dma_wait3A_253 : memref<1x128xi32, #tpu.memory_space<vmem>> -> memref<128xi32, #tpu.memory_space<vmem>>
      %dma_wait3A_255 = arith.constant 0 : i32
      %dma_wait3A_256 = arith.constant 0 : i32
      %dma_wait3A_257 = tpu.memref_slice %arg2[%dma_wait3A_255, %dma_wait3A_256] : memref<10000x64xf32, #tpu.memory_space<hbm>> -> memref<10000x64xf32, #tpu.memory_space<hbm>>
      tpu.wait_indirect_dma semaphore(%arg11 : memref<!tpu.dma_semaphore, #tpu.memory_space<semaphore_mem>>) src(%dma_wait3A_257 : memref<10000x64xf32, #tpu.memory_space<hbm>>) dst(%dma_wait3A_251 : memref<128x64xf32, #tpu.memory_space<vmem>>)
      %mul3A_258 = arith.constant 4 : i32
      %mul3A_259 = arith.muli %add3A_171, %mul3A_258 : i32
      %add3A_260 = arith.constant 1 : i32
      %add3A_261 = arith.addi %mul3A_259, %add3A_260 : i32
      %dma_wait3A_262 = arith.constant 0 : i32
      %dma_wait3A_263 = arith.constant 1 : i32
      %dma_wait3A_264 = arith.constant 0 : i32
      %dma_wait3A_265 = arith.constant 0 : i32
      %dma_wait3A_266 = tpu.memref_slice %arg9[%dma_wait3A_262, %dma_wait3A_263, %dma_wait3A_264, %dma_wait3A_265] : memref<2x4x128x64xf32, #tpu.memory_space<vmem>> -> memref<1x1x128x64xf32, #tpu.memory_space<vmem>>
      %dma_wait3A_267 = tpu.memref_squeeze %dma_wait3A_266 : memref<1x1x128x64xf32, #tpu.memory_space<vmem>> -> memref<128x64xf32, #tpu.memory_space<vmem>>
      %dma_wait3A_268 = arith.constant 0 : i32
      %dma_wait3A_269 = tpu.memref_slice %arg7[%add3A_261, %dma_wait3A_268] : memref<80x128xi32, #tpu.memory_space<vmem>> -> memref<1x128xi32, #tpu.memory_space<vmem>>
      %dma_wait3A_270 = tpu.memref_squeeze %dma_wait3A_269 : memref<1x128xi32, #tpu.memory_space<vmem>> -> memref<128xi32, #tpu.memory_space<vmem>>
      %dma_wait3A_271 = arith.constant 0 : i32
      %dma_wait3A_272 = arith.constant 0 : i32
      %dma_wait3A_273 = tpu.memref_slice %arg2[%dma_wait3A_271, %dma_wait3A_272] : memref<10000x64xf32, #tpu.memory_space<hbm>> -> memref<10000x64xf32, #tpu.memory_space<hbm>>
      tpu.wait_indirect_dma semaphore(%arg11 : memref<!tpu.dma_semaphore, #tpu.memory_space<semaphore_mem>>) src(%dma_wait3A_273 : memref<10000x64xf32, #tpu.memory_space<hbm>>) dst(%dma_wait3A_267 : memref<128x64xf32, #tpu.memory_space<vmem>>)
      %mul3A_274 = arith.constant 4 : i32
      %mul3A_275 = arith.muli %add3A_171, %mul3A_274 : i32
      %add3A_276 = arith.constant 2 : i32
      %add3A_277 = arith.addi %mul3A_275, %add3A_276 : i32
      %dma_wait3A_278 = arith.constant 0 : i32
      %dma_wait3A_279 = arith.constant 2 : i32
      %dma_wait3A_280 = arith.constant 0 : i32
      %dma_wait3A_281 = arith.constant 0 : i32
      %dma_wait3A_282 = tpu.memref_slice %arg9[%dma_wait3A_278, %dma_wait3A_279, %dma_wait3A_280, %dma_wait3A_281] : memref<2x4x128x64xf32, #tpu.memory_space<vmem>> -> memref<1x1x128x64xf32, #tpu.memory_space<vmem>>
      %dma_wait3A_283 = tpu.memref_squeeze %dma_wait3A_282 : memref<1x1x128x64xf32, #tpu.memory_space<vmem>> -> memref<128x64xf32, #tpu.memory_space<vmem>>
      %dma_wait3A_284 = arith.constant 0 : i32
      %dma_wait3A_285 = tpu.memref_slice %arg7[%add3A_277, %dma_wait3A_284] : memref<80x128xi32, #tpu.memory_space<vmem>> -> memref<1x128xi32, #tpu.memory_space<vmem>>
      %dma_wait3A_286 = tpu.memref_squeeze %dma_wait3A_285 : memref<1x128xi32, #tpu.memory_space<vmem>> -> memref<128xi32, #tpu.memory_space<vmem>>
      %dma_wait3A_287 = arith.constant 0 : i32
      %dma_wait3A_288 = arith.constant 0 : i32
      %dma_wait3A_289 = tpu.memref_slice %arg2[%dma_wait3A_287, %dma_wait3A_288] : memref<10000x64xf32, #tpu.memory_space<hbm>> -> memref<10000x64xf32, #tpu.memory_space<hbm>>
      tpu.wait_indirect_dma semaphore(%arg11 : memref<!tpu.dma_semaphore, #tpu.memory_space<semaphore_mem>>) src(%dma_wait3A_289 : memref<10000x64xf32, #tpu.memory_space<hbm>>) dst(%dma_wait3A_283 : memref<128x64xf32, #tpu.memory_space<vmem>>)
      %mul3A_290 = arith.constant 4 : i32
      %mul3A_291 = arith.muli %add3A_171, %mul3A_290 : i32
      %add3A_292 = arith.constant 3 : i32
      %add3A_293 = arith.addi %mul3A_291, %add3A_292 : i32
      %dma_wait3A_294 = arith.constant 0 : i32
      %dma_wait3A_295 = arith.constant 3 : i32
      %dma_wait3A_296 = arith.constant 0 : i32
      %dma_wait3A_297 = arith.constant 0 : i32
      %dma_wait3A_298 = tpu.memref_slice %arg9[%dma_wait3A_294, %dma_wait3A_295, %dma_wait3A_296, %dma_wait3A_297] : memref<2x4x128x64xf32, #tpu.memory_space<vmem>> -> memref<1x1x128x64xf32, #tpu.memory_space<vmem>>
      %dma_wait3A_299 = tpu.memref_squeeze %dma_wait3A_298 : memref<1x1x128x64xf32, #tpu.memory_space<vmem>> -> memref<128x64xf32, #tpu.memory_space<vmem>>
      %dma_wait3A_300 = arith.constant 0 : i32
      %dma_wait3A_301 = tpu.memref_slice %arg7[%add3A_293, %dma_wait3A_300] : memref<80x128xi32, #tpu.memory_space<vmem>> -> memref<1x128xi32, #tpu.memory_space<vmem>>
      %dma_wait3A_302 = tpu.memref_squeeze %dma_wait3A_301 : memref<1x128xi32, #tpu.memory_space<vmem>> -> memref<128xi32, #tpu.memory_space<vmem>>
      %dma_wait3A_303 = arith.constant 0 : i32
      %dma_wait3A_304 = arith.constant 0 : i32
      %dma_wait3A_305 = tpu.memref_slice %arg2[%dma_wait3A_303, %dma_wait3A_304] : memref<10000x64xf32, #tpu.memory_space<hbm>> -> memref<10000x64xf32, #tpu.memory_space<hbm>>
      tpu.wait_indirect_dma semaphore(%arg11 : memref<!tpu.dma_semaphore, #tpu.memory_space<semaphore_mem>>) src(%dma_wait3A_305 : memref<10000x64xf32, #tpu.memory_space<hbm>>) dst(%dma_wait3A_299 : memref<128x64xf32, #tpu.memory_space<vmem>>)
      %mul3A_306 = arith.constant 4 : i32
      %mul3A_307 = arith.muli %add3A_171, %mul3A_306 : i32
      %add3A_308 = arith.constant 0 : i32
      %add3A_309 = arith.addi %mul3A_307, %add3A_308 : i32
      %dma_start3A_310 = arith.constant 0 : i32
      %dma_start3A_311 = arith.constant 0 : i32
      %dma_start3A_312 = arith.constant 0 : i32
      %dma_start3A_313 = arith.constant 0 : i32
      %dma_start3A_314 = tpu.memref_slice %arg9[%dma_start3A_310, %dma_start3A_311, %dma_start3A_312, %dma_start3A_313] : memref<2x4x128x64xf32, #tpu.memory_space<vmem>> -> memref<1x1x128x64xf32, #tpu.memory_space<vmem>>
      %dma_start3A_315 = tpu.memref_squeeze %dma_start3A_314 : memref<1x1x128x64xf32, #tpu.memory_space<vmem>> -> memref<128x64xf32, #tpu.memory_space<vmem>>
      %dma_start3A_316 = arith.constant 0 : i32
      %dma_start3A_317 = tpu.memref_slice %arg8[%add3A_309, %dma_start3A_316] : memref<80x128xi32, #tpu.memory_space<vmem>> -> memref<1x128xi32, #tpu.memory_space<vmem>>
      %dma_start3A_318 = tpu.memref_squeeze %dma_start3A_317 : memref<1x128xi32, #tpu.memory_space<vmem>> -> memref<128xi32, #tpu.memory_space<vmem>>
      %dma_start3A_319 = arith.constant 0 : i32
      %dma_start3A_320 = arith.constant 0 : i32
      %dma_start3A_321 = tpu.memref_slice %arg10[%dma_start3A_319, %dma_start3A_320] : memref<10512x64xf32, #tpu.memory_space<vmem_shared>> -> memref<10512x64xf32, #tpu.memory_space<vmem_shared>>
      tpu.enqueue_indirect_dma source(%dma_start3A_315 : memref<128x64xf32, #tpu.memory_space<vmem>>) target(%dma_start3A_321 : memref<10512x64xf32, #tpu.memory_space<vmem_shared>>) offsets(%dma_start3A_318 : memref<128xi32, #tpu.memory_space<vmem>>) semaphore(%arg13 : memref<!tpu.dma_semaphore, #tpu.memory_space<semaphore_mem>>) {add = true}
      %mul3A_322 = arith.constant 4 : i32
      %mul3A_323 = arith.muli %add3A_171, %mul3A_322 : i32
      %add3A_324 = arith.constant 1 : i32
      %add3A_325 = arith.addi %mul3A_323, %add3A_324 : i32
      %dma_start3A_326 = arith.constant 0 : i32
      %dma_start3A_327 = arith.constant 1 : i32
      %dma_start3A_328 = arith.constant 0 : i32
      %dma_start3A_329 = arith.constant 0 : i32
      %dma_start3A_330 = tpu.memref_slice %arg9[%dma_start3A_326, %dma_start3A_327, %dma_start3A_328, %dma_start3A_329] : memref<2x4x128x64xf32, #tpu.memory_space<vmem>> -> memref<1x1x128x64xf32, #tpu.memory_space<vmem>>
      %dma_start3A_331 = tpu.memref_squeeze %dma_start3A_330 : memref<1x1x128x64xf32, #tpu.memory_space<vmem>> -> memref<128x64xf32, #tpu.memory_space<vmem>>
      %dma_start3A_332 = arith.constant 0 : i32
      %dma_start3A_333 = tpu.memref_slice %arg8[%add3A_325, %dma_start3A_332] : memref<80x128xi32, #tpu.memory_space<vmem>> -> memref<1x128xi32, #tpu.memory_space<vmem>>
      %dma_start3A_334 = tpu.memref_squeeze %dma_start3A_333 : memref<1x128xi32, #tpu.memory_space<vmem>> -> memref<128xi32, #tpu.memory_space<vmem>>
      %dma_start3A_335 = arith.constant 0 : i32
      %dma_start3A_336 = arith.constant 0 : i32
      %dma_start3A_337 = tpu.memref_slice %arg10[%dma_start3A_335, %dma_start3A_336] : memref<10512x64xf32, #tpu.memory_space<vmem_shared>> -> memref<10512x64xf32, #tpu.memory_space<vmem_shared>>
      tpu.enqueue_indirect_dma source(%dma_start3A_331 : memref<128x64xf32, #tpu.memory_space<vmem>>) target(%dma_start3A_337 : memref<10512x64xf32, #tpu.memory_space<vmem_shared>>) offsets(%dma_start3A_334 : memref<128xi32, #tpu.memory_space<vmem>>) semaphore(%arg13 : memref<!tpu.dma_semaphore, #tpu.memory_space<semaphore_mem>>) {add = true}
      %mul3A_338 = arith.constant 4 : i32
      %mul3A_339 = arith.muli %add3A_171, %mul3A_338 : i32
      %add3A_340 = arith.constant 2 : i32
      %add3A_341 = arith.addi %mul3A_339, %add3A_340 : i32
      %dma_start3A_342 = arith.constant 0 : i32
      %dma_start3A_343 = arith.constant 2 : i32
      %dma_start3A_344 = arith.constant 0 : i32
      %dma_start3A_345 = arith.constant 0 : i32
      %dma_start3A_346 = tpu.memref_slice %arg9[%dma_start3A_342, %dma_start3A_343, %dma_start3A_344, %dma_start3A_345] : memref<2x4x128x64xf32, #tpu.memory_space<vmem>> -> memref<1x1x128x64xf32, #tpu.memory_space<vmem>>
      %dma_start3A_347 = tpu.memref_squeeze %dma_start3A_346 : memref<1x1x128x64xf32, #tpu.memory_space<vmem>> -> memref<128x64xf32, #tpu.memory_space<vmem>>
      %dma_start3A_348 = arith.constant 0 : i32
      %dma_start3A_349 = tpu.memref_slice %arg8[%add3A_341, %dma_start3A_348] : memref<80x128xi32, #tpu.memory_space<vmem>> -> memref<1x128xi32, #tpu.memory_space<vmem>>
      %dma_start3A_350 = tpu.memref_squeeze %dma_start3A_349 : memref<1x128xi32, #tpu.memory_space<vmem>> -> memref<128xi32, #tpu.memory_space<vmem>>
      %dma_start3A_351 = arith.constant 0 : i32
      %dma_start3A_352 = arith.constant 0 : i32
      %dma_start3A_353 = tpu.memref_slice %arg10[%dma_start3A_351, %dma_start3A_352] : memref<10512x64xf32, #tpu.memory_space<vmem_shared>> -> memref<10512x64xf32, #tpu.memory_space<vmem_shared>>
      tpu.enqueue_indirect_dma source(%dma_start3A_347 : memref<128x64xf32, #tpu.memory_space<vmem>>) target(%dma_start3A_353 : memref<10512x64xf32, #tpu.memory_space<vmem_shared>>) offsets(%dma_start3A_350 : memref<128xi32, #tpu.memory_space<vmem>>) semaphore(%arg13 : memref<!tpu.dma_semaphore, #tpu.memory_space<semaphore_mem>>) {add = true}
      %mul3A_354 = arith.constant 4 : i32
      %mul3A_355 = arith.muli %add3A_171, %mul3A_354 : i32
      %add3A_356 = arith.constant 3 : i32
      %add3A_357 = arith.addi %mul3A_355, %add3A_356 : i32
      %dma_start3A_358 = arith.constant 0 : i32
      %dma_start3A_359 = arith.constant 3 : i32
      %dma_start3A_360 = arith.constant 0 : i32
      %dma_start3A_361 = arith.constant 0 : i32
      %dma_start3A_362 = tpu.memref_slice %arg9[%dma_start3A_358, %dma_start3A_359, %dma_start3A_360, %dma_start3A_361] : memref<2x4x128x64xf32, #tpu.memory_space<vmem>> -> memref<1x1x128x64xf32, #tpu.memory_space<vmem>>
      %dma_start3A_363 = tpu.memref_squeeze %dma_start3A_362 : memref<1x1x128x64xf32, #tpu.memory_space<vmem>> -> memref<128x64xf32, #tpu.memory_space<vmem>>
      %dma_start3A_364 = arith.constant 0 : i32
      %dma_start3A_365 = tpu.memref_slice %arg8[%add3A_357, %dma_start3A_364] : memref<80x128xi32, #tpu.memory_space<vmem>> -> memref<1x128xi32, #tpu.memory_space<vmem>>
      %dma_start3A_366 = tpu.memref_squeeze %dma_start3A_365 : memref<1x128xi32, #tpu.memory_space<vmem>> -> memref<128xi32, #tpu.memory_space<vmem>>
      %dma_start3A_367 = arith.constant 0 : i32
      %dma_start3A_368 = arith.constant 0 : i32
      %dma_start3A_369 = tpu.memref_slice %arg10[%dma_start3A_367, %dma_start3A_368] : memref<10512x64xf32, #tpu.memory_space<vmem_shared>> -> memref<10512x64xf32, #tpu.memory_space<vmem_shared>>
      tpu.enqueue_indirect_dma source(%dma_start3A_363 : memref<128x64xf32, #tpu.memory_space<vmem>>) target(%dma_start3A_369 : memref<10512x64xf32, #tpu.memory_space<vmem_shared>>) offsets(%dma_start3A_366 : memref<128xi32, #tpu.memory_space<vmem>>) semaphore(%arg13 : memref<!tpu.dma_semaphore, #tpu.memory_space<semaphore_mem>>) {add = true}
      %mul3A_370 = arith.constant 4 : i32
      %mul3A_371 = arith.muli %add3A_171, %mul3A_370 : i32
      %add3A_372 = arith.constant 0 : i32
      %add3A_373 = arith.addi %mul3A_371, %add3A_372 : i32
      %dma_wait3A_374 = arith.constant 0 : i32
      %dma_wait3A_375 = arith.constant 0 : i32
      %dma_wait3A_376 = arith.constant 0 : i32
      %dma_wait3A_377 = arith.constant 0 : i32
      %dma_wait3A_378 = tpu.memref_slice %arg9[%dma_wait3A_374, %dma_wait3A_375, %dma_wait3A_376, %dma_wait3A_377] : memref<2x4x128x64xf32, #tpu.memory_space<vmem>> -> memref<1x1x128x64xf32, #tpu.memory_space<vmem>>
      %dma_wait3A_379 = tpu.memref_squeeze %dma_wait3A_378 : memref<1x1x128x64xf32, #tpu.memory_space<vmem>> -> memref<128x64xf32, #tpu.memory_space<vmem>>
      %dma_wait3A_380 = arith.constant 0 : i32
      %dma_wait3A_381 = tpu.memref_slice %arg8[%add3A_373, %dma_wait3A_380] : memref<80x128xi32, #tpu.memory_space<vmem>> -> memref<1x128xi32, #tpu.memory_space<vmem>>
      %dma_wait3A_382 = tpu.memref_squeeze %dma_wait3A_381 : memref<1x128xi32, #tpu.memory_space<vmem>> -> memref<128xi32, #tpu.memory_space<vmem>>
      %dma_wait3A_383 = arith.constant 0 : i32
      %dma_wait3A_384 = arith.constant 0 : i32
      %dma_wait3A_385 = tpu.memref_slice %arg10[%dma_wait3A_383, %dma_wait3A_384] : memref<10512x64xf32, #tpu.memory_space<vmem_shared>> -> memref<10512x64xf32, #tpu.memory_space<vmem_shared>>
      tpu.wait_indirect_dma semaphore(%arg13 : memref<!tpu.dma_semaphore, #tpu.memory_space<semaphore_mem>>) src(%dma_wait3A_379 : memref<128x64xf32, #tpu.memory_space<vmem>>) dst(%dma_wait3A_385 : memref<10512x64xf32, #tpu.memory_space<vmem_shared>>)
      %mul3A_386 = arith.constant 4 : i32
      %mul3A_387 = arith.muli %add3A_171, %mul3A_386 : i32
      %add3A_388 = arith.constant 1 : i32
      %add3A_389 = arith.addi %mul3A_387, %add3A_388 : i32
      %dma_wait3A_390 = arith.constant 0 : i32
      %dma_wait3A_391 = arith.constant 1 : i32
      %dma_wait3A_392 = arith.constant 0 : i32
      %dma_wait3A_393 = arith.constant 0 : i32
      %dma_wait3A_394 = tpu.memref_slice %arg9[%dma_wait3A_390, %dma_wait3A_391, %dma_wait3A_392, %dma_wait3A_393] : memref<2x4x128x64xf32, #tpu.memory_space<vmem>> -> memref<1x1x128x64xf32, #tpu.memory_space<vmem>>
      %dma_wait3A_395 = tpu.memref_squeeze %dma_wait3A_394 : memref<1x1x128x64xf32, #tpu.memory_space<vmem>> -> memref<128x64xf32, #tpu.memory_space<vmem>>
      %dma_wait3A_396 = arith.constant 0 : i32
      %dma_wait3A_397 = tpu.memref_slice %arg8[%add3A_389, %dma_wait3A_396] : memref<80x128xi32, #tpu.memory_space<vmem>> -> memref<1x128xi32, #tpu.memory_space<vmem>>
      %dma_wait3A_398 = tpu.memref_squeeze %dma_wait3A_397 : memref<1x128xi32, #tpu.memory_space<vmem>> -> memref<128xi32, #tpu.memory_space<vmem>>
      %dma_wait3A_399 = arith.constant 0 : i32
      %dma_wait3A_400 = arith.constant 0 : i32
      %dma_wait3A_401 = tpu.memref_slice %arg10[%dma_wait3A_399, %dma_wait3A_400] : memref<10512x64xf32, #tpu.memory_space<vmem_shared>> -> memref<10512x64xf32, #tpu.memory_space<vmem_shared>>
      tpu.wait_indirect_dma semaphore(%arg13 : memref<!tpu.dma_semaphore, #tpu.memory_space<semaphore_mem>>) src(%dma_wait3A_395 : memref<128x64xf32, #tpu.memory_space<vmem>>) dst(%dma_wait3A_401 : memref<10512x64xf32, #tpu.memory_space<vmem_shared>>)
      %mul3A_402 = arith.constant 4 : i32
      %mul3A_403 = arith.muli %add3A_171, %mul3A_402 : i32
      %add3A_404 = arith.constant 2 : i32
      %add3A_405 = arith.addi %mul3A_403, %add3A_404 : i32
      %dma_wait3A_406 = arith.constant 0 : i32
      %dma_wait3A_407 = arith.constant 2 : i32
      %dma_wait3A_408 = arith.constant 0 : i32
      %dma_wait3A_409 = arith.constant 0 : i32
      %dma_wait3A_410 = tpu.memref_slice %arg9[%dma_wait3A_406, %dma_wait3A_407, %dma_wait3A_408, %dma_wait3A_409] : memref<2x4x128x64xf32, #tpu.memory_space<vmem>> -> memref<1x1x128x64xf32, #tpu.memory_space<vmem>>
      %dma_wait3A_411 = tpu.memref_squeeze %dma_wait3A_410 : memref<1x1x128x64xf32, #tpu.memory_space<vmem>> -> memref<128x64xf32, #tpu.memory_space<vmem>>
      %dma_wait3A_412 = arith.constant 0 : i32
      %dma_wait3A_413 = tpu.memref_slice %arg8[%add3A_405, %dma_wait3A_412] : memref<80x128xi32, #tpu.memory_space<vmem>> -> memref<1x128xi32, #tpu.memory_space<vmem>>
      %dma_wait3A_414 = tpu.memref_squeeze %dma_wait3A_413 : memref<1x128xi32, #tpu.memory_space<vmem>> -> memref<128xi32, #tpu.memory_space<vmem>>
      %dma_wait3A_415 = arith.constant 0 : i32
      %dma_wait3A_416 = arith.constant 0 : i32
      %dma_wait3A_417 = tpu.memref_slice %arg10[%dma_wait3A_415, %dma_wait3A_416] : memref<10512x64xf32, #tpu.memory_space<vmem_shared>> -> memref<10512x64xf32, #tpu.memory_space<vmem_shared>>
      tpu.wait_indirect_dma semaphore(%arg13 : memref<!tpu.dma_semaphore, #tpu.memory_space<semaphore_mem>>) src(%dma_wait3A_411 : memref<128x64xf32, #tpu.memory_space<vmem>>) dst(%dma_wait3A_417 : memref<10512x64xf32, #tpu.memory_space<vmem_shared>>)
      %mul3A_418 = arith.constant 4 : i32
      %mul3A_419 = arith.muli %add3A_171, %mul3A_418 : i32
      %add3A_420 = arith.constant 3 : i32
      %add3A_421 = arith.addi %mul3A_419, %add3A_420 : i32
      %dma_wait3A_422 = arith.constant 0 : i32
      %dma_wait3A_423 = arith.constant 3 : i32
      %dma_wait3A_424 = arith.constant 0 : i32
      %dma_wait3A_425 = arith.constant 0 : i32
      %dma_wait3A_426 = tpu.memref_slice %arg9[%dma_wait3A_422, %dma_wait3A_423, %dma_wait3A_424, %dma_wait3A_425] : memref<2x4x128x64xf32, #tpu.memory_space<vmem>> -> memref<1x1x128x64xf32, #tpu.memory_space<vmem>>
      %dma_wait3A_427 = tpu.memref_squeeze %dma_wait3A_426 : memref<1x1x128x64xf32, #tpu.memory_space<vmem>> -> memref<128x64xf32, #tpu.memory_space<vmem>>
      %dma_wait3A_428 = arith.constant 0 : i32
      %dma_wait3A_429 = tpu.memref_slice %arg8[%add3A_421, %dma_wait3A_428] : memref<80x128xi32, #tpu.memory_space<vmem>> -> memref<1x128xi32, #tpu.memory_space<vmem>>
      %dma_wait3A_430 = tpu.memref_squeeze %dma_wait3A_429 : memref<1x128xi32, #tpu.memory_space<vmem>> -> memref<128xi32, #tpu.memory_space<vmem>>
      %dma_wait3A_431 = arith.constant 0 : i32
      %dma_wait3A_432 = arith.constant 0 : i32
      %dma_wait3A_433 = tpu.memref_slice %arg10[%dma_wait3A_431, %dma_wait3A_432] : memref<10512x64xf32, #tpu.memory_space<vmem_shared>> -> memref<10512x64xf32, #tpu.memory_space<vmem_shared>>
      tpu.wait_indirect_dma semaphore(%arg13 : memref<!tpu.dma_semaphore, #tpu.memory_space<semaphore_mem>>) src(%dma_wait3A_427 : memref<128x64xf32, #tpu.memory_space<vmem>>) dst(%dma_wait3A_433 : memref<10512x64xf32, #tpu.memory_space<vmem_shared>>)
      %add3A_434 = arith.constant 2 : i32
      %add3A_435 = arith.addi %add3A_171, %add3A_434 : i32
      %lt3A = arith.constant 20 : i32
      %lt3A_436 = arith.cmpi slt, %add3A_435, %lt3A : i32
      %convert_element_type3A_437 = arith.extui %lt3A_436 : i1 to i32
      %cond3A_438 = arith.constant 0 : i32
      %cond3A_439 = arith.cmpi ne, %convert_element_type3A_437, %cond3A_438 : i32
      scf.if %cond3A_439 {
        %add3A_572 = arith.constant 2 : i32
        %add3A_573 = arith.addi %add3A_171, %add3A_572 : i32
        %mul3A_574 = arith.constant 4 : i32
        %mul3A_575 = arith.muli %add3A_573, %mul3A_574 : i32
        %add3A_576 = arith.constant 0 : i32
        %add3A_577 = arith.addi %mul3A_575, %add3A_576 : i32
        %dma_start3A_578 = arith.constant 0 : i32
        %dma_start3A_579 = arith.constant 0 : i32
        %dma_start3A_580 = arith.constant 0 : i32
        %dma_start3A_581 = arith.constant 0 : i32
        %dma_start3A_582 = tpu.memref_slice %arg9[%dma_start3A_578, %dma_start3A_579, %dma_start3A_580, %dma_start3A_581] : memref<2x4x128x64xf32, #tpu.memory_space<vmem>> -> memref<1x1x128x64xf32, #tpu.memory_space<vmem>>
        %dma_start3A_583 = tpu.memref_squeeze %dma_start3A_582 : memref<1x1x128x64xf32, #tpu.memory_space<vmem>> -> memref<128x64xf32, #tpu.memory_space<vmem>>
        %dma_start3A_584 = arith.constant 0 : i32
        %dma_start3A_585 = tpu.memref_slice %arg7[%add3A_577, %dma_start3A_584] : memref<80x128xi32, #tpu.memory_space<vmem>> -> memref<1x128xi32, #tpu.memory_space<vmem>>
        %dma_start3A_586 = tpu.memref_squeeze %dma_start3A_585 : memref<1x128xi32, #tpu.memory_space<vmem>> -> memref<128xi32, #tpu.memory_space<vmem>>
        %dma_start3A_587 = arith.constant 0 : i32
        %dma_start3A_588 = arith.constant 0 : i32
        %dma_start3A_589 = tpu.memref_slice %arg2[%dma_start3A_587, %dma_start3A_588] : memref<10000x64xf32, #tpu.memory_space<hbm>> -> memref<10000x64xf32, #tpu.memory_space<hbm>>
        tpu.enqueue_indirect_dma source(%dma_start3A_589 : memref<10000x64xf32, #tpu.memory_space<hbm>>) target(%dma_start3A_583 : memref<128x64xf32, #tpu.memory_space<vmem>>) offsets(%dma_start3A_586 : memref<128xi32, #tpu.memory_space<vmem>>) semaphore(%arg11 : memref<!tpu.dma_semaphore, #tpu.memory_space<semaphore_mem>>)
        %mul3A_590 = arith.constant 4 : i32
        %mul3A_591 = arith.muli %add3A_573, %mul3A_590 : i32
        %add3A_592 = arith.constant 1 : i32
        %add3A_593 = arith.addi %mul3A_591, %add3A_592 : i32
        %dma_start3A_594 = arith.constant 0 : i32
        %dma_start3A_595 = arith.constant 1 : i32
        %dma_start3A_596 = arith.constant 0 : i32
        %dma_start3A_597 = arith.constant 0 : i32
        %dma_start3A_598 = tpu.memref_slice %arg9[%dma_start3A_594, %dma_start3A_595, %dma_start3A_596, %dma_start3A_597] : memref<2x4x128x64xf32, #tpu.memory_space<vmem>> -> memref<1x1x128x64xf32, #tpu.memory_space<vmem>>
        %dma_start3A_599 = tpu.memref_squeeze %dma_start3A_598 : memref<1x1x128x64xf32, #tpu.memory_space<vmem>> -> memref<128x64xf32, #tpu.memory_space<vmem>>
        %dma_start3A_600 = arith.constant 0 : i32
        %dma_start3A_601 = tpu.memref_slice %arg7[%add3A_593, %dma_start3A_600] : memref<80x128xi32, #tpu.memory_space<vmem>> -> memref<1x128xi32, #tpu.memory_space<vmem>>
        %dma_start3A_602 = tpu.memref_squeeze %dma_start3A_601 : memref<1x128xi32, #tpu.memory_space<vmem>> -> memref<128xi32, #tpu.memory_space<vmem>>
        %dma_start3A_603 = arith.constant 0 : i32
        %dma_start3A_604 = arith.constant 0 : i32
        %dma_start3A_605 = tpu.memref_slice %arg2[%dma_start3A_603, %dma_start3A_604] : memref<10000x64xf32, #tpu.memory_space<hbm>> -> memref<10000x64xf32, #tpu.memory_space<hbm>>
        tpu.enqueue_indirect_dma source(%dma_start3A_605 : memref<10000x64xf32, #tpu.memory_space<hbm>>) target(%dma_start3A_599 : memref<128x64xf32, #tpu.memory_space<vmem>>) offsets(%dma_start3A_602 : memref<128xi32, #tpu.memory_space<vmem>>) semaphore(%arg11 : memref<!tpu.dma_semaphore, #tpu.memory_space<semaphore_mem>>)
        %mul3A_606 = arith.constant 4 : i32
        %mul3A_607 = arith.muli %add3A_573, %mul3A_606 : i32
        %add3A_608 = arith.constant 2 : i32
        %add3A_609 = arith.addi %mul3A_607, %add3A_608 : i32
        %dma_start3A_610 = arith.constant 0 : i32
        %dma_start3A_611 = arith.constant 2 : i32
        %dma_start3A_612 = arith.constant 0 : i32
        %dma_start3A_613 = arith.constant 0 : i32
        %dma_start3A_614 = tpu.memref_slice %arg9[%dma_start3A_610, %dma_start3A_611, %dma_start3A_612, %dma_start3A_613] : memref<2x4x128x64xf32, #tpu.memory_space<vmem>> -> memref<1x1x128x64xf32, #tpu.memory_space<vmem>>
        %dma_start3A_615 = tpu.memref_squeeze %dma_start3A_614 : memref<1x1x128x64xf32, #tpu.memory_space<vmem>> -> memref<128x64xf32, #tpu.memory_space<vmem>>
        %dma_start3A_616 = arith.constant 0 : i32
        %dma_start3A_617 = tpu.memref_slice %arg7[%add3A_609, %dma_start3A_616] : memref<80x128xi32, #tpu.memory_space<vmem>> -> memref<1x128xi32, #tpu.memory_space<vmem>>
        %dma_start3A_618 = tpu.memref_squeeze %dma_start3A_617 : memref<1x128xi32, #tpu.memory_space<vmem>> -> memref<128xi32, #tpu.memory_space<vmem>>
        %dma_start3A_619 = arith.constant 0 : i32
        %dma_start3A_620 = arith.constant 0 : i32
        %dma_start3A_621 = tpu.memref_slice %arg2[%dma_start3A_619, %dma_start3A_620] : memref<10000x64xf32, #tpu.memory_space<hbm>> -> memref<10000x64xf32, #tpu.memory_space<hbm>>
        tpu.enqueue_indirect_dma source(%dma_start3A_621 : memref<10000x64xf32, #tpu.memory_space<hbm>>) target(%dma_start3A_615 : memref<128x64xf32, #tpu.memory_space<vmem>>) offsets(%dma_start3A_618 : memref<128xi32, #tpu.memory_space<vmem>>) semaphore(%arg11 : memref<!tpu.dma_semaphore, #tpu.memory_space<semaphore_mem>>)
        %mul3A_622 = arith.constant 4 : i32
        %mul3A_623 = arith.muli %add3A_573, %mul3A_622 : i32
        %add3A_624 = arith.constant 3 : i32
        %add3A_625 = arith.addi %mul3A_623, %add3A_624 : i32
        %dma_start3A_626 = arith.constant 0 : i32
        %dma_start3A_627 = arith.constant 3 : i32
        %dma_start3A_628 = arith.constant 0 : i32
        %dma_start3A_629 = arith.constant 0 : i32
        %dma_start3A_630 = tpu.memref_slice %arg9[%dma_start3A_626, %dma_start3A_627, %dma_start3A_628, %dma_start3A_629] : memref<2x4x128x64xf32, #tpu.memory_space<vmem>> -> memref<1x1x128x64xf32, #tpu.memory_space<vmem>>
        %dma_start3A_631 = tpu.memref_squeeze %dma_start3A_630 : memref<1x1x128x64xf32, #tpu.memory_space<vmem>> -> memref<128x64xf32, #tpu.memory_space<vmem>>
        %dma_start3A_632 = arith.constant 0 : i32
        %dma_start3A_633 = tpu.memref_slice %arg7[%add3A_625, %dma_start3A_632] : memref<80x128xi32, #tpu.memory_space<vmem>> -> memref<1x128xi32, #tpu.memory_space<vmem>>
        %dma_start3A_634 = tpu.memref_squeeze %dma_start3A_633 : memref<1x128xi32, #tpu.memory_space<vmem>> -> memref<128xi32, #tpu.memory_space<vmem>>
        %dma_start3A_635 = arith.constant 0 : i32
        %dma_start3A_636 = arith.constant 0 : i32
        %dma_start3A_637 = tpu.memref_slice %arg2[%dma_start3A_635, %dma_start3A_636] : memref<10000x64xf32, #tpu.memory_space<hbm>> -> memref<10000x64xf32, #tpu.memory_space<hbm>>
        tpu.enqueue_indirect_dma source(%dma_start3A_637 : memref<10000x64xf32, #tpu.memory_space<hbm>>) target(%dma_start3A_631 : memref<128x64xf32, #tpu.memory_space<vmem>>) offsets(%dma_start3A_634 : memref<128xi32, #tpu.memory_space<vmem>>) semaphore(%arg11 : memref<!tpu.dma_semaphore, #tpu.memory_space<semaphore_mem>>)
      } else {
      }
      %add3A_440 = arith.constant 1 : i32
      %add3A_441 = arith.addi %add3A_171, %add3A_440 : i32
      %mul3A_442 = arith.constant 4 : i32
      %mul3A_443 = arith.muli %add3A_441, %mul3A_442 : i32
      %add3A_444 = arith.constant 0 : i32
      %add3A_445 = arith.addi %mul3A_443, %add3A_444 : i32
      %dma_wait3A_446 = arith.constant 1 : i32
      %dma_wait3A_447 = arith.constant 0 : i32
      %dma_wait3A_448 = arith.constant 0 : i32
      %dma_wait3A_449 = arith.constant 0 : i32
      %dma_wait3A_450 = tpu.memref_slice %arg9[%dma_wait3A_446, %dma_wait3A_447, %dma_wait3A_448, %dma_wait3A_449] : memref<2x4x128x64xf32, #tpu.memory_space<vmem>> -> memref<1x1x128x64xf32, #tpu.memory_space<vmem>>
      %dma_wait3A_451 = tpu.memref_squeeze %dma_wait3A_450 : memref<1x1x128x64xf32, #tpu.memory_space<vmem>> -> memref<128x64xf32, #tpu.memory_space<vmem>>
      %dma_wait3A_452 = arith.constant 0 : i32
      %dma_wait3A_453 = tpu.memref_slice %arg7[%add3A_445, %dma_wait3A_452] : memref<80x128xi32, #tpu.memory_space<vmem>> -> memref<1x128xi32, #tpu.memory_space<vmem>>
      %dma_wait3A_454 = tpu.memref_squeeze %dma_wait3A_453 : memref<1x128xi32, #tpu.memory_space<vmem>> -> memref<128xi32, #tpu.memory_space<vmem>>
      %dma_wait3A_455 = arith.constant 0 : i32
      %dma_wait3A_456 = arith.constant 0 : i32
      %dma_wait3A_457 = tpu.memref_slice %arg2[%dma_wait3A_455, %dma_wait3A_456] : memref<10000x64xf32, #tpu.memory_space<hbm>> -> memref<10000x64xf32, #tpu.memory_space<hbm>>
      tpu.wait_indirect_dma semaphore(%arg12 : memref<!tpu.dma_semaphore, #tpu.memory_space<semaphore_mem>>) src(%dma_wait3A_457 : memref<10000x64xf32, #tpu.memory_space<hbm>>) dst(%dma_wait3A_451 : memref<128x64xf32, #tpu.memory_space<vmem>>)
      %mul3A_458 = arith.constant 4 : i32
      %mul3A_459 = arith.muli %add3A_441, %mul3A_458 : i32
      %add3A_460 = arith.constant 1 : i32
      %add3A_461 = arith.addi %mul3A_459, %add3A_460 : i32
      %dma_wait3A_462 = arith.constant 1 : i32
      %dma_wait3A_463 = arith.constant 1 : i32
      %dma_wait3A_464 = arith.constant 0 : i32
      %dma_wait3A_465 = arith.constant 0 : i32
      %dma_wait3A_466 = tpu.memref_slice %arg9[%dma_wait3A_462, %dma_wait3A_463, %dma_wait3A_464, %dma_wait3A_465] : memref<2x4x128x64xf32, #tpu.memory_space<vmem>> -> memref<1x1x128x64xf32, #tpu.memory_space<vmem>>
      %dma_wait3A_467 = tpu.memref_squeeze %dma_wait3A_466 : memref<1x1x128x64xf32, #tpu.memory_space<vmem>> -> memref<128x64xf32, #tpu.memory_space<vmem>>
      %dma_wait3A_468 = arith.constant 0 : i32
      %dma_wait3A_469 = tpu.memref_slice %arg7[%add3A_461, %dma_wait3A_468] : memref<80x128xi32, #tpu.memory_space<vmem>> -> memref<1x128xi32, #tpu.memory_space<vmem>>
      %dma_wait3A_470 = tpu.memref_squeeze %dma_wait3A_469 : memref<1x128xi32, #tpu.memory_space<vmem>> -> memref<128xi32, #tpu.memory_space<vmem>>
      %dma_wait3A_471 = arith.constant 0 : i32
      %dma_wait3A_472 = arith.constant 0 : i32
      %dma_wait3A_473 = tpu.memref_slice %arg2[%dma_wait3A_471, %dma_wait3A_472] : memref<10000x64xf32, #tpu.memory_space<hbm>> -> memref<10000x64xf32, #tpu.memory_space<hbm>>
      tpu.wait_indirect_dma semaphore(%arg12 : memref<!tpu.dma_semaphore, #tpu.memory_space<semaphore_mem>>) src(%dma_wait3A_473 : memref<10000x64xf32, #tpu.memory_space<hbm>>) dst(%dma_wait3A_467 : memref<128x64xf32, #tpu.memory_space<vmem>>)
      %mul3A_474 = arith.constant 4 : i32
      %mul3A_475 = arith.muli %add3A_441, %mul3A_474 : i32
      %add3A_476 = arith.constant 2 : i32
      %add3A_477 = arith.addi %mul3A_475, %add3A_476 : i32
      %dma_wait3A_478 = arith.constant 1 : i32
      %dma_wait3A_479 = arith.constant 2 : i32
      %dma_wait3A_480 = arith.constant 0 : i32
      %dma_wait3A_481 = arith.constant 0 : i32
      %dma_wait3A_482 = tpu.memref_slice %arg9[%dma_wait3A_478, %dma_wait3A_479, %dma_wait3A_480, %dma_wait3A_481] : memref<2x4x128x64xf32, #tpu.memory_space<vmem>> -> memref<1x1x128x64xf32, #tpu.memory_space<vmem>>
      %dma_wait3A_483 = tpu.memref_squeeze %dma_wait3A_482 : memref<1x1x128x64xf32, #tpu.memory_space<vmem>> -> memref<128x64xf32, #tpu.memory_space<vmem>>
      %dma_wait3A_484 = arith.constant 0 : i32
      %dma_wait3A_485 = tpu.memref_slice %arg7[%add3A_477, %dma_wait3A_484] : memref<80x128xi32, #tpu.memory_space<vmem>> -> memref<1x128xi32, #tpu.memory_space<vmem>>
      %dma_wait3A_486 = tpu.memref_squeeze %dma_wait3A_485 : memref<1x128xi32, #tpu.memory_space<vmem>> -> memref<128xi32, #tpu.memory_space<vmem>>
      %dma_wait3A_487 = arith.constant 0 : i32
      %dma_wait3A_488 = arith.constant 0 : i32
      %dma_wait3A_489 = tpu.memref_slice %arg2[%dma_wait3A_487, %dma_wait3A_488] : memref<10000x64xf32, #tpu.memory_space<hbm>> -> memref<10000x64xf32, #tpu.memory_space<hbm>>
      tpu.wait_indirect_dma semaphore(%arg12 : memref<!tpu.dma_semaphore, #tpu.memory_space<semaphore_mem>>) src(%dma_wait3A_489 : memref<10000x64xf32, #tpu.memory_space<hbm>>) dst(%dma_wait3A_483 : memref<128x64xf32, #tpu.memory_space<vmem>>)
      %mul3A_490 = arith.constant 4 : i32
      %mul3A_491 = arith.muli %add3A_441, %mul3A_490 : i32
      %add3A_492 = arith.constant 3 : i32
      %add3A_493 = arith.addi %mul3A_491, %add3A_492 : i32
      %dma_wait3A_494 = arith.constant 1 : i32
      %dma_wait3A_495 = arith.constant 3 : i32
      %dma_wait3A_496 = arith.constant 0 : i32
      %dma_wait3A_497 = arith.constant 0 : i32
      %dma_wait3A_498 = tpu.memref_slice %arg9[%dma_wait3A_494, %dma_wait3A_495, %dma_wait3A_496, %dma_wait3A_497] : memref<2x4x128x64xf32, #tpu.memory_space<vmem>> -> memref<1x1x128x64xf32, #tpu.memory_space<vmem>>
      %dma_wait3A_499 = tpu.memref_squeeze %dma_wait3A_498 : memref<1x1x128x64xf32, #tpu.memory_space<vmem>> -> memref<128x64xf32, #tpu.memory_space<vmem>>
      %dma_wait3A_500 = arith.constant 0 : i32
      %dma_wait3A_501 = tpu.memref_slice %arg7[%add3A_493, %dma_wait3A_500] : memref<80x128xi32, #tpu.memory_space<vmem>> -> memref<1x128xi32, #tpu.memory_space<vmem>>
      %dma_wait3A_502 = tpu.memref_squeeze %dma_wait3A_501 : memref<1x128xi32, #tpu.memory_space<vmem>> -> memref<128xi32, #tpu.memory_space<vmem>>
      %dma_wait3A_503 = arith.constant 0 : i32
      %dma_wait3A_504 = arith.constant 0 : i32
      %dma_wait3A_505 = tpu.memref_slice %arg2[%dma_wait3A_503, %dma_wait3A_504] : memref<10000x64xf32, #tpu.memory_space<hbm>> -> memref<10000x64xf32, #tpu.memory_space<hbm>>
      tpu.wait_indirect_dma semaphore(%arg12 : memref<!tpu.dma_semaphore, #tpu.memory_space<semaphore_mem>>) src(%dma_wait3A_505 : memref<10000x64xf32, #tpu.memory_space<hbm>>) dst(%dma_wait3A_499 : memref<128x64xf32, #tpu.memory_space<vmem>>)
      %add3A_506 = arith.constant 1 : i32
      %add3A_507 = arith.addi %add3A_171, %add3A_506 : i32
      %mul3A_508 = arith.constant 4 : i32
      %mul3A_509 = arith.muli %add3A_507, %mul3A_508 : i32
      %add3A_510 = arith.constant 0 : i32
      %add3A_511 = arith.addi %mul3A_509, %add3A_510 : i32
      %dma_start3A_512 = arith.constant 1 : i32
      %dma_start3A_513 = arith.constant 0 : i32
      %dma_start3A_514 = arith.constant 0 : i32
      %dma_start3A_515 = arith.constant 0 : i32
      %dma_start3A_516 = tpu.memref_slice %arg9[%dma_start3A_512, %dma_start3A_513, %dma_start3A_514, %dma_start3A_515] : memref<2x4x128x64xf32, #tpu.memory_space<vmem>> -> memref<1x1x128x64xf32, #tpu.memory_space<vmem>>
      %dma_start3A_517 = tpu.memref_squeeze %dma_start3A_516 : memref<1x1x128x64xf32, #tpu.memory_space<vmem>> -> memref<128x64xf32, #tpu.memory_space<vmem>>
      %dma_start3A_518 = arith.constant 0 : i32
      %dma_start3A_519 = tpu.memref_slice %arg8[%add3A_511, %dma_start3A_518] : memref<80x128xi32, #tpu.memory_space<vmem>> -> memref<1x128xi32, #tpu.memory_space<vmem>>
      %dma_start3A_520 = tpu.memref_squeeze %dma_start3A_519 : memref<1x128xi32, #tpu.memory_space<vmem>> -> memref<128xi32, #tpu.memory_space<vmem>>
      %dma_start3A_521 = arith.constant 0 : i32
      %dma_start3A_522 = arith.constant 0 : i32
      %dma_start3A_523 = tpu.memref_slice %arg10[%dma_start3A_521, %dma_start3A_522] : memref<10512x64xf32, #tpu.memory_space<vmem_shared>> -> memref<10512x64xf32, #tpu.memory_space<vmem_shared>>
      tpu.enqueue_indirect_dma source(%dma_start3A_517 : memref<128x64xf32, #tpu.memory_space<vmem>>) target(%dma_start3A_523 : memref<10512x64xf32, #tpu.memory_space<vmem_shared>>) offsets(%dma_start3A_520 : memref<128xi32, #tpu.memory_space<vmem>>) semaphore(%arg14 : memref<!tpu.dma_semaphore, #tpu.memory_space<semaphore_mem>>) {add = true}
      %mul3A_524 = arith.constant 4 : i32
      %mul3A_525 = arith.muli %add3A_507, %mul3A_524 : i32
      %add3A_526 = arith.constant 1 : i32
      %add3A_527 = arith.addi %mul3A_525, %add3A_526 : i32
      %dma_start3A_528 = arith.constant 1 : i32
      %dma_start3A_529 = arith.constant 1 : i32
      %dma_start3A_530 = arith.constant 0 : i32
      %dma_start3A_531 = arith.constant 0 : i32
      %dma_start3A_532 = tpu.memref_slice %arg9[%dma_start3A_528, %dma_start3A_529, %dma_start3A_530, %dma_start3A_531] : memref<2x4x128x64xf32, #tpu.memory_space<vmem>> -> memref<1x1x128x64xf32, #tpu.memory_space<vmem>>
      %dma_start3A_533 = tpu.memref_squeeze %dma_start3A_532 : memref<1x1x128x64xf32, #tpu.memory_space<vmem>> -> memref<128x64xf32, #tpu.memory_space<vmem>>
      %dma_start3A_534 = arith.constant 0 : i32
      %dma_start3A_535 = tpu.memref_slice %arg8[%add3A_527, %dma_start3A_534] : memref<80x128xi32, #tpu.memory_space<vmem>> -> memref<1x128xi32, #tpu.memory_space<vmem>>
      %dma_start3A_536 = tpu.memref_squeeze %dma_start3A_535 : memref<1x128xi32, #tpu.memory_space<vmem>> -> memref<128xi32, #tpu.memory_space<vmem>>
      %dma_start3A_537 = arith.constant 0 : i32
      %dma_start3A_538 = arith.constant 0 : i32
      %dma_start3A_539 = tpu.memref_slice %arg10[%dma_start3A_537, %dma_start3A_538] : memref<10512x64xf32, #tpu.memory_space<vmem_shared>> -> memref<10512x64xf32, #tpu.memory_space<vmem_shared>>
      tpu.enqueue_indirect_dma source(%dma_start3A_533 : memref<128x64xf32, #tpu.memory_space<vmem>>) target(%dma_start3A_539 : memref<10512x64xf32, #tpu.memory_space<vmem_shared>>) offsets(%dma_start3A_536 : memref<128xi32, #tpu.memory_space<vmem>>) semaphore(%arg14 : memref<!tpu.dma_semaphore, #tpu.memory_space<semaphore_mem>>) {add = true}
      %mul3A_540 = arith.constant 4 : i32
      %mul3A_541 = arith.muli %add3A_507, %mul3A_540 : i32
      %add3A_542 = arith.constant 2 : i32
      %add3A_543 = arith.addi %mul3A_541, %add3A_542 : i32
      %dma_start3A_544 = arith.constant 1 : i32
      %dma_start3A_545 = arith.constant 2 : i32
      %dma_start3A_546 = arith.constant 0 : i32
      %dma_start3A_547 = arith.constant 0 : i32
      %dma_start3A_548 = tpu.memref_slice %arg9[%dma_start3A_544, %dma_start3A_545, %dma_start3A_546, %dma_start3A_547] : memref<2x4x128x64xf32, #tpu.memory_space<vmem>> -> memref<1x1x128x64xf32, #tpu.memory_space<vmem>>
      %dma_start3A_549 = tpu.memref_squeeze %dma_start3A_548 : memref<1x1x128x64xf32, #tpu.memory_space<vmem>> -> memref<128x64xf32, #tpu.memory_space<vmem>>
      %dma_start3A_550 = arith.constant 0 : i32
      %dma_start3A_551 = tpu.memref_slice %arg8[%add3A_543, %dma_start3A_550] : memref<80x128xi32, #tpu.memory_space<vmem>> -> memref<1x128xi32, #tpu.memory_space<vmem>>
      %dma_start3A_552 = tpu.memref_squeeze %dma_start3A_551 : memref<1x128xi32, #tpu.memory_space<vmem>> -> memref<128xi32, #tpu.memory_space<vmem>>
      %dma_start3A_553 = arith.constant 0 : i32
      %dma_start3A_554 = arith.constant 0 : i32
      %dma_start3A_555 = tpu.memref_slice %arg10[%dma_start3A_553, %dma_start3A_554] : memref<10512x64xf32, #tpu.memory_space<vmem_shared>> -> memref<10512x64xf32, #tpu.memory_space<vmem_shared>>
      tpu.enqueue_indirect_dma source(%dma_start3A_549 : memref<128x64xf32, #tpu.memory_space<vmem>>) target(%dma_start3A_555 : memref<10512x64xf32, #tpu.memory_space<vmem_shared>>) offsets(%dma_start3A_552 : memref<128xi32, #tpu.memory_space<vmem>>) semaphore(%arg14 : memref<!tpu.dma_semaphore, #tpu.memory_space<semaphore_mem>>) {add = true}
      %mul3A_556 = arith.constant 4 : i32
      %mul3A_557 = arith.muli %add3A_507, %mul3A_556 : i32
      %add3A_558 = arith.constant 3 : i32
      %add3A_559 = arith.addi %mul3A_557, %add3A_558 : i32
      %dma_start3A_560 = arith.constant 1 : i32
      %dma_start3A_561 = arith.constant 3 : i32
      %dma_start3A_562 = arith.constant 0 : i32
      %dma_start3A_563 = arith.constant 0 : i32
      %dma_start3A_564 = tpu.memref_slice %arg9[%dma_start3A_560, %dma_start3A_561, %dma_start3A_562, %dma_start3A_563] : memref<2x4x128x64xf32, #tpu.memory_space<vmem>> -> memref<1x1x128x64xf32, #tpu.memory_space<vmem>>
      %dma_start3A_565 = tpu.memref_squeeze %dma_start3A_564 : memref<1x1x128x64xf32, #tpu.memory_space<vmem>> -> memref<128x64xf32, #tpu.memory_space<vmem>>
      %dma_start3A_566 = arith.constant 0 : i32
      %dma_start3A_567 = tpu.memref_slice %arg8[%add3A_559, %dma_start3A_566] : memref<80x128xi32, #tpu.memory_space<vmem>> -> memref<1x128xi32, #tpu.memory_space<vmem>>
      %dma_start3A_568 = tpu.memref_squeeze %dma_start3A_567 : memref<1x128xi32, #tpu.memory_space<vmem>> -> memref<128xi32, #tpu.memory_space<vmem>>
      %dma_start3A_569 = arith.constant 0 : i32
      %dma_start3A_570 = arith.constant 0 : i32
      %dma_start3A_571 = tpu.memref_slice %arg10[%dma_start3A_569, %dma_start3A_570] : memref<10512x64xf32, #tpu.memory_space<vmem_shared>> -> memref<10512x64xf32, #tpu.memory_space<vmem_shared>>
      tpu.enqueue_indirect_dma source(%dma_start3A_565 : memref<128x64xf32, #tpu.memory_space<vmem>>) target(%dma_start3A_571 : memref<10512x64xf32, #tpu.memory_space<vmem_shared>>) offsets(%dma_start3A_568 : memref<128xi32, #tpu.memory_space<vmem>>) semaphore(%arg14 : memref<!tpu.dma_semaphore, #tpu.memory_space<semaphore_mem>>) {add = true}
    }
    %scan3A_98 = arith.constant 10 : i32
    %dma_wait3A_99 = arith.constant 1 : i32
    %dma_wait3A_100 = arith.constant 0 : i32
    %dma_wait3A_101 = arith.constant 76 : i32
    %dma_wait3A_102 = arith.constant 0 : i32
    %dma_wait3A_103 = arith.constant 0 : i32
    %dma_wait3A_104 = tpu.memref_slice %arg9[%dma_wait3A_99, %dma_wait3A_100, %dma_wait3A_102, %dma_wait3A_103] : memref<2x4x128x64xf32, #tpu.memory_space<vmem>> -> memref<1x1x128x64xf32, #tpu.memory_space<vmem>>
    %dma_wait3A_105 = tpu.memref_squeeze %dma_wait3A_104 : memref<1x1x128x64xf32, #tpu.memory_space<vmem>> -> memref<128x64xf32, #tpu.memory_space<vmem>>
    %dma_wait3A_106 = arith.constant 0 : i32
    %dma_wait3A_107 = tpu.memref_slice %arg8[%dma_wait3A_101, %dma_wait3A_106] : memref<80x128xi32, #tpu.memory_space<vmem>> -> memref<1x128xi32, #tpu.memory_space<vmem>>
    %dma_wait3A_108 = tpu.memref_squeeze %dma_wait3A_107 : memref<1x128xi32, #tpu.memory_space<vmem>> -> memref<128xi32, #tpu.memory_space<vmem>>
    %dma_wait3A_109 = arith.constant 0 : i32
    %dma_wait3A_110 = arith.constant 0 : i32
    %dma_wait3A_111 = tpu.memref_slice %arg10[%dma_wait3A_109, %dma_wait3A_110] : memref<10512x64xf32, #tpu.memory_space<vmem_shared>> -> memref<10512x64xf32, #tpu.memory_space<vmem_shared>>
    tpu.wait_indirect_dma semaphore(%arg14 : memref<!tpu.dma_semaphore, #tpu.memory_space<semaphore_mem>>) src(%dma_wait3A_105 : memref<128x64xf32, #tpu.memory_space<vmem>>) dst(%dma_wait3A_111 : memref<10512x64xf32, #tpu.memory_space<vmem_shared>>)
    %dma_wait3A_112 = arith.constant 1 : i32
    %dma_wait3A_113 = arith.constant 1 : i32
    %dma_wait3A_114 = arith.constant 77 : i32
    %dma_wait3A_115 = arith.constant 0 : i32
    %dma_wait3A_116 = arith.constant 0 : i32
    %dma_wait3A_117 = tpu.memref_slice %arg9[%dma_wait3A_112, %dma_wait3A_113, %dma_wait3A_115, %dma_wait3A_116] : memref<2x4x128x64xf32, #tpu.memory_space<vmem>> -> memref<1x1x128x64xf32, #tpu.memory_space<vmem>>
    %dma_wait3A_118 = tpu.memref_squeeze %dma_wait3A_117 : memref<1x1x128x64xf32, #tpu.memory_space<vmem>> -> memref<128x64xf32, #tpu.memory_space<vmem>>
    %dma_wait3A_119 = arith.constant 0 : i32
    %dma_wait3A_120 = tpu.memref_slice %arg8[%dma_wait3A_114, %dma_wait3A_119] : memref<80x128xi32, #tpu.memory_space<vmem>> -> memref<1x128xi32, #tpu.memory_space<vmem>>
    %dma_wait3A_121 = tpu.memref_squeeze %dma_wait3A_120 : memref<1x128xi32, #tpu.memory_space<vmem>> -> memref<128xi32, #tpu.memory_space<vmem>>
    %dma_wait3A_122 = arith.constant 0 : i32
    %dma_wait3A_123 = arith.constant 0 : i32
    %dma_wait3A_124 = tpu.memref_slice %arg10[%dma_wait3A_122, %dma_wait3A_123] : memref<10512x64xf32, #tpu.memory_space<vmem_shared>> -> memref<10512x64xf32, #tpu.memory_space<vmem_shared>>
    tpu.wait_indirect_dma semaphore(%arg14 : memref<!tpu.dma_semaphore, #tpu.memory_space<semaphore_mem>>) src(%dma_wait3A_118 : memref<128x64xf32, #tpu.memory_space<vmem>>) dst(%dma_wait3A_124 : memref<10512x64xf32, #tpu.memory_space<vmem_shared>>)
    %dma_wait3A_125 = arith.constant 1 : i32
    %dma_wait3A_126 = arith.constant 2 : i32
    %dma_wait3A_127 = arith.constant 78 : i32
    %dma_wait3A_128 = arith.constant 0 : i32
    %dma_wait3A_129 = arith.constant 0 : i32
    %dma_wait3A_130 = tpu.memref_slice %arg9[%dma_wait3A_125, %dma_wait3A_126, %dma_wait3A_128, %dma_wait3A_129] : memref<2x4x128x64xf32, #tpu.memory_space<vmem>> -> memref<1x1x128x64xf32, #tpu.memory_space<vmem>>
    %dma_wait3A_131 = tpu.memref_squeeze %dma_wait3A_130 : memref<1x1x128x64xf32, #tpu.memory_space<vmem>> -> memref<128x64xf32, #tpu.memory_space<vmem>>
    %dma_wait3A_132 = arith.constant 0 : i32
    %dma_wait3A_133 = tpu.memref_slice %arg8[%dma_wait3A_127, %dma_wait3A_132] : memref<80x128xi32, #tpu.memory_space<vmem>> -> memref<1x128xi32, #tpu.memory_space<vmem>>
    %dma_wait3A_134 = tpu.memref_squeeze %dma_wait3A_133 : memref<1x128xi32, #tpu.memory_space<vmem>> -> memref<128xi32, #tpu.memory_space<vmem>>
    %dma_wait3A_135 = arith.constant 0 : i32
    %dma_wait3A_136 = arith.constant 0 : i32
    %dma_wait3A_137 = tpu.memref_slice %arg10[%dma_wait3A_135, %dma_wait3A_136] : memref<10512x64xf32, #tpu.memory_space<vmem_shared>> -> memref<10512x64xf32, #tpu.memory_space<vmem_shared>>
    tpu.wait_indirect_dma semaphore(%arg14 : memref<!tpu.dma_semaphore, #tpu.memory_space<semaphore_mem>>) src(%dma_wait3A_131 : memref<128x64xf32, #tpu.memory_space<vmem>>) dst(%dma_wait3A_137 : memref<10512x64xf32, #tpu.memory_space<vmem_shared>>)
    %dma_wait3A_138 = arith.constant 1 : i32
    %dma_wait3A_139 = arith.constant 3 : i32
    %dma_wait3A_140 = arith.constant 79 : i32
    %dma_wait3A_141 = arith.constant 0 : i32
    %dma_wait3A_142 = arith.constant 0 : i32
    %dma_wait3A_143 = tpu.memref_slice %arg9[%dma_wait3A_138, %dma_wait3A_139, %dma_wait3A_141, %dma_wait3A_142] : memref<2x4x128x64xf32, #tpu.memory_space<vmem>> -> memref<1x1x128x64xf32, #tpu.memory_space<vmem>>
    %dma_wait3A_144 = tpu.memref_squeeze %dma_wait3A_143 : memref<1x1x128x64xf32, #tpu.memory_space<vmem>> -> memref<128x64xf32, #tpu.memory_space<vmem>>
    %dma_wait3A_145 = arith.constant 0 : i32
    %dma_wait3A_146 = tpu.memref_slice %arg8[%dma_wait3A_140, %dma_wait3A_145] : memref<80x128xi32, #tpu.memory_space<vmem>> -> memref<1x128xi32, #tpu.memory_space<vmem>>
    %dma_wait3A_147 = tpu.memref_squeeze %dma_wait3A_146 : memref<1x128xi32, #tpu.memory_space<vmem>> -> memref<128xi32, #tpu.memory_space<vmem>>
    %dma_wait3A_148 = arith.constant 0 : i32
    %dma_wait3A_149 = arith.constant 0 : i32
    %dma_wait3A_150 = tpu.memref_slice %arg10[%dma_wait3A_148, %dma_wait3A_149] : memref<10512x64xf32, #tpu.memory_space<vmem_shared>> -> memref<10512x64xf32, #tpu.memory_space<vmem_shared>>
    tpu.wait_indirect_dma semaphore(%arg14 : memref<!tpu.dma_semaphore, #tpu.memory_space<semaphore_mem>>) src(%dma_wait3A_144 : memref<128x64xf32, #tpu.memory_space<vmem>>) dst(%dma_wait3A_150 : memref<10512x64xf32, #tpu.memory_space<vmem_shared>>)
    %barrier3A_151 = arith.constant 0 : index
    tpu.barrier barrier_id(%barrier3A_151)
    %dma_start3A_152 = arith.constant 0 : i32
    %dma_start3A_153 = tpu.memref_slice %arg6[%arg0, %multiple_of3A, %dma_start3A_152] : memref<2x10000x64xf32, #tpu.memory_space<hbm>> -> memref<1x624x64xf32, #tpu.memory_space<hbm>>
    %dma_start3A_154 = tpu.memref_squeeze %dma_start3A_153 : memref<1x624x64xf32, #tpu.memory_space<hbm>> -> memref<624x64xf32, #tpu.memory_space<hbm>>
    %dma_start3A_155 = arith.constant 0 : i32
    %dma_start3A_156 = tpu.memref_slice %arg10[%multiple_of3A, %dma_start3A_155] : memref<10512x64xf32, #tpu.memory_space<vmem_shared>> -> memref<624x64xf32, #tpu.memory_space<vmem_shared>>
    tpu.enqueue_dma source(%dma_start3A_156 : memref<624x64xf32, #tpu.memory_space<vmem_shared>>) target(%dma_start3A_154 : memref<624x64xf32, #tpu.memory_space<hbm>>) target_semaphore(%arg11 : memref<!tpu.dma_semaphore, #tpu.memory_space<semaphore_mem>>)
    %eq3A_157 = arith.constant 15 : i32
    %eq3A_158 = arith.cmpi eq, %arg1, %eq3A_157 : i32
    %convert_element_type3A_159 = arith.extui %eq3A_158 : i1 to i32
    %cond3A_160 = arith.constant 0 : i32
    %cond3A_161 = arith.cmpi ne, %convert_element_type3A_159, %cond3A_160 : i32
    scf.if %cond3A_161 {
      "tpu.region"() ({
        %run_scoped3A = tpu.sem_alloc : memref<!tpu.dma_semaphore, #tpu.memory_space<semaphore_mem>>
        %dma_start3A_167 = arith.constant 9984 : i32
        %dma_start3A_168 = arith.constant 0 : i32
        %dma_start3A_169 = tpu.memref_slice %arg6[%arg0, %dma_start3A_167, %dma_start3A_168] : memref<2x10000x64xf32, #tpu.memory_space<hbm>> -> memref<1x16x64xf32, #tpu.memory_space<hbm>>
        %dma_start3A_170 = tpu.memref_squeeze %dma_start3A_169 : memref<1x16x64xf32, #tpu.memory_space<hbm>> -> memref<16x64xf32, #tpu.memory_space<hbm>>
        %dma_start3A_171 = arith.constant 9984 : i32
        %dma_start3A_172 = arith.constant 0 : i32
        %dma_start3A_173 = tpu.memref_slice %arg10[%dma_start3A_171, %dma_start3A_172] : memref<10512x64xf32, #tpu.memory_space<vmem_shared>> -> memref<16x64xf32, #tpu.memory_space<vmem_shared>>
        tpu.enqueue_dma source(%dma_start3A_173 : memref<16x64xf32, #tpu.memory_space<vmem_shared>>) target(%dma_start3A_170 : memref<16x64xf32, #tpu.memory_space<hbm>>) target_semaphore(%run_scoped3A : memref<!tpu.dma_semaphore, #tpu.memory_space<semaphore_mem>>)
        %dma_wait3A_174 = arith.constant 9984 : i32
        %dma_wait3A_175 = arith.constant 0 : i32
        %dma_wait3A_176 = tpu.memref_slice %arg6[%arg0, %dma_wait3A_174, %dma_wait3A_175] : memref<2x10000x64xf32, #tpu.memory_space<hbm>> -> memref<1x16x64xf32, #tpu.memory_space<hbm>>
        %dma_wait3A_177 = tpu.memref_squeeze %dma_wait3A_176 : memref<1x16x64xf32, #tpu.memory_space<hbm>> -> memref<16x64xf32, #tpu.memory_space<hbm>>
        %dma_wait3A_178 = arith.constant 9984 : i32
        %dma_wait3A_179 = arith.constant 0 : i32
        %dma_wait3A_180 = tpu.memref_slice %arg10[%dma_wait3A_178, %dma_wait3A_179] : memref<10512x64xf32, #tpu.memory_space<vmem_shared>> -> memref<16x64xf32, #tpu.memory_space<vmem_shared>>
        tpu.wait_dma2 semaphore(%run_scoped3A : memref<!tpu.dma_semaphore, #tpu.memory_space<semaphore_mem>>) src(%dma_wait3A_180 : memref<16x64xf32, #tpu.memory_space<vmem_shared>>) dst(%dma_wait3A_177 : memref<16x64xf32, #tpu.memory_space<hbm>>)
        tpu.yield
      }) : () -> ()
    } else {
    }
    %dma_wait3A_162 = arith.constant 0 : i32
    %dma_wait3A_163 = tpu.memref_slice %arg6[%arg0, %multiple_of3A, %dma_wait3A_162] : memref<2x10000x64xf32, #tpu.memory_space<hbm>> -> memref<1x624x64xf32, #tpu.memory_space<hbm>>
    %dma_wait3A_164 = tpu.memref_squeeze %dma_wait3A_163 : memref<1x624x64xf32, #tpu.memory_space<hbm>> -> memref<624x64xf32, #tpu.memory_space<hbm>>
    %dma_wait3A_165 = arith.constant 0 : i32
    %dma_wait3A_166 = tpu.memref_slice %arg10[%multiple_of3A, %dma_wait3A_165] : memref<10512x64xf32, #tpu.memory_space<vmem_shared>> -> memref<624x64xf32, #tpu.memory_space<vmem_shared>>
    tpu.wait_dma2 semaphore(%arg11 : memref<!tpu.dma_semaphore, #tpu.memory_space<semaphore_mem>>) src(%dma_wait3A_166 : memref<624x64xf32, #tpu.memory_space<vmem_shared>>) dst(%dma_wait3A_164 : memref<624x64xf32, #tpu.memory_space<hbm>>)
    return
  }
}

module attributes {stable_mosaic.version = 14 : i64} {
  func.func @_enc_body(%arg0: i32, %arg1: memref<1000x256xf32, #tpu.memory_space<vmem>>, %arg2: memref<128x64xf32, #tpu.memory_space<vmem>>, %arg3: memref<1x64xf32, #tpu.memory_space<vmem>>, %arg4: memref<1000x128xf32, #tpu.memory_space<vmem>>) attributes {dimension_semantics = [#tpu.dimension_semantics<arbitrary>], iteration_bounds = array<i64: 5>, scalar_prefetch = 0 : i64, scratch_operands = 0 : i64, tpu.core_type = #tpu.core_type<tc>, window_params = [{transform_indices = @transform_0, window_bounds = array<i64: 1000, 256>}, {pipeline_mode = #tpu.pipeline_mode<synchronous>, transform_indices = @transform_1, window_bounds = array<i64: 128, 64>}, {pipeline_mode = #tpu.pipeline_mode<synchronous>, transform_indices = @transform_2, window_bounds = array<i64: 1, 64>}, {transform_indices = @transform_3, window_bounds = array<i64: 1000, 128>}]} {
    %get3A = arith.constant 0 : index
    %get3A_0 = arith.constant 0 : index
    %get3A_1 = vector.load %arg1[%get3A, %get3A_0] : memref<1000x256xf32, #tpu.memory_space<vmem>>, vector<1000x256xf32>
    %get3A_2 = arith.constant 0 : index
    %get3A_3 = arith.constant 0 : index
    %get3A_4 = vector.load %arg2[%get3A_2, %get3A_3] : memref<128x64xf32, #tpu.memory_space<vmem>>, vector<128x64xf32>
    %get3A_5 = arith.constant 0 : index
    %get3A_6 = arith.constant 0 : index
    %get3A_7 = vector.load %arg3[%get3A_5, %get3A_6] : memref<1x64xf32, #tpu.memory_space<vmem>>, vector<1x64xf32>
    %slice3A = vector.extract_strided_slice %get3A_1 {offsets = [0, 0], sizes = [1000, 128], strides = [1, 1]} : vector<1000x256xf32> to vector<1000x128xf32>
    %dot_general3A = arith.constant dense<0.000000e+00> : vector<1000x64xf32>
    %dot_general3A_8 = tpu.matmul %slice3A, %get3A_4, %dot_general3A {dimension_numbers = #tpu.dot_dimension_numbers<[1], [0], [0], [1], [0, 0, 1, 1], [], []>, transpose_lhs_hint = false} : vector<1000x128xf32>, vector<128x64xf32>, vector<1000x64xf32> -> vector<1000x64xf32>
    %add3A = vector.broadcast %get3A_7 : vector<1x64xf32> to vector<1000x64xf32>
    %add3A_9 = arith.addf %dot_general3A_8, %add3A : vector<1000x64xf32>
    %slice3A_10 = vector.extract_strided_slice %get3A_1 {offsets = [0, 128], sizes = [1000, 128], strides = [1, 1]} : vector<1000x256xf32> to vector<1000x128xf32>
    %dot_general3A_11 = arith.constant dense<0.000000e+00> : vector<1000x64xf32>
    %dot_general3A_12 = tpu.matmul %slice3A_10, %get3A_4, %dot_general3A_11 {dimension_numbers = #tpu.dot_dimension_numbers<[1], [0], [0], [1], [0, 0, 1, 1], [], []>, transpose_lhs_hint = false} : vector<1000x128xf32>, vector<128x64xf32>, vector<1000x64xf32> -> vector<1000x64xf32>
    %add3A_13 = vector.broadcast %get3A_7 : vector<1x64xf32> to vector<1000x64xf32>
    %add3A_14 = arith.addf %dot_general3A_12, %add3A_13 : vector<1000x64xf32>
    %concatenate3A = tpu.concatenate %add3A_9, %add3A_14 in 1 : vector<1000x64xf32>, vector<1000x64xf32> -> vector<1000x128xf32>
    %swap3A = arith.constant 0 : index
    %swap3A_15 = arith.constant 0 : index
    %swap3A_16 = vector.load %arg4[%swap3A, %swap3A_15] : memref<1000x128xf32, #tpu.memory_space<vmem>>, vector<1000x128xf32>
    tpu.vector_store %arg4[%swap3A, %swap3A_15], %concatenate3A {strides = array<i32>} : memref<1000x128xf32, #tpu.memory_space<vmem>>, vector<1000x128xf32>,
    return
  }
  func.func @transform_0(%arg0: i32) -> (i32, i32) {
    %c0_i32 = arith.constant 0 : i32
    %c0_i32_0 = arith.constant 0 : i32
    return %arg0, %c0_i32 : i32, i32
  }
  func.func @transform_1(%arg0: i32) -> (i32, i32) {
    %c0_i32 = arith.constant 0 : i32
    %c0_i32_0 = arith.constant 0 : i32
    %c0_i32_1 = arith.constant 0 : i32
    return %c0_i32, %c0_i32_0 : i32, i32
  }
  func.func @transform_2(%arg0: i32) -> (i32, i32) {
    %c0_i32 = arith.constant 0 : i32
    %c0_i32_0 = arith.constant 0 : i32
    %c0_i32_1 = arith.constant 0 : i32
    return %c0_i32, %c0_i32_0 : i32, i32
  }
  func.func @transform_3(%arg0: i32) -> (i32, i32) {
    %c0_i32 = arith.constant 0 : i32
    %c0_i32_0 = arith.constant 0 : i32
    return %arg0, %c0_i32 : i32, i32
  }
}

module attributes {stable_mosaic.version = 14 : i64} {
  func.func @_layer_body(%arg0: i32, %arg1: memref<1000x128xf32, #tpu.memory_space<vmem>>, %arg2: memref<2x1000x128xf32, #tpu.memory_space<vmem>>, %arg3: memref<2x1000x128xf32, #tpu.memory_space<vmem>>, %arg4: memref<64x64xf32, #tpu.memory_space<vmem>>, %arg5: memref<64x64xf32, #tpu.memory_space<vmem>>, %arg6: memref<1x64xf32, #tpu.memory_space<vmem>>, %arg7: memref<1x64xf32, #tpu.memory_space<vmem>>, %arg8: memref<1x64xf32, #tpu.memory_space<vmem>>, %arg9: memref<1000x128xf32, #tpu.memory_space<vmem>>) attributes {dimension_semantics = [#tpu.dimension_semantics<arbitrary>], iteration_bounds = array<i64: 5>, scalar_prefetch = 0 : i64, scratch_operands = 0 : i64, tpu.core_type = #tpu.core_type<tc>, window_params = [{transform_indices = @transform_0, window_bounds = array<i64: 1000, 128>}, {transform_indices = @transform_1, window_bounds = array<i64: 2, 1000, 128>}, {transform_indices = @transform_2, window_bounds = array<i64: 2, 1000, 128>}, {pipeline_mode = #tpu.pipeline_mode<synchronous>, transform_indices = @transform_3, window_bounds = array<i64: 64, 64>}, {pipeline_mode = #tpu.pipeline_mode<synchronous>, transform_indices = @transform_4, window_bounds = array<i64: 64, 64>}, {pipeline_mode = #tpu.pipeline_mode<synchronous>, transform_indices = @transform_5, window_bounds = array<i64: 1, 64>}, {pipeline_mode = #tpu.pipeline_mode<synchronous>, transform_indices = @transform_6, window_bounds = array<i64: 1, 64>}, {pipeline_mode = #tpu.pipeline_mode<synchronous>, transform_indices = @transform_7, window_bounds = array<i64: 1, 64>}, {transform_indices = @transform_8, window_bounds = array<i64: 1000, 128>}]} {
    %get3A = arith.constant 0 : index
    %get3A_0 = arith.constant 0 : index
    %get3A_1 = arith.constant 0 : index
    %get3A_2 = vector.load %arg3[%get3A, %get3A_0, %get3A_1] : memref<2x1000x128xf32, #tpu.memory_space<vmem>>, vector<1x1000x128xf32>
    %get3A_3 = vector.shape_cast %get3A_2 : vector<1x1000x128xf32> to vector<1000x128xf32>
    %get3A_4 = arith.constant 1 : index
    %get3A_5 = arith.constant 0 : index
    %get3A_6 = arith.constant 0 : index
    %get3A_7 = vector.load %arg3[%get3A_4, %get3A_5, %get3A_6] : memref<2x1000x128xf32, #tpu.memory_space<vmem>>, vector<1x1000x128xf32>
    %get3A_8 = vector.shape_cast %get3A_7 : vector<1x1000x128xf32> to vector<1000x128xf32>
    %add3A = arith.addf %get3A_3, %get3A_8 : vector<1000x128xf32>
    %max3A = arith.constant 1.000000e+00 : f32
    %max3A_9 = vector.broadcast %max3A : f32 to vector<1000x128xf32>
    %max3A_10 = arith.maximumf %add3A, %max3A_9 : vector<1000x128xf32>
    %div3A = arith.constant 1.000000e+00 : f32
    %div3A_11 = vector.broadcast %div3A : f32 to vector<1000x128xf32>
    %div3A_12 = arith.divf %div3A_11, %max3A_10 : vector<1000x128xf32>
    %get3A_13 = arith.constant 0 : index
    %get3A_14 = arith.constant 0 : index
    %get3A_15 = arith.constant 0 : index
    %get3A_16 = vector.load %arg2[%get3A_13, %get3A_14, %get3A_15] : memref<2x1000x128xf32, #tpu.memory_space<vmem>>, vector<1x1000x128xf32>
    %get3A_17 = vector.shape_cast %get3A_16 : vector<1x1000x128xf32> to vector<1000x128xf32>
    %get3A_18 = arith.constant 1 : index
    %get3A_19 = arith.constant 0 : index
    %get3A_20 = arith.constant 0 : index
    %get3A_21 = vector.load %arg2[%get3A_18, %get3A_19, %get3A_20] : memref<2x1000x128xf32, #tpu.memory_space<vmem>>, vector<1x1000x128xf32>
    %get3A_22 = vector.shape_cast %get3A_21 : vector<1x1000x128xf32> to vector<1000x128xf32>
    %add3A_23 = arith.addf %get3A_17, %get3A_22 : vector<1000x128xf32>
    %mul3A = arith.mulf %add3A_23, %div3A_12 : vector<1000x128xf32>
    %get3A_24 = arith.constant 0 : index
    %get3A_25 = arith.constant 0 : index
    %get3A_26 = vector.load %arg1[%get3A_24, %get3A_25] : memref<1000x128xf32, #tpu.memory_space<vmem>>, vector<1000x128xf32>
    %get3A_27 = arith.constant 0 : index
    %get3A_28 = arith.constant 0 : index
    %get3A_29 = vector.load %arg4[%get3A_27, %get3A_28] : memref<64x64xf32, #tpu.memory_space<vmem>>, vector<64x64xf32>
    %get3A_30 = arith.constant 0 : index
    %get3A_31 = arith.constant 0 : index
    %get3A_32 = vector.load %arg5[%get3A_30, %get3A_31] : memref<64x64xf32, #tpu.memory_space<vmem>>, vector<64x64xf32>
    %get3A_33 = arith.constant 0 : index
    %get3A_34 = arith.constant 0 : index
    %get3A_35 = vector.load %arg6[%get3A_33, %get3A_34] : memref<1x64xf32, #tpu.memory_space<vmem>>, vector<1x64xf32>
    %get3A_36 = arith.constant 0 : index
    %get3A_37 = arith.constant 0 : index
    %get3A_38 = vector.load %arg7[%get3A_36, %get3A_37] : memref<1x64xf32, #tpu.memory_space<vmem>>, vector<1x64xf32>
    %get3A_39 = arith.constant 0 : index
    %get3A_40 = arith.constant 0 : index
    %get3A_41 = vector.load %arg8[%get3A_39, %get3A_40] : memref<1x64xf32, #tpu.memory_space<vmem>>, vector<1x64xf32>
    %slice3A = vector.extract_strided_slice %get3A_26 {offsets = [0, 0], sizes = [1000, 64], strides = [1, 1]} : vector<1000x128xf32> to vector<1000x64xf32>
    %dot_general3A = arith.constant dense<0.000000e+00> : vector<1000x64xf32>
    %dot_general3A_42 = tpu.matmul %slice3A, %get3A_29, %dot_general3A {dimension_numbers = #tpu.dot_dimension_numbers<[1], [0], [0], [1], [0, 0, 1, 1], [], []>, transpose_lhs_hint = false} : vector<1000x64xf32>, vector<64x64xf32>, vector<1000x64xf32> -> vector<1000x64xf32>
    %slice3A_43 = vector.extract_strided_slice %mul3A {offsets = [0, 0], sizes = [1000, 64], strides = [1, 1]} : vector<1000x128xf32> to vector<1000x64xf32>
    %dot_general3A_44 = arith.constant dense<0.000000e+00> : vector<1000x64xf32>
    %dot_general3A_45 = tpu.matmul %slice3A_43, %get3A_32, %dot_general3A_44 {dimension_numbers = #tpu.dot_dimension_numbers<[1], [0], [0], [1], [0, 0, 1, 1], [], []>, transpose_lhs_hint = false} : vector<1000x64xf32>, vector<64x64xf32>, vector<1000x64xf32> -> vector<1000x64xf32>
    %add3A_46 = arith.addf %dot_general3A_42, %dot_general3A_45 : vector<1000x64xf32>
    %add3A_47 = vector.broadcast %get3A_35 : vector<1x64xf32> to vector<1000x64xf32>
    %add3A_48 = arith.addf %add3A_46, %add3A_47 : vector<1000x64xf32>
    %max3A_49 = arith.constant 0.000000e+00 : f32
    %max3A_50 = vector.broadcast %max3A_49 : f32 to vector<1000x64xf32>
    %max3A_51 = arith.maximumf %add3A_48, %max3A_50 : vector<1000x64xf32>
    %add3A_52 = arith.addf %max3A_51, %slice3A : vector<1000x64xf32>
    %reduce_sum3A = arith.constant dense<0.000000e+00> : vector<1000xf32>
    %reduce_sum3A_53 = vector.multi_reduction <add>, %add3A_52, %reduce_sum3A [1] : vector<1000x64xf32> to vector<1000xf32>
    %broadcast_in_dim3A = vector.shape_cast %reduce_sum3A_53 : vector<1000xf32> to vector<1000x1xf32>
    %div3A_54 = arith.constant 6.400000e+01 : f32
    %div3A_55 = vector.broadcast %div3A_54 : f32 to vector<1000x1xf32>
    %div3A_56 = arith.divf %broadcast_in_dim3A, %div3A_55 : vector<1000x1xf32>
    %sub3A = vector.broadcast %div3A_56 : vector<1000x1xf32> to vector<1000x64xf32>
    %sub3A_57 = arith.subf %add3A_52, %sub3A : vector<1000x64xf32>
    %mul3A_58 = arith.mulf %sub3A_57, %sub3A_57 : vector<1000x64xf32>
    %reduce_sum3A_59 = arith.constant dense<0.000000e+00> : vector<1000xf32>
    %reduce_sum3A_60 = vector.multi_reduction <add>, %mul3A_58, %reduce_sum3A_59 [1] : vector<1000x64xf32> to vector<1000xf32>
    %broadcast_in_dim3A_61 = vector.shape_cast %reduce_sum3A_60 : vector<1000xf32> to vector<1000x1xf32>
    %div3A_62 = arith.constant 6.400000e+01 : f32
    %div3A_63 = vector.broadcast %div3A_62 : f32 to vector<1000x1xf32>
    %div3A_64 = arith.divf %broadcast_in_dim3A_61, %div3A_63 : vector<1000x1xf32>
    %add3A_65 = arith.constant 9.99999974E-6 : f32
    %add3A_66 = vector.broadcast %add3A_65 : f32 to vector<1000x1xf32>
    %add3A_67 = arith.addf %div3A_64, %add3A_66 : vector<1000x1xf32>
    %rsqrt3A = math.rsqrt %add3A_67 : vector<1000x1xf32>
    %mul3A_68 = vector.broadcast %rsqrt3A : vector<1000x1xf32> to vector<1000x64xf32>
    %mul3A_69 = arith.mulf %sub3A_57, %mul3A_68 : vector<1000x64xf32>
    %mul3A_70 = vector.broadcast %get3A_38 : vector<1x64xf32> to vector<1000x64xf32>
    %mul3A_71 = arith.mulf %mul3A_69, %mul3A_70 : vector<1000x64xf32>
    %add3A_72 = vector.broadcast %get3A_41 : vector<1x64xf32> to vector<1000x64xf32>
    %add3A_73 = arith.addf %mul3A_71, %add3A_72 : vector<1000x64xf32>
    %slice3A_74 = vector.extract_strided_slice %get3A_26 {offsets = [0, 64], sizes = [1000, 64], strides = [1, 1]} : vector<1000x128xf32> to vector<1000x64xf32>
    %dot_general3A_75 = arith.constant dense<0.000000e+00> : vector<1000x64xf32>
    %dot_general3A_76 = tpu.matmul %slice3A_74, %get3A_29, %dot_general3A_75 {dimension_numbers = #tpu.dot_dimension_numbers<[1], [0], [0], [1], [0, 0, 1, 1], [], []>, transpose_lhs_hint = false} : vector<1000x64xf32>, vector<64x64xf32>, vector<1000x64xf32> -> vector<1000x64xf32>
    %slice3A_77 = vector.extract_strided_slice %mul3A {offsets = [0, 64], sizes = [1000, 64], strides = [1, 1]} : vector<1000x128xf32> to vector<1000x64xf32>
    %dot_general3A_78 = arith.constant dense<0.000000e+00> : vector<1000x64xf32>
    %dot_general3A_79 = tpu.matmul %slice3A_77, %get3A_32, %dot_general3A_78 {dimension_numbers = #tpu.dot_dimension_numbers<[1], [0], [0], [1], [0, 0, 1, 1], [], []>, transpose_lhs_hint = false} : vector<1000x64xf32>, vector<64x64xf32>, vector<1000x64xf32> -> vector<1000x64xf32>
    %add3A_80 = arith.addf %dot_general3A_76, %dot_general3A_79 : vector<1000x64xf32>
    %add3A_81 = vector.broadcast %get3A_35 : vector<1x64xf32> to vector<1000x64xf32>
    %add3A_82 = arith.addf %add3A_80, %add3A_81 : vector<1000x64xf32>
    %max3A_83 = arith.constant 0.000000e+00 : f32
    %max3A_84 = vector.broadcast %max3A_83 : f32 to vector<1000x64xf32>
    %max3A_85 = arith.maximumf %add3A_82, %max3A_84 : vector<1000x64xf32>
    %add3A_86 = arith.addf %max3A_85, %slice3A_74 : vector<1000x64xf32>
    %reduce_sum3A_87 = arith.constant dense<0.000000e+00> : vector<1000xf32>
    %reduce_sum3A_88 = vector.multi_reduction <add>, %add3A_86, %reduce_sum3A_87 [1] : vector<1000x64xf32> to vector<1000xf32>
    %broadcast_in_dim3A_89 = vector.shape_cast %reduce_sum3A_88 : vector<1000xf32> to vector<1000x1xf32>
    %div3A_90 = arith.constant 6.400000e+01 : f32
    %div3A_91 = vector.broadcast %div3A_90 : f32 to vector<1000x1xf32>
    %div3A_92 = arith.divf %broadcast_in_dim3A_89, %div3A_91 : vector<1000x1xf32>
    %sub3A_93 = vector.broadcast %div3A_92 : vector<1000x1xf32> to vector<1000x64xf32>
    %sub3A_94 = arith.subf %add3A_86, %sub3A_93 : vector<1000x64xf32>
    %mul3A_95 = arith.mulf %sub3A_94, %sub3A_94 : vector<1000x64xf32>
    %reduce_sum3A_96 = arith.constant dense<0.000000e+00> : vector<1000xf32>
    %reduce_sum3A_97 = vector.multi_reduction <add>, %mul3A_95, %reduce_sum3A_96 [1] : vector<1000x64xf32> to vector<1000xf32>
    %broadcast_in_dim3A_98 = vector.shape_cast %reduce_sum3A_97 : vector<1000xf32> to vector<1000x1xf32>
    %div3A_99 = arith.constant 6.400000e+01 : f32
    %div3A_100 = vector.broadcast %div3A_99 : f32 to vector<1000x1xf32>
    %div3A_101 = arith.divf %broadcast_in_dim3A_98, %div3A_100 : vector<1000x1xf32>
    %add3A_102 = arith.constant 9.99999974E-6 : f32
    %add3A_103 = vector.broadcast %add3A_102 : f32 to vector<1000x1xf32>
    %add3A_104 = arith.addf %div3A_101, %add3A_103 : vector<1000x1xf32>
    %rsqrt3A_105 = math.rsqrt %add3A_104 : vector<1000x1xf32>
    %mul3A_106 = vector.broadcast %rsqrt3A_105 : vector<1000x1xf32> to vector<1000x64xf32>
    %mul3A_107 = arith.mulf %sub3A_94, %mul3A_106 : vector<1000x64xf32>
    %mul3A_108 = vector.broadcast %get3A_38 : vector<1x64xf32> to vector<1000x64xf32>
    %mul3A_109 = arith.mulf %mul3A_107, %mul3A_108 : vector<1000x64xf32>
    %add3A_110 = vector.broadcast %get3A_41 : vector<1x64xf32> to vector<1000x64xf32>
    %add3A_111 = arith.addf %mul3A_109, %add3A_110 : vector<1000x64xf32>
    %concatenate3A = tpu.concatenate %add3A_73, %add3A_111 in 1 : vector<1000x64xf32>, vector<1000x64xf32> -> vector<1000x128xf32>
    %swap3A = arith.constant 0 : index
    %swap3A_112 = arith.constant 0 : index
    %swap3A_113 = vector.load %arg9[%swap3A, %swap3A_112] : memref<1000x128xf32, #tpu.memory_space<vmem>>, vector<1000x128xf32>
    tpu.vector_store %arg9[%swap3A, %swap3A_112], %concatenate3A {strides = array<i32>} : memref<1000x128xf32, #tpu.memory_space<vmem>>, vector<1000x128xf32>,
    return
  }
  func.func @transform_0(%arg0: i32) -> (i32, i32) {
    %c0_i32 = arith.constant 0 : i32
    %c0_i32_0 = arith.constant 0 : i32
    return %arg0, %c0_i32 : i32, i32
  }
  func.func @transform_1(%arg0: i32) -> (i32, i32, i32) {
    %c0_i32 = arith.constant 0 : i32
    %c0_i32_0 = arith.constant 0 : i32
    %c0_i32_1 = arith.constant 0 : i32
    return %c0_i32, %arg0, %c0_i32_0 : i32, i32, i32
  }
  func.func @transform_2(%arg0: i32) -> (i32, i32, i32) {
    %c0_i32 = arith.constant 0 : i32
    %c0_i32_0 = arith.constant 0 : i32
    %c0_i32_1 = arith.constant 0 : i32
    return %c0_i32, %arg0, %c0_i32_0 : i32, i32, i32
  }
  func.func @transform_3(%arg0: i32) -> (i32, i32) {
    %c0_i32 = arith.constant 0 : i32
    %c0_i32_0 = arith.constant 0 : i32
    %c0_i32_1 = arith.constant 0 : i32
    return %c0_i32, %c0_i32_0 : i32, i32
  }
  func.func @transform_4(%arg0: i32) -> (i32, i32) {
    %c0_i32 = arith.constant 0 : i32
    %c0_i32_0 = arith.constant 0 : i32
    %c0_i32_1 = arith.constant 0 : i32
    return %c0_i32, %c0_i32_0 : i32, i32
  }
  func.func @transform_5(%arg0: i32) -> (i32, i32) {
    %c0_i32 = arith.constant 0 : i32
    %c0_i32_0 = arith.constant 0 : i32
    %c0_i32_1 = arith.constant 0 : i32
    return %c0_i32, %c0_i32_0 : i32, i32
  }
  func.func @transform_6(%arg0: i32) -> (i32, i32) {
    %c0_i32 = arith.constant 0 : i32
    %c0_i32_0 = arith.constant 0 : i32
    %c0_i32_1 = arith.constant 0 : i32
    return %c0_i32, %c0_i32_0 : i32, i32
  }
  func.func @transform_7(%arg0: i32) -> (i32, i32) {
    %c0_i32 = arith.constant 0 : i32
    %c0_i32_0 = arith.constant 0 : i32
    %c0_i32_1 = arith.constant 0 : i32
    return %c0_i32, %c0_i32_0 : i32, i32
  }
  func.func @transform_8(%arg0: i32) -> (i32, i32) {
    %c0_i32 = arith.constant 0 : i32
    %c0_i32_0 = arith.constant 0 : i32
    return %arg0, %c0_i32 : i32, i32
  }
}

module attributes {stable_mosaic.version = 14 : i64} {
  func.func @_layer_skip_body(%arg0: i32, %arg1: memref<1000x128xf32, #tpu.memory_space<vmem>>, %arg2: memref<2x1000x128xf32, #tpu.memory_space<vmem>>, %arg3: memref<2x1000x128xf32, #tpu.memory_space<vmem>>, %arg4: memref<64x64xf32, #tpu.memory_space<vmem>>, %arg5: memref<64x64xf32, #tpu.memory_space<vmem>>, %arg6: memref<1x64xf32, #tpu.memory_space<vmem>>, %arg7: memref<1x64xf32, #tpu.memory_space<vmem>>, %arg8: memref<1x64xf32, #tpu.memory_space<vmem>>, %arg9: memref<1000x128xf32, #tpu.memory_space<vmem>>, %arg10: memref<64x64xf32, #tpu.memory_space<vmem>>, %arg11: memref<1x64xf32, #tpu.memory_space<vmem>>, %arg12: memref<1000x128xf32, #tpu.memory_space<vmem>>) attributes {dimension_semantics = [#tpu.dimension_semantics<arbitrary>], iteration_bounds = array<i64: 5>, scalar_prefetch = 0 : i64, scratch_operands = 0 : i64, tpu.core_type = #tpu.core_type<tc>, window_params = [{transform_indices = @transform_0, window_bounds = array<i64: 1000, 128>}, {transform_indices = @transform_1, window_bounds = array<i64: 2, 1000, 128>}, {transform_indices = @transform_2, window_bounds = array<i64: 2, 1000, 128>}, {pipeline_mode = #tpu.pipeline_mode<synchronous>, transform_indices = @transform_3, window_bounds = array<i64: 64, 64>}, {pipeline_mode = #tpu.pipeline_mode<synchronous>, transform_indices = @transform_4, window_bounds = array<i64: 64, 64>}, {pipeline_mode = #tpu.pipeline_mode<synchronous>, transform_indices = @transform_5, window_bounds = array<i64: 1, 64>}, {pipeline_mode = #tpu.pipeline_mode<synchronous>, transform_indices = @transform_6, window_bounds = array<i64: 1, 64>}, {pipeline_mode = #tpu.pipeline_mode<synchronous>, transform_indices = @transform_7, window_bounds = array<i64: 1, 64>}, {transform_indices = @transform_8, window_bounds = array<i64: 1000, 128>}, {pipeline_mode = #tpu.pipeline_mode<synchronous>, transform_indices = @transform_9, window_bounds = array<i64: 64, 64>}, {pipeline_mode = #tpu.pipeline_mode<synchronous>, transform_indices = @transform_10, window_bounds = array<i64: 1, 64>}, {transform_indices = @transform_11, window_bounds = array<i64: 1000, 128>}]} {
    %get3A = arith.constant 0 : index
    %get3A_0 = arith.constant 0 : index
    %get3A_1 = arith.constant 0 : index
    %get3A_2 = vector.load %arg3[%get3A, %get3A_0, %get3A_1] : memref<2x1000x128xf32, #tpu.memory_space<vmem>>, vector<1x1000x128xf32>
    %get3A_3 = vector.shape_cast %get3A_2 : vector<1x1000x128xf32> to vector<1000x128xf32>
    %get3A_4 = arith.constant 1 : index
    %get3A_5 = arith.constant 0 : index
    %get3A_6 = arith.constant 0 : index
    %get3A_7 = vector.load %arg3[%get3A_4, %get3A_5, %get3A_6] : memref<2x1000x128xf32, #tpu.memory_space<vmem>>, vector<1x1000x128xf32>
    %get3A_8 = vector.shape_cast %get3A_7 : vector<1x1000x128xf32> to vector<1000x128xf32>
    %add3A = arith.addf %get3A_3, %get3A_8 : vector<1000x128xf32>
    %max3A = arith.constant 1.000000e+00 : f32
    %max3A_9 = vector.broadcast %max3A : f32 to vector<1000x128xf32>
    %max3A_10 = arith.maximumf %add3A, %max3A_9 : vector<1000x128xf32>
    %div3A = arith.constant 1.000000e+00 : f32
    %div3A_11 = vector.broadcast %div3A : f32 to vector<1000x128xf32>
    %div3A_12 = arith.divf %div3A_11, %max3A_10 : vector<1000x128xf32>
    %get3A_13 = arith.constant 0 : index
    %get3A_14 = arith.constant 0 : index
    %get3A_15 = arith.constant 0 : index
    %get3A_16 = vector.load %arg2[%get3A_13, %get3A_14, %get3A_15] : memref<2x1000x128xf32, #tpu.memory_space<vmem>>, vector<1x1000x128xf32>
    %get3A_17 = vector.shape_cast %get3A_16 : vector<1x1000x128xf32> to vector<1000x128xf32>
    %get3A_18 = arith.constant 1 : index
    %get3A_19 = arith.constant 0 : index
    %get3A_20 = arith.constant 0 : index
    %get3A_21 = vector.load %arg2[%get3A_18, %get3A_19, %get3A_20] : memref<2x1000x128xf32, #tpu.memory_space<vmem>>, vector<1x1000x128xf32>
    %get3A_22 = vector.shape_cast %get3A_21 : vector<1x1000x128xf32> to vector<1000x128xf32>
    %add3A_23 = arith.addf %get3A_17, %get3A_22 : vector<1000x128xf32>
    %mul3A = arith.mulf %add3A_23, %div3A_12 : vector<1000x128xf32>
    %get3A_24 = arith.constant 0 : index
    %get3A_25 = arith.constant 0 : index
    %get3A_26 = vector.load %arg1[%get3A_24, %get3A_25] : memref<1000x128xf32, #tpu.memory_space<vmem>>, vector<1000x128xf32>
    %get3A_27 = arith.constant 0 : index
    %get3A_28 = arith.constant 0 : index
    %get3A_29 = vector.load %arg4[%get3A_27, %get3A_28] : memref<64x64xf32, #tpu.memory_space<vmem>>, vector<64x64xf32>
    %get3A_30 = arith.constant 0 : index
    %get3A_31 = arith.constant 0 : index
    %get3A_32 = vector.load %arg5[%get3A_30, %get3A_31] : memref<64x64xf32, #tpu.memory_space<vmem>>, vector<64x64xf32>
    %get3A_33 = arith.constant 0 : index
    %get3A_34 = arith.constant 0 : index
    %get3A_35 = vector.load %arg6[%get3A_33, %get3A_34] : memref<1x64xf32, #tpu.memory_space<vmem>>, vector<1x64xf32>
    %get3A_36 = arith.constant 0 : index
    %get3A_37 = arith.constant 0 : index
    %get3A_38 = vector.load %arg7[%get3A_36, %get3A_37] : memref<1x64xf32, #tpu.memory_space<vmem>>, vector<1x64xf32>
    %get3A_39 = arith.constant 0 : index
    %get3A_40 = arith.constant 0 : index
    %get3A_41 = vector.load %arg8[%get3A_39, %get3A_40] : memref<1x64xf32, #tpu.memory_space<vmem>>, vector<1x64xf32>
    %slice3A = vector.extract_strided_slice %get3A_26 {offsets = [0, 0], sizes = [1000, 64], strides = [1, 1]} : vector<1000x128xf32> to vector<1000x64xf32>
    %dot_general3A = arith.constant dense<0.000000e+00> : vector<1000x64xf32>
    %dot_general3A_42 = tpu.matmul %slice3A, %get3A_29, %dot_general3A {dimension_numbers = #tpu.dot_dimension_numbers<[1], [0], [0], [1], [0, 0, 1, 1], [], []>, transpose_lhs_hint = false} : vector<1000x64xf32>, vector<64x64xf32>, vector<1000x64xf32> -> vector<1000x64xf32>
    %slice3A_43 = vector.extract_strided_slice %mul3A {offsets = [0, 0], sizes = [1000, 64], strides = [1, 1]} : vector<1000x128xf32> to vector<1000x64xf32>
    %dot_general3A_44 = arith.constant dense<0.000000e+00> : vector<1000x64xf32>
    %dot_general3A_45 = tpu.matmul %slice3A_43, %get3A_32, %dot_general3A_44 {dimension_numbers = #tpu.dot_dimension_numbers<[1], [0], [0], [1], [0, 0, 1, 1], [], []>, transpose_lhs_hint = false} : vector<1000x64xf32>, vector<64x64xf32>, vector<1000x64xf32> -> vector<1000x64xf32>
    %add3A_46 = arith.addf %dot_general3A_42, %dot_general3A_45 : vector<1000x64xf32>
    %add3A_47 = vector.broadcast %get3A_35 : vector<1x64xf32> to vector<1000x64xf32>
    %add3A_48 = arith.addf %add3A_46, %add3A_47 : vector<1000x64xf32>
    %max3A_49 = arith.constant 0.000000e+00 : f32
    %max3A_50 = vector.broadcast %max3A_49 : f32 to vector<1000x64xf32>
    %max3A_51 = arith.maximumf %add3A_48, %max3A_50 : vector<1000x64xf32>
    %add3A_52 = arith.addf %max3A_51, %slice3A : vector<1000x64xf32>
    %reduce_sum3A = arith.constant dense<0.000000e+00> : vector<1000xf32>
    %reduce_sum3A_53 = vector.multi_reduction <add>, %add3A_52, %reduce_sum3A [1] : vector<1000x64xf32> to vector<1000xf32>
    %broadcast_in_dim3A = vector.shape_cast %reduce_sum3A_53 : vector<1000xf32> to vector<1000x1xf32>
    %div3A_54 = arith.constant 6.400000e+01 : f32
    %div3A_55 = vector.broadcast %div3A_54 : f32 to vector<1000x1xf32>
    %div3A_56 = arith.divf %broadcast_in_dim3A, %div3A_55 : vector<1000x1xf32>
    %sub3A = vector.broadcast %div3A_56 : vector<1000x1xf32> to vector<1000x64xf32>
    %sub3A_57 = arith.subf %add3A_52, %sub3A : vector<1000x64xf32>
    %mul3A_58 = arith.mulf %sub3A_57, %sub3A_57 : vector<1000x64xf32>
    %reduce_sum3A_59 = arith.constant dense<0.000000e+00> : vector<1000xf32>
    %reduce_sum3A_60 = vector.multi_reduction <add>, %mul3A_58, %reduce_sum3A_59 [1] : vector<1000x64xf32> to vector<1000xf32>
    %broadcast_in_dim3A_61 = vector.shape_cast %reduce_sum3A_60 : vector<1000xf32> to vector<1000x1xf32>
    %div3A_62 = arith.constant 6.400000e+01 : f32
    %div3A_63 = vector.broadcast %div3A_62 : f32 to vector<1000x1xf32>
    %div3A_64 = arith.divf %broadcast_in_dim3A_61, %div3A_63 : vector<1000x1xf32>
    %add3A_65 = arith.constant 9.99999974E-6 : f32
    %add3A_66 = vector.broadcast %add3A_65 : f32 to vector<1000x1xf32>
    %add3A_67 = arith.addf %div3A_64, %add3A_66 : vector<1000x1xf32>
    %rsqrt3A = math.rsqrt %add3A_67 : vector<1000x1xf32>
    %mul3A_68 = vector.broadcast %rsqrt3A : vector<1000x1xf32> to vector<1000x64xf32>
    %mul3A_69 = arith.mulf %sub3A_57, %mul3A_68 : vector<1000x64xf32>
    %mul3A_70 = vector.broadcast %get3A_38 : vector<1x64xf32> to vector<1000x64xf32>
    %mul3A_71 = arith.mulf %mul3A_69, %mul3A_70 : vector<1000x64xf32>
    %add3A_72 = vector.broadcast %get3A_41 : vector<1x64xf32> to vector<1000x64xf32>
    %add3A_73 = arith.addf %mul3A_71, %add3A_72 : vector<1000x64xf32>
    %slice3A_74 = vector.extract_strided_slice %get3A_26 {offsets = [0, 64], sizes = [1000, 64], strides = [1, 1]} : vector<1000x128xf32> to vector<1000x64xf32>
    %dot_general3A_75 = arith.constant dense<0.000000e+00> : vector<1000x64xf32>
    %dot_general3A_76 = tpu.matmul %slice3A_74, %get3A_29, %dot_general3A_75 {dimension_numbers = #tpu.dot_dimension_numbers<[1], [0], [0], [1], [0, 0, 1, 1], [], []>, transpose_lhs_hint = false} : vector<1000x64xf32>, vector<64x64xf32>, vector<1000x64xf32> -> vector<1000x64xf32>
    %slice3A_77 = vector.extract_strided_slice %mul3A {offsets = [0, 64], sizes = [1000, 64], strides = [1, 1]} : vector<1000x128xf32> to vector<1000x64xf32>
    %dot_general3A_78 = arith.constant dense<0.000000e+00> : vector<1000x64xf32>
    %dot_general3A_79 = tpu.matmul %slice3A_77, %get3A_32, %dot_general3A_78 {dimension_numbers = #tpu.dot_dimension_numbers<[1], [0], [0], [1], [0, 0, 1, 1], [], []>, transpose_lhs_hint = false} : vector<1000x64xf32>, vector<64x64xf32>, vector<1000x64xf32> -> vector<1000x64xf32>
    %add3A_80 = arith.addf %dot_general3A_76, %dot_general3A_79 : vector<1000x64xf32>
    %add3A_81 = vector.broadcast %get3A_35 : vector<1x64xf32> to vector<1000x64xf32>
    %add3A_82 = arith.addf %add3A_80, %add3A_81 : vector<1000x64xf32>
    %max3A_83 = arith.constant 0.000000e+00 : f32
    %max3A_84 = vector.broadcast %max3A_83 : f32 to vector<1000x64xf32>
    %max3A_85 = arith.maximumf %add3A_82, %max3A_84 : vector<1000x64xf32>
    %add3A_86 = arith.addf %max3A_85, %slice3A_74 : vector<1000x64xf32>
    %reduce_sum3A_87 = arith.constant dense<0.000000e+00> : vector<1000xf32>
    %reduce_sum3A_88 = vector.multi_reduction <add>, %add3A_86, %reduce_sum3A_87 [1] : vector<1000x64xf32> to vector<1000xf32>
    %broadcast_in_dim3A_89 = vector.shape_cast %reduce_sum3A_88 : vector<1000xf32> to vector<1000x1xf32>
    %div3A_90 = arith.constant 6.400000e+01 : f32
    %div3A_91 = vector.broadcast %div3A_90 : f32 to vector<1000x1xf32>
    %div3A_92 = arith.divf %broadcast_in_dim3A_89, %div3A_91 : vector<1000x1xf32>
    %sub3A_93 = vector.broadcast %div3A_92 : vector<1000x1xf32> to vector<1000x64xf32>
    %sub3A_94 = arith.subf %add3A_86, %sub3A_93 : vector<1000x64xf32>
    %mul3A_95 = arith.mulf %sub3A_94, %sub3A_94 : vector<1000x64xf32>
    %reduce_sum3A_96 = arith.constant dense<0.000000e+00> : vector<1000xf32>
    %reduce_sum3A_97 = vector.multi_reduction <add>, %mul3A_95, %reduce_sum3A_96 [1] : vector<1000x64xf32> to vector<1000xf32>
    %broadcast_in_dim3A_98 = vector.shape_cast %reduce_sum3A_97 : vector<1000xf32> to vector<1000x1xf32>
    %div3A_99 = arith.constant 6.400000e+01 : f32
    %div3A_100 = vector.broadcast %div3A_99 : f32 to vector<1000x1xf32>
    %div3A_101 = arith.divf %broadcast_in_dim3A_98, %div3A_100 : vector<1000x1xf32>
    %add3A_102 = arith.constant 9.99999974E-6 : f32
    %add3A_103 = vector.broadcast %add3A_102 : f32 to vector<1000x1xf32>
    %add3A_104 = arith.addf %div3A_101, %add3A_103 : vector<1000x1xf32>
    %rsqrt3A_105 = math.rsqrt %add3A_104 : vector<1000x1xf32>
    %mul3A_106 = vector.broadcast %rsqrt3A_105 : vector<1000x1xf32> to vector<1000x64xf32>
    %mul3A_107 = arith.mulf %sub3A_94, %mul3A_106 : vector<1000x64xf32>
    %mul3A_108 = vector.broadcast %get3A_38 : vector<1x64xf32> to vector<1000x64xf32>
    %mul3A_109 = arith.mulf %mul3A_107, %mul3A_108 : vector<1000x64xf32>
    %add3A_110 = vector.broadcast %get3A_41 : vector<1x64xf32> to vector<1000x64xf32>
    %add3A_111 = arith.addf %mul3A_109, %add3A_110 : vector<1000x64xf32>
    %get3A_112 = arith.constant 0 : index
    %get3A_113 = arith.constant 0 : index
    %get3A_114 = vector.load %arg9[%get3A_112, %get3A_113] : memref<1000x128xf32, #tpu.memory_space<vmem>>, vector<1000x128xf32>
    %get3A_115 = arith.constant 0 : index
    %get3A_116 = arith.constant 0 : index
    %get3A_117 = vector.load %arg10[%get3A_115, %get3A_116] : memref<64x64xf32, #tpu.memory_space<vmem>>, vector<64x64xf32>
    %get3A_118 = arith.constant 0 : index
    %get3A_119 = arith.constant 0 : index
    %get3A_120 = vector.load %arg11[%get3A_118, %get3A_119] : memref<1x64xf32, #tpu.memory_space<vmem>>, vector<1x64xf32>
    %slice3A_121 = vector.extract_strided_slice %get3A_114 {offsets = [0, 0], sizes = [1000, 64], strides = [1, 1]} : vector<1000x128xf32> to vector<1000x64xf32>
    %dot_general3A_122 = arith.constant dense<0.000000e+00> : vector<1000x64xf32>
    %dot_general3A_123 = tpu.matmul %slice3A_121, %get3A_117, %dot_general3A_122 {dimension_numbers = #tpu.dot_dimension_numbers<[1], [0], [0], [1], [0, 0, 1, 1], [], []>, transpose_lhs_hint = false} : vector<1000x64xf32>, vector<64x64xf32>, vector<1000x64xf32> -> vector<1000x64xf32>
    %add3A_124 = arith.addf %add3A_73, %dot_general3A_123 : vector<1000x64xf32>
    %add3A_125 = vector.broadcast %get3A_120 : vector<1x64xf32> to vector<1000x64xf32>
    %add3A_126 = arith.addf %add3A_124, %add3A_125 : vector<1000x64xf32>
    %slice3A_127 = vector.extract_strided_slice %get3A_114 {offsets = [0, 64], sizes = [1000, 64], strides = [1, 1]} : vector<1000x128xf32> to vector<1000x64xf32>
    %dot_general3A_128 = arith.constant dense<0.000000e+00> : vector<1000x64xf32>
    %dot_general3A_129 = tpu.matmul %slice3A_127, %get3A_117, %dot_general3A_128 {dimension_numbers = #tpu.dot_dimension_numbers<[1], [0], [0], [1], [0, 0, 1, 1], [], []>, transpose_lhs_hint = false} : vector<1000x64xf32>, vector<64x64xf32>, vector<1000x64xf32> -> vector<1000x64xf32>
    %add3A_130 = arith.addf %add3A_111, %dot_general3A_129 : vector<1000x64xf32>
    %add3A_131 = vector.broadcast %get3A_120 : vector<1x64xf32> to vector<1000x64xf32>
    %add3A_132 = arith.addf %add3A_130, %add3A_131 : vector<1000x64xf32>
    %concatenate3A = tpu.concatenate %add3A_126, %add3A_132 in 1 : vector<1000x64xf32>, vector<1000x64xf32> -> vector<1000x128xf32>
    %swap3A = arith.constant 0 : index
    %swap3A_133 = arith.constant 0 : index
    %swap3A_134 = vector.load %arg12[%swap3A, %swap3A_133] : memref<1000x128xf32, #tpu.memory_space<vmem>>, vector<1000x128xf32>
    tpu.vector_store %arg12[%swap3A, %swap3A_133], %concatenate3A {strides = array<i32>} : memref<1000x128xf32, #tpu.memory_space<vmem>>, vector<1000x128xf32>,
    return
  }
  func.func @transform_0(%arg0: i32) -> (i32, i32) {
    %c0_i32 = arith.constant 0 : i32
    %c0_i32_0 = arith.constant 0 : i32
    return %arg0, %c0_i32 : i32, i32
  }
  func.func @transform_1(%arg0: i32) -> (i32, i32, i32) {
    %c0_i32 = arith.constant 0 : i32
    %c0_i32_0 = arith.constant 0 : i32
    %c0_i32_1 = arith.constant 0 : i32
    return %c0_i32, %arg0, %c0_i32_0 : i32, i32, i32
  }
  func.func @transform_2(%arg0: i32) -> (i32, i32, i32) {
    %c0_i32 = arith.constant 0 : i32
    %c0_i32_0 = arith.constant 0 : i32
    %c0_i32_1 = arith.constant 0 : i32
    return %c0_i32, %arg0, %c0_i32_0 : i32, i32, i32
  }
  func.func @transform_3(%arg0: i32) -> (i32, i32) {
    %c0_i32 = arith.constant 0 : i32
    %c0_i32_0 = arith.constant 0 : i32
    %c0_i32_1 = arith.constant 0 : i32
    return %c0_i32, %c0_i32_0 : i32, i32
  }
  func.func @transform_4(%arg0: i32) -> (i32, i32) {
    %c0_i32 = arith.constant 0 : i32
    %c0_i32_0 = arith.constant 0 : i32
    %c0_i32_1 = arith.constant 0 : i32
    return %c0_i32, %c0_i32_0 : i32, i32
  }
  func.func @transform_5(%arg0: i32) -> (i32, i32) {
    %c0_i32 = arith.constant 0 : i32
    %c0_i32_0 = arith.constant 0 : i32
    %c0_i32_1 = arith.constant 0 : i32
    return %c0_i32, %c0_i32_0 : i32, i32
  }
  func.func @transform_6(%arg0: i32) -> (i32, i32) {
    %c0_i32 = arith.constant 0 : i32
    %c0_i32_0 = arith.constant 0 : i32
    %c0_i32_1 = arith.constant 0 : i32
    return %c0_i32, %c0_i32_0 : i32, i32
  }
  func.func @transform_7(%arg0: i32) -> (i32, i32) {
    %c0_i32 = arith.constant 0 : i32
    %c0_i32_0 = arith.constant 0 : i32
    %c0_i32_1 = arith.constant 0 : i32
    return %c0_i32, %c0_i32_0 : i32, i32
  }
  func.func @transform_8(%arg0: i32) -> (i32, i32) {
    %c0_i32 = arith.constant 0 : i32
    %c0_i32_0 = arith.constant 0 : i32
    return %arg0, %c0_i32 : i32, i32
  }
  func.func @transform_9(%arg0: i32) -> (i32, i32) {
    %c0_i32 = arith.constant 0 : i32
    %c0_i32_0 = arith.constant 0 : i32
    %c0_i32_1 = arith.constant 0 : i32
    return %c0_i32, %c0_i32_0 : i32, i32
  }
  func.func @transform_10(%arg0: i32) -> (i32, i32) {
    %c0_i32 = arith.constant 0 : i32
    %c0_i32_0 = arith.constant 0 : i32
    %c0_i32_1 = arith.constant 0 : i32
    return %c0_i32, %c0_i32_0 : i32, i32
  }
  func.func @transform_11(%arg0: i32) -> (i32, i32) {
    %c0_i32 = arith.constant 0 : i32
    %c0_i32_0 = arith.constant 0 : i32
    return %arg0, %c0_i32 : i32, i32
  }
}

module attributes {stable_mosaic.version = 14 : i64} {
  func.func @_layer_out_body(%arg0: i32, %arg1: memref<1000x128xf32, #tpu.memory_space<vmem>>, %arg2: memref<2x1000x128xf32, #tpu.memory_space<vmem>>, %arg3: memref<2x1000x128xf32, #tpu.memory_space<vmem>>, %arg4: memref<64x64xf32, #tpu.memory_space<vmem>>, %arg5: memref<64x64xf32, #tpu.memory_space<vmem>>, %arg6: memref<1x64xf32, #tpu.memory_space<vmem>>, %arg7: memref<1x64xf32, #tpu.memory_space<vmem>>, %arg8: memref<1x64xf32, #tpu.memory_space<vmem>>, %arg9: memref<64x128xf32, #tpu.memory_space<vmem>>, %arg10: memref<1x128xf32, #tpu.memory_space<vmem>>, %arg11: memref<1000x256xf32, #tpu.memory_space<vmem>>) attributes {dimension_semantics = [#tpu.dimension_semantics<arbitrary>], iteration_bounds = array<i64: 5>, scalar_prefetch = 0 : i64, scratch_operands = 0 : i64, tpu.core_type = #tpu.core_type<tc>, window_params = [{transform_indices = @transform_0, window_bounds = array<i64: 1000, 128>}, {transform_indices = @transform_1, window_bounds = array<i64: 2, 1000, 128>}, {transform_indices = @transform_2, window_bounds = array<i64: 2, 1000, 128>}, {pipeline_mode = #tpu.pipeline_mode<synchronous>, transform_indices = @transform_3, window_bounds = array<i64: 64, 64>}, {pipeline_mode = #tpu.pipeline_mode<synchronous>, transform_indices = @transform_4, window_bounds = array<i64: 64, 64>}, {pipeline_mode = #tpu.pipeline_mode<synchronous>, transform_indices = @transform_5, window_bounds = array<i64: 1, 64>}, {pipeline_mode = #tpu.pipeline_mode<synchronous>, transform_indices = @transform_6, window_bounds = array<i64: 1, 64>}, {pipeline_mode = #tpu.pipeline_mode<synchronous>, transform_indices = @transform_7, window_bounds = array<i64: 1, 64>}, {pipeline_mode = #tpu.pipeline_mode<synchronous>, transform_indices = @transform_8, window_bounds = array<i64: 64, 128>}, {pipeline_mode = #tpu.pipeline_mode<synchronous>, transform_indices = @transform_9, window_bounds = array<i64: 1, 128>}, {transform_indices = @transform_10, window_bounds = array<i64: 1000, 256>}]} {
    %get3A = arith.constant 0 : index
    %get3A_0 = arith.constant 0 : index
    %get3A_1 = arith.constant 0 : index
    %get3A_2 = vector.load %arg3[%get3A, %get3A_0, %get3A_1] : memref<2x1000x128xf32, #tpu.memory_space<vmem>>, vector<1x1000x128xf32>
    %get3A_3 = vector.shape_cast %get3A_2 : vector<1x1000x128xf32> to vector<1000x128xf32>
    %get3A_4 = arith.constant 1 : index
    %get3A_5 = arith.constant 0 : index
    %get3A_6 = arith.constant 0 : index
    %get3A_7 = vector.load %arg3[%get3A_4, %get3A_5, %get3A_6] : memref<2x1000x128xf32, #tpu.memory_space<vmem>>, vector<1x1000x128xf32>
    %get3A_8 = vector.shape_cast %get3A_7 : vector<1x1000x128xf32> to vector<1000x128xf32>
    %add3A = arith.addf %get3A_3, %get3A_8 : vector<1000x128xf32>
    %max3A = arith.constant 1.000000e+00 : f32
    %max3A_9 = vector.broadcast %max3A : f32 to vector<1000x128xf32>
    %max3A_10 = arith.maximumf %add3A, %max3A_9 : vector<1000x128xf32>
    %div3A = arith.constant 1.000000e+00 : f32
    %div3A_11 = vector.broadcast %div3A : f32 to vector<1000x128xf32>
    %div3A_12 = arith.divf %div3A_11, %max3A_10 : vector<1000x128xf32>
    %get3A_13 = arith.constant 0 : index
    %get3A_14 = arith.constant 0 : index
    %get3A_15 = arith.constant 0 : index
    %get3A_16 = vector.load %arg2[%get3A_13, %get3A_14, %get3A_15] : memref<2x1000x128xf32, #tpu.memory_space<vmem>>, vector<1x1000x128xf32>
    %get3A_17 = vector.shape_cast %get3A_16 : vector<1x1000x128xf32> to vector<1000x128xf32>
    %get3A_18 = arith.constant 1 : index
    %get3A_19 = arith.constant 0 : index
    %get3A_20 = arith.constant 0 : index
    %get3A_21 = vector.load %arg2[%get3A_18, %get3A_19, %get3A_20] : memref<2x1000x128xf32, #tpu.memory_space<vmem>>, vector<1x1000x128xf32>
    %get3A_22 = vector.shape_cast %get3A_21 : vector<1x1000x128xf32> to vector<1000x128xf32>
    %add3A_23 = arith.addf %get3A_17, %get3A_22 : vector<1000x128xf32>
    %mul3A = arith.mulf %add3A_23, %div3A_12 : vector<1000x128xf32>
    %get3A_24 = arith.constant 0 : index
    %get3A_25 = arith.constant 0 : index
    %get3A_26 = vector.load %arg1[%get3A_24, %get3A_25] : memref<1000x128xf32, #tpu.memory_space<vmem>>, vector<1000x128xf32>
    %get3A_27 = arith.constant 0 : index
    %get3A_28 = arith.constant 0 : index
    %get3A_29 = vector.load %arg4[%get3A_27, %get3A_28] : memref<64x64xf32, #tpu.memory_space<vmem>>, vector<64x64xf32>
    %get3A_30 = arith.constant 0 : index
    %get3A_31 = arith.constant 0 : index
    %get3A_32 = vector.load %arg5[%get3A_30, %get3A_31] : memref<64x64xf32, #tpu.memory_space<vmem>>, vector<64x64xf32>
    %get3A_33 = arith.constant 0 : index
    %get3A_34 = arith.constant 0 : index
    %get3A_35 = vector.load %arg6[%get3A_33, %get3A_34] : memref<1x64xf32, #tpu.memory_space<vmem>>, vector<1x64xf32>
    %get3A_36 = arith.constant 0 : index
    %get3A_37 = arith.constant 0 : index
    %get3A_38 = vector.load %arg7[%get3A_36, %get3A_37] : memref<1x64xf32, #tpu.memory_space<vmem>>, vector<1x64xf32>
    %get3A_39 = arith.constant 0 : index
    %get3A_40 = arith.constant 0 : index
    %get3A_41 = vector.load %arg8[%get3A_39, %get3A_40] : memref<1x64xf32, #tpu.memory_space<vmem>>, vector<1x64xf32>
    %slice3A = vector.extract_strided_slice %get3A_26 {offsets = [0, 0], sizes = [1000, 64], strides = [1, 1]} : vector<1000x128xf32> to vector<1000x64xf32>
    %dot_general3A = arith.constant dense<0.000000e+00> : vector<1000x64xf32>
    %dot_general3A_42 = tpu.matmul %slice3A, %get3A_29, %dot_general3A {dimension_numbers = #tpu.dot_dimension_numbers<[1], [0], [0], [1], [0, 0, 1, 1], [], []>, transpose_lhs_hint = false} : vector<1000x64xf32>, vector<64x64xf32>, vector<1000x64xf32> -> vector<1000x64xf32>
    %slice3A_43 = vector.extract_strided_slice %mul3A {offsets = [0, 0], sizes = [1000, 64], strides = [1, 1]} : vector<1000x128xf32> to vector<1000x64xf32>
    %dot_general3A_44 = arith.constant dense<0.000000e+00> : vector<1000x64xf32>
    %dot_general3A_45 = tpu.matmul %slice3A_43, %get3A_32, %dot_general3A_44 {dimension_numbers = #tpu.dot_dimension_numbers<[1], [0], [0], [1], [0, 0, 1, 1], [], []>, transpose_lhs_hint = false} : vector<1000x64xf32>, vector<64x64xf32>, vector<1000x64xf32> -> vector<1000x64xf32>
    %add3A_46 = arith.addf %dot_general3A_42, %dot_general3A_45 : vector<1000x64xf32>
    %add3A_47 = vector.broadcast %get3A_35 : vector<1x64xf32> to vector<1000x64xf32>
    %add3A_48 = arith.addf %add3A_46, %add3A_47 : vector<1000x64xf32>
    %max3A_49 = arith.constant 0.000000e+00 : f32
    %max3A_50 = vector.broadcast %max3A_49 : f32 to vector<1000x64xf32>
    %max3A_51 = arith.maximumf %add3A_48, %max3A_50 : vector<1000x64xf32>
    %add3A_52 = arith.addf %max3A_51, %slice3A : vector<1000x64xf32>
    %reduce_sum3A = arith.constant dense<0.000000e+00> : vector<1000xf32>
    %reduce_sum3A_53 = vector.multi_reduction <add>, %add3A_52, %reduce_sum3A [1] : vector<1000x64xf32> to vector<1000xf32>
    %broadcast_in_dim3A = vector.shape_cast %reduce_sum3A_53 : vector<1000xf32> to vector<1000x1xf32>
    %div3A_54 = arith.constant 6.400000e+01 : f32
    %div3A_55 = vector.broadcast %div3A_54 : f32 to vector<1000x1xf32>
    %div3A_56 = arith.divf %broadcast_in_dim3A, %div3A_55 : vector<1000x1xf32>
    %sub3A = vector.broadcast %div3A_56 : vector<1000x1xf32> to vector<1000x64xf32>
    %sub3A_57 = arith.subf %add3A_52, %sub3A : vector<1000x64xf32>
    %mul3A_58 = arith.mulf %sub3A_57, %sub3A_57 : vector<1000x64xf32>
    %reduce_sum3A_59 = arith.constant dense<0.000000e+00> : vector<1000xf32>
    %reduce_sum3A_60 = vector.multi_reduction <add>, %mul3A_58, %reduce_sum3A_59 [1] : vector<1000x64xf32> to vector<1000xf32>
    %broadcast_in_dim3A_61 = vector.shape_cast %reduce_sum3A_60 : vector<1000xf32> to vector<1000x1xf32>
    %div3A_62 = arith.constant 6.400000e+01 : f32
    %div3A_63 = vector.broadcast %div3A_62 : f32 to vector<1000x1xf32>
    %div3A_64 = arith.divf %broadcast_in_dim3A_61, %div3A_63 : vector<1000x1xf32>
    %add3A_65 = arith.constant 9.99999974E-6 : f32
    %add3A_66 = vector.broadcast %add3A_65 : f32 to vector<1000x1xf32>
    %add3A_67 = arith.addf %div3A_64, %add3A_66 : vector<1000x1xf32>
    %rsqrt3A = math.rsqrt %add3A_67 : vector<1000x1xf32>
    %mul3A_68 = vector.broadcast %rsqrt3A : vector<1000x1xf32> to vector<1000x64xf32>
    %mul3A_69 = arith.mulf %sub3A_57, %mul3A_68 : vector<1000x64xf32>
    %mul3A_70 = vector.broadcast %get3A_38 : vector<1x64xf32> to vector<1000x64xf32>
    %mul3A_71 = arith.mulf %mul3A_69, %mul3A_70 : vector<1000x64xf32>
    %add3A_72 = vector.broadcast %get3A_41 : vector<1x64xf32> to vector<1000x64xf32>
    %add3A_73 = arith.addf %mul3A_71, %add3A_72 : vector<1000x64xf32>
    %slice3A_74 = vector.extract_strided_slice %get3A_26 {offsets = [0, 64], sizes = [1000, 64], strides = [1, 1]} : vector<1000x128xf32> to vector<1000x64xf32>
    %dot_general3A_75 = arith.constant dense<0.000000e+00> : vector<1000x64xf32>
    %dot_general3A_76 = tpu.matmul %slice3A_74, %get3A_29, %dot_general3A_75 {dimension_numbers = #tpu.dot_dimension_numbers<[1], [0], [0], [1], [0, 0, 1, 1], [], []>, transpose_lhs_hint = false} : vector<1000x64xf32>, vector<64x64xf32>, vector<1000x64xf32> -> vector<1000x64xf32>
    %slice3A_77 = vector.extract_strided_slice %mul3A {offsets = [0, 64], sizes = [1000, 64], strides = [1, 1]} : vector<1000x128xf32> to vector<1000x64xf32>
    %dot_general3A_78 = arith.constant dense<0.000000e+00> : vector<1000x64xf32>
    %dot_general3A_79 = tpu.matmul %slice3A_77, %get3A_32, %dot_general3A_78 {dimension_numbers = #tpu.dot_dimension_numbers<[1], [0], [0], [1], [0, 0, 1, 1], [], []>, transpose_lhs_hint = false} : vector<1000x64xf32>, vector<64x64xf32>, vector<1000x64xf32> -> vector<1000x64xf32>
    %add3A_80 = arith.addf %dot_general3A_76, %dot_general3A_79 : vector<1000x64xf32>
    %add3A_81 = vector.broadcast %get3A_35 : vector<1x64xf32> to vector<1000x64xf32>
    %add3A_82 = arith.addf %add3A_80, %add3A_81 : vector<1000x64xf32>
    %max3A_83 = arith.constant 0.000000e+00 : f32
    %max3A_84 = vector.broadcast %max3A_83 : f32 to vector<1000x64xf32>
    %max3A_85 = arith.maximumf %add3A_82, %max3A_84 : vector<1000x64xf32>
    %add3A_86 = arith.addf %max3A_85, %slice3A_74 : vector<1000x64xf32>
    %reduce_sum3A_87 = arith.constant dense<0.000000e+00> : vector<1000xf32>
    %reduce_sum3A_88 = vector.multi_reduction <add>, %add3A_86, %reduce_sum3A_87 [1] : vector<1000x64xf32> to vector<1000xf32>
    %broadcast_in_dim3A_89 = vector.shape_cast %reduce_sum3A_88 : vector<1000xf32> to vector<1000x1xf32>
    %div3A_90 = arith.constant 6.400000e+01 : f32
    %div3A_91 = vector.broadcast %div3A_90 : f32 to vector<1000x1xf32>
    %div3A_92 = arith.divf %broadcast_in_dim3A_89, %div3A_91 : vector<1000x1xf32>
    %sub3A_93 = vector.broadcast %div3A_92 : vector<1000x1xf32> to vector<1000x64xf32>
    %sub3A_94 = arith.subf %add3A_86, %sub3A_93 : vector<1000x64xf32>
    %mul3A_95 = arith.mulf %sub3A_94, %sub3A_94 : vector<1000x64xf32>
    %reduce_sum3A_96 = arith.constant dense<0.000000e+00> : vector<1000xf32>
    %reduce_sum3A_97 = vector.multi_reduction <add>, %mul3A_95, %reduce_sum3A_96 [1] : vector<1000x64xf32> to vector<1000xf32>
    %broadcast_in_dim3A_98 = vector.shape_cast %reduce_sum3A_97 : vector<1000xf32> to vector<1000x1xf32>
    %div3A_99 = arith.constant 6.400000e+01 : f32
    %div3A_100 = vector.broadcast %div3A_99 : f32 to vector<1000x1xf32>
    %div3A_101 = arith.divf %broadcast_in_dim3A_98, %div3A_100 : vector<1000x1xf32>
    %add3A_102 = arith.constant 9.99999974E-6 : f32
    %add3A_103 = vector.broadcast %add3A_102 : f32 to vector<1000x1xf32>
    %add3A_104 = arith.addf %div3A_101, %add3A_103 : vector<1000x1xf32>
    %rsqrt3A_105 = math.rsqrt %add3A_104 : vector<1000x1xf32>
    %mul3A_106 = vector.broadcast %rsqrt3A_105 : vector<1000x1xf32> to vector<1000x64xf32>
    %mul3A_107 = arith.mulf %sub3A_94, %mul3A_106 : vector<1000x64xf32>
    %mul3A_108 = vector.broadcast %get3A_38 : vector<1x64xf32> to vector<1000x64xf32>
    %mul3A_109 = arith.mulf %mul3A_107, %mul3A_108 : vector<1000x64xf32>
    %add3A_110 = vector.broadcast %get3A_41 : vector<1x64xf32> to vector<1000x64xf32>
    %add3A_111 = arith.addf %mul3A_109, %add3A_110 : vector<1000x64xf32>
    %get3A_112 = arith.constant 0 : index
    %get3A_113 = arith.constant 0 : index
    %get3A_114 = vector.load %arg9[%get3A_112, %get3A_113] : memref<64x128xf32, #tpu.memory_space<vmem>>, vector<64x128xf32>
    %get3A_115 = arith.constant 0 : index
    %get3A_116 = arith.constant 0 : index
    %get3A_117 = vector.load %arg10[%get3A_115, %get3A_116] : memref<1x128xf32, #tpu.memory_space<vmem>>, vector<1x128xf32>
    %dot_general3A_118 = arith.constant dense<0.000000e+00> : vector<1000x128xf32>
    %dot_general3A_119 = tpu.matmul %add3A_73, %get3A_114, %dot_general3A_118 {dimension_numbers = #tpu.dot_dimension_numbers<[1], [0], [0], [1], [0, 0, 1, 1], [], []>, transpose_lhs_hint = false} : vector<1000x64xf32>, vector<64x128xf32>, vector<1000x128xf32> -> vector<1000x128xf32>
    %add3A_120 = vector.broadcast %get3A_117 : vector<1x128xf32> to vector<1000x128xf32>
    %add3A_121 = arith.addf %dot_general3A_119, %add3A_120 : vector<1000x128xf32>
    %dot_general3A_122 = arith.constant dense<0.000000e+00> : vector<1000x128xf32>
    %dot_general3A_123 = tpu.matmul %add3A_111, %get3A_114, %dot_general3A_122 {dimension_numbers = #tpu.dot_dimension_numbers<[1], [0], [0], [1], [0, 0, 1, 1], [], []>, transpose_lhs_hint = false} : vector<1000x64xf32>, vector<64x128xf32>, vector<1000x128xf32> -> vector<1000x128xf32>
    %add3A_124 = vector.broadcast %get3A_117 : vector<1x128xf32> to vector<1000x128xf32>
    %add3A_125 = arith.addf %dot_general3A_123, %add3A_124 : vector<1000x128xf32>
    %concatenate3A = tpu.concatenate %add3A_121, %add3A_125 in 1 : vector<1000x128xf32>, vector<1000x128xf32> -> vector<1000x256xf32>
    %swap3A = arith.constant 0 : index
    %swap3A_126 = arith.constant 0 : index
    %swap3A_127 = vector.load %arg11[%swap3A, %swap3A_126] : memref<1000x256xf32, #tpu.memory_space<vmem>>, vector<1000x256xf32>
    tpu.vector_store %arg11[%swap3A, %swap3A_126], %concatenate3A {strides = array<i32>} : memref<1000x256xf32, #tpu.memory_space<vmem>>, vector<1000x256xf32>,
    return
  }
  func.func @transform_0(%arg0: i32) -> (i32, i32) {
    %c0_i32 = arith.constant 0 : i32
    %c0_i32_0 = arith.constant 0 : i32
    return %arg0, %c0_i32 : i32, i32
  }
  func.func @transform_1(%arg0: i32) -> (i32, i32, i32) {
    %c0_i32 = arith.constant 0 : i32
    %c0_i32_0 = arith.constant 0 : i32
    %c0_i32_1 = arith.constant 0 : i32
    return %c0_i32, %arg0, %c0_i32_0 : i32, i32, i32
  }
  func.func @transform_2(%arg0: i32) -> (i32, i32, i32) {
    %c0_i32 = arith.constant 0 : i32
    %c0_i32_0 = arith.constant 0 : i32
    %c0_i32_1 = arith.constant 0 : i32
    return %c0_i32, %arg0, %c0_i32_0 : i32, i32, i32
  }
  func.func @transform_3(%arg0: i32) -> (i32, i32) {
    %c0_i32 = arith.constant 0 : i32
    %c0_i32_0 = arith.constant 0 : i32
    %c0_i32_1 = arith.constant 0 : i32
    return %c0_i32, %c0_i32_0 : i32, i32
  }
  func.func @transform_4(%arg0: i32) -> (i32, i32) {
    %c0_i32 = arith.constant 0 : i32
    %c0_i32_0 = arith.constant 0 : i32
    %c0_i32_1 = arith.constant 0 : i32
    return %c0_i32, %c0_i32_0 : i32, i32
  }
  func.func @transform_5(%arg0: i32) -> (i32, i32) {
    %c0_i32 = arith.constant 0 : i32
    %c0_i32_0 = arith.constant 0 : i32
    %c0_i32_1 = arith.constant 0 : i32
    return %c0_i32, %c0_i32_0 : i32, i32
  }
  func.func @transform_6(%arg0: i32) -> (i32, i32) {
    %c0_i32 = arith.constant 0 : i32
    %c0_i32_0 = arith.constant 0 : i32
    %c0_i32_1 = arith.constant 0 : i32
    return %c0_i32, %c0_i32_0 : i32, i32
  }
  func.func @transform_7(%arg0: i32) -> (i32, i32) {
    %c0_i32 = arith.constant 0 : i32
    %c0_i32_0 = arith.constant 0 : i32
    %c0_i32_1 = arith.constant 0 : i32
    return %c0_i32, %c0_i32_0 : i32, i32
  }
  func.func @transform_8(%arg0: i32) -> (i32, i32) {
    %c0_i32 = arith.constant 0 : i32
    %c0_i32_0 = arith.constant 0 : i32
    %c0_i32_1 = arith.constant 0 : i32
    return %c0_i32, %c0_i32_0 : i32, i32
  }
  func.func @transform_9(%arg0: i32) -> (i32, i32) {
    %c0_i32 = arith.constant 0 : i32
    %c0_i32_0 = arith.constant 0 : i32
    %c0_i32_1 = arith.constant 0 : i32
    return %c0_i32, %c0_i32_0 : i32, i32
  }
  func.func @transform_10(%arg0: i32) -> (i32, i32) {
    %c0_i32 = arith.constant 0 : i32
    %c0_i32_0 = arith.constant 0 : i32
    return %arg0, %c0_i32 : i32, i32
  }
}

</mosaic_0001>

<sc_bundles>
// kernel: kernel.12.cloned.1.call-start
scs
__scs_entry_jumppad:
0x0: {  	(pc) =	sbr.rel $0x88, $3  }
0x1: {  	(tag) =	ssettag $0x0;
	lr =	simm.s32 $0x1  }
0x2: {  	[smem:$0x3F8A] =	sst lr;
	_ =	strace $0xD0000000  }
0x3: {  	_ = 	snop  }
0x4: {  	_ = 	snop  }
0x5: {  	_ = 	snop  }
0x6: {  	_ = 	snop  }
0x7: {  	_ = 	snop  }
__scs_overlays_trampoline_lowered:
0x8: {  	[smem:$0x3F99] =	sst s0  }
0x9: {  	[smem:$0x3F9A] =	sst s1  }
0xa: {  	[smem:$0x3F9B] =	sst s2  }
0xb: {  	[smem:$0x3F9C] =	sst s3  }
0xc: {  	[smem:$0x3F9D] =	sst s4  }
0xd: {  	[smem:$0x3F9E] =	sst s5  }
0xe: {  	[smem:$0x3F9F] =	sst s6  }
0xf: {  	[smem:$0x3FA0] =	sst s7  }
0x10: {  	[smem:$0x3FA1] =	sst s8  }
0x11: {  	[smem:$0x3FA2] =	sst s9;
	s0 =	simm.s32 @!p0 $0x0  }
0x12: {  	s1 =	sld [smem:$0x3F88];
	s0 =	simm.s32 @p0 $0x1  }
0x13: {  	[smem:$0x3FA3] =	sst s0;
	s0 =	simm.s32 @!p1 $0x0  }
0x14: {  	s2 =	sld [smem:$0x3F87];
	s0 =	simm.s32 @p1 $0x1  }
0x15: {  	[smem:$0x3FA4] =	sst s0;
	s0 =	simm.s32 @!p2 $0x0  }
0x16: {  	s3 =	sld [smem:$0x3FDB];
	s0 =	simm.s32 @p2 $0x1  }
0x17: {  	s4 =	simm.s32 $0x1BF5;
	[smem:$0x3FA6] =	sst s0  }
0x18: {  	s0 =	sld [smem:$0x3F89];
	_ =	swait.ge [sflag:s4], $0x0  }
0x19: {  	s7 =	sld [smem:$0x3F8A]  }
0x1a: {  	s8 =	sadd.s32 $0xFFFFE003, lr  }
0x1b: {  	s9 =	sadd.s32 $0xFFFFFEF7, lr;
	s5 =	simm.s32 $0xFFFFFFFF;
	p2 =	slt.u32 s8, $0xFFFFF086  }
0x1c: {  	p1 =	slt.u32 s9, $0xF7A;
	s5 =	simm.s32 @!p2 $0x0  }
0x1d: {  	s5 =	simm.s32 @p1 $0x1;
	p0 =	seq.s32 s7, s2  }
0x1e: {  	s7 =	smul.u32 @!p0 $0xF7A, s2;
	p2 =	seq.s32 @!p0 s5, $0x0  }
0x1f: {  	s9 =	smul.u32 $0xF7A, s1;
	s8 =	simm.s32 @!p0 $0x1BF5;
	p2 =	por !p2, p0  }
0x20: {  	[sflag:s8] =	ssyncset.s32 @!p0 $0xFFFFF086;
	s6 =	sadd.s32 @!p0 s3, s7;
	s7 =	simm.s32 @!p0 $0x108  }
0x21: {  	s3 =	sadd.s32 s3, s9;
	s6 =	sadd.s32 @!p0 $0x88, s6;
	s7 =	simm.s32 @p2 $0x1082  }
0x22: {  	[simem:s7], [sflag:s8] =	dma.local @!p0 [hbm:s6], $0xF7A  }
0x23: {  	s9 =	sor.u32 $0xD0000000, s2;
	s6 =	simm.s32 $0x108;
	_ =	swait.ge @!p0 [sflag:s8], $0x0  }
0x24: {  	s3 =	sadd.s32 $0x88, s3;
	s6 =	simm.s32 @!p1 $0x1082;
	[sflag:s4] =	ssyncset.s32 $0xFFFFF086  }
0x25: {  	[simem:s6], [sflag:s4] =	dma.local [hbm:s3], $0xF7A  }
0x26: {  	[smem:$0x3F8A] =	sst s1;
	(tag) =	ssettag s2;
	_ =	strace s9  }
0x27: {  	s1 =	sld [smem:$0x3F9A]  }
0x28: {  	s2 =	sld [smem:$0x3F9B]  }
0x29: {  	s4 =	sld [smem:$0x3F9D]  }
0x2a: {  	p0 =	seq.s32 s5, $0x0;
	s5 =	sld [smem:$0x3F9E]  }
0x2b: {  	s6 =	sld [smem:$0x3F9F]  }
0x2c: {  	s7 =	sld [smem:$0x3FA0]  }
0x2d: {  	s3 =	simm.s32 $0x108;
	s8 =	sld [smem:$0x3FA1]  }
0x2e: {  	s3 =	simm.s32 @!p0 $0x1082;
	s9 =	sld [smem:$0x3FA2]  }
0x2f: {  	lr =	sadd.s32 s0, s3;
	s0 =	sld [smem:$0x3F99]  }
0x30: {  	s3 =	sld [smem:$0x3F9C]  }
0x31: {  	[smem:$0x3FA5] =	sst s10  }
0x32: {  	s10 =	sld [smem:$0x3FA3];
	_ =	sdelay $0x3  }
0x33: {  	p0 =	seq.s32 s10, $0x1;
	s10 =	sld [smem:$0x3FA5];
	_ =	sdelay $0x3  }
0x34: {  	[smem:$0x3FA5] =	sst s10  }
0x35: {  	s10 =	sld [smem:$0x3FA4];
	_ =	sdelay $0x3  }
0x36: {  	p1 =	seq.s32 s10, $0x1;
	s10 =	sld [smem:$0x3FA5];
	_ =	sdelay $0x3  }
0x37: {  	[smem:$0x3FA5] =	sst s10  }
0x38: {  	s10 =	sld [smem:$0x3FA6]  }
0x39: {  	_ = 	snop;
	(pc) =	sbr.ind lr, $3  }
0x3a: {  	_ = 	snop  }
0x3b: {  	_ = 	snop  }
0x3c: {  	p2 =	seq.s32 s10, $0x1;
	s10 =	sld [smem:$0x3FA5]  }
0x3d: {  	_ =	shalt  }
0x3e: {  	_ =	shalt  }
0x3f: {  	_ =	shalt  }
0x40: {  	_ =	shalt  }
0x41: {  	_ =	shalt  }
0x42: {  	_ =	shalt  }
0x43: {  	_ =	shalt  }
0x44: {  	_ =	shalt  }
0x45: {  	_ =	shalt  }
0x46: {  	_ =	shalt  }
0x47: {  	_ =	shalt  }
0x48: {  	_ =	shalt  }
0x49: {  	_ =	shalt  }
0x4a: {  	_ =	shalt  }
0x4b: {  	_ =	shalt  }
0x4c: {  	_ =	shalt  }
0x4d: {  	_ =	shalt  }
0x4e: {  	_ =	shalt  }
0x4f: {  	_ =	shalt  }
0x50: {  	_ =	shalt  }
0x51: {  	_ =	shalt  }
0x52: {  	_ =	shalt  }
0x53: {  	_ =	shalt  }
0x54: {  	_ =	shalt  }
0x55: {  	_ =	shalt  }
0x56: {  	_ =	shalt  }
0x57: {  	_ =	shalt  }
0x58: {  	_ =	shalt  }
0x59: {  	_ =	shalt  }
0x5a: {  	_ =	shalt  }
0x5b: {  	_ =	shalt  }
0x5c: {  	_ =	shalt  }
0x5d: {  	_ =	shalt  }
0x5e: {  	_ =	shalt  }
0x5f: {  	_ =	shalt  }
0x60: {  	_ =	shalt  }
0x61: {  	_ =	shalt  }
0x62: {  	_ =	shalt  }
0x63: {  	_ =	shalt  }
0x64: {  	_ =	shalt  }
0x65: {  	_ =	shalt  }
0x66: {  	_ =	shalt  }
0x67: {  	_ =	shalt  }
0x68: {  	_ =	shalt  }
0x69: {  	_ =	shalt  }
0x6a: {  	_ =	shalt  }
0x6b: {  	_ =	shalt  }
0x6c: {  	_ =	shalt  }
0x6d: {  	_ =	shalt  }
0x6e: {  	_ =	shalt  }
0x6f: {  	_ =	shalt  }
0x70: {  	_ =	shalt  }
0x71: {  	_ =	shalt  }
0x72: {  	_ =	shalt  }
0x73: {  	_ =	shalt  }
0x74: {  	_ =	shalt  }
0x75: {  	_ =	shalt  }
0x76: {  	_ =	shalt  }
0x77: {  	_ =	shalt  }
0x78: {  	_ =	shalt  }
0x79: {  	_ =	shalt  }
0x7a: {  	_ =	shalt  }
0x7b: {  	_ =	shalt  }
0x7c: {  	_ =	shalt  }
0x7d: {  	_ =	shalt  }
0x7e: {  	_ =	shalt  }
0x7f: {  	_ =	shalt  }
0x80: {  	_ =	shalt  }
0x81: {  	_ =	shalt  }
0x82: {  	_ =	shalt  }
0x83: {  	_ =	shalt  }
0x84: {  	_ =	shalt  }
0x85: {  	_ =	shalt  }
0x86: {  	_ =	shalt  }
0x87: {  	_ =	shalt  }
.Lfunc_end0:
.L_simem_size_0:
called_computation.1_lowered:
.L_overlay_start_0:
0x88: {  	s2 =	sld [smem:$0x3FD9]  }
0x89: {  	s3 =	sld [smem:$0x3FFE];
	_ =	sdelay $0x1  }
0x8a: {  	s1 =	srdreg.scid  }
0x8b: {  	s0 =	sand.u32 $0x1, s1  }
0x8c: {  	s17 =	sshll.u32 s0, $0xA;
	s2 =	sadd.s32 s3, s2  }
0x8d: {  	s2 =	sadd.s32 s2, s17  }
0x8e: {  	[smem:$0x3FB1] =	sst s2  }
0x8f: {  	_ = 	snop  }
0x90: {  	s2 =	sld [smem:$0x3FD0];
	(tm) =	ssettm $0x1  }
0x91: {  	s18 =	sld [smem:$0x3FFB];
	_ =	sdelay $0x3  }
0x92: {  	_ =	strace s18  }
0x93: {  	s3 =	sld [smem:$0x3FFC];
	_ =	sdelay $0x3  }
0x94: {  	_ =	strace s3  }
0x95: {  	s3 =	sld [smem:$0x3FFD];
	_ =	sdelay $0x3  }
0x96: {  	_ =	strace s3  }
0x97: {  	_ =	strace $0x8FFFFFFF  }
0x98: {  	s19 =	sld [smem:$0x3FDB];
	_ =	sdelay $0x1  }
0x99: {  	s4 =	simm.s32 $_scs_section_size  }
0x9a: {  	s5 =	simm.s32 $_size__tile_overlayer_lowered;
	s6 =	simm.s32 $_tile_overlayer_lowered  }
0x9b: {  	s22 =	simm.s32 $0x1BFF;
	s21 =	sshll.u32 s6, $0x1;
	s3 =	sadd.s32 s4, s19  }
0x9c: {  	s7 =	simm.s32 $0x0;
	s20 =	sshll.u32 s5, $0x1;
	s5 =	sadd.s32 s21, s3  }
0x9d: {  	[timem:s7], [sflag:s22] =	dma.local [hbm:s5], s20  }
0x9e: {  	_ =	swait.ge [sflag:s22], s20  }
0x9f: {  	s4 =	ssub.s32 $0x0, s20;
	[sflag:s22] =	ssyncset.done $0x0  }
0xa0: {  	[sflag:s22] =	ssyncadd.s32 s4;
	_ =	sdelay $0x1  }
0xa1: {  	s23 =	simm.s32 $0x1B8B  }
0xa2: {  	_ =	swait.ge [sflag:s23], $0x1  }
0xa3: {  	[sflag:s23] =	ssyncset.done $0x0  }
0xa4: {  	s25 =	simm.s32 $0x1B8E;
	s24 =	sld [smem:$0x3FFE];
	[sflag:s23] =	ssyncadd.s32 $0xFFFFFFFF  }
0xa5: {  	s26 =	simm.s32 $execute0_lowered;
	[smem:$0x3FD2] =	sst s25  }
0xa6: {  	s5 =	sshll.u32 s26, $0x1;
	_ =	strace $0x80000049;
	[dreg:$0x1] =	wrdreg $0xFFFFFFFF  }
0xa7: {  	s28 =	simm.s32 $_size_execute0_lowered;
	s3 =	sadd.s32 s3, s5;
	[dreg:$0x0] =	wrdreg $0x0  }
0xa8: {  	s5 =	sshll.u32 s28, $0x1;
	[dreg:$0x2] =	wrdreg s3  }
0xa9: {  	[dreg:$0x3] =	wrdreg s5  }
0xaa: {  	[dreg:$0x4] =	wrdreg $0xC0  }
0xab: {  	_ =	task [dreg:s7], $0x5FFFF  }
0xac: {  	[dreg:$0x1] =	wrdreg $0xFFFFFFFF  }
0xad: {  	[dreg:$0x0] =	wrdreg $0x60  }
0xae: {  	[dreg:$0x2] =	wrdreg s24  }
0xaf: {  	[dreg:$0x3] =	wrdreg s2  }
0xb0: {  	[dreg:$0x4] =	wrdreg $0x150000  }
0xb1: {  	[dreg:$0x5] =	wrdreg $0x9  }
0xb2: {  	_ =	task.clear_ibuf [dreg:s7], $0x6FFFF;
	_ =	strace $0x90000049  }
0xb3: {  	s29 =	simm.s32 $0x9;
	_ =	strace $0x8000004B  }
0xb4: {  	_ =	swait.ge [sflag:s29], $0x1  }
0xb5: {  	[sflag:s29] =	ssyncadd.s32 $0xFFFFFFFF  }
0xb6: {  	_ =	strace $0x9000004B  }
0xb7: {  	_ =	sfence  }
0xb8: {  	s30 =	sld [smem:$0x0];
	_ =	sdelay $0x2  }
0xb9: {  	s31 =	sshll.u32 s1, $0xD;
	s1 =	sshrl.u32 s1, $0x2  }
0xba: {  	s3 =	sand.u32 $0x4000, s31;
	s1 =	sadd.s32 s1, s30  }
0xbb: {  	s0 =	sor.u32 s3, s0;
	s1 =	sshll.u32 s1, $0x11  }
0xbc: {  	s0 =	sor.u32 s1, s0  }
0xbd: {  	s0 =	sadd.s32 $0x8F2B, s0  }
0xbe: {  	[sflag:s0] =	ssyncadd.remote.s32 $0x1  }
0xbf: {  	_ =	sfence.sel $0xFFFF  }
0xc0: {  	[dreg:$0x0] =	wrdreg $0xFFFFFFFF;
	(pc) =	sbr.abs _section_cstart, $3  }
0xc1: {  	[dreg:$0x1] =	wrdreg $0xFFFFFFFF  }
0xc2: {  	_ =	task.clear_ibuf [dreg:s7], $0x2FFFF;
	_ =	strace $0x9FFFFFFF  }
0xc3: {  	(tm) =	ssettm $0x7FFFFFFF  }
tec
execute0_lowered:
.L_overlay_start_1:
0x0: {  	(tag) =	ssettag $0x1  }
0x1: {  	s0 =	rddreg [dreg:$0x0]  }
0x2: {  	s2 =	rddreg [dreg:$0x1]  }
0x3: {  	s1 =	rddreg [dreg:$0x2]  }
0x4: {  	s3 =	srdreg.scid;
	s16 =	stileid.u32;
	s17 =	simm.s32 $0x80  }
0x5: {  	s18 =	simm.s32 $0x5000;
	s19 =	simm.s32 $0x7000;
	s28 =	simm.s32 $0x13000  }
0x6: {  	s29 =	simm.s32 $0x3;
	s30 =	simm.s32 $0x2;
	s31 =	simm.s32 $0x4  }
0x7: {  	s5 =	sand.u32 $0x1, s3;
	s3 =	simm.s32 $0x0;
	s9 =	smul.u32 $0x9C00, s16  }
0x8: {  	s21 =	sshll.u32 s16, $0x6;
	s14 =	sadd.s32 $0x9C000, s1;
	p0 =	sne.s32 s16, $0xF  }
0x9: {  	s4 =	sshll.u32 s5, $0x4;
	[smem:$0x7FF] =	sst s3;
	s7 =	ssub.s32 $0x2, s5  }
0xa: {  	s22 =	smul.u32 $0x9C400, s5;
	s4 =	sor.u32 s16, s4;
	_ =	strace $0x8000004A  }
0xb: {  	s8 =	sshrl.u32 s9, $0x3;
	s10 =	sshrl.u32 s7, $0x1;
	s13 =	sadd.s32 s9, s1  }
0xc: {  	s16 =	sshrl.u32 @!p0 s14, $0x3;
	s6 =	smul.u32 $0x500, s4;
	s4 =	sadd.s32 $0x4A00, s0  }
0xd: {  	s20 =	sadd.s32 s8, s0;
	s12 =	ssub.s32 s7, s10;
	s9 =	sadd.s32 s9, s22  }
0xe: {  	s10 =	sshrl.u32 s22, $0x3;
	s13 =	sshrl.u32 s13, $0x3;
	s23 =	sadd.s32 $0x31600, s20  }
0xf: {  	s26 =	sshrl.u32 s9, $0x3;
	s15 =	sadd.s32 s2, s10;
	s12 =	smax.u32 s12, $0x1  }
0x10: {  	s11 =	sadd.s32 s6, s0;
	[dreg:$0x4] =	wrdreg s23;
	s6 =	sor.u32 $0x1C01, s21  }
0x11: {  	s0 =	sadd.s32 $0x44E00, s0;
	s10 =	sadd.s32 s2, s26;
	s21 =	simm.s32 $0x9000  }
0x12: {  	s23 =	simm.s32 $0xB000;
	s26 =	simm.s32 $0x11000;
	s24 =	sadd.s32 $0x18400, s11  }
0x13: {  	s25 =	sadd.s32 $0x22400, s11;
	[dreg:$0x7] =	wrdreg s0;
	s11 =	sadd.s32 $0x13800, s15  }
0x14: {  	s15 =	simm.s32 $0x1;
	s0 =	simm.s32 $0x0;
	[dreg:$0x5] =	wrdreg s24  }
0x15: {  	[dreg:$0x6] =	wrdreg s25;
	s24 =	simm.s32 $0xD000;
	s25 =	simm.s32 $0xF000  }
.LBB2_1:
0x16: {  	s2 =	rddreg [dreg:$0x4]  }
0x17: {  	[spmem:s13], [sflag:s6] =	dma.local [hbm:s2], $0x1380  }
0x18: {  	s2 =	rddreg [dreg:$0x5]  }
0x19: {  	[tilespmem:s3], [sflag:$0x1] =	stream.linear.gather [hbm4b:s2+s3], $0x2800, $0x38;
	[tilespmem:$0x1F440] =	vst v63  }
0x1a: {  	s5 =	simm.s32 $0x2800;
	s22 =	rddreg [dreg:$0x6]  }
0x1b: {  	[tilespmem:s5], [sflag:$0x1] =	stream.linear.gather [hbm4b:s22+s3], $0x2800, $0x38;
	[tilespmem:$0x1F440] =	vst v63  }
0x1c: {  	_ =	swait.ge [sflag:s15], $0x1380  }
0x1d: {  	[sflag:s15] =	ssyncset.done $0x0  }
0x1e: {  	[sflag:s15] =	ssyncadd.s32 $0xFFFFEC80  }
0x1f: {  	_ =	swait.ge [sflag:s15], $0x2800  }
0x20: {  	[sflag:s15] =	ssyncset.done $0x0  }
0x21: {  	[sflag:s15] =	ssyncadd.s32 $0xFFFFD800  }
0x22: {  	_ =	swait.ge [sflag:s15], $0x2800  }
0x23: {  	[sflag:s15] =	ssyncset.done $0x0  }
0x24: {  	s2 =	simm.s32 @!p0 $0x1FC5;
	s5 =	rddreg [dreg:$0x7];
	[sflag:s15] =	ssyncadd.s32 $0xFFFFD800  }
0x25: {  	[spmem:s16], [sflag:s2] =	dma.local @!p0 [hbm:s5], $0x80  }
0x26: {  	s2 =	simm.s32 @!p0 $0x5  }
0x27: {  	_ =	swait.ge @!p0 [sflag:s2], $0x80  }
0x28: {  	[sflag:s2] =	ssyncset.done @!p0 $0x0  }
0x29: {  	[sflag:s2] =	ssyncadd.s32 @!p0 $0xFFFFFF80  }
0x2a: {  	[bflag:$0x0] =	sbarrier.arrive $0xFFFF  }
0x2b: {  	[tilespmem:s18], [sflag:$0x1] =	stream.indirect.gather [hbm4b:s4+s17], $0x40, s3, s17, $0xb8;
	[tilespmem:$0x1F440] =	vst v63  }
0x2c: {  	p1 =	por $0x1, $0x1  }
0x2d: {  	[tilespmem:s19], [sflag:$0x1] =	stream.indirect.gather [hbm4b:s4+s17], $0x40, s17, s17, $0xb8;
	[tilespmem:$0x1F440] =	vst v63  }
0x2e: {  	s7 =	simm.s32 $0x100;
	p1 =	por p1, p1  }
0x2f: {  	[tilespmem:s21], [sflag:$0x1] =	stream.indirect.gather [hbm4b:s4+s17], $0x40, s7, s17, $0xb8;
	[tilespmem:$0x1F440] =	vst v63  }
0x30: {  	s8 =	simm.s32 $0x180;
	s2 =	simm.s32 @!p1 $0x4  }
0x31: {  	[tilespmem:s23], [sflag:$0x1] =	stream.indirect.gather [hbm4b:s4+s17], $0x40, s8, s17, $0xb8;
	[tilespmem:$0x1F440] =	vst v63  }
0x32: {  	_ =	swait.ge @!p1 [sflag:s2], $0x2000  }
0x33: {  	[sflag:s2] =	ssyncset.done @!p1 $0x0  }
0x34: {  	[sflag:s2] =	ssyncadd.s32 @!p1 $0xFFFFE000  }
0x35: {  	_ =	swait.ge @!p1 [sflag:s2], $0x2000  }
0x36: {  	[sflag:s2] =	ssyncset.done @!p1 $0x0  }
0x37: {  	[sflag:s2] =	ssyncadd.s32 @!p1 $0xFFFFE000  }
0x38: {  	_ =	swait.ge @!p1 [sflag:s2], $0x2000  }
0x39: {  	[sflag:s2] =	ssyncset.done @!p1 $0x0  }
0x3a: {  	[sflag:s2] =	ssyncadd.s32 @!p1 $0xFFFFE000  }
0x3b: {  	_ =	swait.ge @!p1 [sflag:s2], $0x2000  }
0x3c: {  	[sflag:s2] =	ssyncset.done @!p1 $0x0  }
0x3d: {  	s9 =	simm.s32 $0x200;
	[sflag:s2] =	ssyncadd.s32 @!p1 $0xFFFFE000  }
0x3e: {  	[tilespmem:s24], [sflag:$0x2] =	stream.indirect.gather [hbm4b:s4+s17], $0x40, s9, s17, $0xb8;
	[tilespmem:$0x1F440] =	vst v63  }
0x3f: {  	s14 =	simm.s32 $0x280  }
0x40: {  	[tilespmem:s25], [sflag:$0x2] =	stream.indirect.gather [hbm4b:s4+s17], $0x40, s14, s17, $0xb8;
	[tilespmem:$0x1F440] =	vst v63  }
0x41: {  	s20 =	simm.s32 $0x300  }
0x42: {  	[tilespmem:s26], [sflag:$0x2] =	stream.indirect.gather [hbm4b:s4+s17], $0x40, s20, s17, $0xb8;
	[tilespmem:$0x1F440] =	vst v63  }
0x43: {  	s22 =	simm.s32 $0x380  }
0x44: {  	[tilespmem:s28], [sflag:$0x2] =	stream.indirect.gather [hbm4b:s4+s17], $0x40, s22, s17, $0xb8;
	[tilespmem:$0x1F440] =	vst v63  }
0x45: {  	_ =	swait.ge [sflag:s15], $0x2000  }
0x46: {  	[sflag:s15] =	ssyncset.done $0x0  }
0x47: {  	[sflag:s15] =	ssyncadd.s32 $0xFFFFE000  }
0x48: {  	_ =	swait.ge [sflag:s15], $0x2000  }
0x49: {  	[sflag:s15] =	ssyncset.done $0x0  }
0x4a: {  	[sflag:s15] =	ssyncadd.s32 $0xFFFFE000  }
0x4b: {  	_ =	swait.ge [sflag:s15], $0x2000  }
0x4c: {  	[sflag:s15] =	ssyncset.done $0x0  }
0x4d: {  	[sflag:s15] =	ssyncadd.s32 $0xFFFFE000  }
0x4e: {  	_ =	swait.ge [sflag:s15], $0x2000  }
0x4f: {  	[sflag:s15] =	ssyncset.done $0x0  }
0x50: {  	s5 =	simm.s32 $0x2800;
	[sflag:s15] =	ssyncadd.s32 $0xFFFFE000  }
0x51: {  	[spmem:s1] =	stream.indirect.scatter.add.f32 [tilespmem:s18], [sflag:$0x3], $0x40, s5, s17, $0xb8;
	[tilespmem:$0x1F440] =	vst v63  }
0x52: {  	s7 =	simm.s32 $0x2880  }
0x53: {  	[spmem:s1] =	stream.indirect.scatter.add.f32 [tilespmem:s19], [sflag:$0x3], $0x40, s7, s17, $0xb8;
	[tilespmem:$0x1F440] =	vst v63  }
0x54: {  	s8 =	simm.s32 $0x2900  }
0x55: {  	[spmem:s1] =	stream.indirect.scatter.add.f32 [tilespmem:s21], [sflag:$0x3], $0x40, s8, s17, $0xb8;
	[tilespmem:$0x1F440] =	vst v63  }
0x56: {  	s9 =	simm.s32 $0x2980  }
0x57: {  	[spmem:s1] =	stream.indirect.scatter.add.f32 [tilespmem:s23], [sflag:$0x3], $0x40, s9, s17, $0xb8;
	[tilespmem:$0x1F440] =	vst v63  }
0x58: {  	_ =	swait.ge [sflag:s29], $0x2000  }
0x59: {  	[sflag:s29] =	ssyncset.done $0x0  }
0x5a: {  	[sflag:s29] =	ssyncadd.s32 $0xFFFFE000  }
0x5b: {  	_ =	swait.ge [sflag:s29], $0x2000  }
0x5c: {  	[sflag:s29] =	ssyncset.done $0x0  }
0x5d: {  	[sflag:s29] =	ssyncadd.s32 $0xFFFFE000  }
0x5e: {  	_ =	swait.ge [sflag:s29], $0x2000  }
0x5f: {  	[sflag:s29] =	ssyncset.done $0x0  }
0x60: {  	[sflag:s29] =	ssyncadd.s32 $0xFFFFE000  }
0x61: {  	p1 =	por $0x0, $0x0;
	_ =	swait.ge [sflag:s29], $0x2000  }
0x62: {  	s2 =	simm.s32 @!p1 $0x5000;
	[sflag:s29] =	ssyncset.done $0x0  }
0x63: {  	s14 =	simm.s32 @!p1 $0x400;
	s20 =	simm.s32 @!p1 $0x80;
	[sflag:s29] =	ssyncadd.s32 $0xFFFFE000  }
0x64: {  	[tilespmem:s2], [sflag:$0x1] =	stream.indirect.gather @!p1 [hbm4b:s4+s20], $0x40, s14, s20, $0xb8;
	[tilespmem:$0x1F440] =	vst v63  }
0x65: {  	s2 =	simm.s32 @!p1 $0x480;
	s14 =	simm.s32 @!p1 $0x7000  }
0x66: {  	[tilespmem:s14], [sflag:$0x1] =	stream.indirect.gather @!p1 [hbm4b:s4+s20], $0x40, s2, s20, $0xb8;
	[tilespmem:$0x1F440] =	vst v63  }
0x67: {  	s2 =	simm.s32 @!p1 $0x500;
	s14 =	simm.s32 @!p1 $0x9000  }
0x68: {  	[tilespmem:s14], [sflag:$0x1] =	stream.indirect.gather @!p1 [hbm4b:s4+s20], $0x40, s2, s20, $0xb8;
	[tilespmem:$0x1F440] =	vst v63  }
0x69: {  	s2 =	simm.s32 @!p1 $0x580;
	s14 =	simm.s32 @!p1 $0xB000  }
0x6a: {  	[tilespmem:s14], [sflag:$0x1] =	stream.indirect.gather @!p1 [hbm4b:s4+s20], $0x40, s2, s20, $0xb8;
	[tilespmem:$0x1F440] =	vst v63  }
0x6b: {  	_ =	swait.ge [sflag:s30], $0x2000  }
0x6c: {  	[sflag:s30] =	ssyncset.done $0x0  }
0x6d: {  	[sflag:s30] =	ssyncadd.s32 $0xFFFFE000  }
0x6e: {  	_ =	swait.ge [sflag:s30], $0x2000  }
0x6f: {  	[sflag:s30] =	ssyncset.done $0x0  }
0x70: {  	[sflag:s30] =	ssyncadd.s32 $0xFFFFE000  }
0x71: {  	_ =	swait.ge [sflag:s30], $0x2000  }
0x72: {  	[sflag:s30] =	ssyncset.done $0x0  }
0x73: {  	[sflag:s30] =	ssyncadd.s32 $0xFFFFE000  }
0x74: {  	_ =	swait.ge [sflag:s30], $0x2000  }
0x75: {  	[sflag:s30] =	ssyncset.done $0x0  }
0x76: {  	p6 =	por $0x0, $0x0;
	s14 =	simm.s32 $0x2A00;
	[sflag:s30] =	ssyncadd.s32 $0xFFFFE000  }
0x77: {  	[spmem:s1] =	stream.indirect.scatter.add.f32 [tilespmem:s24], [sflag:$0x4], $0x40, s14, s17, $0xb8;
	[tilespmem:$0x1F440] =	vst v63  }
0x78: {  	s22 =	simm.s32 $0x2B00;
	s20 =	simm.s32 $0x2A80;
	s2 =	simm.s32 $0x1000  }
0x79: {  	[spmem:s1] =	stream.indirect.scatter.add.f32 [tilespmem:s25], [sflag:$0x4], $0x40, s20, s17, $0xb8;
	[tilespmem:$0x1F440] =	vst v63  }
0x7a: {  	p1 =	por p6, p6;
	s14 =	simm.s32 $0x2000;
	s20 =	simm.s32 $0x2B80  }
0x7b: {  	[spmem:s1] =	stream.indirect.scatter.add.f32 [tilespmem:s26], [sflag:$0x4], $0x40, s22, s17, $0xb8;
	[tilespmem:$0x1F440] =	vst v63  }
.LBB2_2:
0x7c: {  	[spmem:s1] =	stream.indirect.scatter.add.f32 [tilespmem:s28], [sflag:$0x4], $0x40, s20, s17, $0xb8;
	[tilespmem:$0x1F440] =	vst v63  }
0x7d: {  	s22 =	smov.u32 s14  }
0x7e: {  	s14 =	sadd.s32 $0x1000, s14;
	s5 =	simm.s32 @!p1 $0x4;
	p3 =	seq.s32 s22, $0x0  }
0x7f: {  	p2 =	sne.s32 s14, $0xA000;
	_ =	swait.ge @!p1 [sflag:s5], $0x2000  }
0x80: {  	[sflag:s5] =	ssyncset.done @!p1 $0x0  }
0x81: {  	[sflag:s5] =	ssyncadd.s32 @!p1 $0xFFFFE000  }
0x82: {  	_ =	swait.ge @!p1 [sflag:s5], $0x2000  }
0x83: {  	[sflag:s5] =	ssyncset.done @!p1 $0x0  }
0x84: {  	[sflag:s5] =	ssyncadd.s32 @!p1 $0xFFFFE000  }
0x85: {  	_ =	swait.ge @!p1 [sflag:s5], $0x2000  }
0x86: {  	[sflag:s5] =	ssyncset.done @!p1 $0x0  }
0x87: {  	[sflag:s5] =	ssyncadd.s32 @!p1 $0xFFFFE000  }
0x88: {  	_ =	swait.ge @!p1 [sflag:s5], $0x2000  }
0x89: {  	s20 =	sshra.s32 s2, $0x2;
	[sflag:s5] =	ssyncset.done @!p1 $0x0  }
0x8a: {  	[sflag:s5] =	ssyncadd.s32 @!p1 $0xFFFFE000;
	s5 =	sadd.s32 $0x200, s20;
	p1 =	por p3, p3  }
0x8b: {  	[tilespmem:s24], [sflag:$0x2] =	stream.indirect.gather [hbm4b:s4+s17], $0x40, s5, s17, $0xb8;
	[tilespmem:$0x1F440] =	vst v63  }
0x8c: {  	s5 =	sadd.s32 $0x280, s20  }
0x8d: {  	[tilespmem:s25], [sflag:$0x2] =	stream.indirect.gather [hbm4b:s4+s17], $0x40, s5, s17, $0xb8;
	[tilespmem:$0x1F440] =	vst v63  }
0x8e: {  	s5 =	sadd.s32 $0x300, s20  }
0x8f: {  	[tilespmem:s26], [sflag:$0x2] =	stream.indirect.gather [hbm4b:s4+s17], $0x40, s5, s17, $0xb8;
	[tilespmem:$0x1F440] =	vst v63  }
0x90: {  	s5 =	sadd.s32 $0x380, s20  }
0x91: {  	[tilespmem:s28], [sflag:$0x2] =	stream.indirect.gather [hbm4b:s4+s17], $0x40, s5, s17, $0xb8;
	[tilespmem:$0x1F440] =	vst v63  }
0x92: {  	_ =	swait.ge [sflag:s15], $0x2000  }
0x93: {  	[sflag:s15] =	ssyncset.done $0x0  }
0x94: {  	[sflag:s15] =	ssyncadd.s32 $0xFFFFE000  }
0x95: {  	_ =	swait.ge [sflag:s15], $0x2000  }
0x96: {  	[sflag:s15] =	ssyncset.done $0x0  }
0x97: {  	[sflag:s15] =	ssyncadd.s32 $0xFFFFE000  }
0x98: {  	_ =	swait.ge [sflag:s15], $0x2000  }
0x99: {  	[sflag:s15] =	ssyncset.done $0x0  }
0x9a: {  	[sflag:s15] =	ssyncadd.s32 $0xFFFFE000  }
0x9b: {  	_ =	swait.ge [sflag:s15], $0x2000  }
0x9c: {  	[sflag:s15] =	ssyncset.done $0x0  }
0x9d: {  	s5 =	sadd.s32 $0x2800, s20;
	[sflag:s15] =	ssyncadd.s32 $0xFFFFE000  }
0x9e: {  	[spmem:s1] =	stream.indirect.scatter.add.f32 [tilespmem:s18], [sflag:$0x3], $0x40, s5, s17, $0xb8;
	[tilespmem:$0x1F440] =	vst v63  }
0x9f: {  	s5 =	sadd.s32 $0x2880, s20  }
0xa0: {  	[spmem:s1] =	stream.indirect.scatter.add.f32 [tilespmem:s19], [sflag:$0x3], $0x40, s5, s17, $0xb8;
	[tilespmem:$0x1F440] =	vst v63  }
0xa1: {  	s5 =	sadd.s32 $0x2900, s20  }
0xa2: {  	[spmem:s1] =	stream.indirect.scatter.add.f32 [tilespmem:s21], [sflag:$0x3], $0x40, s5, s17, $0xb8;
	[tilespmem:$0x1F440] =	vst v63  }
0xa3: {  	s5 =	sadd.s32 $0x2980, s20  }
0xa4: {  	[spmem:s1] =	stream.indirect.scatter.add.f32 [tilespmem:s23], [sflag:$0x3], $0x40, s5, s17, $0xb8;
	[tilespmem:$0x1F440] =	vst v63  }
0xa5: {  	_ =	swait.ge [sflag:s29], $0x2000  }
0xa6: {  	[sflag:s29] =	ssyncset.done $0x0  }
0xa7: {  	[sflag:s29] =	ssyncadd.s32 $0xFFFFE000  }
0xa8: {  	_ =	swait.ge [sflag:s29], $0x2000  }
0xa9: {  	[sflag:s29] =	ssyncset.done $0x0  }
0xaa: {  	[sflag:s29] =	ssyncadd.s32 $0xFFFFE000  }
0xab: {  	_ =	swait.ge [sflag:s29], $0x2000  }
0xac: {  	[sflag:s29] =	ssyncset.done $0x0  }
0xad: {  	[sflag:s29] =	ssyncadd.s32 $0xFFFFE000  }
0xae: {  	p3 =	seq.s32 s2, $0x9000;
	_ =	swait.ge [sflag:s29], $0x2000  }
0xaf: {  	s2 =	sshra.s32 @!p3 s2, $0x2;
	s5 =	simm.s32 @!p3 $0x5000;
	[sflag:s29] =	ssyncset.done $0x0  }
0xb0: {  	s8 =	simm.s32 @!p3 $0x80;
	s7 =	sadd.s32 @!p3 $0x400, s2;
	[sflag:s29] =	ssyncadd.s32 $0xFFFFE000  }
0xb1: {  	[tilespmem:s5], [sflag:$0x1] =	stream.indirect.gather @!p3 [hbm4b:s4+s8], $0x40, s7, s8, $0xb8;
	[tilespmem:$0x1F440] =	vst v63  }
0xb2: {  	s9 =	sadd.s32 @!p3 $0x500, s2;
	s5 =	sadd.s32 @!p3 $0x480, s2;
	s7 =	simm.s32 @!p3 $0x7000  }
0xb3: {  	[tilespmem:s7], [sflag:$0x1] =	stream.indirect.gather @!p3 [hbm4b:s4+s8], $0x40, s5, s8, $0xb8;
	[tilespmem:$0x1F440] =	vst v63  }
0xb4: {  	s5 =	simm.s32 @!p3 $0x9000;
	s7 =	sadd.s32 @!p3 $0x580, s2;
	s2 =	smov.u32 s22  }
0xb5: {  	[tilespmem:s5], [sflag:$0x1] =	stream.indirect.gather @!p3 [hbm4b:s4+s8], $0x40, s9, s8, $0xb8;
	[tilespmem:$0x1F440] =	vst v63  }
0xb6: {  	s5 =	simm.s32 @!p3 $0xB000  }
0xb7: {  	[tilespmem:s5], [sflag:$0x1] =	stream.indirect.gather @!p3 [hbm4b:s4+s8], $0x40, s7, s8, $0xb8;
	[tilespmem:$0x1F440] =	vst v63  }
0xb8: {  	_ =	swait.ge [sflag:s30], $0x2000  }
0xb9: {  	[sflag:s30] =	ssyncset.done $0x0  }
0xba: {  	[sflag:s30] =	ssyncadd.s32 $0xFFFFE000  }
0xbb: {  	_ =	swait.ge [sflag:s30], $0x2000  }
0xbc: {  	[sflag:s30] =	ssyncset.done $0x0  }
0xbd: {  	[sflag:s30] =	ssyncadd.s32 $0xFFFFE000  }
0xbe: {  	_ =	swait.ge [sflag:s30], $0x2000  }
0xbf: {  	[sflag:s30] =	ssyncset.done $0x0  }
0xc0: {  	[sflag:s30] =	ssyncadd.s32 $0xFFFFE000  }
0xc1: {  	_ =	swait.ge [sflag:s30], $0x2000  }
0xc2: {  	[sflag:s30] =	ssyncset.done $0x0  }
0xc3: {  	s5 =	sadd.s32 $0x2A00, s20;
	[sflag:s30] =	ssyncadd.s32 $0xFFFFE000  }
0xc4: {  	[spmem:s1] =	stream.indirect.scatter.add.f32 [tilespmem:s24], [sflag:$0x4], $0x40, s5, s17, $0xb8;
	[tilespmem:$0x1F440] =	vst v63  }
.Ltmp0:
0xc5: {  	s5 =	sadd.s32 $0x2A80, s20;
	(pc) =	sbr.rel @p2 .LBB2_2-.Ltmp0, $4  }
0xc6: {  	[spmem:s1] =	stream.indirect.scatter.add.f32 [tilespmem:s25], [sflag:$0x4], $0x40, s5, s17, $0xb8;
	[tilespmem:$0x1F440] =	vst v63  }
0xc7: {  	s5 =	sadd.s32 $0x2B00, s20  }
0xc8: {  	[spmem:s1] =	stream.indirect.scatter.add.f32 [tilespmem:s26], [sflag:$0x4], $0x40, s5, s17, $0xb8;
	[tilespmem:$0x1F440] =	vst v63  }
0xc9: {  	s20 =	sadd.s32 $0x2B80, s20  }
0xca: {  	[spmem:s1] =	stream.indirect.scatter.add.f32 [tilespmem:s28], [sflag:$0x4], $0x40, s20, s17, $0xb8;
	[tilespmem:$0x1F440] =	vst v63  }
0xcb: {  	s5 =	simm.s32 @!p1 $0x4  }
0xcc: {  	_ =	swait.ge @!p1 [sflag:s5], $0x2000  }
0xcd: {  	[sflag:s5] =	ssyncset.done @!p1 $0x0  }
0xce: {  	[sflag:s5] =	ssyncadd.s32 @!p1 $0xFFFFE000  }
0xcf: {  	_ =	swait.ge @!p1 [sflag:s5], $0x2000  }
0xd0: {  	[sflag:s5] =	ssyncset.done @!p1 $0x0  }
0xd1: {  	[sflag:s5] =	ssyncadd.s32 @!p1 $0xFFFFE000  }
0xd2: {  	_ =	swait.ge @!p1 [sflag:s5], $0x2000  }
0xd3: {  	[sflag:s5] =	ssyncset.done @!p1 $0x0  }
0xd4: {  	[sflag:s5] =	ssyncadd.s32 @!p1 $0xFFFFE000  }
0xd5: {  	_ =	swait.ge @!p1 [sflag:s5], $0x2000  }
0xd6: {  	s14 =	sshra.s32 s2, $0x2;
	[sflag:s5] =	ssyncset.done @!p1 $0x0  }
0xd7: {  	s20 =	sadd.s32 $0x200, s14;
	[sflag:s5] =	ssyncadd.s32 @!p1 $0xFFFFE000  }
0xd8: {  	[tilespmem:s24], [sflag:$0x2] =	stream.indirect.gather [hbm4b:s4+s17], $0x40, s20, s17, $0xb8;
	[tilespmem:$0x1F440] =	vst v63  }
0xd9: {  	s22 =	sadd.s32 $0x280, s14  }
0xda: {  	[tilespmem:s25], [sflag:$0x2] =	stream.indirect.gather [hbm4b:s4+s17], $0x40, s22, s17, $0xb8;
	[tilespmem:$0x1F440] =	vst v63  }
0xdb: {  	s7 =	sadd.s32 $0x300, s14  }
0xdc: {  	[tilespmem:s26], [sflag:$0x2] =	stream.indirect.gather [hbm4b:s4+s17], $0x40, s7, s17, $0xb8;
	[tilespmem:$0x1F440] =	vst v63  }
0xdd: {  	s8 =	sadd.s32 $0x380, s14  }
0xde: {  	[tilespmem:s28], [sflag:$0x2] =	stream.indirect.gather [hbm4b:s4+s17], $0x40, s8, s17, $0xb8;
	[tilespmem:$0x1F440] =	vst v63  }
0xdf: {  	_ =	swait.ge [sflag:s15], $0x2000  }
0xe0: {  	[sflag:s15] =	ssyncset.done $0x0  }
0xe1: {  	[sflag:s15] =	ssyncadd.s32 $0xFFFFE000  }
0xe2: {  	_ =	swait.ge [sflag:s15], $0x2000  }
0xe3: {  	[sflag:s15] =	ssyncset.done $0x0  }
0xe4: {  	[sflag:s15] =	ssyncadd.s32 $0xFFFFE000  }
0xe5: {  	_ =	swait.ge [sflag:s15], $0x2000  }
0xe6: {  	[sflag:s15] =	ssyncset.done $0x0  }
0xe7: {  	[sflag:s15] =	ssyncadd.s32 $0xFFFFE000  }
0xe8: {  	_ =	swait.ge [sflag:s15], $0x2000  }
0xe9: {  	[sflag:s15] =	ssyncset.done $0x0  }
0xea: {  	s9 =	sadd.s32 $0x2800, s14;
	[sflag:s15] =	ssyncadd.s32 $0xFFFFE000  }
0xeb: {  	[spmem:s1] =	stream.indirect.scatter.add.f32 [tilespmem:s18], [sflag:$0x3], $0x40, s9, s17, $0xb8;
	[tilespmem:$0x1F440] =	vst v63  }
0xec: {  	s20 =	sadd.s32 $0x2880, s14  }
0xed: {  	[spmem:s1] =	stream.indirect.scatter.add.f32 [tilespmem:s19], [sflag:$0x3], $0x40, s20, s17, $0xb8;
	[tilespmem:$0x1F440] =	vst v63  }
0xee: {  	s22 =	sadd.s32 $0x2900, s14  }
0xef: {  	[spmem:s1] =	stream.indirect.scatter.add.f32 [tilespmem:s21], [sflag:$0x3], $0x40, s22, s17, $0xb8;
	[tilespmem:$0x1F440] =	vst v63  }
0xf0: {  	s7 =	sadd.s32 $0x2980, s14  }
0xf1: {  	[spmem:s1] =	stream.indirect.scatter.add.f32 [tilespmem:s23], [sflag:$0x3], $0x40, s7, s17, $0xb8;
	[tilespmem:$0x1F440] =	vst v63  }
0xf2: {  	_ =	swait.ge [sflag:s29], $0x2000  }
0xf3: {  	[sflag:s29] =	ssyncset.done $0x0  }
0xf4: {  	[sflag:s29] =	ssyncadd.s32 $0xFFFFE000  }
0xf5: {  	_ =	swait.ge [sflag:s29], $0x2000  }
0xf6: {  	[sflag:s29] =	ssyncset.done $0x0  }
0xf7: {  	[sflag:s29] =	ssyncadd.s32 $0xFFFFE000  }
0xf8: {  	_ =	swait.ge [sflag:s29], $0x2000  }
0xf9: {  	[sflag:s29] =	ssyncset.done $0x0  }
0xfa: {  	[sflag:s29] =	ssyncadd.s32 $0xFFFFE000  }
0xfb: {  	p1 =	seq.s32 s2, $0x9000;
	_ =	swait.ge [sflag:s29], $0x2000  }
0xfc: {  	s2 =	sshra.s32 @!p1 s2, $0x2;
	s5 =	simm.s32 @!p1 $0x5000;
	[sflag:s29] =	ssyncset.done $0x0  }
0xfd: {  	s8 =	simm.s32 @!p1 $0x80;
	s7 =	sadd.s32 @!p1 $0x400, s2;
	[sflag:s29] =	ssyncadd.s32 $0xFFFFE000  }
0xfe: {  	[tilespmem:s5], [sflag:$0x1] =	stream.indirect.gather @!p1 [hbm4b:s4+s8], $0x40, s7, s8, $0xb8;
	[tilespmem:$0x1F440] =	vst v63  }
0xff: {  	s5 =	sadd.s32 @!p1 $0x480, s2;
	s7 =	simm.s32 @!p1 $0x7000  }
0x100: {  	[tilespmem:s7], [sflag:$0x1] =	stream.indirect.gather @!p1 [hbm4b:s4+s8], $0x40, s5, s8, $0xb8;
	[tilespmem:$0x1F440] =	vst v63  }
0x101: {  	s5 =	sadd.s32 @!p1 $0x500, s2;
	s7 =	simm.s32 @!p1 $0x9000  }
0x102: {  	[tilespmem:s7], [sflag:$0x1] =	stream.indirect.gather @!p1 [hbm4b:s4+s8], $0x40, s5, s8, $0xb8;
	[tilespmem:$0x1F440] =	vst v63  }
0x103: {  	s2 =	sadd.s32 @!p1 $0x580, s2;
	s5 =	simm.s32 @!p1 $0xB000  }
0x104: {  	[tilespmem:s5], [sflag:$0x1] =	stream.indirect.gather @!p1 [hbm4b:s4+s8], $0x40, s2, s8, $0xb8;
	[tilespmem:$0x1F440] =	vst v63  }
0x105: {  	_ =	swait.ge [sflag:s30], $0x2000  }
0x106: {  	[sflag:s30] =	ssyncset.done $0x0  }
0x107: {  	[sflag:s30] =	ssyncadd.s32 $0xFFFFE000  }
0x108: {  	_ =	swait.ge [sflag:s30], $0x2000  }
0x109: {  	[sflag:s30] =	ssyncset.done $0x0  }
0x10a: {  	[sflag:s30] =	ssyncadd.s32 $0xFFFFE000  }
0x10b: {  	_ =	swait.ge [sflag:s30], $0x2000  }
0x10c: {  	[sflag:s30] =	ssyncset.done $0x0  }
0x10d: {  	[sflag:s30] =	ssyncadd.s32 $0xFFFFE000  }
0x10e: {  	_ =	swait.ge [sflag:s30], $0x2000  }
0x10f: {  	[sflag:s30] =	ssyncset.done $0x0  }
0x110: {  	s8 =	sadd.s32 $0x2A00, s14;
	[sflag:s30] =	ssyncadd.s32 $0xFFFFE000  }
0x111: {  	[spmem:s1] =	stream.indirect.scatter.add.f32 [tilespmem:s24], [sflag:$0x4], $0x40, s8, s17, $0xb8;
	[tilespmem:$0x1F440] =	vst v63  }
0x112: {  	s9 =	sadd.s32 $0x2A80, s14  }
0x113: {  	[spmem:s1] =	stream.indirect.scatter.add.f32 [tilespmem:s25], [sflag:$0x4], $0x40, s9, s17, $0xb8;
	[tilespmem:$0x1F440] =	vst v63  }
0x114: {  	s20 =	sadd.s32 $0x2B00, s14  }
0x115: {  	[spmem:s1] =	stream.indirect.scatter.add.f32 [tilespmem:s26], [sflag:$0x4], $0x40, s20, s17, $0xb8;
	[tilespmem:$0x1F440] =	vst v63  }
0x116: {  	s22 =	sadd.s32 $0x2B80, s14  }
0x117: {  	[spmem:s1] =	stream.indirect.scatter.add.f32 [tilespmem:s28], [sflag:$0x4], $0x40, s22, s17, $0xb8;
	[tilespmem:$0x1F440] =	vst v63  }
0x118: {  	_ =	swait.ge [sflag:s31], $0x2000  }
0x119: {  	[sflag:s31] =	ssyncset.done $0x0  }
0x11a: {  	[sflag:s31] =	ssyncadd.s32 $0xFFFFE000  }
0x11b: {  	_ =	swait.ge [sflag:s31], $0x2000  }
0x11c: {  	[sflag:s31] =	ssyncset.done $0x0  }
0x11d: {  	[sflag:s31] =	ssyncadd.s32 $0xFFFFE000  }
0x11e: {  	_ =	swait.ge [sflag:s31], $0x2000  }
0x11f: {  	[sflag:s31] =	ssyncset.done $0x0  }
0x120: {  	[sflag:s31] =	ssyncadd.s32 $0xFFFFE000  }
0x121: {  	_ =	swait.ge [sflag:s31], $0x2000  }
0x122: {  	[sflag:s31] =	ssyncset.done $0x0  }
0x123: {  	[sflag:s31] =	ssyncadd.s32 $0xFFFFE000  }
0x124: {  	s2 =	simm.s32 @!p0 $0x1FC5;
	[bflag:$0x0] =	sbarrier.arrive $0xFFFF  }
0x125: {  	[hbm:s10], [sflag:s6] =	dma.local [spmem:s13], $0x1380  }
0x126: {  	[hbm:s11], [sflag:s2] =	dma.local @!p0 [spmem:s16], $0x80  }
0x127: {  	s0 =	sadd.s32 $0x1, s0;
	s2 =	simm.s32 @!p0 $0x5  }
0x128: {  	p1 =	sne.s32 s0, s12;
	_ =	swait.ge @!p0 [sflag:s2], $0x80  }
.Ltmp1:
0x129: {  	[sflag:s2] =	ssyncset.done @!p0 $0x0;
	(pc) =	sbr.rel @p1 .LBB2_1-.Ltmp1, $4  }
0x12a: {  	[sflag:s2] =	ssyncadd.s32 @!p0 $0xFFFFFF80  }
0x12b: {  	_ =	swait.ge [sflag:s15], $0x1380  }
0x12c: {  	[sflag:s15] =	ssyncset.done $0x0  }
0x12d: {  	[sflag:s15] =	ssyncadd.s32 $0xFFFFEC80  }
0x12e: {  	_ =	sfence.sel $0x180000  }
0x12f: {  	[bflag:$0x0] =	sbarrier.arrive $0xFFFF  }
0x130: {  	_ =	strace $0x9000004A  }
0x131: {  	s0 =	stileid.u32;
	[bflag:$0x2] =	sbarrier.arrive $0xFFFF  }
0x132: {  	p0 =	sne.s32 s0, $0x0;
	s0 =	rddreg [dreg:$0x3]  }
0x133: {  	s0 =	sadd.s32 @!p0 $0x100000, s0  }
0x134: {  	[sflag:s0] =	ssyncadd.tile.s32 @!p0 $0x1;
	_ =	shalt  }
.Lfunc_end2:
_tile_overlayer_lowered:
.L_overlay_start_2:
0x135: {  	(tag) =	ssettag $0x2  }
0x136: {  	s0 =	rddreg [dreg:$0x0];
	s2 =	stileid.u32  }
0x137: {  	s1 =	rddreg [dreg:$0x1];
	p0 =	sne.s32 s2, $0x0  }
0x138: {  	s3 =	rddreg [dreg:$0x2];
	[bflag:$0x3] =	sbarrier.arrive $0xFFFF;
	s2 =	simm.s32 @!p0 $0x1C05  }
0x139: {  	[timem:s3], [sflag:s2] =	dma.local @!p0 [hbm:s0], s1  }
0x13a: {  	s0 =	simm.s32 @!p0 $0x5  }
0x13b: {  	_ =	swait.ge @!p0 [sflag:s0], s1  }
0x13c: {  	s1 =	ssub.s32 @!p0 $0x0, s1;
	[sflag:s0] =	ssyncset.done @!p0 $0x0  }
0x13d: {  	[sflag:s0] =	ssyncadd.s32 @!p0 s1  }
0x13e: {  	[bflag:$0x3] =	sbarrier.arrive $0xFFFF  }
0x13f: {  	_ =	shalt  }

// kernel: kernel.15.cloned.1.call-start
scs
__scs_entry_jumppad:
0x0: {  	(pc) =	sbr.rel $0x88, $3  }
0x1: {  	(tag) =	ssettag $0x0;
	lr =	simm.s32 $0x1  }
0x2: {  	[smem:$0x3F8A] =	sst lr;
	_ =	strace $0xD0000000  }
0x3: {  	_ = 	snop  }
0x4: {  	_ = 	snop  }
0x5: {  	_ = 	snop  }
0x6: {  	_ = 	snop  }
0x7: {  	_ = 	snop  }
__scs_overlays_trampoline_lowered:
0x8: {  	[smem:$0x3F99] =	sst s0  }
0x9: {  	[smem:$0x3F9A] =	sst s1  }
0xa: {  	[smem:$0x3F9B] =	sst s2  }
0xb: {  	[smem:$0x3F9C] =	sst s3  }
0xc: {  	[smem:$0x3F9D] =	sst s4  }
0xd: {  	[smem:$0x3F9E] =	sst s5  }
0xe: {  	[smem:$0x3F9F] =	sst s6  }
0xf: {  	[smem:$0x3FA0] =	sst s7  }
0x10: {  	[smem:$0x3FA1] =	sst s8  }
0x11: {  	[smem:$0x3FA2] =	sst s9;
	s0 =	simm.s32 @!p0 $0x0  }
0x12: {  	s1 =	sld [smem:$0x3F88];
	s0 =	simm.s32 @p0 $0x1  }
0x13: {  	[smem:$0x3FA3] =	sst s0;
	s0 =	simm.s32 @!p1 $0x0  }
0x14: {  	s2 =	sld [smem:$0x3F87];
	s0 =	simm.s32 @p1 $0x1  }
0x15: {  	[smem:$0x3FA4] =	sst s0;
	s0 =	simm.s32 @!p2 $0x0  }
0x16: {  	s3 =	sld [smem:$0x3FDB];
	s0 =	simm.s32 @p2 $0x1  }
0x17: {  	s4 =	simm.s32 $0x1BF5;
	[smem:$0x3FA6] =	sst s0  }
0x18: {  	s0 =	sld [smem:$0x3F89];
	_ =	swait.ge [sflag:s4], $0x0  }
0x19: {  	s7 =	sld [smem:$0x3F8A]  }
0x1a: {  	s8 =	sadd.s32 $0xFFFFE003, lr  }
0x1b: {  	s9 =	sadd.s32 $0xFFFFFEF7, lr;
	s5 =	simm.s32 $0xFFFFFFFF;
	p2 =	slt.u32 s8, $0xFFFFF086  }
0x1c: {  	p1 =	slt.u32 s9, $0xF7A;
	s5 =	simm.s32 @!p2 $0x0  }
0x1d: {  	s5 =	simm.s32 @p1 $0x1;
	p0 =	seq.s32 s7, s2  }
0x1e: {  	s7 =	smul.u32 @!p0 $0xF7A, s2;
	p2 =	seq.s32 @!p0 s5, $0x0  }
0x1f: {  	s9 =	smul.u32 $0xF7A, s1;
	s8 =	simm.s32 @!p0 $0x1BF5;
	p2 =	por !p2, p0  }
0x20: {  	[sflag:s8] =	ssyncset.s32 @!p0 $0xFFFFF086;
	s6 =	sadd.s32 @!p0 s3, s7;
	s7 =	simm.s32 @!p0 $0x108  }
0x21: {  	s3 =	sadd.s32 s3, s9;
	s6 =	sadd.s32 @!p0 $0x88, s6;
	s7 =	simm.s32 @p2 $0x1082  }
0x22: {  	[simem:s7], [sflag:s8] =	dma.local @!p0 [hbm:s6], $0xF7A  }
0x23: {  	s9 =	sor.u32 $0xD0000000, s2;
	s6 =	simm.s32 $0x108;
	_ =	swait.ge @!p0 [sflag:s8], $0x0  }
0x24: {  	s3 =	sadd.s32 $0x88, s3;
	s6 =	simm.s32 @!p1 $0x1082;
	[sflag:s4] =	ssyncset.s32 $0xFFFFF086  }
0x25: {  	[simem:s6], [sflag:s4] =	dma.local [hbm:s3], $0xF7A  }
0x26: {  	[smem:$0x3F8A] =	sst s1;
	(tag) =	ssettag s2;
	_ =	strace s9  }
0x27: {  	s1 =	sld [smem:$0x3F9A]  }
0x28: {  	s2 =	sld [smem:$0x3F9B]  }
0x29: {  	s4 =	sld [smem:$0x3F9D]  }
0x2a: {  	p0 =	seq.s32 s5, $0x0;
	s5 =	sld [smem:$0x3F9E]  }
0x2b: {  	s6 =	sld [smem:$0x3F9F]  }
0x2c: {  	s7 =	sld [smem:$0x3FA0]  }
0x2d: {  	s3 =	simm.s32 $0x108;
	s8 =	sld [smem:$0x3FA1]  }
0x2e: {  	s3 =	simm.s32 @!p0 $0x1082;
	s9 =	sld [smem:$0x3FA2]  }
0x2f: {  	lr =	sadd.s32 s0, s3;
	s0 =	sld [smem:$0x3F99]  }
0x30: {  	s3 =	sld [smem:$0x3F9C]  }
0x31: {  	[smem:$0x3FA5] =	sst s10  }
0x32: {  	s10 =	sld [smem:$0x3FA3];
	_ =	sdelay $0x3  }
0x33: {  	p0 =	seq.s32 s10, $0x1;
	s10 =	sld [smem:$0x3FA5];
	_ =	sdelay $0x3  }
0x34: {  	[smem:$0x3FA5] =	sst s10  }
0x35: {  	s10 =	sld [smem:$0x3FA4];
	_ =	sdelay $0x3  }
0x36: {  	p1 =	seq.s32 s10, $0x1;
	s10 =	sld [smem:$0x3FA5];
	_ =	sdelay $0x3  }
0x37: {  	[smem:$0x3FA5] =	sst s10  }
0x38: {  	s10 =	sld [smem:$0x3FA6]  }
0x39: {  	_ = 	snop;
	(pc) =	sbr.ind lr, $3  }
0x3a: {  	_ = 	snop  }
0x3b: {  	_ = 	snop  }
0x3c: {  	p2 =	seq.s32 s10, $0x1;
	s10 =	sld [smem:$0x3FA5]  }
0x3d: {  	_ =	shalt  }
0x3e: {  	_ =	shalt  }
0x3f: {  	_ =	shalt  }
0x40: {  	_ =	shalt  }
0x41: {  	_ =	shalt  }
0x42: {  	_ =	shalt  }
0x43: {  	_ =	shalt  }
0x44: {  	_ =	shalt  }
0x45: {  	_ =	shalt  }
0x46: {  	_ =	shalt  }
0x47: {  	_ =	shalt  }
0x48: {  	_ =	shalt  }
0x49: {  	_ =	shalt  }
0x4a: {  	_ =	shalt  }
0x4b: {  	_ =	shalt  }
0x4c: {  	_ =	shalt  }
0x4d: {  	_ =	shalt  }
0x4e: {  	_ =	shalt  }
0x4f: {  	_ =	shalt  }
0x50: {  	_ =	shalt  }
0x51: {  	_ =	shalt  }
0x52: {  	_ =	shalt  }
0x53: {  	_ =	shalt  }
0x54: {  	_ =	shalt  }
0x55: {  	_ =	shalt  }
0x56: {  	_ =	shalt  }
0x57: {  	_ =	shalt  }
0x58: {  	_ =	shalt  }
0x59: {  	_ =	shalt  }
0x5a: {  	_ =	shalt  }
0x5b: {  	_ =	shalt  }
0x5c: {  	_ =	shalt  }
0x5d: {  	_ =	shalt  }
0x5e: {  	_ =	shalt  }
0x5f: {  	_ =	shalt  }
0x60: {  	_ =	shalt  }
0x61: {  	_ =	shalt  }
0x62: {  	_ =	shalt  }
0x63: {  	_ =	shalt  }
0x64: {  	_ =	shalt  }
0x65: {  	_ =	shalt  }
0x66: {  	_ =	shalt  }
0x67: {  	_ =	shalt  }
0x68: {  	_ =	shalt  }
0x69: {  	_ =	shalt  }
0x6a: {  	_ =	shalt  }
0x6b: {  	_ =	shalt  }
0x6c: {  	_ =	shalt  }
0x6d: {  	_ =	shalt  }
0x6e: {  	_ =	shalt  }
0x6f: {  	_ =	shalt  }
0x70: {  	_ =	shalt  }
0x71: {  	_ =	shalt  }
0x72: {  	_ =	shalt  }
0x73: {  	_ =	shalt  }
0x74: {  	_ =	shalt  }
0x75: {  	_ =	shalt  }
0x76: {  	_ =	shalt  }
0x77: {  	_ =	shalt  }
0x78: {  	_ =	shalt  }
0x79: {  	_ =	shalt  }
0x7a: {  	_ =	shalt  }
0x7b: {  	_ =	shalt  }
0x7c: {  	_ =	shalt  }
0x7d: {  	_ =	shalt  }
0x7e: {  	_ =	shalt  }
0x7f: {  	_ =	shalt  }
0x80: {  	_ =	shalt  }
0x81: {  	_ =	shalt  }
0x82: {  	_ =	shalt  }
0x83: {  	_ =	shalt  }
0x84: {  	_ =	shalt  }
0x85: {  	_ =	shalt  }
0x86: {  	_ =	shalt  }
0x87: {  	_ =	shalt  }
.Lfunc_end0:
.L_simem_size_0:
called_computation.2_lowered:
.L_overlay_start_0:
0x88: {  	s2 =	sld [smem:$0x3FD9]  }
0x89: {  	s3 =	sld [smem:$0x3FFE];
	_ =	sdelay $0x1  }
0x8a: {  	s1 =	srdreg.scid  }
0x8b: {  	s0 =	sand.u32 $0x1, s1  }
0x8c: {  	s17 =	sshll.u32 s0, $0xA;
	s2 =	sadd.s32 s3, s2  }
0x8d: {  	s2 =	sadd.s32 s2, s17  }
0x8e: {  	[smem:$0x3FB1] =	sst s2  }
0x8f: {  	_ = 	snop  }
0x90: {  	s2 =	sld [smem:$0x3FD0];
	(tm) =	ssettm $0x1  }
0x91: {  	s18 =	sld [smem:$0x3FFB];
	_ =	sdelay $0x3  }
0x92: {  	_ =	strace s18  }
0x93: {  	s3 =	sld [smem:$0x3FFC];
	_ =	sdelay $0x3  }
0x94: {  	_ =	strace s3  }
0x95: {  	s3 =	sld [smem:$0x3FFD];
	_ =	sdelay $0x3  }
0x96: {  	_ =	strace s3  }
0x97: {  	_ =	strace $0x8FFFFFFF  }
0x98: {  	s19 =	sld [smem:$0x3FDB];
	_ =	sdelay $0x1  }
0x99: {  	s4 =	simm.s32 $_scs_section_size  }
0x9a: {  	s5 =	simm.s32 $_size__tile_overlayer_lowered;
	s6 =	simm.s32 $_tile_overlayer_lowered  }
0x9b: {  	s22 =	simm.s32 $0x1BFF;
	s21 =	sshll.u32 s6, $0x1;
	s3 =	sadd.s32 s4, s19  }
0x9c: {  	s7 =	simm.s32 $0x0;
	s20 =	sshll.u32 s5, $0x1;
	s5 =	sadd.s32 s21, s3  }
0x9d: {  	[timem:s7], [sflag:s22] =	dma.local [hbm:s5], s20  }
0x9e: {  	_ =	swait.ge [sflag:s22], s20  }
0x9f: {  	s4 =	ssub.s32 $0x0, s20;
	[sflag:s22] =	ssyncset.done $0x0  }
0xa0: {  	[sflag:s22] =	ssyncadd.s32 s4;
	_ =	sdelay $0x1  }
0xa1: {  	s23 =	simm.s32 $0x1B8B  }
0xa2: {  	_ =	swait.ge [sflag:s23], $0x1  }
0xa3: {  	[sflag:s23] =	ssyncset.done $0x0  }
0xa4: {  	s25 =	simm.s32 $0x1B8E;
	s24 =	sld [smem:$0x3FFE];
	[sflag:s23] =	ssyncadd.s32 $0xFFFFFFFF  }
0xa5: {  	s26 =	simm.s32 $execute0_lowered;
	[smem:$0x3FD2] =	sst s25  }
0xa6: {  	s5 =	sshll.u32 s26, $0x1;
	_ =	strace $0x8000004C;
	[dreg:$0x1] =	wrdreg $0xFFFFFFFF  }
0xa7: {  	s28 =	simm.s32 $_size_execute0_lowered;
	s3 =	sadd.s32 s3, s5;
	[dreg:$0x0] =	wrdreg $0x0  }
0xa8: {  	s5 =	sshll.u32 s28, $0x1;
	[dreg:$0x2] =	wrdreg s3  }
0xa9: {  	[dreg:$0x3] =	wrdreg s5  }
0xaa: {  	[dreg:$0x4] =	wrdreg $0xC0  }
0xab: {  	_ =	task [dreg:s7], $0x5FFFF  }
0xac: {  	[dreg:$0x1] =	wrdreg $0xFFFFFFFF  }
0xad: {  	[dreg:$0x0] =	wrdreg $0x60  }
0xae: {  	[dreg:$0x2] =	wrdreg s24  }
0xaf: {  	[dreg:$0x3] =	wrdreg s2  }
0xb0: {  	[dreg:$0x4] =	wrdreg $0x150000  }
0xb1: {  	[dreg:$0x5] =	wrdreg $0x9  }
0xb2: {  	_ =	task.clear_ibuf [dreg:s7], $0x6FFFF;
	_ =	strace $0x9000004C  }
0xb3: {  	s29 =	simm.s32 $0x9;
	_ =	strace $0x8000004E  }
0xb4: {  	_ =	swait.ge [sflag:s29], $0x1  }
0xb5: {  	[sflag:s29] =	ssyncadd.s32 $0xFFFFFFFF  }
0xb6: {  	_ =	strace $0x9000004E  }
0xb7: {  	_ =	sfence  }
0xb8: {  	s30 =	sld [smem:$0x0];
	_ =	sdelay $0x2  }
0xb9: {  	s31 =	sshll.u32 s1, $0xD;
	s1 =	sshrl.u32 s1, $0x2  }
0xba: {  	s3 =	sand.u32 $0x4000, s31;
	s1 =	sadd.s32 s1, s30  }
0xbb: {  	s0 =	sor.u32 s3, s0;
	s1 =	sshll.u32 s1, $0x11  }
0xbc: {  	s0 =	sor.u32 s1, s0  }
0xbd: {  	s0 =	sadd.s32 $0x8F2B, s0  }
0xbe: {  	[sflag:s0] =	ssyncadd.remote.s32 $0x1  }
0xbf: {  	_ =	sfence.sel $0xFFFF  }
0xc0: {  	[dreg:$0x0] =	wrdreg $0xFFFFFFFF;
	(pc) =	sbr.abs _section_cstart, $3  }
0xc1: {  	[dreg:$0x1] =	wrdreg $0xFFFFFFFF  }
0xc2: {  	_ =	task.clear_ibuf [dreg:s7], $0x2FFFF;
	_ =	strace $0x9FFFFFFF  }
0xc3: {  	(tm) =	ssettm $0x7FFFFFFF  }
tec
execute0_lowered:
.L_overlay_start_1:
0x0: {  	(tag) =	ssettag $0x1  }
0x1: {  	s0 =	rddreg [dreg:$0x0]  }
0x2: {  	s2 =	rddreg [dreg:$0x1]  }
0x3: {  	s1 =	rddreg [dreg:$0x2]  }
0x4: {  	s3 =	srdreg.scid;
	s16 =	stileid.u32;
	s17 =	simm.s32 $0x80  }
0x5: {  	s18 =	simm.s32 $0x5000;
	s19 =	simm.s32 $0x7000;
	s28 =	simm.s32 $0x13000  }
0x6: {  	s29 =	simm.s32 $0x3;
	s30 =	simm.s32 $0x2;
	s31 =	simm.s32 $0x4  }
0x7: {  	s5 =	sand.u32 $0x1, s3;
	s3 =	simm.s32 $0x0;
	s9 =	smul.u32 $0x9C00, s16  }
0x8: {  	s21 =	sshll.u32 s16, $0x6;
	s14 =	sadd.s32 $0x9C000, s1;
	p0 =	sne.s32 s16, $0xF  }
0x9: {  	s4 =	sshll.u32 s5, $0x4;
	[smem:$0x7FF] =	sst s3;
	s7 =	ssub.s32 $0x2, s5  }
0xa: {  	s22 =	smul.u32 $0x9C400, s5;
	s4 =	sor.u32 s16, s4;
	_ =	strace $0x8000004D  }
0xb: {  	s8 =	sshrl.u32 s9, $0x3;
	s10 =	sshrl.u32 s7, $0x1;
	s13 =	sadd.s32 s9, s1  }
0xc: {  	s16 =	sshrl.u32 @!p0 s14, $0x3;
	s6 =	smul.u32 $0x500, s4;
	s4 =	sadd.s32 $0x4A00, s0  }
0xd: {  	s20 =	sadd.s32 s8, s0;
	s12 =	ssub.s32 s7, s10;
	s9 =	sadd.s32 s9, s22  }
0xe: {  	s10 =	sshrl.u32 s22, $0x3;
	s13 =	sshrl.u32 s13, $0x3;
	s23 =	sadd.s32 $0x31600, s20  }
0xf: {  	s26 =	sshrl.u32 s9, $0x3;
	s15 =	sadd.s32 s2, s10;
	s12 =	smax.u32 s12, $0x1  }
0x10: {  	s11 =	sadd.s32 s6, s0;
	[dreg:$0x4] =	wrdreg s23;
	s6 =	sor.u32 $0x1C01, s21  }
0x11: {  	s0 =	sadd.s32 $0x44E00, s0;
	s10 =	sadd.s32 s2, s26;
	s21 =	simm.s32 $0x9000  }
0x12: {  	s23 =	simm.s32 $0xB000;
	s26 =	simm.s32 $0x11000;
	s24 =	sadd.s32 $0x18400, s11  }
0x13: {  	s25 =	sadd.s32 $0x22400, s11;
	[dreg:$0x7] =	wrdreg s0;
	s11 =	sadd.s32 $0x13800, s15  }
0x14: {  	s15 =	simm.s32 $0x1;
	s0 =	simm.s32 $0x0;
	[dreg:$0x5] =	wrdreg s24  }
0x15: {  	[dreg:$0x6] =	wrdreg s25;
	s24 =	simm.s32 $0xD000;
	s25 =	simm.s32 $0xF000  }
.LBB2_1:
0x16: {  	s2 =	rddreg [dreg:$0x4]  }
0x17: {  	[spmem:s13], [sflag:s6] =	dma.local [hbm:s2], $0x1380  }
0x18: {  	s2 =	rddreg [dreg:$0x5]  }
0x19: {  	[tilespmem:s3], [sflag:$0x1] =	stream.linear.gather [hbm4b:s2+s3], $0x2800, $0x38;
	[tilespmem:$0x1F440] =	vst v63  }
0x1a: {  	s5 =	simm.s32 $0x2800;
	s22 =	rddreg [dreg:$0x6]  }
0x1b: {  	[tilespmem:s5], [sflag:$0x1] =	stream.linear.gather [hbm4b:s22+s3], $0x2800, $0x38;
	[tilespmem:$0x1F440] =	vst v63  }
0x1c: {  	_ =	swait.ge [sflag:s15], $0x1380  }
0x1d: {  	[sflag:s15] =	ssyncset.done $0x0  }
0x1e: {  	[sflag:s15] =	ssyncadd.s32 $0xFFFFEC80  }
0x1f: {  	_ =	swait.ge [sflag:s15], $0x2800  }
0x20: {  	[sflag:s15] =	ssyncset.done $0x0  }
0x21: {  	[sflag:s15] =	ssyncadd.s32 $0xFFFFD800  }
0x22: {  	_ =	swait.ge [sflag:s15], $0x2800  }
0x23: {  	[sflag:s15] =	ssyncset.done $0x0  }
0x24: {  	s2 =	simm.s32 @!p0 $0x1FC5;
	s5 =	rddreg [dreg:$0x7];
	[sflag:s15] =	ssyncadd.s32 $0xFFFFD800  }
0x25: {  	[spmem:s16], [sflag:s2] =	dma.local @!p0 [hbm:s5], $0x80  }
0x26: {  	s2 =	simm.s32 @!p0 $0x5  }
0x27: {  	_ =	swait.ge @!p0 [sflag:s2], $0x80  }
0x28: {  	[sflag:s2] =	ssyncset.done @!p0 $0x0  }
0x29: {  	[sflag:s2] =	ssyncadd.s32 @!p0 $0xFFFFFF80  }
0x2a: {  	[bflag:$0x0] =	sbarrier.arrive $0xFFFF  }
0x2b: {  	[tilespmem:s18], [sflag:$0x1] =	stream.indirect.gather [hbm4b:s4+s17], $0x40, s3, s17, $0xb8;
	[tilespmem:$0x1F440] =	vst v63  }
0x2c: {  	p1 =	por $0x1, $0x1  }
0x2d: {  	[tilespmem:s19], [sflag:$0x1] =	stream.indirect.gather [hbm4b:s4+s17], $0x40, s17, s17, $0xb8;
	[tilespmem:$0x1F440] =	vst v63  }
0x2e: {  	s7 =	simm.s32 $0x100;
	p1 =	por p1, p1  }
0x2f: {  	[tilespmem:s21], [sflag:$0x1] =	stream.indirect.gather [hbm4b:s4+s17], $0x40, s7, s17, $0xb8;
	[tilespmem:$0x1F440] =	vst v63  }
0x30: {  	s8 =	simm.s32 $0x180;
	s2 =	simm.s32 @!p1 $0x4  }
0x31: {  	[tilespmem:s23], [sflag:$0x1] =	stream.indirect.gather [hbm4b:s4+s17], $0x40, s8, s17, $0xb8;
	[tilespmem:$0x1F440] =	vst v63  }
0x32: {  	_ =	swait.ge @!p1 [sflag:s2], $0x2000  }
0x33: {  	[sflag:s2] =	ssyncset.done @!p1 $0x0  }
0x34: {  	[sflag:s2] =	ssyncadd.s32 @!p1 $0xFFFFE000  }
0x35: {  	_ =	swait.ge @!p1 [sflag:s2], $0x2000  }
0x36: {  	[sflag:s2] =	ssyncset.done @!p1 $0x0  }
0x37: {  	[sflag:s2] =	ssyncadd.s32 @!p1 $0xFFFFE000  }
0x38: {  	_ =	swait.ge @!p1 [sflag:s2], $0x2000  }
0x39: {  	[sflag:s2] =	ssyncset.done @!p1 $0x0  }
0x3a: {  	[sflag:s2] =	ssyncadd.s32 @!p1 $0xFFFFE000  }
0x3b: {  	_ =	swait.ge @!p1 [sflag:s2], $0x2000  }
0x3c: {  	[sflag:s2] =	ssyncset.done @!p1 $0x0  }
0x3d: {  	s9 =	simm.s32 $0x200;
	[sflag:s2] =	ssyncadd.s32 @!p1 $0xFFFFE000  }
0x3e: {  	[tilespmem:s24], [sflag:$0x2] =	stream.indirect.gather [hbm4b:s4+s17], $0x40, s9, s17, $0xb8;
	[tilespmem:$0x1F440] =	vst v63  }
0x3f: {  	s14 =	simm.s32 $0x280  }
0x40: {  	[tilespmem:s25], [sflag:$0x2] =	stream.indirect.gather [hbm4b:s4+s17], $0x40, s14, s17, $0xb8;
	[tilespmem:$0x1F440] =	vst v63  }
0x41: {  	s20 =	simm.s32 $0x300  }
0x42: {  	[tilespmem:s26], [sflag:$0x2] =	stream.indirect.gather [hbm4b:s4+s17], $0x40, s20, s17, $0xb8;
	[tilespmem:$0x1F440] =	vst v63  }
0x43: {  	s22 =	simm.s32 $0x380  }
0x44: {  	[tilespmem:s28], [sflag:$0x2] =	stream.indirect.gather [hbm4b:s4+s17], $0x40, s22, s17, $0xb8;
	[tilespmem:$0x1F440] =	vst v63  }
0x45: {  	_ =	swait.ge [sflag:s15], $0x2000  }
0x46: {  	[sflag:s15] =	ssyncset.done $0x0  }
0x47: {  	[sflag:s15] =	ssyncadd.s32 $0xFFFFE000  }
0x48: {  	_ =	swait.ge [sflag:s15], $0x2000  }
0x49: {  	[sflag:s15] =	ssyncset.done $0x0  }
0x4a: {  	[sflag:s15] =	ssyncadd.s32 $0xFFFFE000  }
0x4b: {  	_ =	swait.ge [sflag:s15], $0x2000  }
0x4c: {  	[sflag:s15] =	ssyncset.done $0x0  }
0x4d: {  	[sflag:s15] =	ssyncadd.s32 $0xFFFFE000  }
0x4e: {  	_ =	swait.ge [sflag:s15], $0x2000  }
0x4f: {  	[sflag:s15] =	ssyncset.done $0x0  }
0x50: {  	s5 =	simm.s32 $0x2800;
	[sflag:s15] =	ssyncadd.s32 $0xFFFFE000  }
0x51: {  	[spmem:s1] =	stream.indirect.scatter.add.f32 [tilespmem:s18], [sflag:$0x3], $0x40, s5, s17, $0xb8;
	[tilespmem:$0x1F440] =	vst v63  }
0x52: {  	s7 =	simm.s32 $0x2880  }
0x53: {  	[spmem:s1] =	stream.indirect.scatter.add.f32 [tilespmem:s19], [sflag:$0x3], $0x40, s7, s17, $0xb8;
	[tilespmem:$0x1F440] =	vst v63  }
0x54: {  	s8 =	simm.s32 $0x2900  }
0x55: {  	[spmem:s1] =	stream.indirect.scatter.add.f32 [tilespmem:s21], [sflag:$0x3], $0x40, s8, s17, $0xb8;
	[tilespmem:$0x1F440] =	vst v63  }
0x56: {  	s9 =	simm.s32 $0x2980  }
0x57: {  	[spmem:s1] =	stream.indirect.scatter.add.f32 [tilespmem:s23], [sflag:$0x3], $0x40, s9, s17, $0xb8;
	[tilespmem:$0x1F440] =	vst v63  }
0x58: {  	_ =	swait.ge [sflag:s29], $0x2000  }
0x59: {  	[sflag:s29] =	ssyncset.done $0x0  }
0x5a: {  	[sflag:s29] =	ssyncadd.s32 $0xFFFFE000  }
0x5b: {  	_ =	swait.ge [sflag:s29], $0x2000  }
0x5c: {  	[sflag:s29] =	ssyncset.done $0x0  }
0x5d: {  	[sflag:s29] =	ssyncadd.s32 $0xFFFFE000  }
0x5e: {  	_ =	swait.ge [sflag:s29], $0x2000  }
0x5f: {  	[sflag:s29] =	ssyncset.done $0x0  }
0x60: {  	[sflag:s29] =	ssyncadd.s32 $0xFFFFE000  }
0x61: {  	p1 =	por $0x0, $0x0;
	_ =	swait.ge [sflag:s29], $0x2000  }
0x62: {  	s2 =	simm.s32 @!p1 $0x5000;
	[sflag:s29] =	ssyncset.done $0x0  }
0x63: {  	s14 =	simm.s32 @!p1 $0x400;
	s20 =	simm.s32 @!p1 $0x80;
	[sflag:s29] =	ssyncadd.s32 $0xFFFFE000  }
0x64: {  	[tilespmem:s2], [sflag:$0x1] =	stream.indirect.gather @!p1 [hbm4b:s4+s20], $0x40, s14, s20, $0xb8;
	[tilespmem:$0x1F440] =	vst v63  }
0x65: {  	s2 =	simm.s32 @!p1 $0x480;
	s14 =	simm.s32 @!p1 $0x7000  }
0x66: {  	[tilespmem:s14], [sflag:$0x1] =	stream.indirect.gather @!p1 [hbm4b:s4+s20], $0x40, s2, s20, $0xb8;
	[tilespmem:$0x1F440] =	vst v63  }
0x67: {  	s2 =	simm.s32 @!p1 $0x500;
	s14 =	simm.s32 @!p1 $0x9000  }
0x68: {  	[tilespmem:s14], [sflag:$0x1] =	stream.indirect.gather @!p1 [hbm4b:s4+s20], $0x40, s2, s20, $0xb8;
	[tilespmem:$0x1F440] =	vst v63  }
0x69: {  	s2 =	simm.s32 @!p1 $0x580;
	s14 =	simm.s32 @!p1 $0xB000  }
0x6a: {  	[tilespmem:s14], [sflag:$0x1] =	stream.indirect.gather @!p1 [hbm4b:s4+s20], $0x40, s2, s20, $0xb8;
	[tilespmem:$0x1F440] =	vst v63  }
0x6b: {  	_ =	swait.ge [sflag:s30], $0x2000  }
0x6c: {  	[sflag:s30] =	ssyncset.done $0x0  }
0x6d: {  	[sflag:s30] =	ssyncadd.s32 $0xFFFFE000  }
0x6e: {  	_ =	swait.ge [sflag:s30], $0x2000  }
0x6f: {  	[sflag:s30] =	ssyncset.done $0x0  }
0x70: {  	[sflag:s30] =	ssyncadd.s32 $0xFFFFE000  }
0x71: {  	_ =	swait.ge [sflag:s30], $0x2000  }
0x72: {  	[sflag:s30] =	ssyncset.done $0x0  }
0x73: {  	[sflag:s30] =	ssyncadd.s32 $0xFFFFE000  }
0x74: {  	_ =	swait.ge [sflag:s30], $0x2000  }
0x75: {  	[sflag:s30] =	ssyncset.done $0x0  }
0x76: {  	p6 =	por $0x0, $0x0;
	s14 =	simm.s32 $0x2A00;
	[sflag:s30] =	ssyncadd.s32 $0xFFFFE000  }
0x77: {  	[spmem:s1] =	stream.indirect.scatter.add.f32 [tilespmem:s24], [sflag:$0x4], $0x40, s14, s17, $0xb8;
	[tilespmem:$0x1F440] =	vst v63  }
0x78: {  	s22 =	simm.s32 $0x2B00;
	s20 =	simm.s32 $0x2A80;
	s2 =	simm.s32 $0x1000  }
0x79: {  	[spmem:s1] =	stream.indirect.scatter.add.f32 [tilespmem:s25], [sflag:$0x4], $0x40, s20, s17, $0xb8;
	[tilespmem:$0x1F440] =	vst v63  }
0x7a: {  	p1 =	por p6, p6;
	s14 =	simm.s32 $0x2000;
	s20 =	simm.s32 $0x2B80  }
0x7b: {  	[spmem:s1] =	stream.indirect.scatter.add.f32 [tilespmem:s26], [sflag:$0x4], $0x40, s22, s17, $0xb8;
	[tilespmem:$0x1F440] =	vst v63  }
.LBB2_2:
0x7c: {  	[spmem:s1] =	stream.indirect.scatter.add.f32 [tilespmem:s28], [sflag:$0x4], $0x40, s20, s17, $0xb8;
	[tilespmem:$0x1F440] =	vst v63  }
0x7d: {  	s22 =	smov.u32 s14  }
0x7e: {  	s14 =	sadd.s32 $0x1000, s14;
	s5 =	simm.s32 @!p1 $0x4;
	p3 =	seq.s32 s22, $0x0  }
0x7f: {  	p2 =	sne.s32 s14, $0xA000;
	_ =	swait.ge @!p1 [sflag:s5], $0x2000  }
0x80: {  	[sflag:s5] =	ssyncset.done @!p1 $0x0  }
0x81: {  	[sflag:s5] =	ssyncadd.s32 @!p1 $0xFFFFE000  }
0x82: {  	_ =	swait.ge @!p1 [sflag:s5], $0x2000  }
0x83: {  	[sflag:s5] =	ssyncset.done @!p1 $0x0  }
0x84: {  	[sflag:s5] =	ssyncadd.s32 @!p1 $0xFFFFE000  }
0x85: {  	_ =	swait.ge @!p1 [sflag:s5], $0x2000  }
0x86: {  	[sflag:s5] =	ssyncset.done @!p1 $0x0  }
0x87: {  	[sflag:s5] =	ssyncadd.s32 @!p1 $0xFFFFE000  }
0x88: {  	_ =	swait.ge @!p1 [sflag:s5], $0x2000  }
0x89: {  	s20 =	sshra.s32 s2, $0x2;
	[sflag:s5] =	ssyncset.done @!p1 $0x0  }
0x8a: {  	[sflag:s5] =	ssyncadd.s32 @!p1 $0xFFFFE000;
	s5 =	sadd.s32 $0x200, s20;
	p1 =	por p3, p3  }
0x8b: {  	[tilespmem:s24], [sflag:$0x2] =	stream.indirect.gather [hbm4b:s4+s17], $0x40, s5, s17, $0xb8;
	[tilespmem:$0x1F440] =	vst v63  }
0x8c: {  	s5 =	sadd.s32 $0x280, s20  }
0x8d: {  	[tilespmem:s25], [sflag:$0x2] =	stream.indirect.gather [hbm4b:s4+s17], $0x40, s5, s17, $0xb8;
	[tilespmem:$0x1F440] =	vst v63  }
0x8e: {  	s5 =	sadd.s32 $0x300, s20  }
0x8f: {  	[tilespmem:s26], [sflag:$0x2] =	stream.indirect.gather [hbm4b:s4+s17], $0x40, s5, s17, $0xb8;
	[tilespmem:$0x1F440] =	vst v63  }
0x90: {  	s5 =	sadd.s32 $0x380, s20  }
0x91: {  	[tilespmem:s28], [sflag:$0x2] =	stream.indirect.gather [hbm4b:s4+s17], $0x40, s5, s17, $0xb8;
	[tilespmem:$0x1F440] =	vst v63  }
0x92: {  	_ =	swait.ge [sflag:s15], $0x2000  }
0x93: {  	[sflag:s15] =	ssyncset.done $0x0  }
0x94: {  	[sflag:s15] =	ssyncadd.s32 $0xFFFFE000  }
0x95: {  	_ =	swait.ge [sflag:s15], $0x2000  }
0x96: {  	[sflag:s15] =	ssyncset.done $0x0  }
0x97: {  	[sflag:s15] =	ssyncadd.s32 $0xFFFFE000  }
0x98: {  	_ =	swait.ge [sflag:s15], $0x2000  }
0x99: {  	[sflag:s15] =	ssyncset.done $0x0  }
0x9a: {  	[sflag:s15] =	ssyncadd.s32 $0xFFFFE000  }
0x9b: {  	_ =	swait.ge [sflag:s15], $0x2000  }
0x9c: {  	[sflag:s15] =	ssyncset.done $0x0  }
0x9d: {  	s5 =	sadd.s32 $0x2800, s20;
	[sflag:s15] =	ssyncadd.s32 $0xFFFFE000  }
0x9e: {  	[spmem:s1] =	stream.indirect.scatter.add.f32 [tilespmem:s18], [sflag:$0x3], $0x40, s5, s17, $0xb8;
	[tilespmem:$0x1F440] =	vst v63  }
0x9f: {  	s5 =	sadd.s32 $0x2880, s20  }
0xa0: {  	[spmem:s1] =	stream.indirect.scatter.add.f32 [tilespmem:s19], [sflag:$0x3], $0x40, s5, s17, $0xb8;
	[tilespmem:$0x1F440] =	vst v63  }
0xa1: {  	s5 =	sadd.s32 $0x2900, s20  }
0xa2: {  	[spmem:s1] =	stream.indirect.scatter.add.f32 [tilespmem:s21], [sflag:$0x3], $0x40, s5, s17, $0xb8;
	[tilespmem:$0x1F440] =	vst v63  }
0xa3: {  	s5 =	sadd.s32 $0x2980, s20  }
0xa4: {  	[spmem:s1] =	stream.indirect.scatter.add.f32 [tilespmem:s23], [sflag:$0x3], $0x40, s5, s17, $0xb8;
	[tilespmem:$0x1F440] =	vst v63  }
0xa5: {  	_ =	swait.ge [sflag:s29], $0x2000  }
0xa6: {  	[sflag:s29] =	ssyncset.done $0x0  }
0xa7: {  	[sflag:s29] =	ssyncadd.s32 $0xFFFFE000  }
0xa8: {  	_ =	swait.ge [sflag:s29], $0x2000  }
0xa9: {  	[sflag:s29] =	ssyncset.done $0x0  }
0xaa: {  	[sflag:s29] =	ssyncadd.s32 $0xFFFFE000  }
0xab: {  	_ =	swait.ge [sflag:s29], $0x2000  }
0xac: {  	[sflag:s29] =	ssyncset.done $0x0  }
0xad: {  	[sflag:s29] =	ssyncadd.s32 $0xFFFFE000  }
0xae: {  	p3 =	seq.s32 s2, $0x9000;
	_ =	swait.ge [sflag:s29], $0x2000  }
0xaf: {  	s2 =	sshra.s32 @!p3 s2, $0x2;
	s5 =	simm.s32 @!p3 $0x5000;
	[sflag:s29] =	ssyncset.done $0x0  }
0xb0: {  	s8 =	simm.s32 @!p3 $0x80;
	s7 =	sadd.s32 @!p3 $0x400, s2;
	[sflag:s29] =	ssyncadd.s32 $0xFFFFE000  }
0xb1: {  	[tilespmem:s5], [sflag:$0x1] =	stream.indirect.gather @!p3 [hbm4b:s4+s8], $0x40, s7, s8, $0xb8;
	[tilespmem:$0x1F440] =	vst v63  }
0xb2: {  	s9 =	sadd.s32 @!p3 $0x500, s2;
	s5 =	sadd.s32 @!p3 $0x480, s2;
	s7 =	simm.s32 @!p3 $0x7000  }
0xb3: {  	[tilespmem:s7], [sflag:$0x1] =	stream.indirect.gather @!p3 [hbm4b:s4+s8], $0x40, s5, s8, $0xb8;
	[tilespmem:$0x1F440] =	vst v63  }
0xb4: {  	s5 =	simm.s32 @!p3 $0x9000;
	s7 =	sadd.s32 @!p3 $0x580, s2;
	s2 =	smov.u32 s22  }
0xb5: {  	[tilespmem:s5], [sflag:$0x1] =	stream.indirect.gather @!p3 [hbm4b:s4+s8], $0x40, s9, s8, $0xb8;
	[tilespmem:$0x1F440] =	vst v63  }
0xb6: {  	s5 =	simm.s32 @!p3 $0xB000  }
0xb7: {  	[tilespmem:s5], [sflag:$0x1] =	stream.indirect.gather @!p3 [hbm4b:s4+s8], $0x40, s7, s8, $0xb8;
	[tilespmem:$0x1F440] =	vst v63  }
0xb8: {  	_ =	swait.ge [sflag:s30], $0x2000  }
0xb9: {  	[sflag:s30] =	ssyncset.done $0x0  }
0xba: {  	[sflag:s30] =	ssyncadd.s32 $0xFFFFE000  }
0xbb: {  	_ =	swait.ge [sflag:s30], $0x2000  }
0xbc: {  	[sflag:s30] =	ssyncset.done $0x0  }
0xbd: {  	[sflag:s30] =	ssyncadd.s32 $0xFFFFE000  }
0xbe: {  	_ =	swait.ge [sflag:s30], $0x2000  }
0xbf: {  	[sflag:s30] =	ssyncset.done $0x0  }
0xc0: {  	[sflag:s30] =	ssyncadd.s32 $0xFFFFE000  }
0xc1: {  	_ =	swait.ge [sflag:s30], $0x2000  }
0xc2: {  	[sflag:s30] =	ssyncset.done $0x0  }
0xc3: {  	s5 =	sadd.s32 $0x2A00, s20;
	[sflag:s30] =	ssyncadd.s32 $0xFFFFE000  }
0xc4: {  	[spmem:s1] =	stream.indirect.scatter.add.f32 [tilespmem:s24], [sflag:$0x4], $0x40, s5, s17, $0xb8;
	[tilespmem:$0x1F440] =	vst v63  }
.Ltmp0:
0xc5: {  	s5 =	sadd.s32 $0x2A80, s20;
	(pc) =	sbr.rel @p2 .LBB2_2-.Ltmp0, $4  }
0xc6: {  	[spmem:s1] =	stream.indirect.scatter.add.f32 [tilespmem:s25], [sflag:$0x4], $0x40, s5, s17, $0xb8;
	[tilespmem:$0x1F440] =	vst v63  }
0xc7: {  	s5 =	sadd.s32 $0x2B00, s20  }
0xc8: {  	[spmem:s1] =	stream.indirect.scatter.add.f32 [tilespmem:s26], [sflag:$0x4], $0x40, s5, s17, $0xb8;
	[tilespmem:$0x1F440] =	vst v63  }
0xc9: {  	s20 =	sadd.s32 $0x2B80, s20  }
0xca: {  	[spmem:s1] =	stream.indirect.scatter.add.f32 [tilespmem:s28], [sflag:$0x4], $0x40, s20, s17, $0xb8;
	[tilespmem:$0x1F440] =	vst v63  }
0xcb: {  	s5 =	simm.s32 @!p1 $0x4  }
0xcc: {  	_ =	swait.ge @!p1 [sflag:s5], $0x2000  }
0xcd: {  	[sflag:s5] =	ssyncset.done @!p1 $0x0  }
0xce: {  	[sflag:s5] =	ssyncadd.s32 @!p1 $0xFFFFE000  }
0xcf: {  	_ =	swait.ge @!p1 [sflag:s5], $0x2000  }
0xd0: {  	[sflag:s5] =	ssyncset.done @!p1 $0x0  }
0xd1: {  	[sflag:s5] =	ssyncadd.s32 @!p1 $0xFFFFE000  }
0xd2: {  	_ =	swait.ge @!p1 [sflag:s5], $0x2000  }
0xd3: {  	[sflag:s5] =	ssyncset.done @!p1 $0x0  }
0xd4: {  	[sflag:s5] =	ssyncadd.s32 @!p1 $0xFFFFE000  }
0xd5: {  	_ =	swait.ge @!p1 [sflag:s5], $0x2000  }
0xd6: {  	s14 =	sshra.s32 s2, $0x2;
	[sflag:s5] =	ssyncset.done @!p1 $0x0  }
0xd7: {  	s20 =	sadd.s32 $0x200, s14;
	[sflag:s5] =	ssyncadd.s32 @!p1 $0xFFFFE000  }
0xd8: {  	[tilespmem:s24], [sflag:$0x2] =	stream.indirect.gather [hbm4b:s4+s17], $0x40, s20, s17, $0xb8;
	[tilespmem:$0x1F440] =	vst v63  }
0xd9: {  	s22 =	sadd.s32 $0x280, s14  }
0xda: {  	[tilespmem:s25], [sflag:$0x2] =	stream.indirect.gather [hbm4b:s4+s17], $0x40, s22, s17, $0xb8;
	[tilespmem:$0x1F440] =	vst v63  }
0xdb: {  	s7 =	sadd.s32 $0x300, s14  }
0xdc: {  	[tilespmem:s26], [sflag:$0x2] =	stream.indirect.gather [hbm4b:s4+s17], $0x40, s7, s17, $0xb8;
	[tilespmem:$0x1F440] =	vst v63  }
0xdd: {  	s8 =	sadd.s32 $0x380, s14  }
0xde: {  	[tilespmem:s28], [sflag:$0x2] =	stream.indirect.gather [hbm4b:s4+s17], $0x40, s8, s17, $0xb8;
	[tilespmem:$0x1F440] =	vst v63  }
0xdf: {  	_ =	swait.ge [sflag:s15], $0x2000  }
0xe0: {  	[sflag:s15] =	ssyncset.done $0x0  }
0xe1: {  	[sflag:s15] =	ssyncadd.s32 $0xFFFFE000  }
0xe2: {  	_ =	swait.ge [sflag:s15], $0x2000  }
0xe3: {  	[sflag:s15] =	ssyncset.done $0x0  }
0xe4: {  	[sflag:s15] =	ssyncadd.s32 $0xFFFFE000  }
0xe5: {  	_ =	swait.ge [sflag:s15], $0x2000  }
0xe6: {  	[sflag:s15] =	ssyncset.done $0x0  }
0xe7: {  	[sflag:s15] =	ssyncadd.s32 $0xFFFFE000  }
0xe8: {  	_ =	swait.ge [sflag:s15], $0x2000  }
0xe9: {  	[sflag:s15] =	ssyncset.done $0x0  }
0xea: {  	s9 =	sadd.s32 $0x2800, s14;
	[sflag:s15] =	ssyncadd.s32 $0xFFFFE000  }
0xeb: {  	[spmem:s1] =	stream.indirect.scatter.add.f32 [tilespmem:s18], [sflag:$0x3], $0x40, s9, s17, $0xb8;
	[tilespmem:$0x1F440] =	vst v63  }
0xec: {  	s20 =	sadd.s32 $0x2880, s14  }
0xed: {  	[spmem:s1] =	stream.indirect.scatter.add.f32 [tilespmem:s19], [sflag:$0x3], $0x40, s20, s17, $0xb8;
	[tilespmem:$0x1F440] =	vst v63  }
0xee: {  	s22 =	sadd.s32 $0x2900, s14  }
0xef: {  	[spmem:s1] =	stream.indirect.scatter.add.f32 [tilespmem:s21], [sflag:$0x3], $0x40, s22, s17, $0xb8;
	[tilespmem:$0x1F440] =	vst v63  }
0xf0: {  	s7 =	sadd.s32 $0x2980, s14  }
0xf1: {  	[spmem:s1] =	stream.indirect.scatter.add.f32 [tilespmem:s23], [sflag:$0x3], $0x40, s7, s17, $0xb8;
	[tilespmem:$0x1F440] =	vst v63  }
0xf2: {  	_ =	swait.ge [sflag:s29], $0x2000  }
0xf3: {  	[sflag:s29] =	ssyncset.done $0x0  }
0xf4: {  	[sflag:s29] =	ssyncadd.s32 $0xFFFFE000  }
0xf5: {  	_ =	swait.ge [sflag:s29], $0x2000  }
0xf6: {  	[sflag:s29] =	ssyncset.done $0x0  }
0xf7: {  	[sflag:s29] =	ssyncadd.s32 $0xFFFFE000  }
0xf8: {  	_ =	swait.ge [sflag:s29], $0x2000  }
0xf9: {  	[sflag:s29] =	ssyncset.done $0x0  }
0xfa: {  	[sflag:s29] =	ssyncadd.s32 $0xFFFFE000  }
0xfb: {  	p1 =	seq.s32 s2, $0x9000;
	_ =	swait.ge [sflag:s29], $0x2000  }
0xfc: {  	s2 =	sshra.s32 @!p1 s2, $0x2;
	s5 =	simm.s32 @!p1 $0x5000;
	[sflag:s29] =	ssyncset.done $0x0  }
0xfd: {  	s8 =	simm.s32 @!p1 $0x80;
	s7 =	sadd.s32 @!p1 $0x400, s2;
	[sflag:s29] =	ssyncadd.s32 $0xFFFFE000  }
0xfe: {  	[tilespmem:s5], [sflag:$0x1] =	stream.indirect.gather @!p1 [hbm4b:s4+s8], $0x40, s7, s8, $0xb8;
	[tilespmem:$0x1F440] =	vst v63  }
0xff: {  	s5 =	sadd.s32 @!p1 $0x480, s2;
	s7 =	simm.s32 @!p1 $0x7000  }
0x100: {  	[tilespmem:s7], [sflag:$0x1] =	stream.indirect.gather @!p1 [hbm4b:s4+s8], $0x40, s5, s8, $0xb8;
	[tilespmem:$0x1F440] =	vst v63  }
0x101: {  	s5 =	sadd.s32 @!p1 $0x500, s2;
	s7 =	simm.s32 @!p1 $0x9000  }
0x102: {  	[tilespmem:s7], [sflag:$0x1] =	stream.indirect.gather @!p1 [hbm4b:s4+s8], $0x40, s5, s8, $0xb8;
	[tilespmem:$0x1F440] =	vst v63  }
0x103: {  	s2 =	sadd.s32 @!p1 $0x580, s2;
	s5 =	simm.s32 @!p1 $0xB000  }
0x104: {  	[tilespmem:s5], [sflag:$0x1] =	stream.indirect.gather @!p1 [hbm4b:s4+s8], $0x40, s2, s8, $0xb8;
	[tilespmem:$0x1F440] =	vst v63  }
0x105: {  	_ =	swait.ge [sflag:s30], $0x2000  }
0x106: {  	[sflag:s30] =	ssyncset.done $0x0  }
0x107: {  	[sflag:s30] =	ssyncadd.s32 $0xFFFFE000  }
0x108: {  	_ =	swait.ge [sflag:s30], $0x2000  }
0x109: {  	[sflag:s30] =	ssyncset.done $0x0  }
0x10a: {  	[sflag:s30] =	ssyncadd.s32 $0xFFFFE000  }
0x10b: {  	_ =	swait.ge [sflag:s30], $0x2000  }
0x10c: {  	[sflag:s30] =	ssyncset.done $0x0  }
0x10d: {  	[sflag:s30] =	ssyncadd.s32 $0xFFFFE000  }
0x10e: {  	_ =	swait.ge [sflag:s30], $0x2000  }
0x10f: {  	[sflag:s30] =	ssyncset.done $0x0  }
0x110: {  	s8 =	sadd.s32 $0x2A00, s14;
	[sflag:s30] =	ssyncadd.s32 $0xFFFFE000  }
0x111: {  	[spmem:s1] =	stream.indirect.scatter.add.f32 [tilespmem:s24], [sflag:$0x4], $0x40, s8, s17, $0xb8;
	[tilespmem:$0x1F440] =	vst v63  }
0x112: {  	s9 =	sadd.s32 $0x2A80, s14  }
0x113: {  	[spmem:s1] =	stream.indirect.scatter.add.f32 [tilespmem:s25], [sflag:$0x4], $0x40, s9, s17, $0xb8;
	[tilespmem:$0x1F440] =	vst v63  }
0x114: {  	s20 =	sadd.s32 $0x2B00, s14  }
0x115: {  	[spmem:s1] =	stream.indirect.scatter.add.f32 [tilespmem:s26], [sflag:$0x4], $0x40, s20, s17, $0xb8;
	[tilespmem:$0x1F440] =	vst v63  }
0x116: {  	s22 =	sadd.s32 $0x2B80, s14  }
0x117: {  	[spmem:s1] =	stream.indirect.scatter.add.f32 [tilespmem:s28], [sflag:$0x4], $0x40, s22, s17, $0xb8;
	[tilespmem:$0x1F440] =	vst v63  }
0x118: {  	_ =	swait.ge [sflag:s31], $0x2000  }
0x119: {  	[sflag:s31] =	ssyncset.done $0x0  }
0x11a: {  	[sflag:s31] =	ssyncadd.s32 $0xFFFFE000  }
0x11b: {  	_ =	swait.ge [sflag:s31], $0x2000  }
0x11c: {  	[sflag:s31] =	ssyncset.done $0x0  }
0x11d: {  	[sflag:s31] =	ssyncadd.s32 $0xFFFFE000  }
0x11e: {  	_ =	swait.ge [sflag:s31], $0x2000  }
0x11f: {  	[sflag:s31] =	ssyncset.done $0x0  }
0x120: {  	[sflag:s31] =	ssyncadd.s32 $0xFFFFE000  }
0x121: {  	_ =	swait.ge [sflag:s31], $0x2000  }
0x122: {  	[sflag:s31] =	ssyncset.done $0x0  }
0x123: {  	[sflag:s31] =	ssyncadd.s32 $0xFFFFE000  }
0x124: {  	s2 =	simm.s32 @!p0 $0x1FC5;
	[bflag:$0x0] =	sbarrier.arrive $0xFFFF  }
0x125: {  	[hbm:s10], [sflag:s6] =	dma.local [spmem:s13], $0x1380  }
0x126: {  	[hbm:s11], [sflag:s2] =	dma.local @!p0 [spmem:s16], $0x80  }
0x127: {  	s0 =	sadd.s32 $0x1, s0;
	s2 =	simm.s32 @!p0 $0x5  }
0x128: {  	p1 =	sne.s32 s0, s12;
	_ =	swait.ge @!p0 [sflag:s2], $0x80  }
.Ltmp1:
0x129: {  	[sflag:s2] =	ssyncset.done @!p0 $0x0;
	(pc) =	sbr.rel @p1 .LBB2_1-.Ltmp1, $4  }
0x12a: {  	[sflag:s2] =	ssyncadd.s32 @!p0 $0xFFFFFF80  }
0x12b: {  	_ =	swait.ge [sflag:s15], $0x1380  }
0x12c: {  	[sflag:s15] =	ssyncset.done $0x0  }
0x12d: {  	[sflag:s15] =	ssyncadd.s32 $0xFFFFEC80  }
0x12e: {  	_ =	sfence.sel $0x180000  }
0x12f: {  	[bflag:$0x0] =	sbarrier.arrive $0xFFFF  }
0x130: {  	_ =	strace $0x9000004D  }
0x131: {  	s0 =	stileid.u32;
	[bflag:$0x2] =	sbarrier.arrive $0xFFFF  }
0x132: {  	p0 =	sne.s32 s0, $0x0;
	s0 =	rddreg [dreg:$0x3]  }
0x133: {  	s0 =	sadd.s32 @!p0 $0x100000, s0  }
0x134: {  	[sflag:s0] =	ssyncadd.tile.s32 @!p0 $0x1;
	_ =	shalt  }
.Lfunc_end2:
_tile_overlayer_lowered:
.L_overlay_start_2:
0x135: {  	(tag) =	ssettag $0x2  }
0x136: {  	s0 =	rddreg [dreg:$0x0];
	s2 =	stileid.u32  }
0x137: {  	s1 =	rddreg [dreg:$0x1];
	p0 =	sne.s32 s2, $0x0  }
0x138: {  	s3 =	rddreg [dreg:$0x2];
	[bflag:$0x3] =	sbarrier.arrive $0xFFFF;
	s2 =	simm.s32 @!p0 $0x1C05  }
0x139: {  	[timem:s3], [sflag:s2] =	dma.local @!p0 [hbm:s0], s1  }
0x13a: {  	s0 =	simm.s32 @!p0 $0x5  }
0x13b: {  	_ =	swait.ge @!p0 [sflag:s0], s1  }
0x13c: {  	s1 =	ssub.s32 @!p0 $0x0, s1;
	[sflag:s0] =	ssyncset.done @!p0 $0x0  }
0x13d: {  	[sflag:s0] =	ssyncadd.s32 @!p0 s1  }
0x13e: {  	[bflag:$0x3] =	sbarrier.arrive $0xFFFF  }
0x13f: {  	_ =	shalt  }

// kernel: kernel.9.cloned.1.call-start
scs
__scs_entry_jumppad:
0x0: {  	(pc) =	sbr.rel $0x88, $3  }
0x1: {  	(tag) =	ssettag $0x0;
	lr =	simm.s32 $0x1  }
0x2: {  	[smem:$0x3F8A] =	sst lr;
	_ =	strace $0xD0000000  }
0x3: {  	_ = 	snop  }
0x4: {  	_ = 	snop  }
0x5: {  	_ = 	snop  }
0x6: {  	_ = 	snop  }
0x7: {  	_ = 	snop  }
__scs_overlays_trampoline_lowered:
0x8: {  	[smem:$0x3F99] =	sst s0  }
0x9: {  	[smem:$0x3F9A] =	sst s1  }
0xa: {  	[smem:$0x3F9B] =	sst s2  }
0xb: {  	[smem:$0x3F9C] =	sst s3  }
0xc: {  	[smem:$0x3F9D] =	sst s4  }
0xd: {  	[smem:$0x3F9E] =	sst s5  }
0xe: {  	[smem:$0x3F9F] =	sst s6  }
0xf: {  	[smem:$0x3FA0] =	sst s7  }
0x10: {  	[smem:$0x3FA1] =	sst s8  }
0x11: {  	[smem:$0x3FA2] =	sst s9;
	s0 =	simm.s32 @!p0 $0x0  }
0x12: {  	s1 =	sld [smem:$0x3F88];
	s0 =	simm.s32 @p0 $0x1  }
0x13: {  	[smem:$0x3FA3] =	sst s0;
	s0 =	simm.s32 @!p1 $0x0  }
0x14: {  	s2 =	sld [smem:$0x3F87];
	s0 =	simm.s32 @p1 $0x1  }
0x15: {  	[smem:$0x3FA4] =	sst s0;
	s0 =	simm.s32 @!p2 $0x0  }
0x16: {  	s3 =	sld [smem:$0x3FDB];
	s0 =	simm.s32 @p2 $0x1  }
0x17: {  	s4 =	simm.s32 $0x1BF5;
	[smem:$0x3FA6] =	sst s0  }
0x18: {  	s0 =	sld [smem:$0x3F89];
	_ =	swait.ge [sflag:s4], $0x0  }
0x19: {  	s7 =	sld [smem:$0x3F8A]  }
0x1a: {  	s8 =	sadd.s32 $0xFFFFE003, lr  }
0x1b: {  	s9 =	sadd.s32 $0xFFFFFEF7, lr;
	s5 =	simm.s32 $0xFFFFFFFF;
	p2 =	slt.u32 s8, $0xFFFFF086  }
0x1c: {  	p1 =	slt.u32 s9, $0xF7A;
	s5 =	simm.s32 @!p2 $0x0  }
0x1d: {  	s5 =	simm.s32 @p1 $0x1;
	p0 =	seq.s32 s7, s2  }
0x1e: {  	s7 =	smul.u32 @!p0 $0xF7A, s2;
	p2 =	seq.s32 @!p0 s5, $0x0  }
0x1f: {  	s9 =	smul.u32 $0xF7A, s1;
	s8 =	simm.s32 @!p0 $0x1BF5;
	p2 =	por !p2, p0  }
0x20: {  	[sflag:s8] =	ssyncset.s32 @!p0 $0xFFFFF086;
	s6 =	sadd.s32 @!p0 s3, s7;
	s7 =	simm.s32 @!p0 $0x108  }
0x21: {  	s3 =	sadd.s32 s3, s9;
	s6 =	sadd.s32 @!p0 $0x88, s6;
	s7 =	simm.s32 @p2 $0x1082  }
0x22: {  	[simem:s7], [sflag:s8] =	dma.local @!p0 [hbm:s6], $0xF7A  }
0x23: {  	s9 =	sor.u32 $0xD0000000, s2;
	s6 =	simm.s32 $0x108;
	_ =	swait.ge @!p0 [sflag:s8], $0x0  }
0x24: {  	s3 =	sadd.s32 $0x88, s3;
	s6 =	simm.s32 @!p1 $0x1082;
	[sflag:s4] =	ssyncset.s32 $0xFFFFF086  }
0x25: {  	[simem:s6], [sflag:s4] =	dma.local [hbm:s3], $0xF7A  }
0x26: {  	[smem:$0x3F8A] =	sst s1;
	(tag) =	ssettag s2;
	_ =	strace s9  }
0x27: {  	s1 =	sld [smem:$0x3F9A]  }
0x28: {  	s2 =	sld [smem:$0x3F9B]  }
0x29: {  	s4 =	sld [smem:$0x3F9D]  }
0x2a: {  	p0 =	seq.s32 s5, $0x0;
	s5 =	sld [smem:$0x3F9E]  }
0x2b: {  	s6 =	sld [smem:$0x3F9F]  }
0x2c: {  	s7 =	sld [smem:$0x3FA0]  }
0x2d: {  	s3 =	simm.s32 $0x108;
	s8 =	sld [smem:$0x3FA1]  }
0x2e: {  	s3 =	simm.s32 @!p0 $0x1082;
	s9 =	sld [smem:$0x3FA2]  }
0x2f: {  	lr =	sadd.s32 s0, s3;
	s0 =	sld [smem:$0x3F99]  }
0x30: {  	s3 =	sld [smem:$0x3F9C]  }
0x31: {  	[smem:$0x3FA5] =	sst s10  }
0x32: {  	s10 =	sld [smem:$0x3FA3];
	_ =	sdelay $0x3  }
0x33: {  	p0 =	seq.s32 s10, $0x1;
	s10 =	sld [smem:$0x3FA5];
	_ =	sdelay $0x3  }
0x34: {  	[smem:$0x3FA5] =	sst s10  }
0x35: {  	s10 =	sld [smem:$0x3FA4];
	_ =	sdelay $0x3  }
0x36: {  	p1 =	seq.s32 s10, $0x1;
	s10 =	sld [smem:$0x3FA5];
	_ =	sdelay $0x3  }
0x37: {  	[smem:$0x3FA5] =	sst s10  }
0x38: {  	s10 =	sld [smem:$0x3FA6]  }
0x39: {  	_ = 	snop;
	(pc) =	sbr.ind lr, $3  }
0x3a: {  	_ = 	snop  }
0x3b: {  	_ = 	snop  }
0x3c: {  	p2 =	seq.s32 s10, $0x1;
	s10 =	sld [smem:$0x3FA5]  }
0x3d: {  	_ =	shalt  }
0x3e: {  	_ =	shalt  }
0x3f: {  	_ =	shalt  }
0x40: {  	_ =	shalt  }
0x41: {  	_ =	shalt  }
0x42: {  	_ =	shalt  }
0x43: {  	_ =	shalt  }
0x44: {  	_ =	shalt  }
0x45: {  	_ =	shalt  }
0x46: {  	_ =	shalt  }
0x47: {  	_ =	shalt  }
0x48: {  	_ =	shalt  }
0x49: {  	_ =	shalt  }
0x4a: {  	_ =	shalt  }
0x4b: {  	_ =	shalt  }
0x4c: {  	_ =	shalt  }
0x4d: {  	_ =	shalt  }
0x4e: {  	_ =	shalt  }
0x4f: {  	_ =	shalt  }
0x50: {  	_ =	shalt  }
0x51: {  	_ =	shalt  }
0x52: {  	_ =	shalt  }
0x53: {  	_ =	shalt  }
0x54: {  	_ =	shalt  }
0x55: {  	_ =	shalt  }
0x56: {  	_ =	shalt  }
0x57: {  	_ =	shalt  }
0x58: {  	_ =	shalt  }
0x59: {  	_ =	shalt  }
0x5a: {  	_ =	shalt  }
0x5b: {  	_ =	shalt  }
0x5c: {  	_ =	shalt  }
0x5d: {  	_ =	shalt  }
0x5e: {  	_ =	shalt  }
0x5f: {  	_ =	shalt  }
0x60: {  	_ =	shalt  }
0x61: {  	_ =	shalt  }
0x62: {  	_ =	shalt  }
0x63: {  	_ =	shalt  }
0x64: {  	_ =	shalt  }
0x65: {  	_ =	shalt  }
0x66: {  	_ =	shalt  }
0x67: {  	_ =	shalt  }
0x68: {  	_ =	shalt  }
0x69: {  	_ =	shalt  }
0x6a: {  	_ =	shalt  }
0x6b: {  	_ =	shalt  }
0x6c: {  	_ =	shalt  }
0x6d: {  	_ =	shalt  }
0x6e: {  	_ =	shalt  }
0x6f: {  	_ =	shalt  }
0x70: {  	_ =	shalt  }
0x71: {  	_ =	shalt  }
0x72: {  	_ =	shalt  }
0x73: {  	_ =	shalt  }
0x74: {  	_ =	shalt  }
0x75: {  	_ =	shalt  }
0x76: {  	_ =	shalt  }
0x77: {  	_ =	shalt  }
0x78: {  	_ =	shalt  }
0x79: {  	_ =	shalt  }
0x7a: {  	_ =	shalt  }
0x7b: {  	_ =	shalt  }
0x7c: {  	_ =	shalt  }
0x7d: {  	_ =	shalt  }
0x7e: {  	_ =	shalt  }
0x7f: {  	_ =	shalt  }
0x80: {  	_ =	shalt  }
0x81: {  	_ =	shalt  }
0x82: {  	_ =	shalt  }
0x83: {  	_ =	shalt  }
0x84: {  	_ =	shalt  }
0x85: {  	_ =	shalt  }
0x86: {  	_ =	shalt  }
0x87: {  	_ =	shalt  }
.Lfunc_end0:
.L_simem_size_0:
called_computation_lowered:
.L_overlay_start_0:
0x88: {  	s2 =	sld [smem:$0x3FD9]  }
0x89: {  	s3 =	sld [smem:$0x3FFE];
	_ =	sdelay $0x1  }
0x8a: {  	s1 =	srdreg.scid  }
0x8b: {  	s0 =	sand.u32 $0x1, s1  }
0x8c: {  	s17 =	sshll.u32 s0, $0xA;
	s2 =	sadd.s32 s3, s2  }
0x8d: {  	s2 =	sadd.s32 s2, s17  }
0x8e: {  	[smem:$0x3FB1] =	sst s2  }
0x8f: {  	_ = 	snop  }
0x90: {  	s2 =	sld [smem:$0x3FD0];
	(tm) =	ssettm $0x1  }
0x91: {  	s18 =	sld [smem:$0x3FFB];
	_ =	sdelay $0x3  }
0x92: {  	_ =	strace s18  }
0x93: {  	s3 =	sld [smem:$0x3FFC];
	_ =	sdelay $0x3  }
0x94: {  	_ =	strace s3  }
0x95: {  	s3 =	sld [smem:$0x3FFD];
	_ =	sdelay $0x3  }
0x96: {  	_ =	strace s3  }
0x97: {  	_ =	strace $0x8FFFFFFF  }
0x98: {  	s19 =	sld [smem:$0x3FDB];
	_ =	sdelay $0x1  }
0x99: {  	s4 =	simm.s32 $_scs_section_size  }
0x9a: {  	s5 =	simm.s32 $_size__tile_overlayer_lowered;
	s6 =	simm.s32 $_tile_overlayer_lowered  }
0x9b: {  	s22 =	simm.s32 $0x1BFF;
	s21 =	sshll.u32 s6, $0x1;
	s3 =	sadd.s32 s4, s19  }
0x9c: {  	s7 =	simm.s32 $0x0;
	s20 =	sshll.u32 s5, $0x1;
	s5 =	sadd.s32 s21, s3  }
0x9d: {  	[timem:s7], [sflag:s22] =	dma.local [hbm:s5], s20  }
0x9e: {  	_ =	swait.ge [sflag:s22], s20  }
0x9f: {  	s4 =	ssub.s32 $0x0, s20;
	[sflag:s22] =	ssyncset.done $0x0  }
0xa0: {  	[sflag:s22] =	ssyncadd.s32 s4;
	_ =	sdelay $0x1  }
0xa1: {  	s23 =	simm.s32 $0x1B8B  }
0xa2: {  	_ =	swait.ge [sflag:s23], $0x1  }
0xa3: {  	[sflag:s23] =	ssyncset.done $0x0  }
0xa4: {  	s25 =	simm.s32 $0x1B8E;
	s24 =	sld [smem:$0x3FFE];
	[sflag:s23] =	ssyncadd.s32 $0xFFFFFFFF  }
0xa5: {  	s26 =	simm.s32 $execute0_lowered;
	[smem:$0x3FD2] =	sst s25  }
0xa6: {  	s5 =	sshll.u32 s26, $0x1;
	_ =	strace $0x80000046;
	[dreg:$0x1] =	wrdreg $0xFFFFFFFF  }
0xa7: {  	s28 =	simm.s32 $_size_execute0_lowered;
	s3 =	sadd.s32 s3, s5;
	[dreg:$0x0] =	wrdreg $0x0  }
0xa8: {  	s5 =	sshll.u32 s28, $0x1;
	[dreg:$0x2] =	wrdreg s3  }
0xa9: {  	[dreg:$0x3] =	wrdreg s5  }
0xaa: {  	[dreg:$0x4] =	wrdreg $0xC0  }
0xab: {  	_ =	task [dreg:s7], $0x5FFFF  }
0xac: {  	[dreg:$0x1] =	wrdreg $0xFFFFFFFF  }
0xad: {  	[dreg:$0x0] =	wrdreg $0x60  }
0xae: {  	[dreg:$0x2] =	wrdreg s24  }
0xaf: {  	[dreg:$0x3] =	wrdreg s2  }
0xb0: {  	[dreg:$0x4] =	wrdreg $0xD0000  }
0xb1: {  	[dreg:$0x5] =	wrdreg $0x178400  }
0xb2: {  	[dreg:$0x6] =	wrdreg $0x9  }
0xb3: {  	_ =	task.clear_ibuf [dreg:s7], $0x7FFFF;
	_ =	strace $0x90000046  }
0xb4: {  	s29 =	simm.s32 $0x9;
	_ =	strace $0x80000048  }
0xb5: {  	_ =	swait.ge [sflag:s29], $0x1  }
0xb6: {  	[sflag:s29] =	ssyncadd.s32 $0xFFFFFFFF  }
0xb7: {  	_ =	strace $0x90000048  }
0xb8: {  	_ =	sfence  }
0xb9: {  	s30 =	sld [smem:$0x0];
	_ =	sdelay $0x2  }
0xba: {  	s31 =	sshll.u32 s1, $0xD;
	s1 =	sshrl.u32 s1, $0x2  }
0xbb: {  	s3 =	sand.u32 $0x4000, s31;
	s1 =	sadd.s32 s1, s30  }
0xbc: {  	s0 =	sor.u32 s3, s0;
	s1 =	sshll.u32 s1, $0x11  }
0xbd: {  	s0 =	sor.u32 s1, s0  }
0xbe: {  	s0 =	sadd.s32 $0x8F2B, s0  }
0xbf: {  	[sflag:s0] =	ssyncadd.remote.s32 $0x1  }
0xc0: {  	_ =	sfence.sel $0xFFFF  }
0xc1: {  	[dreg:$0x0] =	wrdreg $0xFFFFFFFF;
	(pc) =	sbr.abs _section_cstart, $3  }
0xc2: {  	[dreg:$0x1] =	wrdreg $0xFFFFFFFF  }
0xc3: {  	_ =	task.clear_ibuf [dreg:s7], $0x2FFFF;
	_ =	strace $0x9FFFFFFF  }
0xc4: {  	(tm) =	ssettm $0x7FFFFFFF  }
0xc5: {  	_ =	shalt  }
tec
execute0_lowered:
.L_overlay_start_1:
0x0: {  	(tag) =	ssettag $0x1  }
0x1: {  	s0 =	rddreg [dreg:$0x0]  }
0x2: {  	s6 =	rddreg [dreg:$0x1]  }
0x3: {  	s1 =	srdreg.scid;
	s2 =	rddreg [dreg:$0x2]  }
0x4: {  	s15 =	stileid.u32;
	s3 =	rddreg [dreg:$0x3]  }
0x5: {  	s23 =	simm.s32 $0x0;
	s31 =	simm.s32 $0x17440;
	s30 =	simm.s32 $0x5000  }
0x6: {  	s1 =	sand.u32 $0x1, s1;
	[smem:$0x7FF] =	sst s23;
	s8 =	smul.u32 $0x9C00, s15  }
0x7: {  	s10 =	smul.u32 $0x2700, s15;
	s24 =	sadd.s32 $0x2C400, s0;
	s14 =	sadd.s32 $0x45000, s0  }
0x8: {  	s25 =	sshll.u32 s15, $0x6;
	s16 =	sadd.s32 $0x44E00, s0;
	s17 =	sadd.s32 $0x27000, s3  }
0x9: {  	p0 =	sne.s32 s15, $0xF;
	_ =	strace $0x80000047;
	[dreg:$0x5] =	wrdreg s24  }
0xa: {  	s4 =	sshll.u32 s1, $0x4;
	s12 =	ssub.s32 $0x2, s1;
	[dreg:$0xd] =	wrdreg s16  }
0xb: {  	s1 =	smul.u32 $0x9C400, s1;
	[dreg:$0xe] =	wrdreg s17;
	s16 =	simm.s32 $0x4  }
0xc: {  	s5 =	sor.u32 s15, s4;
	s9 =	sshrl.u32 s8, $0x3;
	s11 =	sshrl.u32 s10, $0x3  }
0xd: {  	s13 =	sshrl.u32 s12, $0x1;
	s26 =	sadd.s32 s8, s2;
	s10 =	sadd.s32 s10, s3  }
0xe: {  	s7 =	smul.u32 $0x500, s5;
	s5 =	sadd.s32 $0x4A00, s0;
	s9 =	sadd.s32 s9, s0  }
0xf: {  	s11 =	sadd.s32 s11, s0;
	s12 =	ssub.s32 s12, s13;
	[dreg:$0x6] =	wrdreg s26  }
0x10: {  	[dreg:$0xa] =	wrdreg s10;
	s13 =	sadd.s32 $0x9C000, s2;
	s18 =	sadd.s32 s8, s1  }
0x11: {  	s1 =	sshrl.u32 s1, $0x3;
	s28 =	sadd.s32 $0x31600, s9;
	[dreg:$0xc] =	wrdreg s13  }
0x12: {  	s9 =	sor.u32 $0x1C01, s25;
	s11 =	sadd.s32 $0x2C600, s11;
	[dreg:$0x7] =	wrdreg s28  }
0x13: {  	s19 =	sshrl.u32 s18, $0x3;
	s25 =	smax.u32 s12, $0x1;
	[dreg:$0xb] =	wrdreg s11  }
0x14: {  	s7 =	sadd.s32 s7, s0;
	s0 =	sadd.s32 $0x31400, s0;
	[dreg:$0x17] =	wrdreg s25  }
0x15: {  	s22 =	sadd.s32 $0x13800, s1;
	s20 =	sadd.s32 s6, s19;
	[dreg:$0xf] =	wrdreg s0  }
0x16: {  	s23 =	sadd.s32 s14, s1;
	s6 =	sadd.s32 s6, s22;
	[dreg:$0x10] =	wrdreg s20  }
0x17: {  	s15 =	simm.s32 $0x2;
	s1 =	sadd.s32 $0x13802, s23;
	[dreg:$0x12] =	wrdreg s6  }
0x18: {  	s8 =	simm.s32 $0x8000;
	s24 =	sadd.s32 $0x13804, s23;
	[dreg:$0x14] =	wrdreg s1  }
0x19: {  	s10 =	simm.s32 $0x9000;
	s21 =	sadd.s32 s14, s19;
	[dreg:$0x15] =	wrdreg s24  }
0x1a: {  	s12 =	simm.s32 $0xB000;
	s29 =	sadd.s32 $0x18400, s7;
	[dreg:$0x11] =	wrdreg s21  }
0x1b: {  	s13 =	simm.s32 $0xC000;
	s7 =	sadd.s32 $0x22400, s7;
	[dreg:$0x8] =	wrdreg s29  }
0x1c: {  	s18 =	simm.s32 $0x0;
	s0 =	sadd.s32 s14, s22;
	[dreg:$0x9] =	wrdreg s7  }
0x1d: {  	s11 =	simm.s32 $0xA000;
	s26 =	sadd.s32 $0x2, s21;
	[dreg:$0x13] =	wrdreg s0  }
0x1e: {  	s28 =	sadd.s32 $0x4, s21;
	s1 =	simm.s32 $0x1;
	[dreg:$0x18] =	wrdreg s26  }
0x1f: {  	s6 =	simm.s32 $0x6000;
	s0 =	sadd.s32 $0x13806, s23;
	[dreg:$0x19] =	wrdreg s28  }
0x20: {  	s14 =	simm.s32 $0x3;
	s29 =	sadd.s32 $0x6, s21;
	[dreg:$0x16] =	wrdreg s0  }
0x21: {  	s7 =	simm.s32 $0x7000;
	[dreg:$0x1a] =	wrdreg s29;
	s0 =	simm.s32 $0x40  }
.LBB2_1:
0x22: {  	s4 =	rddreg [dreg:$0x6]  }
0x23: {  	s25 =	rddreg [dreg:$0x7];
	s20 =	sshrl.u32 s4, $0x3  }
0x24: {  	[spmem:s20], [sflag:s9] =	dma.local [hbm:s25], $0x1380  }
0x25: {  	s17 =	rddreg [dreg:$0x8]  }
0x26: {  	s26 =	rddreg [dreg:$0x9]  }
0x27: {  	s4 =	simm.s32 $0x0;
	s28 =	rddreg [dreg:$0xa]  }
0x28: {  	[tilespmem:s4], [sflag:$0x1] =	stream.linear.gather [hbm4b:s17+s4], $0x2800, $0x38;
	[tilespmem:$0x1A150] =	vst v63  }
0x29: {  	s19 =	simm.s32 $0x2800;
	s29 =	rddreg [dreg:$0xb];
	s21 =	sshrl.u32 s28, $0x3  }
0x2a: {  	[tilespmem:s19], [sflag:$0x1] =	stream.linear.gather [hbm4b:s26+s4], $0x2800, $0x38;
	[tilespmem:$0x1A150] =	vst v63  }
0x2b: {  	[spmem:s21], [sflag:s9] =	dma.local [hbm:s29], $0x4E0  }
0x2c: {  	s17 =	rddreg [dreg:$0x5]  }
0x2d: {  	[tilespmem:s31], [sflag:$0x1] =	stream.linear.gather [hbm4b:s17+s4], $0x400, $0x38;
	[tilespmem:$0x1A150] =	vst v63  }
0x2e: {  	_ =	swait.ge [sflag:s1], $0x1380  }
0x2f: {  	[sflag:s1] =	ssyncset.done $0x0  }
0x30: {  	[sflag:s1] =	ssyncadd.s32 $0xFFFFEC80  }
0x31: {  	_ =	swait.ge [sflag:s1], $0x2800  }
0x32: {  	[sflag:s1] =	ssyncset.done $0x0  }
0x33: {  	[sflag:s1] =	ssyncadd.s32 $0xFFFFD800  }
0x34: {  	_ =	swait.ge [sflag:s1], $0x2800  }
0x35: {  	[sflag:s1] =	ssyncset.done $0x0  }
0x36: {  	[sflag:s1] =	ssyncadd.s32 $0xFFFFD800  }
0x37: {  	_ =	swait.ge [sflag:s1], $0x4E0  }
0x38: {  	[sflag:s1] =	ssyncset.done $0x0  }
0x39: {  	[sflag:s1] =	ssyncadd.s32 $0xFFFFFB20  }
0x3a: {  	s24 =	simm.s32 @!p0 $0x1FC5;
	_ =	swait.ge [sflag:s1], $0x400  }
0x3b: {  	s25 =	simm.s32 @!p0 $0x5;
	[sflag:s1] =	ssyncset.done $0x0;
	s17 =	rddreg [dreg:$0xc]  }
0x3c: {  	[sflag:s1] =	ssyncadd.s32 $0xFFFFFC00;
	s23 =	sshrl.u32 @!p0 s17, $0x3;
	s17 =	rddreg [dreg:$0xd]  }
0x3d: {  	[spmem:s23], [sflag:s24] =	dma.local @!p0 [hbm:s17], $0x80  }
0x3e: {  	_ =	swait.ge @!p0 [sflag:s25], $0x80  }
0x3f: {  	[sflag:s25] =	ssyncset.done @!p0 $0x0;
	s17 =	rddreg [dreg:$0xe]  }
0x40: {  	[sflag:s25] =	ssyncadd.s32 @!p0 $0xFFFFFF80;
	s22 =	sshrl.u32 @!p0 s17, $0x3;
	s17 =	rddreg [dreg:$0xf]  }
0x41: {  	[spmem:s22], [sflag:s24] =	dma.local @!p0 [hbm:s17], $0x20  }
0x42: {  	_ =	swait.ge @!p0 [sflag:s25], $0x20  }
0x43: {  	[sflag:s25] =	ssyncset.done @!p0 $0x0  }
0x44: {  	[sflag:s25] =	ssyncadd.s32 @!p0 $0xFFFFFFE0  }
0x45: {  	[bflag:$0x0] =	sbarrier.arrive $0xFFFF  }
0x46: {  	[tilespmem:s30], [sflag:$0x1] =	stream.indirect.gather [hbm4b:s5+s0], $0x40, s4, s0, $0xb8;
	[tilespmem:$0x1A150] =	vst v63  }
0x47: {  	_ = 	snop  }
0x48: {  	[tilespmem:s6], [sflag:$0x1] =	stream.indirect.gather [hbm4b:s5+s0], $0x40, s0, s0, $0xb8;
	[tilespmem:$0x1A150] =	vst v63  }
0x49: {  	p1 =	por $0x1, $0x1;
	s19 =	simm.s32 $0x80  }
0x4a: {  	[tilespmem:s7], [sflag:$0x1] =	stream.indirect.gather [hbm4b:s5+s0], $0x40, s19, s0, $0xb8;
	[tilespmem:$0x1A150] =	vst v63  }
0x4b: {  	p1 =	por p1, p1;
	s24 =	simm.s32 $0xC0  }
0x4c: {  	[tilespmem:s8], [sflag:$0x1] =	stream.indirect.gather [hbm4b:s5+s0], $0x40, s24, s0, $0xb8;
	[tilespmem:$0x1A150] =	vst v63  }
0x4d: {  	s24 =	simm.s32 @!p1 $0x4  }
0x4e: {  	_ =	swait.ge @!p1 [sflag:s24], $0x1000  }
0x4f: {  	[sflag:s24] =	ssyncset.done @!p1 $0x0  }
0x50: {  	[sflag:s24] =	ssyncadd.s32 @!p1 $0xFFFFF000  }
0x51: {  	_ =	swait.ge @!p1 [sflag:s24], $0x400  }
0x52: {  	[sflag:s24] =	ssyncset.done @!p1 $0x0  }
0x53: {  	[sflag:s24] =	ssyncadd.s32 @!p1 $0xFFFFFC00  }
0x54: {  	_ =	swait.ge @!p1 [sflag:s24], $0x1000  }
0x55: {  	[sflag:s24] =	ssyncset.done @!p1 $0x0  }
0x56: {  	[sflag:s24] =	ssyncadd.s32 @!p1 $0xFFFFF000  }
0x57: {  	_ =	swait.ge @!p1 [sflag:s24], $0x400  }
0x58: {  	[sflag:s24] =	ssyncset.done @!p1 $0x0  }
0x59: {  	[sflag:s24] =	ssyncadd.s32 @!p1 $0xFFFFFC00  }
0x5a: {  	_ =	swait.ge @!p1 [sflag:s24], $0x1000  }
0x5b: {  	[sflag:s24] =	ssyncset.done @!p1 $0x0  }
0x5c: {  	[sflag:s24] =	ssyncadd.s32 @!p1 $0xFFFFF000  }
0x5d: {  	_ =	swait.ge @!p1 [sflag:s24], $0x400  }
0x5e: {  	[sflag:s24] =	ssyncset.done @!p1 $0x0  }
0x5f: {  	[sflag:s24] =	ssyncadd.s32 @!p1 $0xFFFFFC00  }
0x60: {  	_ =	swait.ge @!p1 [sflag:s24], $0x1000  }
0x61: {  	[sflag:s24] =	ssyncset.done @!p1 $0x0  }
0x62: {  	[sflag:s24] =	ssyncadd.s32 @!p1 $0xFFFFF000  }
0x63: {  	_ =	swait.ge @!p1 [sflag:s24], $0x400  }
0x64: {  	[sflag:s24] =	ssyncset.done @!p1 $0x0  }
0x65: {  	s25 =	simm.s32 $0x100;
	[sflag:s24] =	ssyncadd.s32 @!p1 $0xFFFFFC00  }
0x66: {  	[tilespmem:s10], [sflag:$0x2] =	stream.indirect.gather [hbm4b:s5+s0], $0x40, s25, s0, $0xb8;
	[tilespmem:$0x1A150] =	vst v63  }
0x67: {  	s26 =	simm.s32 $0x140  }
0x68: {  	[tilespmem:s11], [sflag:$0x2] =	stream.indirect.gather [hbm4b:s5+s0], $0x40, s26, s0, $0xb8;
	[tilespmem:$0x1A150] =	vst v63  }
0x69: {  	s28 =	simm.s32 $0x180  }
0x6a: {  	[tilespmem:s12], [sflag:$0x2] =	stream.indirect.gather [hbm4b:s5+s0], $0x40, s28, s0, $0xb8;
	[tilespmem:$0x1A150] =	vst v63  }
0x6b: {  	s29 =	simm.s32 $0x1C0  }
0x6c: {  	[tilespmem:s13], [sflag:$0x2] =	stream.indirect.gather [hbm4b:s5+s0], $0x40, s29, s0, $0xb8;
	[tilespmem:$0x1A150] =	vst v63  }
0x6d: {  	_ =	swait.ge [sflag:s1], $0x1000  }
0x6e: {  	[sflag:s1] =	ssyncset.done $0x0  }
0x6f: {  	[sflag:s1] =	ssyncadd.s32 $0xFFFFF000  }
0x70: {  	_ =	swait.ge [sflag:s1], $0x1000  }
0x71: {  	[sflag:s1] =	ssyncset.done $0x0  }
0x72: {  	[sflag:s1] =	ssyncadd.s32 $0xFFFFF000  }
0x73: {  	_ =	swait.ge [sflag:s1], $0x1000  }
0x74: {  	[sflag:s1] =	ssyncset.done $0x0  }
0x75: {  	[sflag:s1] =	ssyncadd.s32 $0xFFFFF000  }
0x76: {  	_ =	swait.ge [sflag:s1], $0x1000  }
0x77: {  	[sflag:s1] =	ssyncset.done $0x0  }
0x78: {  	s4 =	simm.s32 $0x2800;
	[sflag:s1] =	ssyncadd.s32 $0xFFFFF000  }
0x79: {  	[spmem:s2] =	stream.indirect.scatter.add.f32 [tilespmem:s30], [sflag:$0x3], $0x40, s4, s0, $0xb8;
	[tilespmem:$0x1A150] =	vst v63  }
0x7a: {  	_ = 	snop  }
0x7b: {  	[spmem:s3] =	stream.indirect.scatter.add.f32 [tilespmem:s31], [sflag:$0x3], $0x10, s4, s0, $0xb8;
	[tilespmem:$0x1A150] =	vst v63  }
0x7c: {  	s17 =	simm.s32 $0x2840  }
0x7d: {  	[spmem:s2] =	stream.indirect.scatter.add.f32 [tilespmem:s6], [sflag:$0x3], $0x40, s17, s0, $0xb8;
	[tilespmem:$0x1A150] =	vst v63  }
0x7e: {  	_ = 	snop  }
0x7f: {  	[spmem:s3] =	stream.indirect.scatter.add.f32 [tilespmem:s31], [sflag:$0x3], $0x10, s17, s0, $0xb8;
	[tilespmem:$0x1A150] =	vst v63  }
0x80: {  	s19 =	simm.s32 $0x2880  }
0x81: {  	[spmem:s2] =	stream.indirect.scatter.add.f32 [tilespmem:s7], [sflag:$0x3], $0x40, s19, s0, $0xb8;
	[tilespmem:$0x1A150] =	vst v63  }
0x82: {  	_ = 	snop  }
0x83: {  	[spmem:s3] =	stream.indirect.scatter.add.f32 [tilespmem:s31], [sflag:$0x3], $0x10, s19, s0, $0xb8;
	[tilespmem:$0x1A150] =	vst v63  }
0x84: {  	s25 =	simm.s32 $0x28C0  }
0x85: {  	[spmem:s2] =	stream.indirect.scatter.add.f32 [tilespmem:s8], [sflag:$0x3], $0x40, s25, s0, $0xb8;
	[tilespmem:$0x1A150] =	vst v63  }
0x86: {  	_ = 	snop  }
0x87: {  	[spmem:s3] =	stream.indirect.scatter.add.f32 [tilespmem:s31], [sflag:$0x3], $0x10, s25, s0, $0xb8;
	[tilespmem:$0x1A150] =	vst v63  }
0x88: {  	_ =	swait.ge [sflag:s14], $0x1000  }
0x89: {  	[sflag:s14] =	ssyncset.done $0x0  }
0x8a: {  	[sflag:s14] =	ssyncadd.s32 $0xFFFFF000  }
0x8b: {  	_ =	swait.ge [sflag:s14], $0x400  }
0x8c: {  	[sflag:s14] =	ssyncset.done $0x0  }
0x8d: {  	[sflag:s14] =	ssyncadd.s32 $0xFFFFFC00  }
0x8e: {  	_ =	swait.ge [sflag:s14], $0x1000  }
0x8f: {  	[sflag:s14] =	ssyncset.done $0x0  }
0x90: {  	[sflag:s14] =	ssyncadd.s32 $0xFFFFF000  }
0x91: {  	_ =	swait.ge [sflag:s14], $0x400  }
0x92: {  	[sflag:s14] =	ssyncset.done $0x0  }
0x93: {  	[sflag:s14] =	ssyncadd.s32 $0xFFFFFC00  }
0x94: {  	_ =	swait.ge [sflag:s14], $0x1000  }
0x95: {  	[sflag:s14] =	ssyncset.done $0x0  }
0x96: {  	[sflag:s14] =	ssyncadd.s32 $0xFFFFF000  }
0x97: {  	_ =	swait.ge [sflag:s14], $0x400  }
0x98: {  	[sflag:s14] =	ssyncset.done $0x0  }
0x99: {  	[sflag:s14] =	ssyncadd.s32 $0xFFFFFC00  }
0x9a: {  	_ =	swait.ge [sflag:s14], $0x1000  }
0x9b: {  	[sflag:s14] =	ssyncset.done $0x0  }
0x9c: {  	[sflag:s14] =	ssyncadd.s32 $0xFFFFF000  }
0x9d: {  	p1 =	por $0x0, $0x0;
	_ =	swait.ge [sflag:s14], $0x400  }
0x9e: {  	s24 =	simm.s32 @!p1 $0x5000;
	[sflag:s14] =	ssyncset.done $0x0  }
0x9f: {  	s26 =	simm.s32 @!p1 $0x40;
	s25 =	simm.s32 @!p1 $0x200;
	[sflag:s14] =	ssyncadd.s32 $0xFFFFFC00  }
0xa0: {  	[tilespmem:s24], [sflag:$0x1] =	stream.indirect.gather @!p1 [hbm4b:s5+s26], $0x40, s25, s26, $0xb8;
	[tilespmem:$0x1A150] =	vst v63  }
0xa1: {  	s24 =	simm.s32 @!p1 $0x240;
	s25 =	simm.s32 @!p1 $0x6000  }
0xa2: {  	[tilespmem:s25], [sflag:$0x1] =	stream.indirect.gather @!p1 [hbm4b:s5+s26], $0x40, s24, s26, $0xb8;
	[tilespmem:$0x1A150] =	vst v63  }
0xa3: {  	s24 =	simm.s32 @!p1 $0x280;
	s25 =	simm.s32 @!p1 $0x7000  }
0xa4: {  	[tilespmem:s25], [sflag:$0x1] =	stream.indirect.gather @!p1 [hbm4b:s5+s26], $0x40, s24, s26, $0xb8;
	[tilespmem:$0x1A150] =	vst v63  }
0xa5: {  	s24 =	simm.s32 @!p1 $0x2C0;
	s25 =	simm.s32 @!p1 $0x8000  }
0xa6: {  	[tilespmem:s25], [sflag:$0x1] =	stream.indirect.gather @!p1 [hbm4b:s5+s26], $0x40, s24, s26, $0xb8;
	[tilespmem:$0x1A150] =	vst v63  }
0xa7: {  	_ =	swait.ge [sflag:s15], $0x1000  }
0xa8: {  	[sflag:s15] =	ssyncset.done $0x0  }
0xa9: {  	[sflag:s15] =	ssyncadd.s32 $0xFFFFF000  }
0xaa: {  	_ =	swait.ge [sflag:s15], $0x1000  }
0xab: {  	[sflag:s15] =	ssyncset.done $0x0  }
0xac: {  	[sflag:s15] =	ssyncadd.s32 $0xFFFFF000  }
0xad: {  	_ =	swait.ge [sflag:s15], $0x1000  }
0xae: {  	[sflag:s15] =	ssyncset.done $0x0  }
0xaf: {  	[sflag:s15] =	ssyncadd.s32 $0xFFFFF000  }
0xb0: {  	_ =	swait.ge [sflag:s15], $0x1000  }
0xb1: {  	[sflag:s15] =	ssyncset.done $0x0  }
0xb2: {  	s26 =	simm.s32 $0x2900;
	[sflag:s15] =	ssyncadd.s32 $0xFFFFF000  }
0xb3: {  	[spmem:s2] =	stream.indirect.scatter.add.f32 [tilespmem:s10], [sflag:$0x4], $0x40, s26, s0, $0xb8;
	[tilespmem:$0x1A150] =	vst v63  }
0xb4: {  	_ = 	snop  }
0xb5: {  	[spmem:s3] =	stream.indirect.scatter.add.f32 [tilespmem:s31], [sflag:$0x4], $0x10, s26, s0, $0xb8;
	[tilespmem:$0x1A150] =	vst v63  }
0xb6: {  	s28 =	simm.s32 $0x2940  }
0xb7: {  	[spmem:s2] =	stream.indirect.scatter.add.f32 [tilespmem:s11], [sflag:$0x4], $0x40, s28, s0, $0xb8;
	[tilespmem:$0x1A150] =	vst v63  }
0xb8: {  	_ = 	snop  }
0xb9: {  	[spmem:s3] =	stream.indirect.scatter.add.f32 [tilespmem:s31], [sflag:$0x4], $0x10, s28, s0, $0xb8;
	[tilespmem:$0x1A150] =	vst v63  }
0xba: {  	s29 =	simm.s32 $0x2980  }
0xbb: {  	[spmem:s2] =	stream.indirect.scatter.add.f32 [tilespmem:s12], [sflag:$0x4], $0x40, s29, s0, $0xb8;
	[tilespmem:$0x1A150] =	vst v63  }
0xbc: {  	p6 =	por $0x0, $0x0;
	s24 =	simm.s32 $0x800  }
0xbd: {  	[spmem:s3] =	stream.indirect.scatter.add.f32 [tilespmem:s31], [sflag:$0x4], $0x10, s29, s0, $0xb8;
	[tilespmem:$0x1A150] =	vst v63  }
0xbe: {  	s25 =	simm.s32 $0x1000;
	p1 =	por p6, p6;
	s26 =	simm.s32 $0x29C0  }
0xbf: {  	[spmem:s2] =	stream.indirect.scatter.add.f32 [tilespmem:s13], [sflag:$0x4], $0x40, s26, s0, $0xb8;
	[tilespmem:$0x1A150] =	vst v63  }
.LBB2_2:
0xc0: {  	[spmem:s3] =	stream.indirect.scatter.add.f32 [tilespmem:s31], [sflag:$0x4], $0x10, s26, s0, $0xb8;
	[tilespmem:$0x1A150] =	vst v63  }
0xc1: {  	s26 =	smov.u32 s25  }
0xc2: {  	s25 =	sadd.s32 $0x800, s25;
	s29 =	simm.s32 @!p1 $0x4;
	p3 =	seq.s32 s26, $0x0  }
0xc3: {  	p2 =	sne.s32 s25, $0xA000;
	_ =	swait.ge @!p1 [sflag:s29], $0x1000  }
0xc4: {  	[sflag:s29] =	ssyncset.done @!p1 $0x0  }
0xc5: {  	[sflag:s29] =	ssyncadd.s32 @!p1 $0xFFFFF000  }
0xc6: {  	_ =	swait.ge @!p1 [sflag:s29], $0x400  }
0xc7: {  	[sflag:s29] =	ssyncset.done @!p1 $0x0  }
0xc8: {  	[sflag:s29] =	ssyncadd.s32 @!p1 $0xFFFFFC00  }
0xc9: {  	_ =	swait.ge @!p1 [sflag:s29], $0x1000  }
0xca: {  	[sflag:s29] =	ssyncset.done @!p1 $0x0  }
0xcb: {  	[sflag:s29] =	ssyncadd.s32 @!p1 $0xFFFFF000  }
0xcc: {  	_ =	swait.ge @!p1 [sflag:s29], $0x400  }
0xcd: {  	[sflag:s29] =	ssyncset.done @!p1 $0x0  }
0xce: {  	[sflag:s29] =	ssyncadd.s32 @!p1 $0xFFFFFC00  }
0xcf: {  	_ =	swait.ge @!p1 [sflag:s29], $0x1000  }
0xd0: {  	[sflag:s29] =	ssyncset.done @!p1 $0x0  }
0xd1: {  	[sflag:s29] =	ssyncadd.s32 @!p1 $0xFFFFF000  }
0xd2: {  	_ =	swait.ge @!p1 [sflag:s29], $0x400  }
0xd3: {  	[sflag:s29] =	ssyncset.done @!p1 $0x0  }
0xd4: {  	[sflag:s29] =	ssyncadd.s32 @!p1 $0xFFFFFC00  }
0xd5: {  	_ =	swait.ge @!p1 [sflag:s29], $0x1000  }
0xd6: {  	[sflag:s29] =	ssyncset.done @!p1 $0x0  }
0xd7: {  	[sflag:s29] =	ssyncadd.s32 @!p1 $0xFFFFF000  }
0xd8: {  	_ =	swait.ge @!p1 [sflag:s29], $0x400  }
0xd9: {  	s28 =	sshra.s32 s24, $0x2;
	[sflag:s29] =	ssyncset.done @!p1 $0x0  }
0xda: {  	[sflag:s29] =	ssyncadd.s32 @!p1 $0xFFFFFC00;
	s29 =	sadd.s32 $0x100, s28;
	p1 =	por p3, p3  }
0xdb: {  	[tilespmem:s10], [sflag:$0x2] =	stream.indirect.gather [hbm4b:s5+s0], $0x40, s29, s0, $0xb8;
	[tilespmem:$0x1A150] =	vst v63  }
0xdc: {  	s29 =	sadd.s32 $0x140, s28  }
0xdd: {  	[tilespmem:s11], [sflag:$0x2] =	stream.indirect.gather [hbm4b:s5+s0], $0x40, s29, s0, $0xb8;
	[tilespmem:$0x1A150] =	vst v63  }
0xde: {  	s29 =	sadd.s32 $0x180, s28  }
0xdf: {  	[tilespmem:s12], [sflag:$0x2] =	stream.indirect.gather [hbm4b:s5+s0], $0x40, s29, s0, $0xb8;
	[tilespmem:$0x1A150] =	vst v63  }
0xe0: {  	s29 =	sadd.s32 $0x1C0, s28  }
0xe1: {  	[tilespmem:s13], [sflag:$0x2] =	stream.indirect.gather [hbm4b:s5+s0], $0x40, s29, s0, $0xb8;
	[tilespmem:$0x1A150] =	vst v63  }
0xe2: {  	_ =	swait.ge [sflag:s1], $0x1000  }
0xe3: {  	[sflag:s1] =	ssyncset.done $0x0  }
0xe4: {  	[sflag:s1] =	ssyncadd.s32 $0xFFFFF000  }
0xe5: {  	_ =	swait.ge [sflag:s1], $0x1000  }
0xe6: {  	[sflag:s1] =	ssyncset.done $0x0  }
0xe7: {  	[sflag:s1] =	ssyncadd.s32 $0xFFFFF000  }
0xe8: {  	_ =	swait.ge [sflag:s1], $0x1000  }
0xe9: {  	[sflag:s1] =	ssyncset.done $0x0  }
0xea: {  	[sflag:s1] =	ssyncadd.s32 $0xFFFFF000  }
0xeb: {  	_ =	swait.ge [sflag:s1], $0x1000  }
0xec: {  	[sflag:s1] =	ssyncset.done $0x0  }
0xed: {  	s29 =	sadd.s32 $0x2800, s28;
	[sflag:s1] =	ssyncadd.s32 $0xFFFFF000  }
0xee: {  	[spmem:s2] =	stream.indirect.scatter.add.f32 [tilespmem:s30], [sflag:$0x3], $0x40, s29, s0, $0xb8;
	[tilespmem:$0x1A150] =	vst v63  }
0xef: {  	_ = 	snop  }
0xf0: {  	[spmem:s3] =	stream.indirect.scatter.add.f32 [tilespmem:s31], [sflag:$0x3], $0x10, s29, s0, $0xb8;
	[tilespmem:$0x1A150] =	vst v63  }
0xf1: {  	s29 =	sadd.s32 $0x2840, s28  }
0xf2: {  	[spmem:s2] =	stream.indirect.scatter.add.f32 [tilespmem:s6], [sflag:$0x3], $0x40, s29, s0, $0xb8;
	[tilespmem:$0x1A150] =	vst v63  }
0xf3: {  	_ = 	snop  }
0xf4: {  	[spmem:s3] =	stream.indirect.scatter.add.f32 [tilespmem:s31], [sflag:$0x3], $0x10, s29, s0, $0xb8;
	[tilespmem:$0x1A150] =	vst v63  }
0xf5: {  	s29 =	sadd.s32 $0x2880, s28  }
0xf6: {  	[spmem:s2] =	stream.indirect.scatter.add.f32 [tilespmem:s7], [sflag:$0x3], $0x40, s29, s0, $0xb8;
	[tilespmem:$0x1A150] =	vst v63  }
0xf7: {  	_ = 	snop  }
0xf8: {  	[spmem:s3] =	stream.indirect.scatter.add.f32 [tilespmem:s31], [sflag:$0x3], $0x10, s29, s0, $0xb8;
	[tilespmem:$0x1A150] =	vst v63  }
0xf9: {  	s29 =	sadd.s32 $0x28C0, s28  }
0xfa: {  	[spmem:s2] =	stream.indirect.scatter.add.f32 [tilespmem:s8], [sflag:$0x3], $0x40, s29, s0, $0xb8;
	[tilespmem:$0x1A150] =	vst v63  }
0xfb: {  	_ = 	snop  }
0xfc: {  	[spmem:s3] =	stream.indirect.scatter.add.f32 [tilespmem:s31], [sflag:$0x3], $0x10, s29, s0, $0xb8;
	[tilespmem:$0x1A150] =	vst v63  }
0xfd: {  	_ =	swait.ge [sflag:s14], $0x1000  }
0xfe: {  	[sflag:s14] =	ssyncset.done $0x0  }
0xff: {  	[sflag:s14] =	ssyncadd.s32 $0xFFFFF000  }
0x100: {  	_ =	swait.ge [sflag:s14], $0x400  }
0x101: {  	[sflag:s14] =	ssyncset.done $0x0  }
0x102: {  	[sflag:s14] =	ssyncadd.s32 $0xFFFFFC00  }
0x103: {  	_ =	swait.ge [sflag:s14], $0x1000  }
0x104: {  	[sflag:s14] =	ssyncset.done $0x0  }
0x105: {  	[sflag:s14] =	ssyncadd.s32 $0xFFFFF000  }
0x106: {  	_ =	swait.ge [sflag:s14], $0x400  }
0x107: {  	[sflag:s14] =	ssyncset.done $0x0  }
0x108: {  	[sflag:s14] =	ssyncadd.s32 $0xFFFFFC00  }
0x109: {  	_ =	swait.ge [sflag:s14], $0x1000  }
0x10a: {  	[sflag:s14] =	ssyncset.done $0x0  }
0x10b: {  	[sflag:s14] =	ssyncadd.s32 $0xFFFFF000  }
0x10c: {  	_ =	swait.ge [sflag:s14], $0x400  }
0x10d: {  	[sflag:s14] =	ssyncset.done $0x0  }
0x10e: {  	[sflag:s14] =	ssyncadd.s32 $0xFFFFFC00  }
0x10f: {  	_ =	swait.ge [sflag:s14], $0x1000  }
0x110: {  	[sflag:s14] =	ssyncset.done $0x0  }
0x111: {  	[sflag:s14] =	ssyncadd.s32 $0xFFFFF000  }
0x112: {  	p3 =	seq.s32 s24, $0x9800;
	_ =	swait.ge [sflag:s14], $0x400  }
0x113: {  	s24 =	sshra.s32 @!p3 s24, $0x2;
	s29 =	simm.s32 @!p3 $0x5000;
	[sflag:s14] =	ssyncset.done $0x0  }
0x114: {  	s4 =	simm.s32 @!p3 $0x40;
	s19 =	sadd.s32 @!p3 $0x200, s24;
	[sflag:s14] =	ssyncadd.s32 $0xFFFFFC00  }
0x115: {  	[tilespmem:s29], [sflag:$0x1] =	stream.indirect.gather @!p3 [hbm4b:s5+s4], $0x40, s19, s4, $0xb8;
	[tilespmem:$0x1A150] =	vst v63  }
0x116: {  	s17 =	sadd.s32 @!p3 $0x280, s24;
	s19 =	sadd.s32 @!p3 $0x240, s24;
	s29 =	simm.s32 @!p3 $0x6000  }
0x117: {  	[tilespmem:s29], [sflag:$0x1] =	stream.indirect.gather @!p3 [hbm4b:s5+s4], $0x40, s19, s4, $0xb8;
	[tilespmem:$0x1A150] =	vst v63  }
0x118: {  	s19 =	simm.s32 @!p3 $0x7000;
	s29 =	sadd.s32 @!p3 $0x2C0, s24;
	s24 =	smov.u32 s26  }
0x119: {  	[tilespmem:s19], [sflag:$0x1] =	stream.indirect.gather @!p3 [hbm4b:s5+s4], $0x40, s17, s4, $0xb8;
	[tilespmem:$0x1A150] =	vst v63  }
0x11a: {  	s17 =	simm.s32 @!p3 $0x8000  }
0x11b: {  	[tilespmem:s17], [sflag:$0x1] =	stream.indirect.gather @!p3 [hbm4b:s5+s4], $0x40, s29, s4, $0xb8;
	[tilespmem:$0x1A150] =	vst v63  }
0x11c: {  	_ =	swait.ge [sflag:s15], $0x1000  }
0x11d: {  	[sflag:s15] =	ssyncset.done $0x0  }
0x11e: {  	[sflag:s15] =	ssyncadd.s32 $0xFFFFF000  }
0x11f: {  	_ =	swait.ge [sflag:s15], $0x1000  }
0x120: {  	[sflag:s15] =	ssyncset.done $0x0  }
0x121: {  	[sflag:s15] =	ssyncadd.s32 $0xFFFFF000  }
0x122: {  	_ =	swait.ge [sflag:s15], $0x1000  }
0x123: {  	[sflag:s15] =	ssyncset.done $0x0  }
0x124: {  	[sflag:s15] =	ssyncadd.s32 $0xFFFFF000  }
0x125: {  	_ =	swait.ge [sflag:s15], $0x1000  }
0x126: {  	[sflag:s15] =	ssyncset.done $0x0  }
0x127: {  	s4 =	sadd.s32 $0x2900, s28;
	[sflag:s15] =	ssyncadd.s32 $0xFFFFF000  }
0x128: {  	[spmem:s2] =	stream.indirect.scatter.add.f32 [tilespmem:s10], [sflag:$0x4], $0x40, s4, s0, $0xb8;
	[tilespmem:$0x1A150] =	vst v63  }
0x129: {  	_ = 	snop  }
0x12a: {  	[spmem:s3] =	stream.indirect.scatter.add.f32 [tilespmem:s31], [sflag:$0x4], $0x10, s4, s0, $0xb8;
	[tilespmem:$0x1A150] =	vst v63  }
0x12b: {  	s4 =	sadd.s32 $0x2940, s28  }
0x12c: {  	[spmem:s2] =	stream.indirect.scatter.add.f32 [tilespmem:s11], [sflag:$0x4], $0x40, s4, s0, $0xb8;
	[tilespmem:$0x1A150] =	vst v63  }
0x12d: {  	_ = 	snop  }
0x12e: {  	[spmem:s3] =	stream.indirect.scatter.add.f32 [tilespmem:s31], [sflag:$0x4], $0x10, s4, s0, $0xb8;
	[tilespmem:$0x1A150] =	vst v63  }
0x12f: {  	s4 =	sadd.s32 $0x2980, s28  }
0x130: {  	[spmem:s2] =	stream.indirect.scatter.add.f32 [tilespmem:s12], [sflag:$0x4], $0x40, s4, s0, $0xb8;
	[tilespmem:$0x1A150] =	vst v63  }
.Ltmp0:
0x131: {  	_ = 	snop;
	(pc) =	sbr.rel @p2 .LBB2_2-.Ltmp0, $4  }
0x132: {  	_ = 	snop  }
0x133: {  	[spmem:s3] =	stream.indirect.scatter.add.f32 [tilespmem:s31], [sflag:$0x4], $0x10, s4, s0, $0xb8;
	[tilespmem:$0x1A150] =	vst v63  }
0x134: {  	s26 =	sadd.s32 $0x29C0, s28  }
0x135: {  	[spmem:s2] =	stream.indirect.scatter.add.f32 [tilespmem:s13], [sflag:$0x4], $0x40, s26, s0, $0xb8;
	[tilespmem:$0x1A150] =	vst v63  }
0x136: {  	[spmem:s3] =	stream.indirect.scatter.add.f32 [tilespmem:s31], [sflag:$0x4], $0x10, s26, s0, $0xb8;
	[tilespmem:$0x1A150] =	vst v63  }
0x137: {  	s4 =	simm.s32 @!p1 $0x4  }
0x138: {  	_ =	swait.ge @!p1 [sflag:s4], $0x1000  }
0x139: {  	[sflag:s4] =	ssyncset.done @!p1 $0x0  }
0x13a: {  	[sflag:s4] =	ssyncadd.s32 @!p1 $0xFFFFF000  }
0x13b: {  	_ =	swait.ge @!p1 [sflag:s4], $0x400  }
0x13c: {  	[sflag:s4] =	ssyncset.done @!p1 $0x0  }
0x13d: {  	[sflag:s4] =	ssyncadd.s32 @!p1 $0xFFFFFC00  }
0x13e: {  	_ =	swait.ge @!p1 [sflag:s4], $0x1000  }
0x13f: {  	[sflag:s4] =	ssyncset.done @!p1 $0x0  }
0x140: {  	[sflag:s4] =	ssyncadd.s32 @!p1 $0xFFFFF000  }
0x141: {  	_ =	swait.ge @!p1 [sflag:s4], $0x400  }
0x142: {  	[sflag:s4] =	ssyncset.done @!p1 $0x0  }
0x143: {  	[sflag:s4] =	ssyncadd.s32 @!p1 $0xFFFFFC00  }
0x144: {  	_ =	swait.ge @!p1 [sflag:s4], $0x1000  }
0x145: {  	[sflag:s4] =	ssyncset.done @!p1 $0x0  }
0x146: {  	[sflag:s4] =	ssyncadd.s32 @!p1 $0xFFFFF000  }
0x147: {  	_ =	swait.ge @!p1 [sflag:s4], $0x400  }
0x148: {  	[sflag:s4] =	ssyncset.done @!p1 $0x0  }
0x149: {  	[sflag:s4] =	ssyncadd.s32 @!p1 $0xFFFFFC00  }
0x14a: {  	_ =	swait.ge @!p1 [sflag:s4], $0x1000  }
0x14b: {  	[sflag:s4] =	ssyncset.done @!p1 $0x0  }
0x14c: {  	[sflag:s4] =	ssyncadd.s32 @!p1 $0xFFFFF000  }
0x14d: {  	_ =	swait.ge @!p1 [sflag:s4], $0x400  }
0x14e: {  	s25 =	sshra.s32 s24, $0x2;
	[sflag:s4] =	ssyncset.done @!p1 $0x0  }
0x14f: {  	s26 =	sadd.s32 $0x100, s25;
	[sflag:s4] =	ssyncadd.s32 @!p1 $0xFFFFFC00  }
0x150: {  	[tilespmem:s10], [sflag:$0x2] =	stream.indirect.gather [hbm4b:s5+s0], $0x40, s26, s0, $0xb8;
	[tilespmem:$0x1A150] =	vst v63  }
0x151: {  	s28 =	sadd.s32 $0x140, s25  }
0x152: {  	[tilespmem:s11], [sflag:$0x2] =	stream.indirect.gather [hbm4b:s5+s0], $0x40, s28, s0, $0xb8;
	[tilespmem:$0x1A150] =	vst v63  }
0x153: {  	s29 =	sadd.s32 $0x180, s25  }
0x154: {  	[tilespmem:s12], [sflag:$0x2] =	stream.indirect.gather [hbm4b:s5+s0], $0x40, s29, s0, $0xb8;
	[tilespmem:$0x1A150] =	vst v63  }
0x155: {  	s17 =	sadd.s32 $0x1C0, s25  }
0x156: {  	[tilespmem:s13], [sflag:$0x2] =	stream.indirect.gather [hbm4b:s5+s0], $0x40, s17, s0, $0xb8;
	[tilespmem:$0x1A150] =	vst v63  }
0x157: {  	_ =	swait.ge [sflag:s1], $0x1000  }
0x158: {  	[sflag:s1] =	ssyncset.done $0x0  }
0x159: {  	[sflag:s1] =	ssyncadd.s32 $0xFFFFF000  }
0x15a: {  	_ =	swait.ge [sflag:s1], $0x1000  }
0x15b: {  	[sflag:s1] =	ssyncset.done $0x0  }
0x15c: {  	[sflag:s1] =	ssyncadd.s32 $0xFFFFF000  }
0x15d: {  	_ =	swait.ge [sflag:s1], $0x1000  }
0x15e: {  	[sflag:s1] =	ssyncset.done $0x0  }
0x15f: {  	[sflag:s1] =	ssyncadd.s32 $0xFFFFF000  }
0x160: {  	_ =	swait.ge [sflag:s1], $0x1000  }
0x161: {  	[sflag:s1] =	ssyncset.done $0x0  }
0x162: {  	s19 =	sadd.s32 $0x2800, s25;
	[sflag:s1] =	ssyncadd.s32 $0xFFFFF000  }
0x163: {  	[spmem:s2] =	stream.indirect.scatter.add.f32 [tilespmem:s30], [sflag:$0x3], $0x40, s19, s0, $0xb8;
	[tilespmem:$0x1A150] =	vst v63  }
0x164: {  	_ = 	snop  }
0x165: {  	[spmem:s3] =	stream.indirect.scatter.add.f32 [tilespmem:s31], [sflag:$0x3], $0x10, s19, s0, $0xb8;
	[tilespmem:$0x1A150] =	vst v63  }
0x166: {  	s26 =	sadd.s32 $0x2840, s25  }
0x167: {  	[spmem:s2] =	stream.indirect.scatter.add.f32 [tilespmem:s6], [sflag:$0x3], $0x40, s26, s0, $0xb8;
	[tilespmem:$0x1A150] =	vst v63  }
0x168: {  	_ = 	snop  }
0x169: {  	[spmem:s3] =	stream.indirect.scatter.add.f32 [tilespmem:s31], [sflag:$0x3], $0x10, s26, s0, $0xb8;
	[tilespmem:$0x1A150] =	vst v63  }
0x16a: {  	s28 =	sadd.s32 $0x2880, s25  }
0x16b: {  	[spmem:s2] =	stream.indirect.scatter.add.f32 [tilespmem:s7], [sflag:$0x3], $0x40, s28, s0, $0xb8;
	[tilespmem:$0x1A150] =	vst v63  }
0x16c: {  	_ = 	snop  }
0x16d: {  	[spmem:s3] =	stream.indirect.scatter.add.f32 [tilespmem:s31], [sflag:$0x3], $0x10, s28, s0, $0xb8;
	[tilespmem:$0x1A150] =	vst v63  }
0x16e: {  	s29 =	sadd.s32 $0x28C0, s25  }
0x16f: {  	[spmem:s2] =	stream.indirect.scatter.add.f32 [tilespmem:s8], [sflag:$0x3], $0x40, s29, s0, $0xb8;
	[tilespmem:$0x1A150] =	vst v63  }
0x170: {  	_ = 	snop  }
0x171: {  	[spmem:s3] =	stream.indirect.scatter.add.f32 [tilespmem:s31], [sflag:$0x3], $0x10, s29, s0, $0xb8;
	[tilespmem:$0x1A150] =	vst v63  }
0x172: {  	_ =	swait.ge [sflag:s14], $0x1000  }
0x173: {  	[sflag:s14] =	ssyncset.done $0x0  }
0x174: {  	[sflag:s14] =	ssyncadd.s32 $0xFFFFF000  }
0x175: {  	_ =	swait.ge [sflag:s14], $0x400  }
0x176: {  	[sflag:s14] =	ssyncset.done $0x0  }
0x177: {  	[sflag:s14] =	ssyncadd.s32 $0xFFFFFC00  }
0x178: {  	_ =	swait.ge [sflag:s14], $0x1000  }
0x179: {  	[sflag:s14] =	ssyncset.done $0x0  }
0x17a: {  	[sflag:s14] =	ssyncadd.s32 $0xFFFFF000  }
0x17b: {  	_ =	swait.ge [sflag:s14], $0x400  }
0x17c: {  	[sflag:s14] =	ssyncset.done $0x0  }
0x17d: {  	[sflag:s14] =	ssyncadd.s32 $0xFFFFFC00  }
0x17e: {  	_ =	swait.ge [sflag:s14], $0x1000  }
0x17f: {  	[sflag:s14] =	ssyncset.done $0x0  }
0x180: {  	[sflag:s14] =	ssyncadd.s32 $0xFFFFF000  }
0x181: {  	_ =	swait.ge [sflag:s14], $0x400  }
0x182: {  	[sflag:s14] =	ssyncset.done $0x0  }
0x183: {  	[sflag:s14] =	ssyncadd.s32 $0xFFFFFC00  }
0x184: {  	_ =	swait.ge [sflag:s14], $0x1000  }
0x185: {  	[sflag:s14] =	ssyncset.done $0x0  }
0x186: {  	[sflag:s14] =	ssyncadd.s32 $0xFFFFF000  }
0x187: {  	p1 =	seq.s32 s24, $0x9800;
	_ =	swait.ge [sflag:s14], $0x400  }
0x188: {  	s4 =	sshra.s32 @!p1 s24, $0x2;
	s24 =	simm.s32 @!p1 $0x40;
	[sflag:s14] =	ssyncset.done $0x0  }
0x189: {  	s17 =	simm.s32 @!p1 $0x5000;
	s19 =	sadd.s32 @!p1 $0x200, s4;
	[sflag:s14] =	ssyncadd.s32 $0xFFFFFC00  }
0x18a: {  	[tilespmem:s17], [sflag:$0x1] =	stream.indirect.gather @!p1 [hbm4b:s5+s24], $0x40, s19, s24, $0xb8;
	[tilespmem:$0x1A150] =	vst v63  }
0x18b: {  	s17 =	sadd.s32 @!p1 $0x240, s4;
	s19 =	simm.s32 @!p1 $0x6000  }
0x18c: {  	[tilespmem:s19], [sflag:$0x1] =	stream.indirect.gather @!p1 [hbm4b:s5+s24], $0x40, s17, s24, $0xb8;
	[tilespmem:$0x1A150] =	vst v63  }
0x18d: {  	s17 =	sadd.s32 @!p1 $0x280, s4;
	s19 =	simm.s32 @!p1 $0x7000  }
0x18e: {  	[tilespmem:s19], [sflag:$0x1] =	stream.indirect.gather @!p1 [hbm4b:s5+s24], $0x40, s17, s24, $0xb8;
	[tilespmem:$0x1A150] =	vst v63  }
0x18f: {  	s4 =	sadd.s32 @!p1 $0x2C0, s4;
	s17 =	simm.s32 @!p1 $0x8000  }
0x190: {  	[tilespmem:s17], [sflag:$0x1] =	stream.indirect.gather @!p1 [hbm4b:s5+s24], $0x40, s4, s24, $0xb8;
	[tilespmem:$0x1A150] =	vst v63  }
0x191: {  	_ =	swait.ge [sflag:s15], $0x1000  }
0x192: {  	[sflag:s15] =	ssyncset.done $0x0  }
0x193: {  	[sflag:s15] =	ssyncadd.s32 $0xFFFFF000  }
0x194: {  	_ =	swait.ge [sflag:s15], $0x1000  }
0x195: {  	[sflag:s15] =	ssyncset.done $0x0  }
0x196: {  	[sflag:s15] =	ssyncadd.s32 $0xFFFFF000  }
0x197: {  	_ =	swait.ge [sflag:s15], $0x1000  }
0x198: {  	[sflag:s15] =	ssyncset.done $0x0  }
0x199: {  	[sflag:s15] =	ssyncadd.s32 $0xFFFFF000  }
0x19a: {  	_ =	swait.ge [sflag:s15], $0x1000  }
0x19b: {  	[sflag:s15] =	ssyncset.done $0x0  }
0x19c: {  	s17 =	sadd.s32 $0x2900, s25;
	[sflag:s15] =	ssyncadd.s32 $0xFFFFF000  }
0x19d: {  	[spmem:s2] =	stream.indirect.scatter.add.f32 [tilespmem:s10], [sflag:$0x4], $0x40, s17, s0, $0xb8;
	[tilespmem:$0x1A150] =	vst v63  }
0x19e: {  	_ = 	snop  }
0x19f: {  	[spmem:s3] =	stream.indirect.scatter.add.f32 [tilespmem:s31], [sflag:$0x4], $0x10, s17, s0, $0xb8;
	[tilespmem:$0x1A150] =	vst v63  }
0x1a0: {  	s19 =	sadd.s32 $0x2940, s25  }
0x1a1: {  	[spmem:s2] =	stream.indirect.scatter.add.f32 [tilespmem:s11], [sflag:$0x4], $0x40, s19, s0, $0xb8;
	[tilespmem:$0x1A150] =	vst v63  }
0x1a2: {  	_ = 	snop  }
0x1a3: {  	[spmem:s3] =	stream.indirect.scatter.add.f32 [tilespmem:s31], [sflag:$0x4], $0x10, s19, s0, $0xb8;
	[tilespmem:$0x1A150] =	vst v63  }
0x1a4: {  	s24 =	sadd.s32 $0x2980, s25  }
0x1a5: {  	[spmem:s2] =	stream.indirect.scatter.add.f32 [tilespmem:s12], [sflag:$0x4], $0x40, s24, s0, $0xb8;
	[tilespmem:$0x1A150] =	vst v63  }
0x1a6: {  	_ = 	snop  }
0x1a7: {  	[spmem:s3] =	stream.indirect.scatter.add.f32 [tilespmem:s31], [sflag:$0x4], $0x10, s24, s0, $0xb8;
	[tilespmem:$0x1A150] =	vst v63  }
0x1a8: {  	s25 =	sadd.s32 $0x29C0, s25  }
0x1a9: {  	[spmem:s2] =	stream.indirect.scatter.add.f32 [tilespmem:s13], [sflag:$0x4], $0x40, s25, s0, $0xb8;
	[tilespmem:$0x1A150] =	vst v63  }
0x1aa: {  	_ = 	snop  }
0x1ab: {  	[spmem:s3] =	stream.indirect.scatter.add.f32 [tilespmem:s31], [sflag:$0x4], $0x10, s25, s0, $0xb8;
	[tilespmem:$0x1A150] =	vst v63  }
0x1ac: {  	_ =	swait.ge [sflag:s16], $0x1000  }
0x1ad: {  	[sflag:s16] =	ssyncset.done $0x0  }
0x1ae: {  	[sflag:s16] =	ssyncadd.s32 $0xFFFFF000  }
0x1af: {  	_ =	swait.ge [sflag:s16], $0x400  }
0x1b0: {  	[sflag:s16] =	ssyncset.done $0x0  }
0x1b1: {  	[sflag:s16] =	ssyncadd.s32 $0xFFFFFC00  }
0x1b2: {  	_ =	swait.ge [sflag:s16], $0x1000  }
0x1b3: {  	[sflag:s16] =	ssyncset.done $0x0  }
0x1b4: {  	[sflag:s16] =	ssyncadd.s32 $0xFFFFF000  }
0x1b5: {  	_ =	swait.ge [sflag:s16], $0x400  }
0x1b6: {  	[sflag:s16] =	ssyncset.done $0x0  }
0x1b7: {  	[sflag:s16] =	ssyncadd.s32 $0xFFFFFC00  }
0x1b8: {  	_ =	swait.ge [sflag:s16], $0x1000  }
0x1b9: {  	[sflag:s16] =	ssyncset.done $0x0  }
0x1ba: {  	[sflag:s16] =	ssyncadd.s32 $0xFFFFF000  }
0x1bb: {  	_ =	swait.ge [sflag:s16], $0x400  }
0x1bc: {  	[sflag:s16] =	ssyncset.done $0x0  }
0x1bd: {  	[sflag:s16] =	ssyncadd.s32 $0xFFFFFC00  }
0x1be: {  	_ =	swait.ge [sflag:s16], $0x1000  }
0x1bf: {  	[sflag:s16] =	ssyncset.done $0x0  }
0x1c0: {  	[sflag:s16] =	ssyncadd.s32 $0xFFFFF000  }
0x1c1: {  	_ =	swait.ge [sflag:s16], $0x400  }
0x1c2: {  	[sflag:s16] =	ssyncset.done $0x0  }
0x1c3: {  	[sflag:s16] =	ssyncadd.s32 $0xFFFFFC00  }
0x1c4: {  	[bflag:$0x0] =	sbarrier.arrive $0xFFFF  }
0x1c5: {  	s26 =	rddreg [dreg:$0x10]  }
0x1c6: {  	[hbm:s26], [sflag:s9] =	dma.local [spmem:s20], $0x1380  }
0x1c7: {  	s28 =	simm.s32 $0x8;
	s4 =	rddreg [dreg:$0x11]  }
0x1c8: {  	[hbm:s4@s28], [sflag:s9] =	dma.strided [spmem:s21@s15], $0x4E0, s1, $0x2   }
0x1c9: {  	s4 =	rddreg [dreg:$0x18]  }
0x1ca: {  	[hbm:s4@s28], [sflag:s9] =	dma.strided [spmem:s21@s15], $0x4E0, s1, $0x2   }
0x1cb: {  	s4 =	rddreg [dreg:$0x19]  }
0x1cc: {  	[hbm:s4@s28], [sflag:s9] =	dma.strided [spmem:s21@s15], $0x4E0, s1, $0x2   }
0x1cd: {  	s4 =	rddreg [dreg:$0x1a]  }
0x1ce: {  	[hbm:s4@s28], [sflag:s9] =	dma.strided [spmem:s21@s15], $0x4E0, s1, $0x2   }
0x1cf: {  	s4 =	simm.s32 @!p0 $0x1FC5;
	s17 =	rddreg [dreg:$0x12]  }
0x1d0: {  	[hbm:s17], [sflag:s4] =	dma.local @!p0 [spmem:s23], $0x80  }
0x1d1: {  	s17 =	simm.s32 @!p0 $0x5  }
0x1d2: {  	_ =	swait.ge @!p0 [sflag:s17], $0x80  }
0x1d3: {  	s19 =	simm.s32 @!p0 $0x1;
	s20 =	simm.s32 @!p0 $0x8;
	[sflag:s17] =	ssyncset.done @!p0 $0x0  }
0x1d4: {  	s21 =	simm.s32 @!p0 $0x2;
	s23 =	rddreg [dreg:$0x13];
	[sflag:s17] =	ssyncadd.s32 @!p0 $0xFFFFFF80  }
0x1d5: {  	[hbm:s23@s20], [sflag:s4] =	dma.strided @!p0 [spmem:s22@s21], $0x20, s19, $0x2   }
0x1d6: {  	_ =	swait.ge @!p0 [sflag:s17], $0x20  }
0x1d7: {  	[sflag:s17] =	ssyncset.done @!p0 $0x0  }
0x1d8: {  	s23 =	rddreg [dreg:$0x14];
	[sflag:s17] =	ssyncadd.s32 @!p0 $0xFFFFFFE0  }
0x1d9: {  	[hbm:s23@s20], [sflag:s4] =	dma.strided @!p0 [spmem:s22@s21], $0x20, s19, $0x2   }
0x1da: {  	_ =	swait.ge @!p0 [sflag:s17], $0x20  }
0x1db: {  	[sflag:s17] =	ssyncset.done @!p0 $0x0  }
0x1dc: {  	s23 =	rddreg [dreg:$0x15];
	[sflag:s17] =	ssyncadd.s32 @!p0 $0xFFFFFFE0  }
0x1dd: {  	[hbm:s23@s20], [sflag:s4] =	dma.strided @!p0 [spmem:s22@s21], $0x20, s19, $0x2   }
0x1de: {  	_ =	swait.ge @!p0 [sflag:s17], $0x20  }
0x1df: {  	[sflag:s17] =	ssyncset.done @!p0 $0x0  }
0x1e0: {  	s23 =	rddreg [dreg:$0x16];
	[sflag:s17] =	ssyncadd.s32 @!p0 $0xFFFFFFE0  }
0x1e1: {  	[hbm:s23@s20], [sflag:s4] =	dma.strided @!p0 [spmem:s22@s21], $0x20, s19, $0x2   }
0x1e2: {  	_ =	swait.ge @!p0 [sflag:s17], $0x20  }
0x1e3: {  	[sflag:s17] =	ssyncset.done @!p0 $0x0  }
0x1e4: {  	[sflag:s17] =	ssyncadd.s32 @!p0 $0xFFFFFFE0  }
0x1e5: {  	_ =	swait.ge [sflag:s1], $0x1380  }
0x1e6: {  	[sflag:s1] =	ssyncset.done $0x0  }
0x1e7: {  	[sflag:s1] =	ssyncadd.s32 $0xFFFFEC80  }
0x1e8: {  	_ =	swait.ge [sflag:s1], $0x4E0  }
0x1e9: {  	[sflag:s1] =	ssyncset.done $0x0  }
0x1ea: {  	[sflag:s1] =	ssyncadd.s32 $0xFFFFFB20  }
0x1eb: {  	_ =	swait.ge [sflag:s1], $0x4E0  }
0x1ec: {  	[sflag:s1] =	ssyncset.done $0x0  }
0x1ed: {  	[sflag:s1] =	ssyncadd.s32 $0xFFFFFB20  }
0x1ee: {  	_ =	swait.ge [sflag:s1], $0x4E0  }
0x1ef: {  	[sflag:s1] =	ssyncset.done $0x0  }
0x1f0: {  	[sflag:s1] =	ssyncadd.s32 $0xFFFFFB20  }
0x1f1: {  	_ =	swait.ge [sflag:s1], $0x4E0  }
0x1f2: {  	s18 =	sadd.s32 $0x1, s18;
	s29 =	rddreg [dreg:$0x17]  }
0x1f3: {  	p1 =	sne.s32 s18, s29  }
.Ltmp1:
0x1f4: {  	_ = 	snop;
	(pc) =	sbr.rel @p1 .LBB2_1-.Ltmp1, $3  }
0x1f5: {  	_ =	sdelay $0x1  }
0x1f6: {  	[sflag:s1] =	ssyncset.done $0x0  }
0x1f7: {  	[sflag:s1] =	ssyncadd.s32 $0xFFFFFB20  }
0x1f8: {  	_ =	sfence.sel $0x180000  }
0x1f9: {  	[bflag:$0x0] =	sbarrier.arrive $0xFFFF  }
0x1fa: {  	_ =	strace $0x90000047  }
0x1fb: {  	s0 =	stileid.u32;
	[bflag:$0x2] =	sbarrier.arrive $0xFFFF  }
0x1fc: {  	p0 =	sne.s32 s0, $0x0;
	s0 =	rddreg [dreg:$0x4]  }
0x1fd: {  	s0 =	sadd.s32 @!p0 $0x100000, s0  }
0x1fe: {  	[sflag:s0] =	ssyncadd.tile.s32 @!p0 $0x1;
	_ =	shalt  }
.Lfunc_end2:
_tile_overlayer_lowered:
.L_overlay_start_2:
0x1ff: {  	(tag) =	ssettag $0x2  }
0x200: {  	s0 =	rddreg [dreg:$0x0];
	s2 =	stileid.u32  }
0x201: {  	s1 =	rddreg [dreg:$0x1];
	p0 =	sne.s32 s2, $0x0  }
0x202: {  	s3 =	rddreg [dreg:$0x2];
	[bflag:$0x3] =	sbarrier.arrive $0xFFFF;
	s2 =	simm.s32 @!p0 $0x1C05  }
0x203: {  	[timem:s3], [sflag:s2] =	dma.local @!p0 [hbm:s0], s1  }
0x204: {  	s0 =	simm.s32 @!p0 $0x5  }
0x205: {  	_ =	swait.ge @!p0 [sflag:s0], s1  }
0x206: {  	s1 =	ssub.s32 @!p0 $0x0, s1;
	[sflag:s0] =	ssyncset.done @!p0 $0x0  }
0x207: {  	[sflag:s0] =	ssyncadd.s32 @!p0 s1  }
0x208: {  	[bflag:$0x3] =	sbarrier.arrive $0xFFFF  }
0x209: {  	_ =	shalt  }

</sc_bundles>
